<compile_context>
chip_gen: v7x
topology: tpu7x:2x2x1
jax: 0.10.2.dev20260603
libtpu: 0.0.44.dev20260713+nightly
codegen_flags: <defaults>
</compile_context>

<pallas_src>
import functools

import jax
import jax.numpy as jnp
from jax import lax
from jax.experimental import pallas as pl
from jax.experimental.pallas import tpu as pltpu
from jax.experimental.pallas import tpu_sc as plsc

_EMA = 0.999
_L = 16
_NT = 16
_CP = 1024
_OFF_HIST = 0
_OFF_PTN = _CP
_OFF_PMP = 2 * _CP
_OFF_PLS = 2 * _CP + 256
_SH_SIZE = 2 * _CP + 512


def _tc_body(w_ref, s_ref, mp_ref, idx_ref, nll_ref, colsum_ref):
    i = pl.program_id(0)
    C = w_ref.shape[1]
    x = w_ref[...]
    m = jnp.max(x, axis=1, keepdims=True)
    e = jnp.exp(x - m)
    ssum = jnp.sum(e, axis=1, keepdims=True)
    inv = 1.0 / ssum
    part = jnp.sum(e * inv, axis=0)

    @pl.when(i == 0)
    def _():
        colsum_ref[...] = jnp.zeros_like(colsum_ref)

    colsum_ref[...] += part
    mp_ref[...] = inv[:, 0]
    cols = lax.broadcasted_iota(jnp.int32, x.shape, 1).astype(jnp.float32)
    xm = x == m
    a_f = jnp.min(jnp.where(xm, cols, float(C)), axis=1)
    idx_ref[...] = a_f.astype(jnp.int32)
    y = s_ref[...]
    m2 = jnp.max(y, axis=1, keepdims=True)
    s2 = jnp.sum(jnp.exp(y - m2), axis=1)
    g = jnp.sum(jnp.where(xm, y, 0.0), axis=1)
    nll_ref[...] = m2[:, 0] + jnp.log(s2) - g


def _tc_stats(logits_w, logits_s, block_b):
    B, C = logits_w.shape
    grid = B // block_b
    return pl.pallas_call(
        _tc_body,
        grid=(grid,),
        in_specs=[
            pl.BlockSpec((block_b, C), lambda i: (i, 0)),
            pl.BlockSpec((block_b, C), lambda i: (i, 0)),
        ],
        out_specs=[
            pl.BlockSpec((block_b,), lambda i: (i,)),
            pl.BlockSpec((block_b,), lambda i: (i,)),
            pl.BlockSpec((block_b,), lambda i: (i,)),
            pl.BlockSpec((C,), lambda i: (0,)),
        ],
        out_shape=[
            jax.ShapeDtypeStruct((B,), jnp.float32),
            jax.ShapeDtypeStruct((B,), jnp.int32),
            jax.ShapeDtypeStruct((B,), jnp.float32),
            jax.ShapeDtypeStruct((C,), jnp.float32),
        ],
    )(logits_w, logits_s)


def _make_sc_finalize(B, C):
    chunk = B // _NT
    nv = chunk // _L
    cv = _CP // _L
    rows = chunk // 128
    zper = _CP // _NT
    scal_off = ((C + _L - 1) // _L) * _L
    coef = (1.0 - _EMA) / B
    fB = float(B)

    mesh = plsc.VectorSubcoreMesh(core_axis_name="c", subcore_axis_name="s")

    def class_slices():
        out = []
        for k in range(cv):
            lim = C - k * _L
            if lim <= 0:
                break
            out.append((k, pl.ds(k * _L, _L), lim if lim < _L else None))
        return out

    @functools.partial(
        pl.kernel,
        out_type=(
            jax.ShapeDtypeStruct((B,), jnp.float32),
            jax.ShapeDtypeStruct((_L,), jnp.float32),
            jax.ShapeDtypeStruct((C,), jnp.float32),
            jax.ShapeDtypeStruct((C,), jnp.float32),
        ),
        mesh=mesh,
        compiler_params=pltpu.CompilerParams(needs_layout_passes=False),
        scratch_types=[
            pltpu.VMEM((rows, 128), jnp.int32),
            pltpu.VMEM((chunk,), jnp.float32),
            pltpu.VMEM((chunk,), jnp.float32),
            pltpu.VMEM((chunk,), jnp.float32),
            pltpu.VMEM((128,), jnp.float32),
            pltpu.VMEM((zper,), jnp.float32),
            pltpu.VMEM((_CP,), jnp.float32),
            pltpu.VMEM((_CP,), jnp.float32),
            pltpu.VMEM((_CP,), jnp.float32),
            pltpu.VMEM((_CP,), jnp.float32),
            pltpu.VMEM((_CP,), jnp.float32),
            pltpu.VMEM((_CP,), jnp.float32),
            pltpu.VMEM((_CP,), jnp.float32),
            pltpu.VMEM((_L,), jnp.float32),
            pltpu.VMEM((_L,), jnp.float32),
            pltpu.VMEM((_L,), jnp.float32),
            pltpu.VMEM((_L,), jnp.float32),
            pltpu.VMEM((_L,), jnp.float32),
            pltpu.VMEM((_NT * _L,), jnp.float32),
            pltpu.VMEM((_NT * _L,), jnp.float32),
            pltpu.SemaphoreType.DMA,
            pltpu.VMEM_SHARED((_SH_SIZE,), jnp.float32),
        ],
    )
    def sc_finalize(idx_hbm, mp_hbm, nll_hbm, colsum_hbm, pt_hbm, lh_hbm,
                    scal_hbm, mask_out, scal_out, ptn_out, lhn_out,
                    idx_v, mp_v, nll_v, mask_v, ones_v, zero_v, colsum_v,
                    pt_v, ptn0_v, ptn_v, hist_v, lh_v, lhn_v, scal16_v,
                    acc_v, scal2_v, scalo_v, lacc_v, part_mp_v, part_ls_v,
                    sem, sh_all):
        cid = lax.axis_index("c")
        sid = lax.axis_index("s")
        active = cid == 0
        base = sid * chunk

        @pl.when(active)
        def _():
            for k in range(zper // _L):
                zero_v[pl.ds(k * _L, _L)] = jnp.zeros((_L,), jnp.float32)
            pltpu.sync_copy(zero_v, sh_all.at[pl.ds(sid * zper, zper)])

        plsc.subcore_barrier()

        @pl.when(active)
        def _():
            for k in range(128 // _L):
                ones_v[pl.ds(k * _L, _L)] = jnp.full((_L,), 1.0, jnp.float32)
            pltpu.sync_copy(idx_hbm.at[pl.ds(sid * rows, rows)], idx_v)
            descs = [
                pltpu.async_copy(ones_v, sh_all.at[idx_v.at[j]], sem,
                                 add=True)
                for j in range(rows)
            ]
            pltpu.sync_copy(mp_hbm.at[pl.ds(base, chunk)], mp_v)
            pltpu.sync_copy(nll_hbm.at[pl.ds(base, chunk)], nll_v)
            acc = jnp.zeros((_L,), jnp.float32)
            for k in range(nv):
                acc = acc + mp_v[pl.ds(k * _L, _L)]
            acc_v[...] = acc
            pltpu.sync_copy(acc_v, sh_all.at[pl.ds(_OFF_PMP + sid * _L, _L)])
            for d in descs:
                d.wait()

        plsc.subcore_barrier()

        @pl.when(active & (sid == 0))
        def _():
            pltpu.sync_copy(colsum_hbm, colsum_v.at[pl.ds(0, C)])
            pltpu.sync_copy(pt_hbm, pt_v.at[pl.ds(0, C)])
            pltpu.sync_copy(scal_hbm, scal16_v.at[pl.ds(0, 2)])
            mx = jnp.zeros((_L,), jnp.float32)
            lanes = lax.iota(jnp.int32, _L)
            for k, sl, lim in class_slices():
                ptv = pt_v[sl] * _EMA + colsum_v[sl] * coef
                if lim is not None:
                    ptv = jnp.where(lanes < lim, ptv, 0.0)
                ptn0_v[sl] = ptv
                mx = jnp.maximum(mx, ptv)
            maxp = jnp.max(mx)
            pltpu.sync_copy(sh_all.at[pl.ds(_OFF_PMP, _NT * _L)], part_mp_v)
            acc = part_mp_v[pl.ds(0, _L)]
            for k in range(1, _NT):
                acc = acc + part_mp_v[pl.ds(k * _L, _L)]
            sum_mp = jnp.sum(acc)
            sv = scal16_v[...]
            tau = sv[0]
            alpha = sv[1]
            tau_new = tau * _EMA + (1.0 - _EMA) * (sum_mp * (1.0 / fB))
            thrv = jnp.full((_L,), alpha * tau_new, jnp.float32) / jnp.full(
                (_L,), maxp, jnp.float32)
            scal2_v[...] = jnp.where(lanes == 0, thrv,
                                     jnp.where(lanes == 1, tau_new, 0.0))
            pltpu.sync_copy(scal2_v,
                            sh_all.at[pl.ds(_OFF_PTN + scal_off, _L)])
            pltpu.sync_copy(ptn0_v.at[pl.ds(0, C)],
                            sh_all.at[pl.ds(_OFF_PTN, C)])
            pltpu.sync_copy(ptn0_v.at[pl.ds(0, C)], ptn_out)

        plsc.subcore_barrier()

        @pl.when(active)
        def _():
            pltpu.sync_copy(sh_all.at[pl.ds(_OFF_PTN, _CP)], ptn_v)
            thr = jnp.full((_L,), ptn_v[pl.ds(scal_off, _L)][0], jnp.float32)
            lacc = jnp.zeros((_L,), jnp.float32)
            for k in range(nv):
                sl = pl.ds(k * _L, _L)
                row = (k * _L) // 128
                col = (k * _L) % 128
                idxv = idx_v[row, pl.ds(col, _L)]
                gpt = plsc.load_gather(ptn_v, [idxv])
                mk = jnp.where(mp_v[sl] >= thr * gpt, 1.0, 0.0)
                mask_v[sl] = mk
                lacc = lacc + mk * nll_v[sl]
            pltpu.sync_copy(mask_v, mask_out.at[pl.ds(base, chunk)])
            lacc_v[...] = lacc
            pltpu.sync_copy(lacc_v, sh_all.at[pl.ds(_OFF_PLS + sid * _L, _L)])

        plsc.subcore_barrier()

        @pl.when(active & (sid == 0))
        def _():
            pltpu.sync_copy(sh_all.at[pl.ds(_OFF_PLS, _NT * _L)], part_ls_v)
            acc = part_ls_v[pl.ds(0, _L)]
            for k in range(1, _NT):
                acc = acc + part_ls_v[pl.ds(k * _L, _L)]
            loss = jnp.sum(acc) * (1.0 / fB)
            tau_new = ptn_v[pl.ds(scal_off, _L)][1]
            pltpu.sync_copy(sh_all.at[pl.ds(_OFF_HIST, _CP)], hist_v)
            pltpu.sync_copy(lh_hbm, lh_v.at[pl.ds(0, C)])
            for k, sl, lim in class_slices():
                lhn_v[sl] = lh_v[sl] * _EMA + hist_v[sl] * coef
            pltpu.sync_copy(lhn_v.at[pl.ds(0, C)], lhn_out)
            lanes = lax.iota(jnp.int32, _L)
            scalo_v[...] = jnp.where(lanes == 0, loss,
                                     jnp.where(lanes == 1, tau_new, 0.0))
            pltpu.sync_copy(scalo_v, scal_out)

    return sc_finalize


def kernel(logits_ulb_w, logits_ulb_s, tau_t, p_t, label_hist, taut_alpha=1.0):
    B, C = logits_ulb_w.shape
    mp, idx, nll, colsum = _tc_stats(
        logits_ulb_w.astype(jnp.float32), logits_ulb_s.astype(jnp.float32), 512)

    idx2 = idx.reshape(B // 128, 128)
    scal_in = jnp.stack([jnp.asarray(tau_t, jnp.float32),
                         jnp.asarray(taut_alpha, jnp.float32)])

    mask, scal_out, ptn, lhn = _make_sc_finalize(B, C)(
        idx2, mp, nll, colsum, p_t.astype(jnp.float32),
        label_hist.astype(jnp.float32), scal_in)

    return (scal_out[0], idx, mask, scal_out[1], ptn, lhn)

# --- scband reference (transcript-rebuilt; emitter-appended) ---
"""Pipeline reference for scband-self-adaptive-threshold-loss-16458314678516 (READ-ONLY COPY).

The authoritative reference and input builder live on the scoring server;
editing this copy changes nothing except your own understanding.
"""

import jax, jax.numpy as jnp
import numpy as np

SAT_EMA = 0.999

def setup_inputs(seed: int = 0) -> dict:
    key = jax.random.key(seed)
    k1, k2, k3, k4, k5 = jax.random.split(key, 5)
    B, C = 16384, 1000
    logits_ulb_w = jax.random.normal(k1, (B, C), dtype=jnp.float32)
    logits_ulb_s = jax.random.normal(k2, (B, C), dtype=jnp.float32)
    tau_t = jax.random.uniform(k3, (), dtype=jnp.float32)
    p_t = jax.random.uniform(k4, (C,), dtype=jnp.float32)
    label_hist = jax.random.uniform(k5, (C,), dtype=jnp.float32)
    taut_alpha = jnp.asarray(1.0, dtype=jnp.float32)
    return {"logits_ulb_w": logits_ulb_w, "logits_ulb_s": logits_ulb_s, "tau_t": tau_t, "p_t": p_t, "label_hist": label_hist, "taut_alpha": taut_alpha}

def reference(logits_ulb_w, logits_ulb_s, tau_t, p_t, label_hist, taut_alpha=1.0):
    C = p_t.shape[0]
    # __update__params__ (torch.no_grad in original)
    probs_ulb_w = jax.nn.softmax(logits_ulb_w, axis=-1)
    max_probs_w = jnp.max(probs_ulb_w, axis=-1)
    max_idx_w = jnp.argmax(probs_ulb_w, axis=-1)
    tau_t_new = tau_t * SAT_EMA + (1.0 - SAT_EMA) * jnp.mean(max_probs_w)
    p_t_new = p_t * SAT_EMA + (1.0 - SAT_EMA) * jnp.mean(probs_ulb_w, axis=0)
    histogram = jnp.bincount(max_idx_w, length=C).astype(p_t.dtype)
    label_hist_new = label_hist * SAT_EMA + (1.0 - SAT_EMA) * (histogram / jnp.sum(histogram))
    # main forward (logits_ulb_w detached in original)
    tau_t_c = p_t_new / jnp.max(p_t_new, axis=-1)
    mask = (max_probs_w >= taut_alpha * tau_t_new * tau_t_c[max_idx_w]).astype(max_probs_w.dtype)
    # ConsistencyLoss: nll of log_softmax gathered at pseudo-labels, masked mean
    log_preds = jax.nn.log_softmax(logits_ulb_s, axis=-1)
    nll = -jnp.take_along_axis(log_preds, max_idx_w[:, None], axis=1)[:, 0]
    loss = jnp.mean(nll * mask)
    return (loss, max_idx_w, mask, tau_t_new, p_t_new, label_hist_new)

if __name__ == "__main__":
    import jax
    _d = setup_inputs()
    print(jax.jit(kernel)(*tuple(_d.values())))

</pallas_src>

<mosaic_0001>
#map = affine_map<(d0, d1) -> (0, 0)>
#map1 = affine_map<(d0, d1) -> (0)>
module attributes {stable_mosaic.version = 14 : i64} {
  func.func @sc_finalize(%arg0: i32, %arg1: i32, %arg2: memref<128x128xi32, #tpu.memory_space<hbm>>, %arg3: memref<16384xf32, #tpu.memory_space<hbm>>, %arg4: memref<16384xf32, #tpu.memory_space<hbm>>, %arg5: memref<1000xf32, #tpu.memory_space<hbm>>, %arg6: memref<1000xf32, #tpu.memory_space<hbm>>, %arg7: memref<1000xf32, #tpu.memory_space<hbm>>, %arg8: memref<2xf32, #tpu.memory_space<hbm>>, %arg9: memref<16384xf32, #tpu.memory_space<hbm>>, %arg10: memref<16xf32, #tpu.memory_space<hbm>>, %arg11: memref<1000xf32, #tpu.memory_space<hbm>>, %arg12: memref<1000xf32, #tpu.memory_space<hbm>>, %arg13: memref<8x128xi32, #tpu.memory_space<vmem>>, %arg14: memref<1024xf32, #tpu.memory_space<vmem>>, %arg15: memref<1024xf32, #tpu.memory_space<vmem>>, %arg16: memref<1024xf32, #tpu.memory_space<vmem>>, %arg17: memref<128xf32, #tpu.memory_space<vmem>>, %arg18: memref<64xf32, #tpu.memory_space<vmem>>, %arg19: memref<1024xf32, #tpu.memory_space<vmem>>, %arg20: memref<1024xf32, #tpu.memory_space<vmem>>, %arg21: memref<1024xf32, #tpu.memory_space<vmem>>, %arg22: memref<1024xf32, #tpu.memory_space<vmem>>, %arg23: memref<1024xf32, #tpu.memory_space<vmem>>, %arg24: memref<1024xf32, #tpu.memory_space<vmem>>, %arg25: memref<1024xf32, #tpu.memory_space<vmem>>, %arg26: memref<16xf32, #tpu.memory_space<vmem>>, %arg27: memref<16xf32, #tpu.memory_space<vmem>>, %arg28: memref<16xf32, #tpu.memory_space<vmem>>, %arg29: memref<16xf32, #tpu.memory_space<vmem>>, %arg30: memref<16xf32, #tpu.memory_space<vmem>>, %arg31: memref<256xf32, #tpu.memory_space<vmem>>, %arg32: memref<256xf32, #tpu.memory_space<vmem>>, %arg33: memref<!tpu.dma_semaphore, #tpu.memory_space<semaphore_mem>>, %arg34: memref<2560xf32, #tpu.memory_space<vmem_shared>>) attributes {dimension_semantics = [#tpu.dimension_semantics<core_parallel>, #tpu.dimension_semantics<subcore_parallel>], iteration_bounds = array<i64: 2, 16>, scalar_prefetch = 0 : i64, scratch_operands = 22 : i64, tpu.core_type = #tpu.core_type<sc_vector_subcore>, window_params = [{transform_indices = #map}, {transform_indices = #map1}, {transform_indices = #map1}, {transform_indices = #map1}, {transform_indices = #map1}, {transform_indices = #map1}, {transform_indices = #map1}, {transform_indices = #map1}, {transform_indices = #map1}, {transform_indices = #map1}, {transform_indices = #map1}]} {
    %eq3A = arith.constant 0 : i32
    %eq3A_0 = arith.cmpi eq, %arg0, %eq3A : i32
    %mul3A = arith.constant 1024 : i32
    %mul3A_1 = arith.muli %arg1, %mul3A : i32
    %convert_element_type3A = arith.extui %eq3A_0 : i1 to i32
    %cond3A = arith.constant 0 : i32
    %cond3A_2 = arith.cmpi ne, %convert_element_type3A, %cond3A : i32
    scf.if %cond3A_2 {
      %broadcast_in_dim3A = arith.constant 0.000000e+00 : f32
      %broadcast_in_dim3A_23 = vector.broadcast %broadcast_in_dim3A : f32 to vector<16xf32>
      %swap3A = arith.constant 0 : index
      %swap3A_24 = tpu.vector_load %arg18[%swap3A] {strides = array<i32>} : memref<64xf32, #tpu.memory_space<vmem>>, vector<16xf32>,
      tpu.vector_store %arg18[%swap3A], %broadcast_in_dim3A_23 {strides = array<i32>} : memref<64xf32, #tpu.memory_space<vmem>>, vector<16xf32>,
      %broadcast_in_dim3A_25 = arith.constant 0.000000e+00 : f32
      %broadcast_in_dim3A_26 = vector.broadcast %broadcast_in_dim3A_25 : f32 to vector<16xf32>
      %swap3A_27 = arith.constant 16 : index
      %swap3A_28 = tpu.vector_load %arg18[%swap3A_27] {strides = array<i32>} : memref<64xf32, #tpu.memory_space<vmem>>, vector<16xf32>,
      tpu.vector_store %arg18[%swap3A_27], %broadcast_in_dim3A_26 {strides = array<i32>} : memref<64xf32, #tpu.memory_space<vmem>>, vector<16xf32>,
      %broadcast_in_dim3A_29 = arith.constant 0.000000e+00 : f32
      %broadcast_in_dim3A_30 = vector.broadcast %broadcast_in_dim3A_29 : f32 to vector<16xf32>
      %swap3A_31 = arith.constant 32 : index
      %swap3A_32 = tpu.vector_load %arg18[%swap3A_31] {strides = array<i32>} : memref<64xf32, #tpu.memory_space<vmem>>, vector<16xf32>,
      tpu.vector_store %arg18[%swap3A_31], %broadcast_in_dim3A_30 {strides = array<i32>} : memref<64xf32, #tpu.memory_space<vmem>>, vector<16xf32>,
      %broadcast_in_dim3A_33 = arith.constant 0.000000e+00 : f32
      %broadcast_in_dim3A_34 = vector.broadcast %broadcast_in_dim3A_33 : f32 to vector<16xf32>
      %swap3A_35 = arith.constant 48 : index
      %swap3A_36 = tpu.vector_load %arg18[%swap3A_35] {strides = array<i32>} : memref<64xf32, #tpu.memory_space<vmem>>, vector<16xf32>,
      tpu.vector_store %arg18[%swap3A_35], %broadcast_in_dim3A_34 {strides = array<i32>} : memref<64xf32, #tpu.memory_space<vmem>>, vector<16xf32>,
      %mul3A_37 = arith.constant 64 : i32
      %mul3A_38 = arith.muli %arg1, %mul3A_37 : i32
      "tpu.region"() ({
        %run_scoped3A = tpu.sem_alloc : memref<!tpu.dma_semaphore, #tpu.memory_space<semaphore_mem>>
        %dma_start3A = tpu.memref_slice %arg34[%mul3A_38] : memref<2560xf32, #tpu.memory_space<vmem_shared>> -> memref<64xf32, #tpu.memory_space<vmem_shared>>
        %dma_start3A_39 = tpu.memref_slice %arg34[%mul3A_38] : memref<2560xf32, #tpu.memory_space<vmem_shared>> -> memref<64xf32, #tpu.memory_space<vmem_shared>>
        tpu.enqueue_dma source(%arg18 : memref<64xf32, #tpu.memory_space<vmem>>) target(%dma_start3A_39 : memref<64xf32, #tpu.memory_space<vmem_shared>>) target_semaphore(%run_scoped3A : memref<!tpu.dma_semaphore, #tpu.memory_space<semaphore_mem>>)
        %dma_wait3A = tpu.memref_slice %arg34[%mul3A_38] : memref<2560xf32, #tpu.memory_space<vmem_shared>> -> memref<64xf32, #tpu.memory_space<vmem_shared>>
        %dma_wait3A_40 = tpu.memref_slice %arg34[%mul3A_38] : memref<2560xf32, #tpu.memory_space<vmem_shared>> -> memref<64xf32, #tpu.memory_space<vmem_shared>>
        tpu.wait_dma2 semaphore(%run_scoped3A : memref<!tpu.dma_semaphore, #tpu.memory_space<semaphore_mem>>) src(%arg18 : memref<64xf32, #tpu.memory_space<vmem>>) dst(%dma_wait3A_40 : memref<64xf32, #tpu.memory_space<vmem_shared>>)
        tpu.yield
      }) : () -> ()
    } else {
    }
    %barrier3A = arith.constant 0 : index
    tpu.barrier barrier_id(%barrier3A)
    %convert_element_type3A_3 = arith.extui %eq3A_0 : i1 to i32
    %cond3A_4 = arith.constant 0 : i32
    %cond3A_5 = arith.cmpi ne, %convert_element_type3A_3, %cond3A_4 : i32
    scf.if %cond3A_5 {
      %broadcast_in_dim3A = arith.constant 1.000000e+00 : f32
      %broadcast_in_dim3A_23 = vector.broadcast %broadcast_in_dim3A : f32 to vector<16xf32>
      %swap3A = arith.constant 0 : index
      %swap3A_24 = tpu.vector_load %arg17[%swap3A] {strides = array<i32>} : memref<128xf32, #tpu.memory_space<vmem>>, vector<16xf32>,
      tpu.vector_store %arg17[%swap3A], %broadcast_in_dim3A_23 {strides = array<i32>} : memref<128xf32, #tpu.memory_space<vmem>>, vector<16xf32>,
      %broadcast_in_dim3A_25 = arith.constant 1.000000e+00 : f32
      %broadcast_in_dim3A_26 = vector.broadcast %broadcast_in_dim3A_25 : f32 to vector<16xf32>
      %swap3A_27 = arith.constant 16 : index
      %swap3A_28 = tpu.vector_load %arg17[%swap3A_27] {strides = array<i32>} : memref<128xf32, #tpu.memory_space<vmem>>, vector<16xf32>,
      tpu.vector_store %arg17[%swap3A_27], %broadcast_in_dim3A_26 {strides = array<i32>} : memref<128xf32, #tpu.memory_space<vmem>>, vector<16xf32>,
      %broadcast_in_dim3A_29 = arith.constant 1.000000e+00 : f32
      %broadcast_in_dim3A_30 = vector.broadcast %broadcast_in_dim3A_29 : f32 to vector<16xf32>
      %swap3A_31 = arith.constant 32 : index
      %swap3A_32 = tpu.vector_load %arg17[%swap3A_31] {strides = array<i32>} : memref<128xf32, #tpu.memory_space<vmem>>, vector<16xf32>,
      tpu.vector_store %arg17[%swap3A_31], %broadcast_in_dim3A_30 {strides = array<i32>} : memref<128xf32, #tpu.memory_space<vmem>>, vector<16xf32>,
      %broadcast_in_dim3A_33 = arith.constant 1.000000e+00 : f32
      %broadcast_in_dim3A_34 = vector.broadcast %broadcast_in_dim3A_33 : f32 to vector<16xf32>
      %swap3A_35 = arith.constant 48 : index
      %swap3A_36 = tpu.vector_load %arg17[%swap3A_35] {strides = array<i32>} : memref<128xf32, #tpu.memory_space<vmem>>, vector<16xf32>,
      tpu.vector_store %arg17[%swap3A_35], %broadcast_in_dim3A_34 {strides = array<i32>} : memref<128xf32, #tpu.memory_space<vmem>>, vector<16xf32>,
      %broadcast_in_dim3A_37 = arith.constant 1.000000e+00 : f32
      %broadcast_in_dim3A_38 = vector.broadcast %broadcast_in_dim3A_37 : f32 to vector<16xf32>
      %swap3A_39 = arith.constant 64 : index
      %swap3A_40 = tpu.vector_load %arg17[%swap3A_39] {strides = array<i32>} : memref<128xf32, #tpu.memory_space<vmem>>, vector<16xf32>,
      tpu.vector_store %arg17[%swap3A_39], %broadcast_in_dim3A_38 {strides = array<i32>} : memref<128xf32, #tpu.memory_space<vmem>>, vector<16xf32>,
      %broadcast_in_dim3A_41 = arith.constant 1.000000e+00 : f32
      %broadcast_in_dim3A_42 = vector.broadcast %broadcast_in_dim3A_41 : f32 to vector<16xf32>
      %swap3A_43 = arith.constant 80 : index
      %swap3A_44 = tpu.vector_load %arg17[%swap3A_43] {strides = array<i32>} : memref<128xf32, #tpu.memory_space<vmem>>, vector<16xf32>,
      tpu.vector_store %arg17[%swap3A_43], %broadcast_in_dim3A_42 {strides = array<i32>} : memref<128xf32, #tpu.memory_space<vmem>>, vector<16xf32>,
      %broadcast_in_dim3A_45 = arith.constant 1.000000e+00 : f32
      %broadcast_in_dim3A_46 = vector.broadcast %broadcast_in_dim3A_45 : f32 to vector<16xf32>
      %swap3A_47 = arith.constant 96 : index
      %swap3A_48 = tpu.vector_load %arg17[%swap3A_47] {strides = array<i32>} : memref<128xf32, #tpu.memory_space<vmem>>, vector<16xf32>,
      tpu.vector_store %arg17[%swap3A_47], %broadcast_in_dim3A_46 {strides = array<i32>} : memref<128xf32, #tpu.memory_space<vmem>>, vector<16xf32>,
      %broadcast_in_dim3A_49 = arith.constant 1.000000e+00 : f32
      %broadcast_in_dim3A_50 = vector.broadcast %broadcast_in_dim3A_49 : f32 to vector<16xf32>
      %swap3A_51 = arith.constant 112 : index
      %swap3A_52 = tpu.vector_load %arg17[%swap3A_51] {strides = array<i32>} : memref<128xf32, #tpu.memory_space<vmem>>, vector<16xf32>,
      tpu.vector_store %arg17[%swap3A_51], %broadcast_in_dim3A_50 {strides = array<i32>} : memref<128xf32, #tpu.memory_space<vmem>>, vector<16xf32>,
      %mul3A_53 = arith.constant 8 : i32
      %mul3A_54 = arith.muli %arg1, %mul3A_53 : i32
      "tpu.region"() ({
        %run_scoped3A = tpu.sem_alloc : memref<!tpu.dma_semaphore, #tpu.memory_space<semaphore_mem>>
        %dma_start3A_347 = arith.constant 0 : i32
        %dma_start3A_348 = tpu.memref_slice %arg2[%mul3A_54, %dma_start3A_347] : memref<128x128xi32, #tpu.memory_space<hbm>> -> memref<8x128xi32, #tpu.memory_space<hbm>>
        %dma_start3A_349 = arith.constant 0 : i32
        %dma_start3A_350 = tpu.memref_slice %arg2[%mul3A_54, %dma_start3A_349] : memref<128x128xi32, #tpu.memory_space<hbm>> -> memref<8x128xi32, #tpu.memory_space<hbm>>
        tpu.enqueue_dma source(%dma_start3A_350 : memref<8x128xi32, #tpu.memory_space<hbm>>) target(%arg13 : memref<8x128xi32, #tpu.memory_space<vmem>>) target_semaphore(%run_scoped3A : memref<!tpu.dma_semaphore, #tpu.memory_space<semaphore_mem>>)
        %dma_wait3A_351 = arith.constant 0 : i32
        %dma_wait3A_352 = tpu.memref_slice %arg2[%mul3A_54, %dma_wait3A_351] : memref<128x128xi32, #tpu.memory_space<hbm>> -> memref<8x128xi32, #tpu.memory_space<hbm>>
        %dma_wait3A_353 = arith.constant 0 : i32
        %dma_wait3A_354 = tpu.memref_slice %arg2[%mul3A_54, %dma_wait3A_353] : memref<128x128xi32, #tpu.memory_space<hbm>> -> memref<8x128xi32, #tpu.memory_space<hbm>>
        tpu.wait_dma2 semaphore(%run_scoped3A : memref<!tpu.dma_semaphore, #tpu.memory_space<semaphore_mem>>) src(%dma_wait3A_354 : memref<8x128xi32, #tpu.memory_space<hbm>>) dst(%arg13 : memref<8x128xi32, #tpu.memory_space<vmem>>)
        tpu.yield
      }) : () -> ()
      %dma_start3A = arith.constant 0 : i32
      %dma_start3A_55 = arith.constant 0 : i32
      %dma_start3A_56 = tpu.memref_slice %arg13[%dma_start3A, %dma_start3A_55] : memref<8x128xi32, #tpu.memory_space<vmem>> -> memref<1x128xi32, #tpu.memory_space<vmem>>
      %dma_start3A_57 = tpu.memref_squeeze %dma_start3A_56 : memref<1x128xi32, #tpu.memory_space<vmem>> -> memref<128xi32, #tpu.memory_space<vmem>>
      %dma_start3A_58 = arith.constant 0 : i32
      %dma_start3A_59 = tpu.memref_slice %arg34[%dma_start3A_58] : memref<2560xf32, #tpu.memory_space<vmem_shared>> -> memref<2560xf32, #tpu.memory_space<vmem_shared>>
      tpu.enqueue_indirect_dma source(%arg17 : memref<128xf32, #tpu.memory_space<vmem>>) target(%dma_start3A_59 : memref<2560xf32, #tpu.memory_space<vmem_shared>>) offsets(%dma_start3A_57 : memref<128xi32, #tpu.memory_space<vmem>>) semaphore(%arg33 : memref<!tpu.dma_semaphore, #tpu.memory_space<semaphore_mem>>) {add = true}
      %dma_start3A_60 = arith.constant 1 : i32
      %dma_start3A_61 = arith.constant 0 : i32
      %dma_start3A_62 = tpu.memref_slice %arg13[%dma_start3A_60, %dma_start3A_61] : memref<8x128xi32, #tpu.memory_space<vmem>> -> memref<1x128xi32, #tpu.memory_space<vmem>>
      %dma_start3A_63 = tpu.memref_squeeze %dma_start3A_62 : memref<1x128xi32, #tpu.memory_space<vmem>> -> memref<128xi32, #tpu.memory_space<vmem>>
      %dma_start3A_64 = arith.constant 0 : i32
      %dma_start3A_65 = tpu.memref_slice %arg34[%dma_start3A_64] : memref<2560xf32, #tpu.memory_space<vmem_shared>> -> memref<2560xf32, #tpu.memory_space<vmem_shared>>
      tpu.enqueue_indirect_dma source(%arg17 : memref<128xf32, #tpu.memory_space<vmem>>) target(%dma_start3A_65 : memref<2560xf32, #tpu.memory_space<vmem_shared>>) offsets(%dma_start3A_63 : memref<128xi32, #tpu.memory_space<vmem>>) semaphore(%arg33 : memref<!tpu.dma_semaphore, #tpu.memory_space<semaphore_mem>>) {add = true}
      %dma_start3A_66 = arith.constant 2 : i32
      %dma_start3A_67 = arith.constant 0 : i32
      %dma_start3A_68 = tpu.memref_slice %arg13[%dma_start3A_66, %dma_start3A_67] : memref<8x128xi32, #tpu.memory_space<vmem>> -> memref<1x128xi32, #tpu.memory_space<vmem>>
      %dma_start3A_69 = tpu.memref_squeeze %dma_start3A_68 : memref<1x128xi32, #tpu.memory_space<vmem>> -> memref<128xi32, #tpu.memory_space<vmem>>
      %dma_start3A_70 = arith.constant 0 : i32
      %dma_start3A_71 = tpu.memref_slice %arg34[%dma_start3A_70] : memref<2560xf32, #tpu.memory_space<vmem_shared>> -> memref<2560xf32, #tpu.memory_space<vmem_shared>>
      tpu.enqueue_indirect_dma source(%arg17 : memref<128xf32, #tpu.memory_space<vmem>>) target(%dma_start3A_71 : memref<2560xf32, #tpu.memory_space<vmem_shared>>) offsets(%dma_start3A_69 : memref<128xi32, #tpu.memory_space<vmem>>) semaphore(%arg33 : memref<!tpu.dma_semaphore, #tpu.memory_space<semaphore_mem>>) {add = true}
      %dma_start3A_72 = arith.constant 3 : i32
      %dma_start3A_73 = arith.constant 0 : i32
      %dma_start3A_74 = tpu.memref_slice %arg13[%dma_start3A_72, %dma_start3A_73] : memref<8x128xi32, #tpu.memory_space<vmem>> -> memref<1x128xi32, #tpu.memory_space<vmem>>
      %dma_start3A_75 = tpu.memref_squeeze %dma_start3A_74 : memref<1x128xi32, #tpu.memory_space<vmem>> -> memref<128xi32, #tpu.memory_space<vmem>>
      %dma_start3A_76 = arith.constant 0 : i32
      %dma_start3A_77 = tpu.memref_slice %arg34[%dma_start3A_76] : memref<2560xf32, #tpu.memory_space<vmem_shared>> -> memref<2560xf32, #tpu.memory_space<vmem_shared>>
      tpu.enqueue_indirect_dma source(%arg17 : memref<128xf32, #tpu.memory_space<vmem>>) target(%dma_start3A_77 : memref<2560xf32, #tpu.memory_space<vmem_shared>>) offsets(%dma_start3A_75 : memref<128xi32, #tpu.memory_space<vmem>>) semaphore(%arg33 : memref<!tpu.dma_semaphore, #tpu.memory_space<semaphore_mem>>) {add = true}
      %dma_start3A_78 = arith.constant 4 : i32
      %dma_start3A_79 = arith.constant 0 : i32
      %dma_start3A_80 = tpu.memref_slice %arg13[%dma_start3A_78, %dma_start3A_79] : memref<8x128xi32, #tpu.memory_space<vmem>> -> memref<1x128xi32, #tpu.memory_space<vmem>>
      %dma_start3A_81 = tpu.memref_squeeze %dma_start3A_80 : memref<1x128xi32, #tpu.memory_space<vmem>> -> memref<128xi32, #tpu.memory_space<vmem>>
      %dma_start3A_82 = arith.constant 0 : i32
      %dma_start3A_83 = tpu.memref_slice %arg34[%dma_start3A_82] : memref<2560xf32, #tpu.memory_space<vmem_shared>> -> memref<2560xf32, #tpu.memory_space<vmem_shared>>
      tpu.enqueue_indirect_dma source(%arg17 : memref<128xf32, #tpu.memory_space<vmem>>) target(%dma_start3A_83 : memref<2560xf32, #tpu.memory_space<vmem_shared>>) offsets(%dma_start3A_81 : memref<128xi32, #tpu.memory_space<vmem>>) semaphore(%arg33 : memref<!tpu.dma_semaphore, #tpu.memory_space<semaphore_mem>>) {add = true}
      %dma_start3A_84 = arith.constant 5 : i32
      %dma_start3A_85 = arith.constant 0 : i32
      %dma_start3A_86 = tpu.memref_slice %arg13[%dma_start3A_84, %dma_start3A_85] : memref<8x128xi32, #tpu.memory_space<vmem>> -> memref<1x128xi32, #tpu.memory_space<vmem>>
      %dma_start3A_87 = tpu.memref_squeeze %dma_start3A_86 : memref<1x128xi32, #tpu.memory_space<vmem>> -> memref<128xi32, #tpu.memory_space<vmem>>
      %dma_start3A_88 = arith.constant 0 : i32
      %dma_start3A_89 = tpu.memref_slice %arg34[%dma_start3A_88] : memref<2560xf32, #tpu.memory_space<vmem_shared>> -> memref<2560xf32, #tpu.memory_space<vmem_shared>>
      tpu.enqueue_indirect_dma source(%arg17 : memref<128xf32, #tpu.memory_space<vmem>>) target(%dma_start3A_89 : memref<2560xf32, #tpu.memory_space<vmem_shared>>) offsets(%dma_start3A_87 : memref<128xi32, #tpu.memory_space<vmem>>) semaphore(%arg33 : memref<!tpu.dma_semaphore, #tpu.memory_space<semaphore_mem>>) {add = true}
      %dma_start3A_90 = arith.constant 6 : i32
      %dma_start3A_91 = arith.constant 0 : i32
      %dma_start3A_92 = tpu.memref_slice %arg13[%dma_start3A_90, %dma_start3A_91] : memref<8x128xi32, #tpu.memory_space<vmem>> -> memref<1x128xi32, #tpu.memory_space<vmem>>
      %dma_start3A_93 = tpu.memref_squeeze %dma_start3A_92 : memref<1x128xi32, #tpu.memory_space<vmem>> -> memref<128xi32, #tpu.memory_space<vmem>>
      %dma_start3A_94 = arith.constant 0 : i32
      %dma_start3A_95 = tpu.memref_slice %arg34[%dma_start3A_94] : memref<2560xf32, #tpu.memory_space<vmem_shared>> -> memref<2560xf32, #tpu.memory_space<vmem_shared>>
      tpu.enqueue_indirect_dma source(%arg17 : memref<128xf32, #tpu.memory_space<vmem>>) target(%dma_start3A_95 : memref<2560xf32, #tpu.memory_space<vmem_shared>>) offsets(%dma_start3A_93 : memref<128xi32, #tpu.memory_space<vmem>>) semaphore(%arg33 : memref<!tpu.dma_semaphore, #tpu.memory_space<semaphore_mem>>) {add = true}
      %dma_start3A_96 = arith.constant 7 : i32
      %dma_start3A_97 = arith.constant 0 : i32
      %dma_start3A_98 = tpu.memref_slice %arg13[%dma_start3A_96, %dma_start3A_97] : memref<8x128xi32, #tpu.memory_space<vmem>> -> memref<1x128xi32, #tpu.memory_space<vmem>>
      %dma_start3A_99 = tpu.memref_squeeze %dma_start3A_98 : memref<1x128xi32, #tpu.memory_space<vmem>> -> memref<128xi32, #tpu.memory_space<vmem>>
      %dma_start3A_100 = arith.constant 0 : i32
      %dma_start3A_101 = tpu.memref_slice %arg34[%dma_start3A_100] : memref<2560xf32, #tpu.memory_space<vmem_shared>> -> memref<2560xf32, #tpu.memory_space<vmem_shared>>
      tpu.enqueue_indirect_dma source(%arg17 : memref<128xf32, #tpu.memory_space<vmem>>) target(%dma_start3A_101 : memref<2560xf32, #tpu.memory_space<vmem_shared>>) offsets(%dma_start3A_99 : memref<128xi32, #tpu.memory_space<vmem>>) semaphore(%arg33 : memref<!tpu.dma_semaphore, #tpu.memory_space<semaphore_mem>>) {add = true}
      "tpu.region"() ({
        %run_scoped3A = tpu.sem_alloc : memref<!tpu.dma_semaphore, #tpu.memory_space<semaphore_mem>>
        %dma_start3A_347 = tpu.memref_slice %arg3[%mul3A_1] : memref<16384xf32, #tpu.memory_space<hbm>> -> memref<1024xf32, #tpu.memory_space<hbm>>
        %dma_start3A_348 = tpu.memref_slice %arg3[%mul3A_1] : memref<16384xf32, #tpu.memory_space<hbm>> -> memref<1024xf32, #tpu.memory_space<hbm>>
        tpu.enqueue_dma source(%dma_start3A_348 : memref<1024xf32, #tpu.memory_space<hbm>>) target(%arg14 : memref<1024xf32, #tpu.memory_space<vmem>>) target_semaphore(%run_scoped3A : memref<!tpu.dma_semaphore, #tpu.memory_space<semaphore_mem>>)
        %dma_wait3A_349 = tpu.memref_slice %arg3[%mul3A_1] : memref<16384xf32, #tpu.memory_space<hbm>> -> memref<1024xf32, #tpu.memory_space<hbm>>
        %dma_wait3A_350 = tpu.memref_slice %arg3[%mul3A_1] : memref<16384xf32, #tpu.memory_space<hbm>> -> memref<1024xf32, #tpu.memory_space<hbm>>
        tpu.wait_dma2 semaphore(%run_scoped3A : memref<!tpu.dma_semaphore, #tpu.memory_space<semaphore_mem>>) src(%dma_wait3A_350 : memref<1024xf32, #tpu.memory_space<hbm>>) dst(%arg14 : memref<1024xf32, #tpu.memory_space<vmem>>)
        tpu.yield
      }) : () -> ()
      "tpu.region"() ({
        %run_scoped3A = tpu.sem_alloc : memref<!tpu.dma_semaphore, #tpu.memory_space<semaphore_mem>>
        %dma_start3A_347 = tpu.memref_slice %arg4[%mul3A_1] : memref<16384xf32, #tpu.memory_space<hbm>> -> memref<1024xf32, #tpu.memory_space<hbm>>
        %dma_start3A_348 = tpu.memref_slice %arg4[%mul3A_1] : memref<16384xf32, #tpu.memory_space<hbm>> -> memref<1024xf32, #tpu.memory_space<hbm>>
        tpu.enqueue_dma source(%dma_start3A_348 : memref<1024xf32, #tpu.memory_space<hbm>>) target(%arg15 : memref<1024xf32, #tpu.memory_space<vmem>>) target_semaphore(%run_scoped3A : memref<!tpu.dma_semaphore, #tpu.memory_space<semaphore_mem>>)
        %dma_wait3A_349 = tpu.memref_slice %arg4[%mul3A_1] : memref<16384xf32, #tpu.memory_space<hbm>> -> memref<1024xf32, #tpu.memory_space<hbm>>
        %dma_wait3A_350 = tpu.memref_slice %arg4[%mul3A_1] : memref<16384xf32, #tpu.memory_space<hbm>> -> memref<1024xf32, #tpu.memory_space<hbm>>
        tpu.wait_dma2 semaphore(%run_scoped3A : memref<!tpu.dma_semaphore, #tpu.memory_space<semaphore_mem>>) src(%dma_wait3A_350 : memref<1024xf32, #tpu.memory_space<hbm>>) dst(%arg15 : memref<1024xf32, #tpu.memory_space<vmem>>)
        tpu.yield
      }) : () -> ()
      %broadcast_in_dim3A_102 = arith.constant 0.000000e+00 : f32
      %broadcast_in_dim3A_103 = vector.broadcast %broadcast_in_dim3A_102 : f32 to vector<16xf32>
      %get3A = arith.constant 0 : index
      %get3A_104 = tpu.vector_load %arg14[%get3A] {strides = array<i32>} : memref<1024xf32, #tpu.memory_space<vmem>>, vector<16xf32>,
      %add3A = arith.addf %broadcast_in_dim3A_103, %get3A_104 : vector<16xf32>
      %get3A_105 = arith.constant 16 : index
      %get3A_106 = tpu.vector_load %arg14[%get3A_105] {strides = array<i32>} : memref<1024xf32, #tpu.memory_space<vmem>>, vector<16xf32>,
      %add3A_107 = arith.addf %add3A, %get3A_106 : vector<16xf32>
      %get3A_108 = arith.constant 32 : index
      %get3A_109 = tpu.vector_load %arg14[%get3A_108] {strides = array<i32>} : memref<1024xf32, #tpu.memory_space<vmem>>, vector<16xf32>,
      %add3A_110 = arith.addf %add3A_107, %get3A_109 : vector<16xf32>
      %get3A_111 = arith.constant 48 : index
      %get3A_112 = tpu.vector_load %arg14[%get3A_111] {strides = array<i32>} : memref<1024xf32, #tpu.memory_space<vmem>>, vector<16xf32>,
      %add3A_113 = arith.addf %add3A_110, %get3A_112 : vector<16xf32>
      %get3A_114 = arith.constant 64 : index
      %get3A_115 = tpu.vector_load %arg14[%get3A_114] {strides = array<i32>} : memref<1024xf32, #tpu.memory_space<vmem>>, vector<16xf32>,
      %add3A_116 = arith.addf %add3A_113, %get3A_115 : vector<16xf32>
      %get3A_117 = arith.constant 80 : index
      %get3A_118 = tpu.vector_load %arg14[%get3A_117] {strides = array<i32>} : memref<1024xf32, #tpu.memory_space<vmem>>, vector<16xf32>,
      %add3A_119 = arith.addf %add3A_116, %get3A_118 : vector<16xf32>
      %get3A_120 = arith.constant 96 : index
      %get3A_121 = tpu.vector_load %arg14[%get3A_120] {strides = array<i32>} : memref<1024xf32, #tpu.memory_space<vmem>>, vector<16xf32>,
      %add3A_122 = arith.addf %add3A_119, %get3A_121 : vector<16xf32>
      %get3A_123 = arith.constant 112 : index
      %get3A_124 = tpu.vector_load %arg14[%get3A_123] {strides = array<i32>} : memref<1024xf32, #tpu.memory_space<vmem>>, vector<16xf32>,
      %add3A_125 = arith.addf %add3A_122, %get3A_124 : vector<16xf32>
      %get3A_126 = arith.constant 128 : index
      %get3A_127 = tpu.vector_load %arg14[%get3A_126] {strides = array<i32>} : memref<1024xf32, #tpu.memory_space<vmem>>, vector<16xf32>,
      %add3A_128 = arith.addf %add3A_125, %get3A_127 : vector<16xf32>
      %get3A_129 = arith.constant 144 : index
      %get3A_130 = tpu.vector_load %arg14[%get3A_129] {strides = array<i32>} : memref<1024xf32, #tpu.memory_space<vmem>>, vector<16xf32>,
      %add3A_131 = arith.addf %add3A_128, %get3A_130 : vector<16xf32>
      %get3A_132 = arith.constant 160 : index
      %get3A_133 = tpu.vector_load %arg14[%get3A_132] {strides = array<i32>} : memref<1024xf32, #tpu.memory_space<vmem>>, vector<16xf32>,
      %add3A_134 = arith.addf %add3A_131, %get3A_133 : vector<16xf32>
      %get3A_135 = arith.constant 176 : index
      %get3A_136 = tpu.vector_load %arg14[%get3A_135] {strides = array<i32>} : memref<1024xf32, #tpu.memory_space<vmem>>, vector<16xf32>,
      %add3A_137 = arith.addf %add3A_134, %get3A_136 : vector<16xf32>
      %get3A_138 = arith.constant 192 : index
      %get3A_139 = tpu.vector_load %arg14[%get3A_138] {strides = array<i32>} : memref<1024xf32, #tpu.memory_space<vmem>>, vector<16xf32>,
      %add3A_140 = arith.addf %add3A_137, %get3A_139 : vector<16xf32>
      %get3A_141 = arith.constant 208 : index
      %get3A_142 = tpu.vector_load %arg14[%get3A_141] {strides = array<i32>} : memref<1024xf32, #tpu.memory_space<vmem>>, vector<16xf32>,
      %add3A_143 = arith.addf %add3A_140, %get3A_142 : vector<16xf32>
      %get3A_144 = arith.constant 224 : index
      %get3A_145 = tpu.vector_load %arg14[%get3A_144] {strides = array<i32>} : memref<1024xf32, #tpu.memory_space<vmem>>, vector<16xf32>,
      %add3A_146 = arith.addf %add3A_143, %get3A_145 : vector<16xf32>
      %get3A_147 = arith.constant 240 : index
      %get3A_148 = tpu.vector_load %arg14[%get3A_147] {strides = array<i32>} : memref<1024xf32, #tpu.memory_space<vmem>>, vector<16xf32>,
      %add3A_149 = arith.addf %add3A_146, %get3A_148 : vector<16xf32>
      %get3A_150 = arith.constant 256 : index
      %get3A_151 = tpu.vector_load %arg14[%get3A_150] {strides = array<i32>} : memref<1024xf32, #tpu.memory_space<vmem>>, vector<16xf32>,
      %add3A_152 = arith.addf %add3A_149, %get3A_151 : vector<16xf32>
      %get3A_153 = arith.constant 272 : index
      %get3A_154 = tpu.vector_load %arg14[%get3A_153] {strides = array<i32>} : memref<1024xf32, #tpu.memory_space<vmem>>, vector<16xf32>,
      %add3A_155 = arith.addf %add3A_152, %get3A_154 : vector<16xf32>
      %get3A_156 = arith.constant 288 : index
      %get3A_157 = tpu.vector_load %arg14[%get3A_156] {strides = array<i32>} : memref<1024xf32, #tpu.memory_space<vmem>>, vector<16xf32>,
      %add3A_158 = arith.addf %add3A_155, %get3A_157 : vector<16xf32>
      %get3A_159 = arith.constant 304 : index
      %get3A_160 = tpu.vector_load %arg14[%get3A_159] {strides = array<i32>} : memref<1024xf32, #tpu.memory_space<vmem>>, vector<16xf32>,
      %add3A_161 = arith.addf %add3A_158, %get3A_160 : vector<16xf32>
      %get3A_162 = arith.constant 320 : index
      %get3A_163 = tpu.vector_load %arg14[%get3A_162] {strides = array<i32>} : memref<1024xf32, #tpu.memory_space<vmem>>, vector<16xf32>,
      %add3A_164 = arith.addf %add3A_161, %get3A_163 : vector<16xf32>
      %get3A_165 = arith.constant 336 : index
      %get3A_166 = tpu.vector_load %arg14[%get3A_165] {strides = array<i32>} : memref<1024xf32, #tpu.memory_space<vmem>>, vector<16xf32>,
      %add3A_167 = arith.addf %add3A_164, %get3A_166 : vector<16xf32>
      %get3A_168 = arith.constant 352 : index
      %get3A_169 = tpu.vector_load %arg14[%get3A_168] {strides = array<i32>} : memref<1024xf32, #tpu.memory_space<vmem>>, vector<16xf32>,
      %add3A_170 = arith.addf %add3A_167, %get3A_169 : vector<16xf32>
      %get3A_171 = arith.constant 368 : index
      %get3A_172 = tpu.vector_load %arg14[%get3A_171] {strides = array<i32>} : memref<1024xf32, #tpu.memory_space<vmem>>, vector<16xf32>,
      %add3A_173 = arith.addf %add3A_170, %get3A_172 : vector<16xf32>
      %get3A_174 = arith.constant 384 : index
      %get3A_175 = tpu.vector_load %arg14[%get3A_174] {strides = array<i32>} : memref<1024xf32, #tpu.memory_space<vmem>>, vector<16xf32>,
      %add3A_176 = arith.addf %add3A_173, %get3A_175 : vector<16xf32>
      %get3A_177 = arith.constant 400 : index
      %get3A_178 = tpu.vector_load %arg14[%get3A_177] {strides = array<i32>} : memref<1024xf32, #tpu.memory_space<vmem>>, vector<16xf32>,
      %add3A_179 = arith.addf %add3A_176, %get3A_178 : vector<16xf32>
      %get3A_180 = arith.constant 416 : index
      %get3A_181 = tpu.vector_load %arg14[%get3A_180] {strides = array<i32>} : memref<1024xf32, #tpu.memory_space<vmem>>, vector<16xf32>,
      %add3A_182 = arith.addf %add3A_179, %get3A_181 : vector<16xf32>
      %get3A_183 = arith.constant 432 : index
      %get3A_184 = tpu.vector_load %arg14[%get3A_183] {strides = array<i32>} : memref<1024xf32, #tpu.memory_space<vmem>>, vector<16xf32>,
      %add3A_185 = arith.addf %add3A_182, %get3A_184 : vector<16xf32>
      %get3A_186 = arith.constant 448 : index
      %get3A_187 = tpu.vector_load %arg14[%get3A_186] {strides = array<i32>} : memref<1024xf32, #tpu.memory_space<vmem>>, vector<16xf32>,
      %add3A_188 = arith.addf %add3A_185, %get3A_187 : vector<16xf32>
      %get3A_189 = arith.constant 464 : index
      %get3A_190 = tpu.vector_load %arg14[%get3A_189] {strides = array<i32>} : memref<1024xf32, #tpu.memory_space<vmem>>, vector<16xf32>,
      %add3A_191 = arith.addf %add3A_188, %get3A_190 : vector<16xf32>
      %get3A_192 = arith.constant 480 : index
      %get3A_193 = tpu.vector_load %arg14[%get3A_192] {strides = array<i32>} : memref<1024xf32, #tpu.memory_space<vmem>>, vector<16xf32>,
      %add3A_194 = arith.addf %add3A_191, %get3A_193 : vector<16xf32>
      %get3A_195 = arith.constant 496 : index
      %get3A_196 = tpu.vector_load %arg14[%get3A_195] {strides = array<i32>} : memref<1024xf32, #tpu.memory_space<vmem>>, vector<16xf32>,
      %add3A_197 = arith.addf %add3A_194, %get3A_196 : vector<16xf32>
      %get3A_198 = arith.constant 512 : index
      %get3A_199 = tpu.vector_load %arg14[%get3A_198] {strides = array<i32>} : memref<1024xf32, #tpu.memory_space<vmem>>, vector<16xf32>,
      %add3A_200 = arith.addf %add3A_197, %get3A_199 : vector<16xf32>
      %get3A_201 = arith.constant 528 : index
      %get3A_202 = tpu.vector_load %arg14[%get3A_201] {strides = array<i32>} : memref<1024xf32, #tpu.memory_space<vmem>>, vector<16xf32>,
      %add3A_203 = arith.addf %add3A_200, %get3A_202 : vector<16xf32>
      %get3A_204 = arith.constant 544 : index
      %get3A_205 = tpu.vector_load %arg14[%get3A_204] {strides = array<i32>} : memref<1024xf32, #tpu.memory_space<vmem>>, vector<16xf32>,
      %add3A_206 = arith.addf %add3A_203, %get3A_205 : vector<16xf32>
      %get3A_207 = arith.constant 560 : index
      %get3A_208 = tpu.vector_load %arg14[%get3A_207] {strides = array<i32>} : memref<1024xf32, #tpu.memory_space<vmem>>, vector<16xf32>,
      %add3A_209 = arith.addf %add3A_206, %get3A_208 : vector<16xf32>
      %get3A_210 = arith.constant 576 : index
      %get3A_211 = tpu.vector_load %arg14[%get3A_210] {strides = array<i32>} : memref<1024xf32, #tpu.memory_space<vmem>>, vector<16xf32>,
      %add3A_212 = arith.addf %add3A_209, %get3A_211 : vector<16xf32>
      %get3A_213 = arith.constant 592 : index
      %get3A_214 = tpu.vector_load %arg14[%get3A_213] {strides = array<i32>} : memref<1024xf32, #tpu.memory_space<vmem>>, vector<16xf32>,
      %add3A_215 = arith.addf %add3A_212, %get3A_214 : vector<16xf32>
      %get3A_216 = arith.constant 608 : index
      %get3A_217 = tpu.vector_load %arg14[%get3A_216] {strides = array<i32>} : memref<1024xf32, #tpu.memory_space<vmem>>, vector<16xf32>,
      %add3A_218 = arith.addf %add3A_215, %get3A_217 : vector<16xf32>
      %get3A_219 = arith.constant 624 : index
      %get3A_220 = tpu.vector_load %arg14[%get3A_219] {strides = array<i32>} : memref<1024xf32, #tpu.memory_space<vmem>>, vector<16xf32>,
      %add3A_221 = arith.addf %add3A_218, %get3A_220 : vector<16xf32>
      %get3A_222 = arith.constant 640 : index
      %get3A_223 = tpu.vector_load %arg14[%get3A_222] {strides = array<i32>} : memref<1024xf32, #tpu.memory_space<vmem>>, vector<16xf32>,
      %add3A_224 = arith.addf %add3A_221, %get3A_223 : vector<16xf32>
      %get3A_225 = arith.constant 656 : index
      %get3A_226 = tpu.vector_load %arg14[%get3A_225] {strides = array<i32>} : memref<1024xf32, #tpu.memory_space<vmem>>, vector<16xf32>,
      %add3A_227 = arith.addf %add3A_224, %get3A_226 : vector<16xf32>
      %get3A_228 = arith.constant 672 : index
      %get3A_229 = tpu.vector_load %arg14[%get3A_228] {strides = array<i32>} : memref<1024xf32, #tpu.memory_space<vmem>>, vector<16xf32>,
      %add3A_230 = arith.addf %add3A_227, %get3A_229 : vector<16xf32>
      %get3A_231 = arith.constant 688 : index
      %get3A_232 = tpu.vector_load %arg14[%get3A_231] {strides = array<i32>} : memref<1024xf32, #tpu.memory_space<vmem>>, vector<16xf32>,
      %add3A_233 = arith.addf %add3A_230, %get3A_232 : vector<16xf32>
      %get3A_234 = arith.constant 704 : index
      %get3A_235 = tpu.vector_load %arg14[%get3A_234] {strides = array<i32>} : memref<1024xf32, #tpu.memory_space<vmem>>, vector<16xf32>,
      %add3A_236 = arith.addf %add3A_233, %get3A_235 : vector<16xf32>
      %get3A_237 = arith.constant 720 : index
      %get3A_238 = tpu.vector_load %arg14[%get3A_237] {strides = array<i32>} : memref<1024xf32, #tpu.memory_space<vmem>>, vector<16xf32>,
      %add3A_239 = arith.addf %add3A_236, %get3A_238 : vector<16xf32>
      %get3A_240 = arith.constant 736 : index
      %get3A_241 = tpu.vector_load %arg14[%get3A_240] {strides = array<i32>} : memref<1024xf32, #tpu.memory_space<vmem>>, vector<16xf32>,
      %add3A_242 = arith.addf %add3A_239, %get3A_241 : vector<16xf32>
      %get3A_243 = arith.constant 752 : index
      %get3A_244 = tpu.vector_load %arg14[%get3A_243] {strides = array<i32>} : memref<1024xf32, #tpu.memory_space<vmem>>, vector<16xf32>,
      %add3A_245 = arith.addf %add3A_242, %get3A_244 : vector<16xf32>
      %get3A_246 = arith.constant 768 : index
      %get3A_247 = tpu.vector_load %arg14[%get3A_246] {strides = array<i32>} : memref<1024xf32, #tpu.memory_space<vmem>>, vector<16xf32>,
      %add3A_248 = arith.addf %add3A_245, %get3A_247 : vector<16xf32>
      %get3A_249 = arith.constant 784 : index
      %get3A_250 = tpu.vector_load %arg14[%get3A_249] {strides = array<i32>} : memref<1024xf32, #tpu.memory_space<vmem>>, vector<16xf32>,
      %add3A_251 = arith.addf %add3A_248, %get3A_250 : vector<16xf32>
      %get3A_252 = arith.constant 800 : index
      %get3A_253 = tpu.vector_load %arg14[%get3A_252] {strides = array<i32>} : memref<1024xf32, #tpu.memory_space<vmem>>, vector<16xf32>,
      %add3A_254 = arith.addf %add3A_251, %get3A_253 : vector<16xf32>
      %get3A_255 = arith.constant 816 : index
      %get3A_256 = tpu.vector_load %arg14[%get3A_255] {strides = array<i32>} : memref<1024xf32, #tpu.memory_space<vmem>>, vector<16xf32>,
      %add3A_257 = arith.addf %add3A_254, %get3A_256 : vector<16xf32>
      %get3A_258 = arith.constant 832 : index
      %get3A_259 = tpu.vector_load %arg14[%get3A_258] {strides = array<i32>} : memref<1024xf32, #tpu.memory_space<vmem>>, vector<16xf32>,
      %add3A_260 = arith.addf %add3A_257, %get3A_259 : vector<16xf32>
      %get3A_261 = arith.constant 848 : index
      %get3A_262 = tpu.vector_load %arg14[%get3A_261] {strides = array<i32>} : memref<1024xf32, #tpu.memory_space<vmem>>, vector<16xf32>,
      %add3A_263 = arith.addf %add3A_260, %get3A_262 : vector<16xf32>
      %get3A_264 = arith.constant 864 : index
      %get3A_265 = tpu.vector_load %arg14[%get3A_264] {strides = array<i32>} : memref<1024xf32, #tpu.memory_space<vmem>>, vector<16xf32>,
      %add3A_266 = arith.addf %add3A_263, %get3A_265 : vector<16xf32>
      %get3A_267 = arith.constant 880 : index
      %get3A_268 = tpu.vector_load %arg14[%get3A_267] {strides = array<i32>} : memref<1024xf32, #tpu.memory_space<vmem>>, vector<16xf32>,
      %add3A_269 = arith.addf %add3A_266, %get3A_268 : vector<16xf32>
      %get3A_270 = arith.constant 896 : index
      %get3A_271 = tpu.vector_load %arg14[%get3A_270] {strides = array<i32>} : memref<1024xf32, #tpu.memory_space<vmem>>, vector<16xf32>,
      %add3A_272 = arith.addf %add3A_269, %get3A_271 : vector<16xf32>
      %get3A_273 = arith.constant 912 : index
      %get3A_274 = tpu.vector_load %arg14[%get3A_273] {strides = array<i32>} : memref<1024xf32, #tpu.memory_space<vmem>>, vector<16xf32>,
      %add3A_275 = arith.addf %add3A_272, %get3A_274 : vector<16xf32>
      %get3A_276 = arith.constant 928 : index
      %get3A_277 = tpu.vector_load %arg14[%get3A_276] {strides = array<i32>} : memref<1024xf32, #tpu.memory_space<vmem>>, vector<16xf32>,
      %add3A_278 = arith.addf %add3A_275, %get3A_277 : vector<16xf32>
      %get3A_279 = arith.constant 944 : index
      %get3A_280 = tpu.vector_load %arg14[%get3A_279] {strides = array<i32>} : memref<1024xf32, #tpu.memory_space<vmem>>, vector<16xf32>,
      %add3A_281 = arith.addf %add3A_278, %get3A_280 : vector<16xf32>
      %get3A_282 = arith.constant 960 : index
      %get3A_283 = tpu.vector_load %arg14[%get3A_282] {strides = array<i32>} : memref<1024xf32, #tpu.memory_space<vmem>>, vector<16xf32>,
      %add3A_284 = arith.addf %add3A_281, %get3A_283 : vector<16xf32>
      %get3A_285 = arith.constant 976 : index
      %get3A_286 = tpu.vector_load %arg14[%get3A_285] {strides = array<i32>} : memref<1024xf32, #tpu.memory_space<vmem>>, vector<16xf32>,
      %add3A_287 = arith.addf %add3A_284, %get3A_286 : vector<16xf32>
      %get3A_288 = arith.constant 992 : index
      %get3A_289 = tpu.vector_load %arg14[%get3A_288] {strides = array<i32>} : memref<1024xf32, #tpu.memory_space<vmem>>, vector<16xf32>,
      %add3A_290 = arith.addf %add3A_287, %get3A_289 : vector<16xf32>
      %get3A_291 = arith.constant 1008 : index
      %get3A_292 = tpu.vector_load %arg14[%get3A_291] {strides = array<i32>} : memref<1024xf32, #tpu.memory_space<vmem>>, vector<16xf32>,
      %add3A_293 = arith.addf %add3A_290, %get3A_292 : vector<16xf32>
      %swap3A_294 = arith.constant 0 : index
      %swap3A_295 = tpu.vector_load %arg27[%swap3A_294] {strides = array<i32>} : memref<16xf32, #tpu.memory_space<vmem>>, vector<16xf32>,
      tpu.vector_store %arg27[%swap3A_294], %add3A_293 {strides = array<i32>} : memref<16xf32, #tpu.memory_space<vmem>>, vector<16xf32>,
      %mul3A_296 = arith.constant 16 : i32
      %mul3A_297 = arith.muli %arg1, %mul3A_296 : i32
      %add3A_298 = arith.constant 2048 : i32
      %add3A_299 = arith.addi %add3A_298, %mul3A_297 : i32
      "tpu.region"() ({
        %run_scoped3A = tpu.sem_alloc : memref<!tpu.dma_semaphore, #tpu.memory_space<semaphore_mem>>
        %dma_start3A_347 = tpu.memref_slice %arg34[%add3A_299] : memref<2560xf32, #tpu.memory_space<vmem_shared>> -> memref<16xf32, #tpu.memory_space<vmem_shared>>
        %dma_start3A_348 = tpu.memref_slice %arg34[%add3A_299] : memref<2560xf32, #tpu.memory_space<vmem_shared>> -> memref<16xf32, #tpu.memory_space<vmem_shared>>
        tpu.enqueue_dma source(%arg27 : memref<16xf32, #tpu.memory_space<vmem>>) target(%dma_start3A_348 : memref<16xf32, #tpu.memory_space<vmem_shared>>) target_semaphore(%run_scoped3A : memref<!tpu.dma_semaphore, #tpu.memory_space<semaphore_mem>>)
        %dma_wait3A_349 = tpu.memref_slice %arg34[%add3A_299] : memref<2560xf32, #tpu.memory_space<vmem_shared>> -> memref<16xf32, #tpu.memory_space<vmem_shared>>
        %dma_wait3A_350 = tpu.memref_slice %arg34[%add3A_299] : memref<2560xf32, #tpu.memory_space<vmem_shared>> -> memref<16xf32, #tpu.memory_space<vmem_shared>>
        tpu.wait_dma2 semaphore(%run_scoped3A : memref<!tpu.dma_semaphore, #tpu.memory_space<semaphore_mem>>) src(%arg27 : memref<16xf32, #tpu.memory_space<vmem>>) dst(%dma_wait3A_350 : memref<16xf32, #tpu.memory_space<vmem_shared>>)
        tpu.yield
      }) : () -> ()
      %dma_wait3A = arith.constant 0 : i32
      %dma_wait3A_300 = arith.constant 0 : i32
      %dma_wait3A_301 = tpu.memref_slice %arg13[%dma_wait3A, %dma_wait3A_300] : memref<8x128xi32, #tpu.memory_space<vmem>> -> memref<1x128xi32, #tpu.memory_space<vmem>>
      %dma_wait3A_302 = tpu.memref_squeeze %dma_wait3A_301 : memref<1x128xi32, #tpu.memory_space<vmem>> -> memref<128xi32, #tpu.memory_space<vmem>>
      %dma_wait3A_303 = arith.constant 0 : i32
      %dma_wait3A_304 = tpu.memref_slice %arg34[%dma_wait3A_303] : memref<2560xf32, #tpu.memory_space<vmem_shared>> -> memref<2560xf32, #tpu.memory_space<vmem_shared>>
      tpu.wait_indirect_dma semaphore(%arg33 : memref<!tpu.dma_semaphore, #tpu.memory_space<semaphore_mem>>) src(%arg17 : memref<128xf32, #tpu.memory_space<vmem>>) dst(%dma_wait3A_304 : memref<2560xf32, #tpu.memory_space<vmem_shared>>)
      %dma_wait3A_305 = arith.constant 1 : i32
      %dma_wait3A_306 = arith.constant 0 : i32
      %dma_wait3A_307 = tpu.memref_slice %arg13[%dma_wait3A_305, %dma_wait3A_306] : memref<8x128xi32, #tpu.memory_space<vmem>> -> memref<1x128xi32, #tpu.memory_space<vmem>>
      %dma_wait3A_308 = tpu.memref_squeeze %dma_wait3A_307 : memref<1x128xi32, #tpu.memory_space<vmem>> -> memref<128xi32, #tpu.memory_space<vmem>>
      %dma_wait3A_309 = arith.constant 0 : i32
      %dma_wait3A_310 = tpu.memref_slice %arg34[%dma_wait3A_309] : memref<2560xf32, #tpu.memory_space<vmem_shared>> -> memref<2560xf32, #tpu.memory_space<vmem_shared>>
      tpu.wait_indirect_dma semaphore(%arg33 : memref<!tpu.dma_semaphore, #tpu.memory_space<semaphore_mem>>) src(%arg17 : memref<128xf32, #tpu.memory_space<vmem>>) dst(%dma_wait3A_310 : memref<2560xf32, #tpu.memory_space<vmem_shared>>)
      %dma_wait3A_311 = arith.constant 2 : i32
      %dma_wait3A_312 = arith.constant 0 : i32
      %dma_wait3A_313 = tpu.memref_slice %arg13[%dma_wait3A_311, %dma_wait3A_312] : memref<8x128xi32, #tpu.memory_space<vmem>> -> memref<1x128xi32, #tpu.memory_space<vmem>>
      %dma_wait3A_314 = tpu.memref_squeeze %dma_wait3A_313 : memref<1x128xi32, #tpu.memory_space<vmem>> -> memref<128xi32, #tpu.memory_space<vmem>>
      %dma_wait3A_315 = arith.constant 0 : i32
      %dma_wait3A_316 = tpu.memref_slice %arg34[%dma_wait3A_315] : memref<2560xf32, #tpu.memory_space<vmem_shared>> -> memref<2560xf32, #tpu.memory_space<vmem_shared>>
      tpu.wait_indirect_dma semaphore(%arg33 : memref<!tpu.dma_semaphore, #tpu.memory_space<semaphore_mem>>) src(%arg17 : memref<128xf32, #tpu.memory_space<vmem>>) dst(%dma_wait3A_316 : memref<2560xf32, #tpu.memory_space<vmem_shared>>)
      %dma_wait3A_317 = arith.constant 3 : i32
      %dma_wait3A_318 = arith.constant 0 : i32
      %dma_wait3A_319 = tpu.memref_slice %arg13[%dma_wait3A_317, %dma_wait3A_318] : memref<8x128xi32, #tpu.memory_space<vmem>> -> memref<1x128xi32, #tpu.memory_space<vmem>>
      %dma_wait3A_320 = tpu.memref_squeeze %dma_wait3A_319 : memref<1x128xi32, #tpu.memory_space<vmem>> -> memref<128xi32, #tpu.memory_space<vmem>>
      %dma_wait3A_321 = arith.constant 0 : i32
      %dma_wait3A_322 = tpu.memref_slice %arg34[%dma_wait3A_321] : memref<2560xf32, #tpu.memory_space<vmem_shared>> -> memref<2560xf32, #tpu.memory_space<vmem_shared>>
      tpu.wait_indirect_dma semaphore(%arg33 : memref<!tpu.dma_semaphore, #tpu.memory_space<semaphore_mem>>) src(%arg17 : memref<128xf32, #tpu.memory_space<vmem>>) dst(%dma_wait3A_322 : memref<2560xf32, #tpu.memory_space<vmem_shared>>)
      %dma_wait3A_323 = arith.constant 4 : i32
      %dma_wait3A_324 = arith.constant 0 : i32
      %dma_wait3A_325 = tpu.memref_slice %arg13[%dma_wait3A_323, %dma_wait3A_324] : memref<8x128xi32, #tpu.memory_space<vmem>> -> memref<1x128xi32, #tpu.memory_space<vmem>>
      %dma_wait3A_326 = tpu.memref_squeeze %dma_wait3A_325 : memref<1x128xi32, #tpu.memory_space<vmem>> -> memref<128xi32, #tpu.memory_space<vmem>>
      %dma_wait3A_327 = arith.constant 0 : i32
      %dma_wait3A_328 = tpu.memref_slice %arg34[%dma_wait3A_327] : memref<2560xf32, #tpu.memory_space<vmem_shared>> -> memref<2560xf32, #tpu.memory_space<vmem_shared>>
      tpu.wait_indirect_dma semaphore(%arg33 : memref<!tpu.dma_semaphore, #tpu.memory_space<semaphore_mem>>) src(%arg17 : memref<128xf32, #tpu.memory_space<vmem>>) dst(%dma_wait3A_328 : memref<2560xf32, #tpu.memory_space<vmem_shared>>)
      %dma_wait3A_329 = arith.constant 5 : i32
      %dma_wait3A_330 = arith.constant 0 : i32
      %dma_wait3A_331 = tpu.memref_slice %arg13[%dma_wait3A_329, %dma_wait3A_330] : memref<8x128xi32, #tpu.memory_space<vmem>> -> memref<1x128xi32, #tpu.memory_space<vmem>>
      %dma_wait3A_332 = tpu.memref_squeeze %dma_wait3A_331 : memref<1x128xi32, #tpu.memory_space<vmem>> -> memref<128xi32, #tpu.memory_space<vmem>>
      %dma_wait3A_333 = arith.constant 0 : i32
      %dma_wait3A_334 = tpu.memref_slice %arg34[%dma_wait3A_333] : memref<2560xf32, #tpu.memory_space<vmem_shared>> -> memref<2560xf32, #tpu.memory_space<vmem_shared>>
      tpu.wait_indirect_dma semaphore(%arg33 : memref<!tpu.dma_semaphore, #tpu.memory_space<semaphore_mem>>) src(%arg17 : memref<128xf32, #tpu.memory_space<vmem>>) dst(%dma_wait3A_334 : memref<2560xf32, #tpu.memory_space<vmem_shared>>)
      %dma_wait3A_335 = arith.constant 6 : i32
      %dma_wait3A_336 = arith.constant 0 : i32
      %dma_wait3A_337 = tpu.memref_slice %arg13[%dma_wait3A_335, %dma_wait3A_336] : memref<8x128xi32, #tpu.memory_space<vmem>> -> memref<1x128xi32, #tpu.memory_space<vmem>>
      %dma_wait3A_338 = tpu.memref_squeeze %dma_wait3A_337 : memref<1x128xi32, #tpu.memory_space<vmem>> -> memref<128xi32, #tpu.memory_space<vmem>>
      %dma_wait3A_339 = arith.constant 0 : i32
      %dma_wait3A_340 = tpu.memref_slice %arg34[%dma_wait3A_339] : memref<2560xf32, #tpu.memory_space<vmem_shared>> -> memref<2560xf32, #tpu.memory_space<vmem_shared>>
      tpu.wait_indirect_dma semaphore(%arg33 : memref<!tpu.dma_semaphore, #tpu.memory_space<semaphore_mem>>) src(%arg17 : memref<128xf32, #tpu.memory_space<vmem>>) dst(%dma_wait3A_340 : memref<2560xf32, #tpu.memory_space<vmem_shared>>)
      %dma_wait3A_341 = arith.constant 7 : i32
      %dma_wait3A_342 = arith.constant 0 : i32
      %dma_wait3A_343 = tpu.memref_slice %arg13[%dma_wait3A_341, %dma_wait3A_342] : memref<8x128xi32, #tpu.memory_space<vmem>> -> memref<1x128xi32, #tpu.memory_space<vmem>>
      %dma_wait3A_344 = tpu.memref_squeeze %dma_wait3A_343 : memref<1x128xi32, #tpu.memory_space<vmem>> -> memref<128xi32, #tpu.memory_space<vmem>>
      %dma_wait3A_345 = arith.constant 0 : i32
      %dma_wait3A_346 = tpu.memref_slice %arg34[%dma_wait3A_345] : memref<2560xf32, #tpu.memory_space<vmem_shared>> -> memref<2560xf32, #tpu.memory_space<vmem_shared>>
      tpu.wait_indirect_dma semaphore(%arg33 : memref<!tpu.dma_semaphore, #tpu.memory_space<semaphore_mem>>) src(%arg17 : memref<128xf32, #tpu.memory_space<vmem>>) dst(%dma_wait3A_346 : memref<2560xf32, #tpu.memory_space<vmem_shared>>)
    } else {
    }
    %barrier3A_6 = arith.constant 0 : index
    tpu.barrier barrier_id(%barrier3A_6)
    %eq3A_7 = arith.constant 0 : i32
    %eq3A_8 = arith.cmpi eq, %arg1, %eq3A_7 : i32
    %and3A = arith.andi %eq3A_0, %eq3A_8 : i1
    %convert_element_type3A_9 = arith.extui %and3A : i1 to i32
    %cond3A_10 = arith.constant 0 : i32
    %cond3A_11 = arith.cmpi ne, %convert_element_type3A_9, %cond3A_10 : i32
    scf.if %cond3A_11 {
      "tpu.region"() ({
        %run_scoped3A = tpu.sem_alloc : memref<!tpu.dma_semaphore, #tpu.memory_space<semaphore_mem>>
        %dma_start3A = arith.constant 0 : i32
        %dma_start3A_985 = tpu.memref_slice %arg19[%dma_start3A] : memref<1024xf32, #tpu.memory_space<vmem>> -> memref<1000xf32, #tpu.memory_space<vmem>>
        %dma_start3A_986 = arith.constant 0 : i32
        %dma_start3A_987 = tpu.memref_slice %arg19[%dma_start3A_986] : memref<1024xf32, #tpu.memory_space<vmem>> -> memref<1000xf32, #tpu.memory_space<vmem>>
        tpu.enqueue_dma source(%arg5 : memref<1000xf32, #tpu.memory_space<hbm>>) target(%dma_start3A_987 : memref<1000xf32, #tpu.memory_space<vmem>>) target_semaphore(%run_scoped3A : memref<!tpu.dma_semaphore, #tpu.memory_space<semaphore_mem>>)
        %dma_wait3A = arith.constant 0 : i32
        %dma_wait3A_988 = tpu.memref_slice %arg19[%dma_wait3A] : memref<1024xf32, #tpu.memory_space<vmem>> -> memref<1000xf32, #tpu.memory_space<vmem>>
        %dma_wait3A_989 = arith.constant 0 : i32
        %dma_wait3A_990 = tpu.memref_slice %arg19[%dma_wait3A_989] : memref<1024xf32, #tpu.memory_space<vmem>> -> memref<1000xf32, #tpu.memory_space<vmem>>
        tpu.wait_dma2 semaphore(%run_scoped3A : memref<!tpu.dma_semaphore, #tpu.memory_space<semaphore_mem>>) src(%arg5 : memref<1000xf32, #tpu.memory_space<hbm>>) dst(%dma_wait3A_990 : memref<1000xf32, #tpu.memory_space<vmem>>)
        tpu.yield
      }) : () -> ()
      "tpu.region"() ({
        %run_scoped3A = tpu.sem_alloc : memref<!tpu.dma_semaphore, #tpu.memory_space<semaphore_mem>>
        %dma_start3A = arith.constant 0 : i32
        %dma_start3A_985 = tpu.memref_slice %arg20[%dma_start3A] : memref<1024xf32, #tpu.memory_space<vmem>> -> memref<1000xf32, #tpu.memory_space<vmem>>
        %dma_start3A_986 = arith.constant 0 : i32
        %dma_start3A_987 = tpu.memref_slice %arg20[%dma_start3A_986] : memref<1024xf32, #tpu.memory_space<vmem>> -> memref<1000xf32, #tpu.memory_space<vmem>>
        tpu.enqueue_dma source(%arg6 : memref<1000xf32, #tpu.memory_space<hbm>>) target(%dma_start3A_987 : memref<1000xf32, #tpu.memory_space<vmem>>) target_semaphore(%run_scoped3A : memref<!tpu.dma_semaphore, #tpu.memory_space<semaphore_mem>>)
        %dma_wait3A = arith.constant 0 : i32
        %dma_wait3A_988 = tpu.memref_slice %arg20[%dma_wait3A] : memref<1024xf32, #tpu.memory_space<vmem>> -> memref<1000xf32, #tpu.memory_space<vmem>>
        %dma_wait3A_989 = arith.constant 0 : i32
        %dma_wait3A_990 = tpu.memref_slice %arg20[%dma_wait3A_989] : memref<1024xf32, #tpu.memory_space<vmem>> -> memref<1000xf32, #tpu.memory_space<vmem>>
        tpu.wait_dma2 semaphore(%run_scoped3A : memref<!tpu.dma_semaphore, #tpu.memory_space<semaphore_mem>>) src(%arg6 : memref<1000xf32, #tpu.memory_space<hbm>>) dst(%dma_wait3A_990 : memref<1000xf32, #tpu.memory_space<vmem>>)
        tpu.yield
      }) : () -> ()
      "tpu.region"() ({
        %run_scoped3A = tpu.sem_alloc : memref<!tpu.dma_semaphore, #tpu.memory_space<semaphore_mem>>
        %dma_start3A = arith.constant 0 : i32
        %dma_start3A_985 = tpu.memref_slice %arg26[%dma_start3A] : memref<16xf32, #tpu.memory_space<vmem>> -> memref<2xf32, #tpu.memory_space<vmem>>
        %dma_start3A_986 = arith.constant 0 : i32
        %dma_start3A_987 = tpu.memref_slice %arg26[%dma_start3A_986] : memref<16xf32, #tpu.memory_space<vmem>> -> memref<2xf32, #tpu.memory_space<vmem>>
        tpu.enqueue_dma source(%arg8 : memref<2xf32, #tpu.memory_space<hbm>>) target(%dma_start3A_987 : memref<2xf32, #tpu.memory_space<vmem>>) target_semaphore(%run_scoped3A : memref<!tpu.dma_semaphore, #tpu.memory_space<semaphore_mem>>)
        %dma_wait3A = arith.constant 0 : i32
        %dma_wait3A_988 = tpu.memref_slice %arg26[%dma_wait3A] : memref<16xf32, #tpu.memory_space<vmem>> -> memref<2xf32, #tpu.memory_space<vmem>>
        %dma_wait3A_989 = arith.constant 0 : i32
        %dma_wait3A_990 = tpu.memref_slice %arg26[%dma_wait3A_989] : memref<16xf32, #tpu.memory_space<vmem>> -> memref<2xf32, #tpu.memory_space<vmem>>
        tpu.wait_dma2 semaphore(%run_scoped3A : memref<!tpu.dma_semaphore, #tpu.memory_space<semaphore_mem>>) src(%arg8 : memref<2xf32, #tpu.memory_space<hbm>>) dst(%dma_wait3A_990 : memref<2xf32, #tpu.memory_space<vmem>>)
        tpu.yield
      }) : () -> ()
      %broadcast_in_dim3A = arith.constant 0.000000e+00 : f32
      %broadcast_in_dim3A_23 = vector.broadcast %broadcast_in_dim3A : f32 to vector<16xf32>
      %iota3A = tpu.iota {dimensions = array<i32: 0>} : vector<16xi32>
      %get3A = arith.constant 0 : index
      %get3A_24 = tpu.vector_load %arg20[%get3A] {strides = array<i32>} : memref<1024xf32, #tpu.memory_space<vmem>>, vector<16xf32>,
      %mul3A_25 = arith.constant 9.990000e-01 : f32
      %mul3A_26 = vector.broadcast %mul3A_25 : f32 to vector<16xf32>
      %mul3A_27 = arith.mulf %get3A_24, %mul3A_26 : vector<16xf32>
      %get3A_28 = arith.constant 0 : index
      %get3A_29 = tpu.vector_load %arg19[%get3A_28] {strides = array<i32>} : memref<1024xf32, #tpu.memory_space<vmem>>, vector<16xf32>,
      %mul3A_30 = arith.constant 6.10351591E-8 : f32
      %mul3A_31 = vector.broadcast %mul3A_30 : f32 to vector<16xf32>
      %mul3A_32 = arith.mulf %get3A_29, %mul3A_31 : vector<16xf32>
      %add3A = arith.addf %mul3A_27, %mul3A_32 : vector<16xf32>
      %swap3A = arith.constant 0 : index
      %swap3A_33 = tpu.vector_load %arg21[%swap3A] {strides = array<i32>} : memref<1024xf32, #tpu.memory_space<vmem>>, vector<16xf32>,
      tpu.vector_store %arg21[%swap3A], %add3A {strides = array<i32>} : memref<1024xf32, #tpu.memory_space<vmem>>, vector<16xf32>,
      %max3A = arith.maximumf %broadcast_in_dim3A_23, %add3A : vector<16xf32>
      %get3A_34 = arith.constant 16 : index
      %get3A_35 = tpu.vector_load %arg20[%get3A_34] {strides = array<i32>} : memref<1024xf32, #tpu.memory_space<vmem>>, vector<16xf32>,
      %mul3A_36 = arith.constant 9.990000e-01 : f32
      %mul3A_37 = vector.broadcast %mul3A_36 : f32 to vector<16xf32>
      %mul3A_38 = arith.mulf %get3A_35, %mul3A_37 : vector<16xf32>
      %get3A_39 = arith.constant 16 : index
      %get3A_40 = tpu.vector_load %arg19[%get3A_39] {strides = array<i32>} : memref<1024xf32, #tpu.memory_space<vmem>>, vector<16xf32>,
      %mul3A_41 = arith.constant 6.10351591E-8 : f32
      %mul3A_42 = vector.broadcast %mul3A_41 : f32 to vector<16xf32>
      %mul3A_43 = arith.mulf %get3A_40, %mul3A_42 : vector<16xf32>
      %add3A_44 = arith.addf %mul3A_38, %mul3A_43 : vector<16xf32>
      %swap3A_45 = arith.constant 16 : index
      %swap3A_46 = tpu.vector_load %arg21[%swap3A_45] {strides = array<i32>} : memref<1024xf32, #tpu.memory_space<vmem>>, vector<16xf32>,
      tpu.vector_store %arg21[%swap3A_45], %add3A_44 {strides = array<i32>} : memref<1024xf32, #tpu.memory_space<vmem>>, vector<16xf32>,
      %max3A_47 = arith.maximumf %max3A, %add3A_44 : vector<16xf32>
      %get3A_48 = arith.constant 32 : index
      %get3A_49 = tpu.vector_load %arg20[%get3A_48] {strides = array<i32>} : memref<1024xf32, #tpu.memory_space<vmem>>, vector<16xf32>,
      %mul3A_50 = arith.constant 9.990000e-01 : f32
      %mul3A_51 = vector.broadcast %mul3A_50 : f32 to vector<16xf32>
      %mul3A_52 = arith.mulf %get3A_49, %mul3A_51 : vector<16xf32>
      %get3A_53 = arith.constant 32 : index
      %get3A_54 = tpu.vector_load %arg19[%get3A_53] {strides = array<i32>} : memref<1024xf32, #tpu.memory_space<vmem>>, vector<16xf32>,
      %mul3A_55 = arith.constant 6.10351591E-8 : f32
      %mul3A_56 = vector.broadcast %mul3A_55 : f32 to vector<16xf32>
      %mul3A_57 = arith.mulf %get3A_54, %mul3A_56 : vector<16xf32>
      %add3A_58 = arith.addf %mul3A_52, %mul3A_57 : vector<16xf32>
      %swap3A_59 = arith.constant 32 : index
      %swap3A_60 = tpu.vector_load %arg21[%swap3A_59] {strides = array<i32>} : memref<1024xf32, #tpu.memory_space<vmem>>, vector<16xf32>,
      tpu.vector_store %arg21[%swap3A_59], %add3A_58 {strides = array<i32>} : memref<1024xf32, #tpu.memory_space<vmem>>, vector<16xf32>,
      %max3A_61 = arith.maximumf %max3A_47, %add3A_58 : vector<16xf32>
      %get3A_62 = arith.constant 48 : index
      %get3A_63 = tpu.vector_load %arg20[%get3A_62] {strides = array<i32>} : memref<1024xf32, #tpu.memory_space<vmem>>, vector<16xf32>,
      %mul3A_64 = arith.constant 9.990000e-01 : f32
      %mul3A_65 = vector.broadcast %mul3A_64 : f32 to vector<16xf32>
      %mul3A_66 = arith.mulf %get3A_63, %mul3A_65 : vector<16xf32>
      %get3A_67 = arith.constant 48 : index
      %get3A_68 = tpu.vector_load %arg19[%get3A_67] {strides = array<i32>} : memref<1024xf32, #tpu.memory_space<vmem>>, vector<16xf32>,
      %mul3A_69 = arith.constant 6.10351591E-8 : f32
      %mul3A_70 = vector.broadcast %mul3A_69 : f32 to vector<16xf32>
      %mul3A_71 = arith.mulf %get3A_68, %mul3A_70 : vector<16xf32>
      %add3A_72 = arith.addf %mul3A_66, %mul3A_71 : vector<16xf32>
      %swap3A_73 = arith.constant 48 : index
      %swap3A_74 = tpu.vector_load %arg21[%swap3A_73] {strides = array<i32>} : memref<1024xf32, #tpu.memory_space<vmem>>, vector<16xf32>,
      tpu.vector_store %arg21[%swap3A_73], %add3A_72 {strides = array<i32>} : memref<1024xf32, #tpu.memory_space<vmem>>, vector<16xf32>,
      %max3A_75 = arith.maximumf %max3A_61, %add3A_72 : vector<16xf32>
      %get3A_76 = arith.constant 64 : index
      %get3A_77 = tpu.vector_load %arg20[%get3A_76] {strides = array<i32>} : memref<1024xf32, #tpu.memory_space<vmem>>, vector<16xf32>,
      %mul3A_78 = arith.constant 9.990000e-01 : f32
      %mul3A_79 = vector.broadcast %mul3A_78 : f32 to vector<16xf32>
      %mul3A_80 = arith.mulf %get3A_77, %mul3A_79 : vector<16xf32>
      %get3A_81 = arith.constant 64 : index
      %get3A_82 = tpu.vector_load %arg19[%get3A_81] {strides = array<i32>} : memref<1024xf32, #tpu.memory_space<vmem>>, vector<16xf32>,
      %mul3A_83 = arith.constant 6.10351591E-8 : f32
      %mul3A_84 = vector.broadcast %mul3A_83 : f32 to vector<16xf32>
      %mul3A_85 = arith.mulf %get3A_82, %mul3A_84 : vector<16xf32>
      %add3A_86 = arith.addf %mul3A_80, %mul3A_85 : vector<16xf32>
      %swap3A_87 = arith.constant 64 : index
      %swap3A_88 = tpu.vector_load %arg21[%swap3A_87] {strides = array<i32>} : memref<1024xf32, #tpu.memory_space<vmem>>, vector<16xf32>,
      tpu.vector_store %arg21[%swap3A_87], %add3A_86 {strides = array<i32>} : memref<1024xf32, #tpu.memory_space<vmem>>, vector<16xf32>,
      %max3A_89 = arith.maximumf %max3A_75, %add3A_86 : vector<16xf32>
      %get3A_90 = arith.constant 80 : index
      %get3A_91 = tpu.vector_load %arg20[%get3A_90] {strides = array<i32>} : memref<1024xf32, #tpu.memory_space<vmem>>, vector<16xf32>,
      %mul3A_92 = arith.constant 9.990000e-01 : f32
      %mul3A_93 = vector.broadcast %mul3A_92 : f32 to vector<16xf32>
      %mul3A_94 = arith.mulf %get3A_91, %mul3A_93 : vector<16xf32>
      %get3A_95 = arith.constant 80 : index
      %get3A_96 = tpu.vector_load %arg19[%get3A_95] {strides = array<i32>} : memref<1024xf32, #tpu.memory_space<vmem>>, vector<16xf32>,
      %mul3A_97 = arith.constant 6.10351591E-8 : f32
      %mul3A_98 = vector.broadcast %mul3A_97 : f32 to vector<16xf32>
      %mul3A_99 = arith.mulf %get3A_96, %mul3A_98 : vector<16xf32>
      %add3A_100 = arith.addf %mul3A_94, %mul3A_99 : vector<16xf32>
      %swap3A_101 = arith.constant 80 : index
      %swap3A_102 = tpu.vector_load %arg21[%swap3A_101] {strides = array<i32>} : memref<1024xf32, #tpu.memory_space<vmem>>, vector<16xf32>,
      tpu.vector_store %arg21[%swap3A_101], %add3A_100 {strides = array<i32>} : memref<1024xf32, #tpu.memory_space<vmem>>, vector<16xf32>,
      %max3A_103 = arith.maximumf %max3A_89, %add3A_100 : vector<16xf32>
      %get3A_104 = arith.constant 96 : index
      %get3A_105 = tpu.vector_load %arg20[%get3A_104] {strides = array<i32>} : memref<1024xf32, #tpu.memory_space<vmem>>, vector<16xf32>,
      %mul3A_106 = arith.constant 9.990000e-01 : f32
      %mul3A_107 = vector.broadcast %mul3A_106 : f32 to vector<16xf32>
      %mul3A_108 = arith.mulf %get3A_105, %mul3A_107 : vector<16xf32>
      %get3A_109 = arith.constant 96 : index
      %get3A_110 = tpu.vector_load %arg19[%get3A_109] {strides = array<i32>} : memref<1024xf32, #tpu.memory_space<vmem>>, vector<16xf32>,
      %mul3A_111 = arith.constant 6.10351591E-8 : f32
      %mul3A_112 = vector.broadcast %mul3A_111 : f32 to vector<16xf32>
      %mul3A_113 = arith.mulf %get3A_110, %mul3A_112 : vector<16xf32>
      %add3A_114 = arith.addf %mul3A_108, %mul3A_113 : vector<16xf32>
      %swap3A_115 = arith.constant 96 : index
      %swap3A_116 = tpu.vector_load %arg21[%swap3A_115] {strides = array<i32>} : memref<1024xf32, #tpu.memory_space<vmem>>, vector<16xf32>,
      tpu.vector_store %arg21[%swap3A_115], %add3A_114 {strides = array<i32>} : memref<1024xf32, #tpu.memory_space<vmem>>, vector<16xf32>,
      %max3A_117 = arith.maximumf %max3A_103, %add3A_114 : vector<16xf32>
      %get3A_118 = arith.constant 112 : index
      %get3A_119 = tpu.vector_load %arg20[%get3A_118] {strides = array<i32>} : memref<1024xf32, #tpu.memory_space<vmem>>, vector<16xf32>,
      %mul3A_120 = arith.constant 9.990000e-01 : f32
      %mul3A_121 = vector.broadcast %mul3A_120 : f32 to vector<16xf32>
      %mul3A_122 = arith.mulf %get3A_119, %mul3A_121 : vector<16xf32>
      %get3A_123 = arith.constant 112 : index
      %get3A_124 = tpu.vector_load %arg19[%get3A_123] {strides = array<i32>} : memref<1024xf32, #tpu.memory_space<vmem>>, vector<16xf32>,
      %mul3A_125 = arith.constant 6.10351591E-8 : f32
      %mul3A_126 = vector.broadcast %mul3A_125 : f32 to vector<16xf32>
      %mul3A_127 = arith.mulf %get3A_124, %mul3A_126 : vector<16xf32>
      %add3A_128 = arith.addf %mul3A_122, %mul3A_127 : vector<16xf32>
      %swap3A_129 = arith.constant 112 : index
      %swap3A_130 = tpu.vector_load %arg21[%swap3A_129] {strides = array<i32>} : memref<1024xf32, #tpu.memory_space<vmem>>, vector<16xf32>,
      tpu.vector_store %arg21[%swap3A_129], %add3A_128 {strides = array<i32>} : memref<1024xf32, #tpu.memory_space<vmem>>, vector<16xf32>,
      %max3A_131 = arith.maximumf %max3A_117, %add3A_128 : vector<16xf32>
      %get3A_132 = arith.constant 128 : index
      %get3A_133 = tpu.vector_load %arg20[%get3A_132] {strides = array<i32>} : memref<1024xf32, #tpu.memory_space<vmem>>, vector<16xf32>,
      %mul3A_134 = arith.constant 9.990000e-01 : f32
      %mul3A_135 = vector.broadcast %mul3A_134 : f32 to vector<16xf32>
      %mul3A_136 = arith.mulf %get3A_133, %mul3A_135 : vector<16xf32>
      %get3A_137 = arith.constant 128 : index
      %get3A_138 = tpu.vector_load %arg19[%get3A_137] {strides = array<i32>} : memref<1024xf32, #tpu.memory_space<vmem>>, vector<16xf32>,
      %mul3A_139 = arith.constant 6.10351591E-8 : f32
      %mul3A_140 = vector.broadcast %mul3A_139 : f32 to vector<16xf32>
      %mul3A_141 = arith.mulf %get3A_138, %mul3A_140 : vector<16xf32>
      %add3A_142 = arith.addf %mul3A_136, %mul3A_141 : vector<16xf32>
      %swap3A_143 = arith.constant 128 : index
      %swap3A_144 = tpu.vector_load %arg21[%swap3A_143] {strides = array<i32>} : memref<1024xf32, #tpu.memory_space<vmem>>, vector<16xf32>,
      tpu.vector_store %arg21[%swap3A_143], %add3A_142 {strides = array<i32>} : memref<1024xf32, #tpu.memory_space<vmem>>, vector<16xf32>,
      %max3A_145 = arith.maximumf %max3A_131, %add3A_142 : vector<16xf32>
      %get3A_146 = arith.constant 144 : index
      %get3A_147 = tpu.vector_load %arg20[%get3A_146] {strides = array<i32>} : memref<1024xf32, #tpu.memory_space<vmem>>, vector<16xf32>,
      %mul3A_148 = arith.constant 9.990000e-01 : f32
      %mul3A_149 = vector.broadcast %mul3A_148 : f32 to vector<16xf32>
      %mul3A_150 = arith.mulf %get3A_147, %mul3A_149 : vector<16xf32>
      %get3A_151 = arith.constant 144 : index
      %get3A_152 = tpu.vector_load %arg19[%get3A_151] {strides = array<i32>} : memref<1024xf32, #tpu.memory_space<vmem>>, vector<16xf32>,
      %mul3A_153 = arith.constant 6.10351591E-8 : f32
      %mul3A_154 = vector.broadcast %mul3A_153 : f32 to vector<16xf32>
      %mul3A_155 = arith.mulf %get3A_152, %mul3A_154 : vector<16xf32>
      %add3A_156 = arith.addf %mul3A_150, %mul3A_155 : vector<16xf32>
      %swap3A_157 = arith.constant 144 : index
      %swap3A_158 = tpu.vector_load %arg21[%swap3A_157] {strides = array<i32>} : memref<1024xf32, #tpu.memory_space<vmem>>, vector<16xf32>,
      tpu.vector_store %arg21[%swap3A_157], %add3A_156 {strides = array<i32>} : memref<1024xf32, #tpu.memory_space<vmem>>, vector<16xf32>,
      %max3A_159 = arith.maximumf %max3A_145, %add3A_156 : vector<16xf32>
      %get3A_160 = arith.constant 160 : index
      %get3A_161 = tpu.vector_load %arg20[%get3A_160] {strides = array<i32>} : memref<1024xf32, #tpu.memory_space<vmem>>, vector<16xf32>,
      %mul3A_162 = arith.constant 9.990000e-01 : f32
      %mul3A_163 = vector.broadcast %mul3A_162 : f32 to vector<16xf32>
      %mul3A_164 = arith.mulf %get3A_161, %mul3A_163 : vector<16xf32>
      %get3A_165 = arith.constant 160 : index
      %get3A_166 = tpu.vector_load %arg19[%get3A_165] {strides = array<i32>} : memref<1024xf32, #tpu.memory_space<vmem>>, vector<16xf32>,
      %mul3A_167 = arith.constant 6.10351591E-8 : f32
      %mul3A_168 = vector.broadcast %mul3A_167 : f32 to vector<16xf32>
      %mul3A_169 = arith.mulf %get3A_166, %mul3A_168 : vector<16xf32>
      %add3A_170 = arith.addf %mul3A_164, %mul3A_169 : vector<16xf32>
      %swap3A_171 = arith.constant 160 : index
      %swap3A_172 = tpu.vector_load %arg21[%swap3A_171] {strides = array<i32>} : memref<1024xf32, #tpu.memory_space<vmem>>, vector<16xf32>,
      tpu.vector_store %arg21[%swap3A_171], %add3A_170 {strides = array<i32>} : memref<1024xf32, #tpu.memory_space<vmem>>, vector<16xf32>,
      %max3A_173 = arith.maximumf %max3A_159, %add3A_170 : vector<16xf32>
      %get3A_174 = arith.constant 176 : index
      %get3A_175 = tpu.vector_load %arg20[%get3A_174] {strides = array<i32>} : memref<1024xf32, #tpu.memory_space<vmem>>, vector<16xf32>,
      %mul3A_176 = arith.constant 9.990000e-01 : f32
      %mul3A_177 = vector.broadcast %mul3A_176 : f32 to vector<16xf32>
      %mul3A_178 = arith.mulf %get3A_175, %mul3A_177 : vector<16xf32>
      %get3A_179 = arith.constant 176 : index
      %get3A_180 = tpu.vector_load %arg19[%get3A_179] {strides = array<i32>} : memref<1024xf32, #tpu.memory_space<vmem>>, vector<16xf32>,
      %mul3A_181 = arith.constant 6.10351591E-8 : f32
      %mul3A_182 = vector.broadcast %mul3A_181 : f32 to vector<16xf32>
      %mul3A_183 = arith.mulf %get3A_180, %mul3A_182 : vector<16xf32>
      %add3A_184 = arith.addf %mul3A_178, %mul3A_183 : vector<16xf32>
      %swap3A_185 = arith.constant 176 : index
      %swap3A_186 = tpu.vector_load %arg21[%swap3A_185] {strides = array<i32>} : memref<1024xf32, #tpu.memory_space<vmem>>, vector<16xf32>,
      tpu.vector_store %arg21[%swap3A_185], %add3A_184 {strides = array<i32>} : memref<1024xf32, #tpu.memory_space<vmem>>, vector<16xf32>,
      %max3A_187 = arith.maximumf %max3A_173, %add3A_184 : vector<16xf32>
      %get3A_188 = arith.constant 192 : index
      %get3A_189 = tpu.vector_load %arg20[%get3A_188] {strides = array<i32>} : memref<1024xf32, #tpu.memory_space<vmem>>, vector<16xf32>,
      %mul3A_190 = arith.constant 9.990000e-01 : f32
      %mul3A_191 = vector.broadcast %mul3A_190 : f32 to vector<16xf32>
      %mul3A_192 = arith.mulf %get3A_189, %mul3A_191 : vector<16xf32>
      %get3A_193 = arith.constant 192 : index
      %get3A_194 = tpu.vector_load %arg19[%get3A_193] {strides = array<i32>} : memref<1024xf32, #tpu.memory_space<vmem>>, vector<16xf32>,
      %mul3A_195 = arith.constant 6.10351591E-8 : f32
      %mul3A_196 = vector.broadcast %mul3A_195 : f32 to vector<16xf32>
      %mul3A_197 = arith.mulf %get3A_194, %mul3A_196 : vector<16xf32>
      %add3A_198 = arith.addf %mul3A_192, %mul3A_197 : vector<16xf32>
      %swap3A_199 = arith.constant 192 : index
      %swap3A_200 = tpu.vector_load %arg21[%swap3A_199] {strides = array<i32>} : memref<1024xf32, #tpu.memory_space<vmem>>, vector<16xf32>,
      tpu.vector_store %arg21[%swap3A_199], %add3A_198 {strides = array<i32>} : memref<1024xf32, #tpu.memory_space<vmem>>, vector<16xf32>,
      %max3A_201 = arith.maximumf %max3A_187, %add3A_198 : vector<16xf32>
      %get3A_202 = arith.constant 208 : index
      %get3A_203 = tpu.vector_load %arg20[%get3A_202] {strides = array<i32>} : memref<1024xf32, #tpu.memory_space<vmem>>, vector<16xf32>,
      %mul3A_204 = arith.constant 9.990000e-01 : f32
      %mul3A_205 = vector.broadcast %mul3A_204 : f32 to vector<16xf32>
      %mul3A_206 = arith.mulf %get3A_203, %mul3A_205 : vector<16xf32>
      %get3A_207 = arith.constant 208 : index
      %get3A_208 = tpu.vector_load %arg19[%get3A_207] {strides = array<i32>} : memref<1024xf32, #tpu.memory_space<vmem>>, vector<16xf32>,
      %mul3A_209 = arith.constant 6.10351591E-8 : f32
      %mul3A_210 = vector.broadcast %mul3A_209 : f32 to vector<16xf32>
      %mul3A_211 = arith.mulf %get3A_208, %mul3A_210 : vector<16xf32>
      %add3A_212 = arith.addf %mul3A_206, %mul3A_211 : vector<16xf32>
      %swap3A_213 = arith.constant 208 : index
      %swap3A_214 = tpu.vector_load %arg21[%swap3A_213] {strides = array<i32>} : memref<1024xf32, #tpu.memory_space<vmem>>, vector<16xf32>,
      tpu.vector_store %arg21[%swap3A_213], %add3A_212 {strides = array<i32>} : memref<1024xf32, #tpu.memory_space<vmem>>, vector<16xf32>,
      %max3A_215 = arith.maximumf %max3A_201, %add3A_212 : vector<16xf32>
      %get3A_216 = arith.constant 224 : index
      %get3A_217 = tpu.vector_load %arg20[%get3A_216] {strides = array<i32>} : memref<1024xf32, #tpu.memory_space<vmem>>, vector<16xf32>,
      %mul3A_218 = arith.constant 9.990000e-01 : f32
      %mul3A_219 = vector.broadcast %mul3A_218 : f32 to vector<16xf32>
      %mul3A_220 = arith.mulf %get3A_217, %mul3A_219 : vector<16xf32>
      %get3A_221 = arith.constant 224 : index
      %get3A_222 = tpu.vector_load %arg19[%get3A_221] {strides = array<i32>} : memref<1024xf32, #tpu.memory_space<vmem>>, vector<16xf32>,
      %mul3A_223 = arith.constant 6.10351591E-8 : f32
      %mul3A_224 = vector.broadcast %mul3A_223 : f32 to vector<16xf32>
      %mul3A_225 = arith.mulf %get3A_222, %mul3A_224 : vector<16xf32>
      %add3A_226 = arith.addf %mul3A_220, %mul3A_225 : vector<16xf32>
      %swap3A_227 = arith.constant 224 : index
      %swap3A_228 = tpu.vector_load %arg21[%swap3A_227] {strides = array<i32>} : memref<1024xf32, #tpu.memory_space<vmem>>, vector<16xf32>,
      tpu.vector_store %arg21[%swap3A_227], %add3A_226 {strides = array<i32>} : memref<1024xf32, #tpu.memory_space<vmem>>, vector<16xf32>,
      %max3A_229 = arith.maximumf %max3A_215, %add3A_226 : vector<16xf32>
      %get3A_230 = arith.constant 240 : index
      %get3A_231 = tpu.vector_load %arg20[%get3A_230] {strides = array<i32>} : memref<1024xf32, #tpu.memory_space<vmem>>, vector<16xf32>,
      %mul3A_232 = arith.constant 9.990000e-01 : f32
      %mul3A_233 = vector.broadcast %mul3A_232 : f32 to vector<16xf32>
      %mul3A_234 = arith.mulf %get3A_231, %mul3A_233 : vector<16xf32>
      %get3A_235 = arith.constant 240 : index
      %get3A_236 = tpu.vector_load %arg19[%get3A_235] {strides = array<i32>} : memref<1024xf32, #tpu.memory_space<vmem>>, vector<16xf32>,
      %mul3A_237 = arith.constant 6.10351591E-8 : f32
      %mul3A_238 = vector.broadcast %mul3A_237 : f32 to vector<16xf32>
      %mul3A_239 = arith.mulf %get3A_236, %mul3A_238 : vector<16xf32>
      %add3A_240 = arith.addf %mul3A_234, %mul3A_239 : vector<16xf32>
      %swap3A_241 = arith.constant 240 : index
      %swap3A_242 = tpu.vector_load %arg21[%swap3A_241] {strides = array<i32>} : memref<1024xf32, #tpu.memory_space<vmem>>, vector<16xf32>,
      tpu.vector_store %arg21[%swap3A_241], %add3A_240 {strides = array<i32>} : memref<1024xf32, #tpu.memory_space<vmem>>, vector<16xf32>,
      %max3A_243 = arith.maximumf %max3A_229, %add3A_240 : vector<16xf32>
      %get3A_244 = arith.constant 256 : index
      %get3A_245 = tpu.vector_load %arg20[%get3A_244] {strides = array<i32>} : memref<1024xf32, #tpu.memory_space<vmem>>, vector<16xf32>,
      %mul3A_246 = arith.constant 9.990000e-01 : f32
      %mul3A_247 = vector.broadcast %mul3A_246 : f32 to vector<16xf32>
      %mul3A_248 = arith.mulf %get3A_245, %mul3A_247 : vector<16xf32>
      %get3A_249 = arith.constant 256 : index
      %get3A_250 = tpu.vector_load %arg19[%get3A_249] {strides = array<i32>} : memref<1024xf32, #tpu.memory_space<vmem>>, vector<16xf32>,
      %mul3A_251 = arith.constant 6.10351591E-8 : f32
      %mul3A_252 = vector.broadcast %mul3A_251 : f32 to vector<16xf32>
      %mul3A_253 = arith.mulf %get3A_250, %mul3A_252 : vector<16xf32>
      %add3A_254 = arith.addf %mul3A_248, %mul3A_253 : vector<16xf32>
      %swap3A_255 = arith.constant 256 : index
      %swap3A_256 = tpu.vector_load %arg21[%swap3A_255] {strides = array<i32>} : memref<1024xf32, #tpu.memory_space<vmem>>, vector<16xf32>,
      tpu.vector_store %arg21[%swap3A_255], %add3A_254 {strides = array<i32>} : memref<1024xf32, #tpu.memory_space<vmem>>, vector<16xf32>,
      %max3A_257 = arith.maximumf %max3A_243, %add3A_254 : vector<16xf32>
      %get3A_258 = arith.constant 272 : index
      %get3A_259 = tpu.vector_load %arg20[%get3A_258] {strides = array<i32>} : memref<1024xf32, #tpu.memory_space<vmem>>, vector<16xf32>,
      %mul3A_260 = arith.constant 9.990000e-01 : f32
      %mul3A_261 = vector.broadcast %mul3A_260 : f32 to vector<16xf32>
      %mul3A_262 = arith.mulf %get3A_259, %mul3A_261 : vector<16xf32>
      %get3A_263 = arith.constant 272 : index
      %get3A_264 = tpu.vector_load %arg19[%get3A_263] {strides = array<i32>} : memref<1024xf32, #tpu.memory_space<vmem>>, vector<16xf32>,
      %mul3A_265 = arith.constant 6.10351591E-8 : f32
      %mul3A_266 = vector.broadcast %mul3A_265 : f32 to vector<16xf32>
      %mul3A_267 = arith.mulf %get3A_264, %mul3A_266 : vector<16xf32>
      %add3A_268 = arith.addf %mul3A_262, %mul3A_267 : vector<16xf32>
      %swap3A_269 = arith.constant 272 : index
      %swap3A_270 = tpu.vector_load %arg21[%swap3A_269] {strides = array<i32>} : memref<1024xf32, #tpu.memory_space<vmem>>, vector<16xf32>,
      tpu.vector_store %arg21[%swap3A_269], %add3A_268 {strides = array<i32>} : memref<1024xf32, #tpu.memory_space<vmem>>, vector<16xf32>,
      %max3A_271 = arith.maximumf %max3A_257, %add3A_268 : vector<16xf32>
      %get3A_272 = arith.constant 288 : index
      %get3A_273 = tpu.vector_load %arg20[%get3A_272] {strides = array<i32>} : memref<1024xf32, #tpu.memory_space<vmem>>, vector<16xf32>,
      %mul3A_274 = arith.constant 9.990000e-01 : f32
      %mul3A_275 = vector.broadcast %mul3A_274 : f32 to vector<16xf32>
      %mul3A_276 = arith.mulf %get3A_273, %mul3A_275 : vector<16xf32>
      %get3A_277 = arith.constant 288 : index
      %get3A_278 = tpu.vector_load %arg19[%get3A_277] {strides = array<i32>} : memref<1024xf32, #tpu.memory_space<vmem>>, vector<16xf32>,
      %mul3A_279 = arith.constant 6.10351591E-8 : f32
      %mul3A_280 = vector.broadcast %mul3A_279 : f32 to vector<16xf32>
      %mul3A_281 = arith.mulf %get3A_278, %mul3A_280 : vector<16xf32>
      %add3A_282 = arith.addf %mul3A_276, %mul3A_281 : vector<16xf32>
      %swap3A_283 = arith.constant 288 : index
      %swap3A_284 = tpu.vector_load %arg21[%swap3A_283] {strides = array<i32>} : memref<1024xf32, #tpu.memory_space<vmem>>, vector<16xf32>,
      tpu.vector_store %arg21[%swap3A_283], %add3A_282 {strides = array<i32>} : memref<1024xf32, #tpu.memory_space<vmem>>, vector<16xf32>,
      %max3A_285 = arith.maximumf %max3A_271, %add3A_282 : vector<16xf32>
      %get3A_286 = arith.constant 304 : index
      %get3A_287 = tpu.vector_load %arg20[%get3A_286] {strides = array<i32>} : memref<1024xf32, #tpu.memory_space<vmem>>, vector<16xf32>,
      %mul3A_288 = arith.constant 9.990000e-01 : f32
      %mul3A_289 = vector.broadcast %mul3A_288 : f32 to vector<16xf32>
      %mul3A_290 = arith.mulf %get3A_287, %mul3A_289 : vector<16xf32>
      %get3A_291 = arith.constant 304 : index
      %get3A_292 = tpu.vector_load %arg19[%get3A_291] {strides = array<i32>} : memref<1024xf32, #tpu.memory_space<vmem>>, vector<16xf32>,
      %mul3A_293 = arith.constant 6.10351591E-8 : f32
      %mul3A_294 = vector.broadcast %mul3A_293 : f32 to vector<16xf32>
      %mul3A_295 = arith.mulf %get3A_292, %mul3A_294 : vector<16xf32>
      %add3A_296 = arith.addf %mul3A_290, %mul3A_295 : vector<16xf32>
      %swap3A_297 = arith.constant 304 : index
      %swap3A_298 = tpu.vector_load %arg21[%swap3A_297] {strides = array<i32>} : memref<1024xf32, #tpu.memory_space<vmem>>, vector<16xf32>,
      tpu.vector_store %arg21[%swap3A_297], %add3A_296 {strides = array<i32>} : memref<1024xf32, #tpu.memory_space<vmem>>, vector<16xf32>,
      %max3A_299 = arith.maximumf %max3A_285, %add3A_296 : vector<16xf32>
      %get3A_300 = arith.constant 320 : index
      %get3A_301 = tpu.vector_load %arg20[%get3A_300] {strides = array<i32>} : memref<1024xf32, #tpu.memory_space<vmem>>, vector<16xf32>,
      %mul3A_302 = arith.constant 9.990000e-01 : f32
      %mul3A_303 = vector.broadcast %mul3A_302 : f32 to vector<16xf32>
      %mul3A_304 = arith.mulf %get3A_301, %mul3A_303 : vector<16xf32>
      %get3A_305 = arith.constant 320 : index
      %get3A_306 = tpu.vector_load %arg19[%get3A_305] {strides = array<i32>} : memref<1024xf32, #tpu.memory_space<vmem>>, vector<16xf32>,
      %mul3A_307 = arith.constant 6.10351591E-8 : f32
      %mul3A_308 = vector.broadcast %mul3A_307 : f32 to vector<16xf32>
      %mul3A_309 = arith.mulf %get3A_306, %mul3A_308 : vector<16xf32>
      %add3A_310 = arith.addf %mul3A_304, %mul3A_309 : vector<16xf32>
      %swap3A_311 = arith.constant 320 : index
      %swap3A_312 = tpu.vector_load %arg21[%swap3A_311] {strides = array<i32>} : memref<1024xf32, #tpu.memory_space<vmem>>, vector<16xf32>,
      tpu.vector_store %arg21[%swap3A_311], %add3A_310 {strides = array<i32>} : memref<1024xf32, #tpu.memory_space<vmem>>, vector<16xf32>,
      %max3A_313 = arith.maximumf %max3A_299, %add3A_310 : vector<16xf32>
      %get3A_314 = arith.constant 336 : index
      %get3A_315 = tpu.vector_load %arg20[%get3A_314] {strides = array<i32>} : memref<1024xf32, #tpu.memory_space<vmem>>, vector<16xf32>,
      %mul3A_316 = arith.constant 9.990000e-01 : f32
      %mul3A_317 = vector.broadcast %mul3A_316 : f32 to vector<16xf32>
      %mul3A_318 = arith.mulf %get3A_315, %mul3A_317 : vector<16xf32>
      %get3A_319 = arith.constant 336 : index
      %get3A_320 = tpu.vector_load %arg19[%get3A_319] {strides = array<i32>} : memref<1024xf32, #tpu.memory_space<vmem>>, vector<16xf32>,
      %mul3A_321 = arith.constant 6.10351591E-8 : f32
      %mul3A_322 = vector.broadcast %mul3A_321 : f32 to vector<16xf32>
      %mul3A_323 = arith.mulf %get3A_320, %mul3A_322 : vector<16xf32>
      %add3A_324 = arith.addf %mul3A_318, %mul3A_323 : vector<16xf32>
      %swap3A_325 = arith.constant 336 : index
      %swap3A_326 = tpu.vector_load %arg21[%swap3A_325] {strides = array<i32>} : memref<1024xf32, #tpu.memory_space<vmem>>, vector<16xf32>,
      tpu.vector_store %arg21[%swap3A_325], %add3A_324 {strides = array<i32>} : memref<1024xf32, #tpu.memory_space<vmem>>, vector<16xf32>,
      %max3A_327 = arith.maximumf %max3A_313, %add3A_324 : vector<16xf32>
      %get3A_328 = arith.constant 352 : index
      %get3A_329 = tpu.vector_load %arg20[%get3A_328] {strides = array<i32>} : memref<1024xf32, #tpu.memory_space<vmem>>, vector<16xf32>,
      %mul3A_330 = arith.constant 9.990000e-01 : f32
      %mul3A_331 = vector.broadcast %mul3A_330 : f32 to vector<16xf32>
      %mul3A_332 = arith.mulf %get3A_329, %mul3A_331 : vector<16xf32>
      %get3A_333 = arith.constant 352 : index
      %get3A_334 = tpu.vector_load %arg19[%get3A_333] {strides = array<i32>} : memref<1024xf32, #tpu.memory_space<vmem>>, vector<16xf32>,
      %mul3A_335 = arith.constant 6.10351591E-8 : f32
      %mul3A_336 = vector.broadcast %mul3A_335 : f32 to vector<16xf32>
      %mul3A_337 = arith.mulf %get3A_334, %mul3A_336 : vector<16xf32>
      %add3A_338 = arith.addf %mul3A_332, %mul3A_337 : vector<16xf32>
      %swap3A_339 = arith.constant 352 : index
      %swap3A_340 = tpu.vector_load %arg21[%swap3A_339] {strides = array<i32>} : memref<1024xf32, #tpu.memory_space<vmem>>, vector<16xf32>,
      tpu.vector_store %arg21[%swap3A_339], %add3A_338 {strides = array<i32>} : memref<1024xf32, #tpu.memory_space<vmem>>, vector<16xf32>,
      %max3A_341 = arith.maximumf %max3A_327, %add3A_338 : vector<16xf32>
      %get3A_342 = arith.constant 368 : index
      %get3A_343 = tpu.vector_load %arg20[%get3A_342] {strides = array<i32>} : memref<1024xf32, #tpu.memory_space<vmem>>, vector<16xf32>,
      %mul3A_344 = arith.constant 9.990000e-01 : f32
      %mul3A_345 = vector.broadcast %mul3A_344 : f32 to vector<16xf32>
      %mul3A_346 = arith.mulf %get3A_343, %mul3A_345 : vector<16xf32>
      %get3A_347 = arith.constant 368 : index
      %get3A_348 = tpu.vector_load %arg19[%get3A_347] {strides = array<i32>} : memref<1024xf32, #tpu.memory_space<vmem>>, vector<16xf32>,
      %mul3A_349 = arith.constant 6.10351591E-8 : f32
      %mul3A_350 = vector.broadcast %mul3A_349 : f32 to vector<16xf32>
      %mul3A_351 = arith.mulf %get3A_348, %mul3A_350 : vector<16xf32>
      %add3A_352 = arith.addf %mul3A_346, %mul3A_351 : vector<16xf32>
      %swap3A_353 = arith.constant 368 : index
      %swap3A_354 = tpu.vector_load %arg21[%swap3A_353] {strides = array<i32>} : memref<1024xf32, #tpu.memory_space<vmem>>, vector<16xf32>,
      tpu.vector_store %arg21[%swap3A_353], %add3A_352 {strides = array<i32>} : memref<1024xf32, #tpu.memory_space<vmem>>, vector<16xf32>,
      %max3A_355 = arith.maximumf %max3A_341, %add3A_352 : vector<16xf32>
      %get3A_356 = arith.constant 384 : index
      %get3A_357 = tpu.vector_load %arg20[%get3A_356] {strides = array<i32>} : memref<1024xf32, #tpu.memory_space<vmem>>, vector<16xf32>,
      %mul3A_358 = arith.constant 9.990000e-01 : f32
      %mul3A_359 = vector.broadcast %mul3A_358 : f32 to vector<16xf32>
      %mul3A_360 = arith.mulf %get3A_357, %mul3A_359 : vector<16xf32>
      %get3A_361 = arith.constant 384 : index
      %get3A_362 = tpu.vector_load %arg19[%get3A_361] {strides = array<i32>} : memref<1024xf32, #tpu.memory_space<vmem>>, vector<16xf32>,
      %mul3A_363 = arith.constant 6.10351591E-8 : f32
      %mul3A_364 = vector.broadcast %mul3A_363 : f32 to vector<16xf32>
      %mul3A_365 = arith.mulf %get3A_362, %mul3A_364 : vector<16xf32>
      %add3A_366 = arith.addf %mul3A_360, %mul3A_365 : vector<16xf32>
      %swap3A_367 = arith.constant 384 : index
      %swap3A_368 = tpu.vector_load %arg21[%swap3A_367] {strides = array<i32>} : memref<1024xf32, #tpu.memory_space<vmem>>, vector<16xf32>,
      tpu.vector_store %arg21[%swap3A_367], %add3A_366 {strides = array<i32>} : memref<1024xf32, #tpu.memory_space<vmem>>, vector<16xf32>,
      %max3A_369 = arith.maximumf %max3A_355, %add3A_366 : vector<16xf32>
      %get3A_370 = arith.constant 400 : index
      %get3A_371 = tpu.vector_load %arg20[%get3A_370] {strides = array<i32>} : memref<1024xf32, #tpu.memory_space<vmem>>, vector<16xf32>,
      %mul3A_372 = arith.constant 9.990000e-01 : f32
      %mul3A_373 = vector.broadcast %mul3A_372 : f32 to vector<16xf32>
      %mul3A_374 = arith.mulf %get3A_371, %mul3A_373 : vector<16xf32>
      %get3A_375 = arith.constant 400 : index
      %get3A_376 = tpu.vector_load %arg19[%get3A_375] {strides = array<i32>} : memref<1024xf32, #tpu.memory_space<vmem>>, vector<16xf32>,
      %mul3A_377 = arith.constant 6.10351591E-8 : f32
      %mul3A_378 = vector.broadcast %mul3A_377 : f32 to vector<16xf32>
      %mul3A_379 = arith.mulf %get3A_376, %mul3A_378 : vector<16xf32>
      %add3A_380 = arith.addf %mul3A_374, %mul3A_379 : vector<16xf32>
      %swap3A_381 = arith.constant 400 : index
      %swap3A_382 = tpu.vector_load %arg21[%swap3A_381] {strides = array<i32>} : memref<1024xf32, #tpu.memory_space<vmem>>, vector<16xf32>,
      tpu.vector_store %arg21[%swap3A_381], %add3A_380 {strides = array<i32>} : memref<1024xf32, #tpu.memory_space<vmem>>, vector<16xf32>,
      %max3A_383 = arith.maximumf %max3A_369, %add3A_380 : vector<16xf32>
      %get3A_384 = arith.constant 416 : index
      %get3A_385 = tpu.vector_load %arg20[%get3A_384] {strides = array<i32>} : memref<1024xf32, #tpu.memory_space<vmem>>, vector<16xf32>,
      %mul3A_386 = arith.constant 9.990000e-01 : f32
      %mul3A_387 = vector.broadcast %mul3A_386 : f32 to vector<16xf32>
      %mul3A_388 = arith.mulf %get3A_385, %mul3A_387 : vector<16xf32>
      %get3A_389 = arith.constant 416 : index
      %get3A_390 = tpu.vector_load %arg19[%get3A_389] {strides = array<i32>} : memref<1024xf32, #tpu.memory_space<vmem>>, vector<16xf32>,
      %mul3A_391 = arith.constant 6.10351591E-8 : f32
      %mul3A_392 = vector.broadcast %mul3A_391 : f32 to vector<16xf32>
      %mul3A_393 = arith.mulf %get3A_390, %mul3A_392 : vector<16xf32>
      %add3A_394 = arith.addf %mul3A_388, %mul3A_393 : vector<16xf32>
      %swap3A_395 = arith.constant 416 : index
      %swap3A_396 = tpu.vector_load %arg21[%swap3A_395] {strides = array<i32>} : memref<1024xf32, #tpu.memory_space<vmem>>, vector<16xf32>,
      tpu.vector_store %arg21[%swap3A_395], %add3A_394 {strides = array<i32>} : memref<1024xf32, #tpu.memory_space<vmem>>, vector<16xf32>,
      %max3A_397 = arith.maximumf %max3A_383, %add3A_394 : vector<16xf32>
      %get3A_398 = arith.constant 432 : index
      %get3A_399 = tpu.vector_load %arg20[%get3A_398] {strides = array<i32>} : memref<1024xf32, #tpu.memory_space<vmem>>, vector<16xf32>,
      %mul3A_400 = arith.constant 9.990000e-01 : f32
      %mul3A_401 = vector.broadcast %mul3A_400 : f32 to vector<16xf32>
      %mul3A_402 = arith.mulf %get3A_399, %mul3A_401 : vector<16xf32>
      %get3A_403 = arith.constant 432 : index
      %get3A_404 = tpu.vector_load %arg19[%get3A_403] {strides = array<i32>} : memref<1024xf32, #tpu.memory_space<vmem>>, vector<16xf32>,
      %mul3A_405 = arith.constant 6.10351591E-8 : f32
      %mul3A_406 = vector.broadcast %mul3A_405 : f32 to vector<16xf32>
      %mul3A_407 = arith.mulf %get3A_404, %mul3A_406 : vector<16xf32>
      %add3A_408 = arith.addf %mul3A_402, %mul3A_407 : vector<16xf32>
      %swap3A_409 = arith.constant 432 : index
      %swap3A_410 = tpu.vector_load %arg21[%swap3A_409] {strides = array<i32>} : memref<1024xf32, #tpu.memory_space<vmem>>, vector<16xf32>,
      tpu.vector_store %arg21[%swap3A_409], %add3A_408 {strides = array<i32>} : memref<1024xf32, #tpu.memory_space<vmem>>, vector<16xf32>,
      %max3A_411 = arith.maximumf %max3A_397, %add3A_408 : vector<16xf32>
      %get3A_412 = arith.constant 448 : index
      %get3A_413 = tpu.vector_load %arg20[%get3A_412] {strides = array<i32>} : memref<1024xf32, #tpu.memory_space<vmem>>, vector<16xf32>,
      %mul3A_414 = arith.constant 9.990000e-01 : f32
      %mul3A_415 = vector.broadcast %mul3A_414 : f32 to vector<16xf32>
      %mul3A_416 = arith.mulf %get3A_413, %mul3A_415 : vector<16xf32>
      %get3A_417 = arith.constant 448 : index
      %get3A_418 = tpu.vector_load %arg19[%get3A_417] {strides = array<i32>} : memref<1024xf32, #tpu.memory_space<vmem>>, vector<16xf32>,
      %mul3A_419 = arith.constant 6.10351591E-8 : f32
      %mul3A_420 = vector.broadcast %mul3A_419 : f32 to vector<16xf32>
      %mul3A_421 = arith.mulf %get3A_418, %mul3A_420 : vector<16xf32>
      %add3A_422 = arith.addf %mul3A_416, %mul3A_421 : vector<16xf32>
      %swap3A_423 = arith.constant 448 : index
      %swap3A_424 = tpu.vector_load %arg21[%swap3A_423] {strides = array<i32>} : memref<1024xf32, #tpu.memory_space<vmem>>, vector<16xf32>,
      tpu.vector_store %arg21[%swap3A_423], %add3A_422 {strides = array<i32>} : memref<1024xf32, #tpu.memory_space<vmem>>, vector<16xf32>,
      %max3A_425 = arith.maximumf %max3A_411, %add3A_422 : vector<16xf32>
      %get3A_426 = arith.constant 464 : index
      %get3A_427 = tpu.vector_load %arg20[%get3A_426] {strides = array<i32>} : memref<1024xf32, #tpu.memory_space<vmem>>, vector<16xf32>,
      %mul3A_428 = arith.constant 9.990000e-01 : f32
      %mul3A_429 = vector.broadcast %mul3A_428 : f32 to vector<16xf32>
      %mul3A_430 = arith.mulf %get3A_427, %mul3A_429 : vector<16xf32>
      %get3A_431 = arith.constant 464 : index
      %get3A_432 = tpu.vector_load %arg19[%get3A_431] {strides = array<i32>} : memref<1024xf32, #tpu.memory_space<vmem>>, vector<16xf32>,
      %mul3A_433 = arith.constant 6.10351591E-8 : f32
      %mul3A_434 = vector.broadcast %mul3A_433 : f32 to vector<16xf32>
      %mul3A_435 = arith.mulf %get3A_432, %mul3A_434 : vector<16xf32>
      %add3A_436 = arith.addf %mul3A_430, %mul3A_435 : vector<16xf32>
      %swap3A_437 = arith.constant 464 : index
      %swap3A_438 = tpu.vector_load %arg21[%swap3A_437] {strides = array<i32>} : memref<1024xf32, #tpu.memory_space<vmem>>, vector<16xf32>,
      tpu.vector_store %arg21[%swap3A_437], %add3A_436 {strides = array<i32>} : memref<1024xf32, #tpu.memory_space<vmem>>, vector<16xf32>,
      %max3A_439 = arith.maximumf %max3A_425, %add3A_436 : vector<16xf32>
      %get3A_440 = arith.constant 480 : index
      %get3A_441 = tpu.vector_load %arg20[%get3A_440] {strides = array<i32>} : memref<1024xf32, #tpu.memory_space<vmem>>, vector<16xf32>,
      %mul3A_442 = arith.constant 9.990000e-01 : f32
      %mul3A_443 = vector.broadcast %mul3A_442 : f32 to vector<16xf32>
      %mul3A_444 = arith.mulf %get3A_441, %mul3A_443 : vector<16xf32>
      %get3A_445 = arith.constant 480 : index
      %get3A_446 = tpu.vector_load %arg19[%get3A_445] {strides = array<i32>} : memref<1024xf32, #tpu.memory_space<vmem>>, vector<16xf32>,
      %mul3A_447 = arith.constant 6.10351591E-8 : f32
      %mul3A_448 = vector.broadcast %mul3A_447 : f32 to vector<16xf32>
      %mul3A_449 = arith.mulf %get3A_446, %mul3A_448 : vector<16xf32>
      %add3A_450 = arith.addf %mul3A_444, %mul3A_449 : vector<16xf32>
      %swap3A_451 = arith.constant 480 : index
      %swap3A_452 = tpu.vector_load %arg21[%swap3A_451] {strides = array<i32>} : memref<1024xf32, #tpu.memory_space<vmem>>, vector<16xf32>,
      tpu.vector_store %arg21[%swap3A_451], %add3A_450 {strides = array<i32>} : memref<1024xf32, #tpu.memory_space<vmem>>, vector<16xf32>,
      %max3A_453 = arith.maximumf %max3A_439, %add3A_450 : vector<16xf32>
      %get3A_454 = arith.constant 496 : index
      %get3A_455 = tpu.vector_load %arg20[%get3A_454] {strides = array<i32>} : memref<1024xf32, #tpu.memory_space<vmem>>, vector<16xf32>,
      %mul3A_456 = arith.constant 9.990000e-01 : f32
      %mul3A_457 = vector.broadcast %mul3A_456 : f32 to vector<16xf32>
      %mul3A_458 = arith.mulf %get3A_455, %mul3A_457 : vector<16xf32>
      %get3A_459 = arith.constant 496 : index
      %get3A_460 = tpu.vector_load %arg19[%get3A_459] {strides = array<i32>} : memref<1024xf32, #tpu.memory_space<vmem>>, vector<16xf32>,
      %mul3A_461 = arith.constant 6.10351591E-8 : f32
      %mul3A_462 = vector.broadcast %mul3A_461 : f32 to vector<16xf32>
      %mul3A_463 = arith.mulf %get3A_460, %mul3A_462 : vector<16xf32>
      %add3A_464 = arith.addf %mul3A_458, %mul3A_463 : vector<16xf32>
      %swap3A_465 = arith.constant 496 : index
      %swap3A_466 = tpu.vector_load %arg21[%swap3A_465] {strides = array<i32>} : memref<1024xf32, #tpu.memory_space<vmem>>, vector<16xf32>,
      tpu.vector_store %arg21[%swap3A_465], %add3A_464 {strides = array<i32>} : memref<1024xf32, #tpu.memory_space<vmem>>, vector<16xf32>,
      %max3A_467 = arith.maximumf %max3A_453, %add3A_464 : vector<16xf32>
      %get3A_468 = arith.constant 512 : index
      %get3A_469 = tpu.vector_load %arg20[%get3A_468] {strides = array<i32>} : memref<1024xf32, #tpu.memory_space<vmem>>, vector<16xf32>,
      %mul3A_470 = arith.constant 9.990000e-01 : f32
      %mul3A_471 = vector.broadcast %mul3A_470 : f32 to vector<16xf32>
      %mul3A_472 = arith.mulf %get3A_469, %mul3A_471 : vector<16xf32>
      %get3A_473 = arith.constant 512 : index
      %get3A_474 = tpu.vector_load %arg19[%get3A_473] {strides = array<i32>} : memref<1024xf32, #tpu.memory_space<vmem>>, vector<16xf32>,
      %mul3A_475 = arith.constant 6.10351591E-8 : f32
      %mul3A_476 = vector.broadcast %mul3A_475 : f32 to vector<16xf32>
      %mul3A_477 = arith.mulf %get3A_474, %mul3A_476 : vector<16xf32>
      %add3A_478 = arith.addf %mul3A_472, %mul3A_477 : vector<16xf32>
      %swap3A_479 = arith.constant 512 : index
      %swap3A_480 = tpu.vector_load %arg21[%swap3A_479] {strides = array<i32>} : memref<1024xf32, #tpu.memory_space<vmem>>, vector<16xf32>,
      tpu.vector_store %arg21[%swap3A_479], %add3A_478 {strides = array<i32>} : memref<1024xf32, #tpu.memory_space<vmem>>, vector<16xf32>,
      %max3A_481 = arith.maximumf %max3A_467, %add3A_478 : vector<16xf32>
      %get3A_482 = arith.constant 528 : index
      %get3A_483 = tpu.vector_load %arg20[%get3A_482] {strides = array<i32>} : memref<1024xf32, #tpu.memory_space<vmem>>, vector<16xf32>,
      %mul3A_484 = arith.constant 9.990000e-01 : f32
      %mul3A_485 = vector.broadcast %mul3A_484 : f32 to vector<16xf32>
      %mul3A_486 = arith.mulf %get3A_483, %mul3A_485 : vector<16xf32>
      %get3A_487 = arith.constant 528 : index
      %get3A_488 = tpu.vector_load %arg19[%get3A_487] {strides = array<i32>} : memref<1024xf32, #tpu.memory_space<vmem>>, vector<16xf32>,
      %mul3A_489 = arith.constant 6.10351591E-8 : f32
      %mul3A_490 = vector.broadcast %mul3A_489 : f32 to vector<16xf32>
      %mul3A_491 = arith.mulf %get3A_488, %mul3A_490 : vector<16xf32>
      %add3A_492 = arith.addf %mul3A_486, %mul3A_491 : vector<16xf32>
      %swap3A_493 = arith.constant 528 : index
      %swap3A_494 = tpu.vector_load %arg21[%swap3A_493] {strides = array<i32>} : memref<1024xf32, #tpu.memory_space<vmem>>, vector<16xf32>,
      tpu.vector_store %arg21[%swap3A_493], %add3A_492 {strides = array<i32>} : memref<1024xf32, #tpu.memory_space<vmem>>, vector<16xf32>,
      %max3A_495 = arith.maximumf %max3A_481, %add3A_492 : vector<16xf32>
      %get3A_496 = arith.constant 544 : index
      %get3A_497 = tpu.vector_load %arg20[%get3A_496] {strides = array<i32>} : memref<1024xf32, #tpu.memory_space<vmem>>, vector<16xf32>,
      %mul3A_498 = arith.constant 9.990000e-01 : f32
      %mul3A_499 = vector.broadcast %mul3A_498 : f32 to vector<16xf32>
      %mul3A_500 = arith.mulf %get3A_497, %mul3A_499 : vector<16xf32>
      %get3A_501 = arith.constant 544 : index
      %get3A_502 = tpu.vector_load %arg19[%get3A_501] {strides = array<i32>} : memref<1024xf32, #tpu.memory_space<vmem>>, vector<16xf32>,
      %mul3A_503 = arith.constant 6.10351591E-8 : f32
      %mul3A_504 = vector.broadcast %mul3A_503 : f32 to vector<16xf32>
      %mul3A_505 = arith.mulf %get3A_502, %mul3A_504 : vector<16xf32>
      %add3A_506 = arith.addf %mul3A_500, %mul3A_505 : vector<16xf32>
      %swap3A_507 = arith.constant 544 : index
      %swap3A_508 = tpu.vector_load %arg21[%swap3A_507] {strides = array<i32>} : memref<1024xf32, #tpu.memory_space<vmem>>, vector<16xf32>,
      tpu.vector_store %arg21[%swap3A_507], %add3A_506 {strides = array<i32>} : memref<1024xf32, #tpu.memory_space<vmem>>, vector<16xf32>,
      %max3A_509 = arith.maximumf %max3A_495, %add3A_506 : vector<16xf32>
      %get3A_510 = arith.constant 560 : index
      %get3A_511 = tpu.vector_load %arg20[%get3A_510] {strides = array<i32>} : memref<1024xf32, #tpu.memory_space<vmem>>, vector<16xf32>,
      %mul3A_512 = arith.constant 9.990000e-01 : f32
      %mul3A_513 = vector.broadcast %mul3A_512 : f32 to vector<16xf32>
      %mul3A_514 = arith.mulf %get3A_511, %mul3A_513 : vector<16xf32>
      %get3A_515 = arith.constant 560 : index
      %get3A_516 = tpu.vector_load %arg19[%get3A_515] {strides = array<i32>} : memref<1024xf32, #tpu.memory_space<vmem>>, vector<16xf32>,
      %mul3A_517 = arith.constant 6.10351591E-8 : f32
      %mul3A_518 = vector.broadcast %mul3A_517 : f32 to vector<16xf32>
      %mul3A_519 = arith.mulf %get3A_516, %mul3A_518 : vector<16xf32>
      %add3A_520 = arith.addf %mul3A_514, %mul3A_519 : vector<16xf32>
      %swap3A_521 = arith.constant 560 : index
      %swap3A_522 = tpu.vector_load %arg21[%swap3A_521] {strides = array<i32>} : memref<1024xf32, #tpu.memory_space<vmem>>, vector<16xf32>,
      tpu.vector_store %arg21[%swap3A_521], %add3A_520 {strides = array<i32>} : memref<1024xf32, #tpu.memory_space<vmem>>, vector<16xf32>,
      %max3A_523 = arith.maximumf %max3A_509, %add3A_520 : vector<16xf32>
      %get3A_524 = arith.constant 576 : index
      %get3A_525 = tpu.vector_load %arg20[%get3A_524] {strides = array<i32>} : memref<1024xf32, #tpu.memory_space<vmem>>, vector<16xf32>,
      %mul3A_526 = arith.constant 9.990000e-01 : f32
      %mul3A_527 = vector.broadcast %mul3A_526 : f32 to vector<16xf32>
      %mul3A_528 = arith.mulf %get3A_525, %mul3A_527 : vector<16xf32>
      %get3A_529 = arith.constant 576 : index
      %get3A_530 = tpu.vector_load %arg19[%get3A_529] {strides = array<i32>} : memref<1024xf32, #tpu.memory_space<vmem>>, vector<16xf32>,
      %mul3A_531 = arith.constant 6.10351591E-8 : f32
      %mul3A_532 = vector.broadcast %mul3A_531 : f32 to vector<16xf32>
      %mul3A_533 = arith.mulf %get3A_530, %mul3A_532 : vector<16xf32>
      %add3A_534 = arith.addf %mul3A_528, %mul3A_533 : vector<16xf32>
      %swap3A_535 = arith.constant 576 : index
      %swap3A_536 = tpu.vector_load %arg21[%swap3A_535] {strides = array<i32>} : memref<1024xf32, #tpu.memory_space<vmem>>, vector<16xf32>,
      tpu.vector_store %arg21[%swap3A_535], %add3A_534 {strides = array<i32>} : memref<1024xf32, #tpu.memory_space<vmem>>, vector<16xf32>,
      %max3A_537 = arith.maximumf %max3A_523, %add3A_534 : vector<16xf32>
      %get3A_538 = arith.constant 592 : index
      %get3A_539 = tpu.vector_load %arg20[%get3A_538] {strides = array<i32>} : memref<1024xf32, #tpu.memory_space<vmem>>, vector<16xf32>,
      %mul3A_540 = arith.constant 9.990000e-01 : f32
      %mul3A_541 = vector.broadcast %mul3A_540 : f32 to vector<16xf32>
      %mul3A_542 = arith.mulf %get3A_539, %mul3A_541 : vector<16xf32>
      %get3A_543 = arith.constant 592 : index
      %get3A_544 = tpu.vector_load %arg19[%get3A_543] {strides = array<i32>} : memref<1024xf32, #tpu.memory_space<vmem>>, vector<16xf32>,
      %mul3A_545 = arith.constant 6.10351591E-8 : f32
      %mul3A_546 = vector.broadcast %mul3A_545 : f32 to vector<16xf32>
      %mul3A_547 = arith.mulf %get3A_544, %mul3A_546 : vector<16xf32>
      %add3A_548 = arith.addf %mul3A_542, %mul3A_547 : vector<16xf32>
      %swap3A_549 = arith.constant 592 : index
      %swap3A_550 = tpu.vector_load %arg21[%swap3A_549] {strides = array<i32>} : memref<1024xf32, #tpu.memory_space<vmem>>, vector<16xf32>,
      tpu.vector_store %arg21[%swap3A_549], %add3A_548 {strides = array<i32>} : memref<1024xf32, #tpu.memory_space<vmem>>, vector<16xf32>,
      %max3A_551 = arith.maximumf %max3A_537, %add3A_548 : vector<16xf32>
      %get3A_552 = arith.constant 608 : index
      %get3A_553 = tpu.vector_load %arg20[%get3A_552] {strides = array<i32>} : memref<1024xf32, #tpu.memory_space<vmem>>, vector<16xf32>,
      %mul3A_554 = arith.constant 9.990000e-01 : f32
      %mul3A_555 = vector.broadcast %mul3A_554 : f32 to vector<16xf32>
      %mul3A_556 = arith.mulf %get3A_553, %mul3A_555 : vector<16xf32>
      %get3A_557 = arith.constant 608 : index
      %get3A_558 = tpu.vector_load %arg19[%get3A_557] {strides = array<i32>} : memref<1024xf32, #tpu.memory_space<vmem>>, vector<16xf32>,
      %mul3A_559 = arith.constant 6.10351591E-8 : f32
      %mul3A_560 = vector.broadcast %mul3A_559 : f32 to vector<16xf32>
      %mul3A_561 = arith.mulf %get3A_558, %mul3A_560 : vector<16xf32>
      %add3A_562 = arith.addf %mul3A_556, %mul3A_561 : vector<16xf32>
      %swap3A_563 = arith.constant 608 : index
      %swap3A_564 = tpu.vector_load %arg21[%swap3A_563] {strides = array<i32>} : memref<1024xf32, #tpu.memory_space<vmem>>, vector<16xf32>,
      tpu.vector_store %arg21[%swap3A_563], %add3A_562 {strides = array<i32>} : memref<1024xf32, #tpu.memory_space<vmem>>, vector<16xf32>,
      %max3A_565 = arith.maximumf %max3A_551, %add3A_562 : vector<16xf32>
      %get3A_566 = arith.constant 624 : index
      %get3A_567 = tpu.vector_load %arg20[%get3A_566] {strides = array<i32>} : memref<1024xf32, #tpu.memory_space<vmem>>, vector<16xf32>,
      %mul3A_568 = arith.constant 9.990000e-01 : f32
      %mul3A_569 = vector.broadcast %mul3A_568 : f32 to vector<16xf32>
      %mul3A_570 = arith.mulf %get3A_567, %mul3A_569 : vector<16xf32>
      %get3A_571 = arith.constant 624 : index
      %get3A_572 = tpu.vector_load %arg19[%get3A_571] {strides = array<i32>} : memref<1024xf32, #tpu.memory_space<vmem>>, vector<16xf32>,
      %mul3A_573 = arith.constant 6.10351591E-8 : f32
      %mul3A_574 = vector.broadcast %mul3A_573 : f32 to vector<16xf32>
      %mul3A_575 = arith.mulf %get3A_572, %mul3A_574 : vector<16xf32>
      %add3A_576 = arith.addf %mul3A_570, %mul3A_575 : vector<16xf32>
      %swap3A_577 = arith.constant 624 : index
      %swap3A_578 = tpu.vector_load %arg21[%swap3A_577] {strides = array<i32>} : memref<1024xf32, #tpu.memory_space<vmem>>, vector<16xf32>,
      tpu.vector_store %arg21[%swap3A_577], %add3A_576 {strides = array<i32>} : memref<1024xf32, #tpu.memory_space<vmem>>, vector<16xf32>,
      %max3A_579 = arith.maximumf %max3A_565, %add3A_576 : vector<16xf32>
      %get3A_580 = arith.constant 640 : index
      %get3A_581 = tpu.vector_load %arg20[%get3A_580] {strides = array<i32>} : memref<1024xf32, #tpu.memory_space<vmem>>, vector<16xf32>,
      %mul3A_582 = arith.constant 9.990000e-01 : f32
      %mul3A_583 = vector.broadcast %mul3A_582 : f32 to vector<16xf32>
      %mul3A_584 = arith.mulf %get3A_581, %mul3A_583 : vector<16xf32>
      %get3A_585 = arith.constant 640 : index
      %get3A_586 = tpu.vector_load %arg19[%get3A_585] {strides = array<i32>} : memref<1024xf32, #tpu.memory_space<vmem>>, vector<16xf32>,
      %mul3A_587 = arith.constant 6.10351591E-8 : f32
      %mul3A_588 = vector.broadcast %mul3A_587 : f32 to vector<16xf32>
      %mul3A_589 = arith.mulf %get3A_586, %mul3A_588 : vector<16xf32>
      %add3A_590 = arith.addf %mul3A_584, %mul3A_589 : vector<16xf32>
      %swap3A_591 = arith.constant 640 : index
      %swap3A_592 = tpu.vector_load %arg21[%swap3A_591] {strides = array<i32>} : memref<1024xf32, #tpu.memory_space<vmem>>, vector<16xf32>,
      tpu.vector_store %arg21[%swap3A_591], %add3A_590 {strides = array<i32>} : memref<1024xf32, #tpu.memory_space<vmem>>, vector<16xf32>,
      %max3A_593 = arith.maximumf %max3A_579, %add3A_590 : vector<16xf32>
      %get3A_594 = arith.constant 656 : index
      %get3A_595 = tpu.vector_load %arg20[%get3A_594] {strides = array<i32>} : memref<1024xf32, #tpu.memory_space<vmem>>, vector<16xf32>,
      %mul3A_596 = arith.constant 9.990000e-01 : f32
      %mul3A_597 = vector.broadcast %mul3A_596 : f32 to vector<16xf32>
      %mul3A_598 = arith.mulf %get3A_595, %mul3A_597 : vector<16xf32>
      %get3A_599 = arith.constant 656 : index
      %get3A_600 = tpu.vector_load %arg19[%get3A_599] {strides = array<i32>} : memref<1024xf32, #tpu.memory_space<vmem>>, vector<16xf32>,
      %mul3A_601 = arith.constant 6.10351591E-8 : f32
      %mul3A_602 = vector.broadcast %mul3A_601 : f32 to vector<16xf32>
      %mul3A_603 = arith.mulf %get3A_600, %mul3A_602 : vector<16xf32>
      %add3A_604 = arith.addf %mul3A_598, %mul3A_603 : vector<16xf32>
      %swap3A_605 = arith.constant 656 : index
      %swap3A_606 = tpu.vector_load %arg21[%swap3A_605] {strides = array<i32>} : memref<1024xf32, #tpu.memory_space<vmem>>, vector<16xf32>,
      tpu.vector_store %arg21[%swap3A_605], %add3A_604 {strides = array<i32>} : memref<1024xf32, #tpu.memory_space<vmem>>, vector<16xf32>,
      %max3A_607 = arith.maximumf %max3A_593, %add3A_604 : vector<16xf32>
      %get3A_608 = arith.constant 672 : index
      %get3A_609 = tpu.vector_load %arg20[%get3A_608] {strides = array<i32>} : memref<1024xf32, #tpu.memory_space<vmem>>, vector<16xf32>,
      %mul3A_610 = arith.constant 9.990000e-01 : f32
      %mul3A_611 = vector.broadcast %mul3A_610 : f32 to vector<16xf32>
      %mul3A_612 = arith.mulf %get3A_609, %mul3A_611 : vector<16xf32>
      %get3A_613 = arith.constant 672 : index
      %get3A_614 = tpu.vector_load %arg19[%get3A_613] {strides = array<i32>} : memref<1024xf32, #tpu.memory_space<vmem>>, vector<16xf32>,
      %mul3A_615 = arith.constant 6.10351591E-8 : f32
      %mul3A_616 = vector.broadcast %mul3A_615 : f32 to vector<16xf32>
      %mul3A_617 = arith.mulf %get3A_614, %mul3A_616 : vector<16xf32>
      %add3A_618 = arith.addf %mul3A_612, %mul3A_617 : vector<16xf32>
      %swap3A_619 = arith.constant 672 : index
      %swap3A_620 = tpu.vector_load %arg21[%swap3A_619] {strides = array<i32>} : memref<1024xf32, #tpu.memory_space<vmem>>, vector<16xf32>,
      tpu.vector_store %arg21[%swap3A_619], %add3A_618 {strides = array<i32>} : memref<1024xf32, #tpu.memory_space<vmem>>, vector<16xf32>,
      %max3A_621 = arith.maximumf %max3A_607, %add3A_618 : vector<16xf32>
      %get3A_622 = arith.constant 688 : index
      %get3A_623 = tpu.vector_load %arg20[%get3A_622] {strides = array<i32>} : memref<1024xf32, #tpu.memory_space<vmem>>, vector<16xf32>,
      %mul3A_624 = arith.constant 9.990000e-01 : f32
      %mul3A_625 = vector.broadcast %mul3A_624 : f32 to vector<16xf32>
      %mul3A_626 = arith.mulf %get3A_623, %mul3A_625 : vector<16xf32>
      %get3A_627 = arith.constant 688 : index
      %get3A_628 = tpu.vector_load %arg19[%get3A_627] {strides = array<i32>} : memref<1024xf32, #tpu.memory_space<vmem>>, vector<16xf32>,
      %mul3A_629 = arith.constant 6.10351591E-8 : f32
      %mul3A_630 = vector.broadcast %mul3A_629 : f32 to vector<16xf32>
      %mul3A_631 = arith.mulf %get3A_628, %mul3A_630 : vector<16xf32>
      %add3A_632 = arith.addf %mul3A_626, %mul3A_631 : vector<16xf32>
      %swap3A_633 = arith.constant 688 : index
      %swap3A_634 = tpu.vector_load %arg21[%swap3A_633] {strides = array<i32>} : memref<1024xf32, #tpu.memory_space<vmem>>, vector<16xf32>,
      tpu.vector_store %arg21[%swap3A_633], %add3A_632 {strides = array<i32>} : memref<1024xf32, #tpu.memory_space<vmem>>, vector<16xf32>,
      %max3A_635 = arith.maximumf %max3A_621, %add3A_632 : vector<16xf32>
      %get3A_636 = arith.constant 704 : index
      %get3A_637 = tpu.vector_load %arg20[%get3A_636] {strides = array<i32>} : memref<1024xf32, #tpu.memory_space<vmem>>, vector<16xf32>,
      %mul3A_638 = arith.constant 9.990000e-01 : f32
      %mul3A_639 = vector.broadcast %mul3A_638 : f32 to vector<16xf32>
      %mul3A_640 = arith.mulf %get3A_637, %mul3A_639 : vector<16xf32>
      %get3A_641 = arith.constant 704 : index
      %get3A_642 = tpu.vector_load %arg19[%get3A_641] {strides = array<i32>} : memref<1024xf32, #tpu.memory_space<vmem>>, vector<16xf32>,
      %mul3A_643 = arith.constant 6.10351591E-8 : f32
      %mul3A_644 = vector.broadcast %mul3A_643 : f32 to vector<16xf32>
      %mul3A_645 = arith.mulf %get3A_642, %mul3A_644 : vector<16xf32>
      %add3A_646 = arith.addf %mul3A_640, %mul3A_645 : vector<16xf32>
      %swap3A_647 = arith.constant 704 : index
      %swap3A_648 = tpu.vector_load %arg21[%swap3A_647] {strides = array<i32>} : memref<1024xf32, #tpu.memory_space<vmem>>, vector<16xf32>,
      tpu.vector_store %arg21[%swap3A_647], %add3A_646 {strides = array<i32>} : memref<1024xf32, #tpu.memory_space<vmem>>, vector<16xf32>,
      %max3A_649 = arith.maximumf %max3A_635, %add3A_646 : vector<16xf32>
      %get3A_650 = arith.constant 720 : index
      %get3A_651 = tpu.vector_load %arg20[%get3A_650] {strides = array<i32>} : memref<1024xf32, #tpu.memory_space<vmem>>, vector<16xf32>,
      %mul3A_652 = arith.constant 9.990000e-01 : f32
      %mul3A_653 = vector.broadcast %mul3A_652 : f32 to vector<16xf32>
      %mul3A_654 = arith.mulf %get3A_651, %mul3A_653 : vector<16xf32>
      %get3A_655 = arith.constant 720 : index
      %get3A_656 = tpu.vector_load %arg19[%get3A_655] {strides = array<i32>} : memref<1024xf32, #tpu.memory_space<vmem>>, vector<16xf32>,
      %mul3A_657 = arith.constant 6.10351591E-8 : f32
      %mul3A_658 = vector.broadcast %mul3A_657 : f32 to vector<16xf32>
      %mul3A_659 = arith.mulf %get3A_656, %mul3A_658 : vector<16xf32>
      %add3A_660 = arith.addf %mul3A_654, %mul3A_659 : vector<16xf32>
      %swap3A_661 = arith.constant 720 : index
      %swap3A_662 = tpu.vector_load %arg21[%swap3A_661] {strides = array<i32>} : memref<1024xf32, #tpu.memory_space<vmem>>, vector<16xf32>,
      tpu.vector_store %arg21[%swap3A_661], %add3A_660 {strides = array<i32>} : memref<1024xf32, #tpu.memory_space<vmem>>, vector<16xf32>,
      %max3A_663 = arith.maximumf %max3A_649, %add3A_660 : vector<16xf32>
      %get3A_664 = arith.constant 736 : index
      %get3A_665 = tpu.vector_load %arg20[%get3A_664] {strides = array<i32>} : memref<1024xf32, #tpu.memory_space<vmem>>, vector<16xf32>,
      %mul3A_666 = arith.constant 9.990000e-01 : f32
      %mul3A_667 = vector.broadcast %mul3A_666 : f32 to vector<16xf32>
      %mul3A_668 = arith.mulf %get3A_665, %mul3A_667 : vector<16xf32>
      %get3A_669 = arith.constant 736 : index
      %get3A_670 = tpu.vector_load %arg19[%get3A_669] {strides = array<i32>} : memref<1024xf32, #tpu.memory_space<vmem>>, vector<16xf32>,
      %mul3A_671 = arith.constant 6.10351591E-8 : f32
      %mul3A_672 = vector.broadcast %mul3A_671 : f32 to vector<16xf32>
      %mul3A_673 = arith.mulf %get3A_670, %mul3A_672 : vector<16xf32>
      %add3A_674 = arith.addf %mul3A_668, %mul3A_673 : vector<16xf32>
      %swap3A_675 = arith.constant 736 : index
      %swap3A_676 = tpu.vector_load %arg21[%swap3A_675] {strides = array<i32>} : memref<1024xf32, #tpu.memory_space<vmem>>, vector<16xf32>,
      tpu.vector_store %arg21[%swap3A_675], %add3A_674 {strides = array<i32>} : memref<1024xf32, #tpu.memory_space<vmem>>, vector<16xf32>,
      %max3A_677 = arith.maximumf %max3A_663, %add3A_674 : vector<16xf32>
      %get3A_678 = arith.constant 752 : index
      %get3A_679 = tpu.vector_load %arg20[%get3A_678] {strides = array<i32>} : memref<1024xf32, #tpu.memory_space<vmem>>, vector<16xf32>,
      %mul3A_680 = arith.constant 9.990000e-01 : f32
      %mul3A_681 = vector.broadcast %mul3A_680 : f32 to vector<16xf32>
      %mul3A_682 = arith.mulf %get3A_679, %mul3A_681 : vector<16xf32>
      %get3A_683 = arith.constant 752 : index
      %get3A_684 = tpu.vector_load %arg19[%get3A_683] {strides = array<i32>} : memref<1024xf32, #tpu.memory_space<vmem>>, vector<16xf32>,
      %mul3A_685 = arith.constant 6.10351591E-8 : f32
      %mul3A_686 = vector.broadcast %mul3A_685 : f32 to vector<16xf32>
      %mul3A_687 = arith.mulf %get3A_684, %mul3A_686 : vector<16xf32>
      %add3A_688 = arith.addf %mul3A_682, %mul3A_687 : vector<16xf32>
      %swap3A_689 = arith.constant 752 : index
      %swap3A_690 = tpu.vector_load %arg21[%swap3A_689] {strides = array<i32>} : memref<1024xf32, #tpu.memory_space<vmem>>, vector<16xf32>,
      tpu.vector_store %arg21[%swap3A_689], %add3A_688 {strides = array<i32>} : memref<1024xf32, #tpu.memory_space<vmem>>, vector<16xf32>,
      %max3A_691 = arith.maximumf %max3A_677, %add3A_688 : vector<16xf32>
      %get3A_692 = arith.constant 768 : index
      %get3A_693 = tpu.vector_load %arg20[%get3A_692] {strides = array<i32>} : memref<1024xf32, #tpu.memory_space<vmem>>, vector<16xf32>,
      %mul3A_694 = arith.constant 9.990000e-01 : f32
      %mul3A_695 = vector.broadcast %mul3A_694 : f32 to vector<16xf32>
      %mul3A_696 = arith.mulf %get3A_693, %mul3A_695 : vector<16xf32>
      %get3A_697 = arith.constant 768 : index
      %get3A_698 = tpu.vector_load %arg19[%get3A_697] {strides = array<i32>} : memref<1024xf32, #tpu.memory_space<vmem>>, vector<16xf32>,
      %mul3A_699 = arith.constant 6.10351591E-8 : f32
      %mul3A_700 = vector.broadcast %mul3A_699 : f32 to vector<16xf32>
      %mul3A_701 = arith.mulf %get3A_698, %mul3A_700 : vector<16xf32>
      %add3A_702 = arith.addf %mul3A_696, %mul3A_701 : vector<16xf32>
      %swap3A_703 = arith.constant 768 : index
      %swap3A_704 = tpu.vector_load %arg21[%swap3A_703] {strides = array<i32>} : memref<1024xf32, #tpu.memory_space<vmem>>, vector<16xf32>,
      tpu.vector_store %arg21[%swap3A_703], %add3A_702 {strides = array<i32>} : memref<1024xf32, #tpu.memory_space<vmem>>, vector<16xf32>,
      %max3A_705 = arith.maximumf %max3A_691, %add3A_702 : vector<16xf32>
      %get3A_706 = arith.constant 784 : index
      %get3A_707 = tpu.vector_load %arg20[%get3A_706] {strides = array<i32>} : memref<1024xf32, #tpu.memory_space<vmem>>, vector<16xf32>,
      %mul3A_708 = arith.constant 9.990000e-01 : f32
      %mul3A_709 = vector.broadcast %mul3A_708 : f32 to vector<16xf32>
      %mul3A_710 = arith.mulf %get3A_707, %mul3A_709 : vector<16xf32>
      %get3A_711 = arith.constant 784 : index
      %get3A_712 = tpu.vector_load %arg19[%get3A_711] {strides = array<i32>} : memref<1024xf32, #tpu.memory_space<vmem>>, vector<16xf32>,
      %mul3A_713 = arith.constant 6.10351591E-8 : f32
      %mul3A_714 = vector.broadcast %mul3A_713 : f32 to vector<16xf32>
      %mul3A_715 = arith.mulf %get3A_712, %mul3A_714 : vector<16xf32>
      %add3A_716 = arith.addf %mul3A_710, %mul3A_715 : vector<16xf32>
      %swap3A_717 = arith.constant 784 : index
      %swap3A_718 = tpu.vector_load %arg21[%swap3A_717] {strides = array<i32>} : memref<1024xf32, #tpu.memory_space<vmem>>, vector<16xf32>,
      tpu.vector_store %arg21[%swap3A_717], %add3A_716 {strides = array<i32>} : memref<1024xf32, #tpu.memory_space<vmem>>, vector<16xf32>,
      %max3A_719 = arith.maximumf %max3A_705, %add3A_716 : vector<16xf32>
      %get3A_720 = arith.constant 800 : index
      %get3A_721 = tpu.vector_load %arg20[%get3A_720] {strides = array<i32>} : memref<1024xf32, #tpu.memory_space<vmem>>, vector<16xf32>,
      %mul3A_722 = arith.constant 9.990000e-01 : f32
      %mul3A_723 = vector.broadcast %mul3A_722 : f32 to vector<16xf32>
      %mul3A_724 = arith.mulf %get3A_721, %mul3A_723 : vector<16xf32>
      %get3A_725 = arith.constant 800 : index
      %get3A_726 = tpu.vector_load %arg19[%get3A_725] {strides = array<i32>} : memref<1024xf32, #tpu.memory_space<vmem>>, vector<16xf32>,
      %mul3A_727 = arith.constant 6.10351591E-8 : f32
      %mul3A_728 = vector.broadcast %mul3A_727 : f32 to vector<16xf32>
      %mul3A_729 = arith.mulf %get3A_726, %mul3A_728 : vector<16xf32>
      %add3A_730 = arith.addf %mul3A_724, %mul3A_729 : vector<16xf32>
      %swap3A_731 = arith.constant 800 : index
      %swap3A_732 = tpu.vector_load %arg21[%swap3A_731] {strides = array<i32>} : memref<1024xf32, #tpu.memory_space<vmem>>, vector<16xf32>,
      tpu.vector_store %arg21[%swap3A_731], %add3A_730 {strides = array<i32>} : memref<1024xf32, #tpu.memory_space<vmem>>, vector<16xf32>,
      %max3A_733 = arith.maximumf %max3A_719, %add3A_730 : vector<16xf32>
      %get3A_734 = arith.constant 816 : index
      %get3A_735 = tpu.vector_load %arg20[%get3A_734] {strides = array<i32>} : memref<1024xf32, #tpu.memory_space<vmem>>, vector<16xf32>,
      %mul3A_736 = arith.constant 9.990000e-01 : f32
      %mul3A_737 = vector.broadcast %mul3A_736 : f32 to vector<16xf32>
      %mul3A_738 = arith.mulf %get3A_735, %mul3A_737 : vector<16xf32>
      %get3A_739 = arith.constant 816 : index
      %get3A_740 = tpu.vector_load %arg19[%get3A_739] {strides = array<i32>} : memref<1024xf32, #tpu.memory_space<vmem>>, vector<16xf32>,
      %mul3A_741 = arith.constant 6.10351591E-8 : f32
      %mul3A_742 = vector.broadcast %mul3A_741 : f32 to vector<16xf32>
      %mul3A_743 = arith.mulf %get3A_740, %mul3A_742 : vector<16xf32>
      %add3A_744 = arith.addf %mul3A_738, %mul3A_743 : vector<16xf32>
      %swap3A_745 = arith.constant 816 : index
      %swap3A_746 = tpu.vector_load %arg21[%swap3A_745] {strides = array<i32>} : memref<1024xf32, #tpu.memory_space<vmem>>, vector<16xf32>,
      tpu.vector_store %arg21[%swap3A_745], %add3A_744 {strides = array<i32>} : memref<1024xf32, #tpu.memory_space<vmem>>, vector<16xf32>,
      %max3A_747 = arith.maximumf %max3A_733, %add3A_744 : vector<16xf32>
      %get3A_748 = arith.constant 832 : index
      %get3A_749 = tpu.vector_load %arg20[%get3A_748] {strides = array<i32>} : memref<1024xf32, #tpu.memory_space<vmem>>, vector<16xf32>,
      %mul3A_750 = arith.constant 9.990000e-01 : f32
      %mul3A_751 = vector.broadcast %mul3A_750 : f32 to vector<16xf32>
      %mul3A_752 = arith.mulf %get3A_749, %mul3A_751 : vector<16xf32>
      %get3A_753 = arith.constant 832 : index
      %get3A_754 = tpu.vector_load %arg19[%get3A_753] {strides = array<i32>} : memref<1024xf32, #tpu.memory_space<vmem>>, vector<16xf32>,
      %mul3A_755 = arith.constant 6.10351591E-8 : f32
      %mul3A_756 = vector.broadcast %mul3A_755 : f32 to vector<16xf32>
      %mul3A_757 = arith.mulf %get3A_754, %mul3A_756 : vector<16xf32>
      %add3A_758 = arith.addf %mul3A_752, %mul3A_757 : vector<16xf32>
      %swap3A_759 = arith.constant 832 : index
      %swap3A_760 = tpu.vector_load %arg21[%swap3A_759] {strides = array<i32>} : memref<1024xf32, #tpu.memory_space<vmem>>, vector<16xf32>,
      tpu.vector_store %arg21[%swap3A_759], %add3A_758 {strides = array<i32>} : memref<1024xf32, #tpu.memory_space<vmem>>, vector<16xf32>,
      %max3A_761 = arith.maximumf %max3A_747, %add3A_758 : vector<16xf32>
      %get3A_762 = arith.constant 848 : index
      %get3A_763 = tpu.vector_load %arg20[%get3A_762] {strides = array<i32>} : memref<1024xf32, #tpu.memory_space<vmem>>, vector<16xf32>,
      %mul3A_764 = arith.constant 9.990000e-01 : f32
      %mul3A_765 = vector.broadcast %mul3A_764 : f32 to vector<16xf32>
      %mul3A_766 = arith.mulf %get3A_763, %mul3A_765 : vector<16xf32>
      %get3A_767 = arith.constant 848 : index
      %get3A_768 = tpu.vector_load %arg19[%get3A_767] {strides = array<i32>} : memref<1024xf32, #tpu.memory_space<vmem>>, vector<16xf32>,
      %mul3A_769 = arith.constant 6.10351591E-8 : f32
      %mul3A_770 = vector.broadcast %mul3A_769 : f32 to vector<16xf32>
      %mul3A_771 = arith.mulf %get3A_768, %mul3A_770 : vector<16xf32>
      %add3A_772 = arith.addf %mul3A_766, %mul3A_771 : vector<16xf32>
      %swap3A_773 = arith.constant 848 : index
      %swap3A_774 = tpu.vector_load %arg21[%swap3A_773] {strides = array<i32>} : memref<1024xf32, #tpu.memory_space<vmem>>, vector<16xf32>,
      tpu.vector_store %arg21[%swap3A_773], %add3A_772 {strides = array<i32>} : memref<1024xf32, #tpu.memory_space<vmem>>, vector<16xf32>,
      %max3A_775 = arith.maximumf %max3A_761, %add3A_772 : vector<16xf32>
      %get3A_776 = arith.constant 864 : index
      %get3A_777 = tpu.vector_load %arg20[%get3A_776] {strides = array<i32>} : memref<1024xf32, #tpu.memory_space<vmem>>, vector<16xf32>,
      %mul3A_778 = arith.constant 9.990000e-01 : f32
      %mul3A_779 = vector.broadcast %mul3A_778 : f32 to vector<16xf32>
      %mul3A_780 = arith.mulf %get3A_777, %mul3A_779 : vector<16xf32>
      %get3A_781 = arith.constant 864 : index
      %get3A_782 = tpu.vector_load %arg19[%get3A_781] {strides = array<i32>} : memref<1024xf32, #tpu.memory_space<vmem>>, vector<16xf32>,
      %mul3A_783 = arith.constant 6.10351591E-8 : f32
      %mul3A_784 = vector.broadcast %mul3A_783 : f32 to vector<16xf32>
      %mul3A_785 = arith.mulf %get3A_782, %mul3A_784 : vector<16xf32>
      %add3A_786 = arith.addf %mul3A_780, %mul3A_785 : vector<16xf32>
      %swap3A_787 = arith.constant 864 : index
      %swap3A_788 = tpu.vector_load %arg21[%swap3A_787] {strides = array<i32>} : memref<1024xf32, #tpu.memory_space<vmem>>, vector<16xf32>,
      tpu.vector_store %arg21[%swap3A_787], %add3A_786 {strides = array<i32>} : memref<1024xf32, #tpu.memory_space<vmem>>, vector<16xf32>,
      %max3A_789 = arith.maximumf %max3A_775, %add3A_786 : vector<16xf32>
      %get3A_790 = arith.constant 880 : index
      %get3A_791 = tpu.vector_load %arg20[%get3A_790] {strides = array<i32>} : memref<1024xf32, #tpu.memory_space<vmem>>, vector<16xf32>,
      %mul3A_792 = arith.constant 9.990000e-01 : f32
      %mul3A_793 = vector.broadcast %mul3A_792 : f32 to vector<16xf32>
      %mul3A_794 = arith.mulf %get3A_791, %mul3A_793 : vector<16xf32>
      %get3A_795 = arith.constant 880 : index
      %get3A_796 = tpu.vector_load %arg19[%get3A_795] {strides = array<i32>} : memref<1024xf32, #tpu.memory_space<vmem>>, vector<16xf32>,
      %mul3A_797 = arith.constant 6.10351591E-8 : f32
      %mul3A_798 = vector.broadcast %mul3A_797 : f32 to vector<16xf32>
      %mul3A_799 = arith.mulf %get3A_796, %mul3A_798 : vector<16xf32>
      %add3A_800 = arith.addf %mul3A_794, %mul3A_799 : vector<16xf32>
      %swap3A_801 = arith.constant 880 : index
      %swap3A_802 = tpu.vector_load %arg21[%swap3A_801] {strides = array<i32>} : memref<1024xf32, #tpu.memory_space<vmem>>, vector<16xf32>,
      tpu.vector_store %arg21[%swap3A_801], %add3A_800 {strides = array<i32>} : memref<1024xf32, #tpu.memory_space<vmem>>, vector<16xf32>,
      %max3A_803 = arith.maximumf %max3A_789, %add3A_800 : vector<16xf32>
      %get3A_804 = arith.constant 896 : index
      %get3A_805 = tpu.vector_load %arg20[%get3A_804] {strides = array<i32>} : memref<1024xf32, #tpu.memory_space<vmem>>, vector<16xf32>,
      %mul3A_806 = arith.constant 9.990000e-01 : f32
      %mul3A_807 = vector.broadcast %mul3A_806 : f32 to vector<16xf32>
      %mul3A_808 = arith.mulf %get3A_805, %mul3A_807 : vector<16xf32>
      %get3A_809 = arith.constant 896 : index
      %get3A_810 = tpu.vector_load %arg19[%get3A_809] {strides = array<i32>} : memref<1024xf32, #tpu.memory_space<vmem>>, vector<16xf32>,
      %mul3A_811 = arith.constant 6.10351591E-8 : f32
      %mul3A_812 = vector.broadcast %mul3A_811 : f32 to vector<16xf32>
      %mul3A_813 = arith.mulf %get3A_810, %mul3A_812 : vector<16xf32>
      %add3A_814 = arith.addf %mul3A_808, %mul3A_813 : vector<16xf32>
      %swap3A_815 = arith.constant 896 : index
      %swap3A_816 = tpu.vector_load %arg21[%swap3A_815] {strides = array<i32>} : memref<1024xf32, #tpu.memory_space<vmem>>, vector<16xf32>,
      tpu.vector_store %arg21[%swap3A_815], %add3A_814 {strides = array<i32>} : memref<1024xf32, #tpu.memory_space<vmem>>, vector<16xf32>,
      %max3A_817 = arith.maximumf %max3A_803, %add3A_814 : vector<16xf32>
      %get3A_818 = arith.constant 912 : index
      %get3A_819 = tpu.vector_load %arg20[%get3A_818] {strides = array<i32>} : memref<1024xf32, #tpu.memory_space<vmem>>, vector<16xf32>,
      %mul3A_820 = arith.constant 9.990000e-01 : f32
      %mul3A_821 = vector.broadcast %mul3A_820 : f32 to vector<16xf32>
      %mul3A_822 = arith.mulf %get3A_819, %mul3A_821 : vector<16xf32>
      %get3A_823 = arith.constant 912 : index
      %get3A_824 = tpu.vector_load %arg19[%get3A_823] {strides = array<i32>} : memref<1024xf32, #tpu.memory_space<vmem>>, vector<16xf32>,
      %mul3A_825 = arith.constant 6.10351591E-8 : f32
      %mul3A_826 = vector.broadcast %mul3A_825 : f32 to vector<16xf32>
      %mul3A_827 = arith.mulf %get3A_824, %mul3A_826 : vector<16xf32>
      %add3A_828 = arith.addf %mul3A_822, %mul3A_827 : vector<16xf32>
      %swap3A_829 = arith.constant 912 : index
      %swap3A_830 = tpu.vector_load %arg21[%swap3A_829] {strides = array<i32>} : memref<1024xf32, #tpu.memory_space<vmem>>, vector<16xf32>,
      tpu.vector_store %arg21[%swap3A_829], %add3A_828 {strides = array<i32>} : memref<1024xf32, #tpu.memory_space<vmem>>, vector<16xf32>,
      %max3A_831 = arith.maximumf %max3A_817, %add3A_828 : vector<16xf32>
      %get3A_832 = arith.constant 928 : index
      %get3A_833 = tpu.vector_load %arg20[%get3A_832] {strides = array<i32>} : memref<1024xf32, #tpu.memory_space<vmem>>, vector<16xf32>,
      %mul3A_834 = arith.constant 9.990000e-01 : f32
      %mul3A_835 = vector.broadcast %mul3A_834 : f32 to vector<16xf32>
      %mul3A_836 = arith.mulf %get3A_833, %mul3A_835 : vector<16xf32>
      %get3A_837 = arith.constant 928 : index
      %get3A_838 = tpu.vector_load %arg19[%get3A_837] {strides = array<i32>} : memref<1024xf32, #tpu.memory_space<vmem>>, vector<16xf32>,
      %mul3A_839 = arith.constant 6.10351591E-8 : f32
      %mul3A_840 = vector.broadcast %mul3A_839 : f32 to vector<16xf32>
      %mul3A_841 = arith.mulf %get3A_838, %mul3A_840 : vector<16xf32>
      %add3A_842 = arith.addf %mul3A_836, %mul3A_841 : vector<16xf32>
      %swap3A_843 = arith.constant 928 : index
      %swap3A_844 = tpu.vector_load %arg21[%swap3A_843] {strides = array<i32>} : memref<1024xf32, #tpu.memory_space<vmem>>, vector<16xf32>,
      tpu.vector_store %arg21[%swap3A_843], %add3A_842 {strides = array<i32>} : memref<1024xf32, #tpu.memory_space<vmem>>, vector<16xf32>,
      %max3A_845 = arith.maximumf %max3A_831, %add3A_842 : vector<16xf32>
      %get3A_846 = arith.constant 944 : index
      %get3A_847 = tpu.vector_load %arg20[%get3A_846] {strides = array<i32>} : memref<1024xf32, #tpu.memory_space<vmem>>, vector<16xf32>,
      %mul3A_848 = arith.constant 9.990000e-01 : f32
      %mul3A_849 = vector.broadcast %mul3A_848 : f32 to vector<16xf32>
      %mul3A_850 = arith.mulf %get3A_847, %mul3A_849 : vector<16xf32>
      %get3A_851 = arith.constant 944 : index
      %get3A_852 = tpu.vector_load %arg19[%get3A_851] {strides = array<i32>} : memref<1024xf32, #tpu.memory_space<vmem>>, vector<16xf32>,
      %mul3A_853 = arith.constant 6.10351591E-8 : f32
      %mul3A_854 = vector.broadcast %mul3A_853 : f32 to vector<16xf32>
      %mul3A_855 = arith.mulf %get3A_852, %mul3A_854 : vector<16xf32>
      %add3A_856 = arith.addf %mul3A_850, %mul3A_855 : vector<16xf32>
      %swap3A_857 = arith.constant 944 : index
      %swap3A_858 = tpu.vector_load %arg21[%swap3A_857] {strides = array<i32>} : memref<1024xf32, #tpu.memory_space<vmem>>, vector<16xf32>,
      tpu.vector_store %arg21[%swap3A_857], %add3A_856 {strides = array<i32>} : memref<1024xf32, #tpu.memory_space<vmem>>, vector<16xf32>,
      %max3A_859 = arith.maximumf %max3A_845, %add3A_856 : vector<16xf32>
      %get3A_860 = arith.constant 960 : index
      %get3A_861 = tpu.vector_load %arg20[%get3A_860] {strides = array<i32>} : memref<1024xf32, #tpu.memory_space<vmem>>, vector<16xf32>,
      %mul3A_862 = arith.constant 9.990000e-01 : f32
      %mul3A_863 = vector.broadcast %mul3A_862 : f32 to vector<16xf32>
      %mul3A_864 = arith.mulf %get3A_861, %mul3A_863 : vector<16xf32>
      %get3A_865 = arith.constant 960 : index
      %get3A_866 = tpu.vector_load %arg19[%get3A_865] {strides = array<i32>} : memref<1024xf32, #tpu.memory_space<vmem>>, vector<16xf32>,
      %mul3A_867 = arith.constant 6.10351591E-8 : f32
      %mul3A_868 = vector.broadcast %mul3A_867 : f32 to vector<16xf32>
      %mul3A_869 = arith.mulf %get3A_866, %mul3A_868 : vector<16xf32>
      %add3A_870 = arith.addf %mul3A_864, %mul3A_869 : vector<16xf32>
      %swap3A_871 = arith.constant 960 : index
      %swap3A_872 = tpu.vector_load %arg21[%swap3A_871] {strides = array<i32>} : memref<1024xf32, #tpu.memory_space<vmem>>, vector<16xf32>,
      tpu.vector_store %arg21[%swap3A_871], %add3A_870 {strides = array<i32>} : memref<1024xf32, #tpu.memory_space<vmem>>, vector<16xf32>,
      %max3A_873 = arith.maximumf %max3A_859, %add3A_870 : vector<16xf32>
      %get3A_874 = arith.constant 976 : index
      %get3A_875 = tpu.vector_load %arg20[%get3A_874] {strides = array<i32>} : memref<1024xf32, #tpu.memory_space<vmem>>, vector<16xf32>,
      %mul3A_876 = arith.constant 9.990000e-01 : f32
      %mul3A_877 = vector.broadcast %mul3A_876 : f32 to vector<16xf32>
      %mul3A_878 = arith.mulf %get3A_875, %mul3A_877 : vector<16xf32>
      %get3A_879 = arith.constant 976 : index
      %get3A_880 = tpu.vector_load %arg19[%get3A_879] {strides = array<i32>} : memref<1024xf32, #tpu.memory_space<vmem>>, vector<16xf32>,
      %mul3A_881 = arith.constant 6.10351591E-8 : f32
      %mul3A_882 = vector.broadcast %mul3A_881 : f32 to vector<16xf32>
      %mul3A_883 = arith.mulf %get3A_880, %mul3A_882 : vector<16xf32>
      %add3A_884 = arith.addf %mul3A_878, %mul3A_883 : vector<16xf32>
      %swap3A_885 = arith.constant 976 : index
      %swap3A_886 = tpu.vector_load %arg21[%swap3A_885] {strides = array<i32>} : memref<1024xf32, #tpu.memory_space<vmem>>, vector<16xf32>,
      tpu.vector_store %arg21[%swap3A_885], %add3A_884 {strides = array<i32>} : memref<1024xf32, #tpu.memory_space<vmem>>, vector<16xf32>,
      %max3A_887 = arith.maximumf %max3A_873, %add3A_884 : vector<16xf32>
      %get3A_888 = arith.constant 992 : index
      %get3A_889 = tpu.vector_load %arg20[%get3A_888] {strides = array<i32>} : memref<1024xf32, #tpu.memory_space<vmem>>, vector<16xf32>,
      %mul3A_890 = arith.constant 9.990000e-01 : f32
      %mul3A_891 = vector.broadcast %mul3A_890 : f32 to vector<16xf32>
      %mul3A_892 = arith.mulf %get3A_889, %mul3A_891 : vector<16xf32>
      %get3A_893 = arith.constant 992 : index
      %get3A_894 = tpu.vector_load %arg19[%get3A_893] {strides = array<i32>} : memref<1024xf32, #tpu.memory_space<vmem>>, vector<16xf32>,
      %mul3A_895 = arith.constant 6.10351591E-8 : f32
      %mul3A_896 = vector.broadcast %mul3A_895 : f32 to vector<16xf32>
      %mul3A_897 = arith.mulf %get3A_894, %mul3A_896 : vector<16xf32>
      %add3A_898 = arith.addf %mul3A_892, %mul3A_897 : vector<16xf32>
      %lt3A = arith.constant 8 : i32
      %lt3A_899 = vector.broadcast %lt3A : i32 to vector<16xi32>
      %lt3A_900 = arith.cmpi slt, %iota3A, %lt3A_899 : vector<16xi32>
      %jit3A = arith.constant 0.000000e+00 : f32
      %broadcast_in_dim3A_901 = vector.broadcast %jit3A : f32 to vector<16xf32>
      %select_n3A = arith.select %lt3A_900, %add3A_898, %broadcast_in_dim3A_901 : vector<16xi1>, vector<16xf32>
      %swap3A_902 = arith.constant 992 : index
      %swap3A_903 = tpu.vector_load %arg21[%swap3A_902] {strides = array<i32>} : memref<1024xf32, #tpu.memory_space<vmem>>, vector<16xf32>,
      tpu.vector_store %arg21[%swap3A_902], %select_n3A {strides = array<i32>} : memref<1024xf32, #tpu.memory_space<vmem>>, vector<16xf32>,
      %max3A_904 = arith.maximumf %max3A_887, %select_n3A : vector<16xf32>
      %reduce_max3A = arith.constant true
      %reduce_max3A_905 = vector.broadcast %reduce_max3A : i1 to vector<16xi1>
      %reduce_max3A_906 = tpu.scan <max>, %max3A_904 masked %reduce_max3A_905 : vector<16xf32>, vector<16xi1> -> vector<16xf32>
      %reduce_max3A_907 = vector.extract %reduce_max3A_906[15] : f32 from vector<16xf32>
      "tpu.region"() ({
        %run_scoped3A = tpu.sem_alloc : memref<!tpu.dma_semaphore, #tpu.memory_space<semaphore_mem>>
        %dma_start3A = arith.constant 2048 : i32
        %dma_start3A_985 = tpu.memref_slice %arg34[%dma_start3A] : memref<2560xf32, #tpu.memory_space<vmem_shared>> -> memref<256xf32, #tpu.memory_space<vmem_shared>>
        %dma_start3A_986 = arith.constant 2048 : i32
        %dma_start3A_987 = tpu.memref_slice %arg34[%dma_start3A_986] : memref<2560xf32, #tpu.memory_space<vmem_shared>> -> memref<256xf32, #tpu.memory_space<vmem_shared>>
        tpu.enqueue_dma source(%dma_start3A_987 : memref<256xf32, #tpu.memory_space<vmem_shared>>) target(%arg31 : memref<256xf32, #tpu.memory_space<vmem>>) target_semaphore(%run_scoped3A : memref<!tpu.dma_semaphore, #tpu.memory_space<semaphore_mem>>)
        %dma_wait3A = arith.constant 2048 : i32
        %dma_wait3A_988 = tpu.memref_slice %arg34[%dma_wait3A] : memref<2560xf32, #tpu.memory_space<vmem_shared>> -> memref<256xf32, #tpu.memory_space<vmem_shared>>
        %dma_wait3A_989 = arith.constant 2048 : i32
        %dma_wait3A_990 = tpu.memref_slice %arg34[%dma_wait3A_989] : memref<2560xf32, #tpu.memory_space<vmem_shared>> -> memref<256xf32, #tpu.memory_space<vmem_shared>>
        tpu.wait_dma2 semaphore(%run_scoped3A : memref<!tpu.dma_semaphore, #tpu.memory_space<semaphore_mem>>) src(%dma_wait3A_990 : memref<256xf32, #tpu.memory_space<vmem_shared>>) dst(%arg31 : memref<256xf32, #tpu.memory_space<vmem>>)
        tpu.yield
      }) : () -> ()
      %get3A_908 = arith.constant 0 : index
      %get3A_909 = tpu.vector_load %arg31[%get3A_908] {strides = array<i32>} : memref<256xf32, #tpu.memory_space<vmem>>, vector<16xf32>,
      %get3A_910 = arith.constant 16 : index
      %get3A_911 = tpu.vector_load %arg31[%get3A_910] {strides = array<i32>} : memref<256xf32, #tpu.memory_space<vmem>>, vector<16xf32>,
      %add3A_912 = arith.addf %get3A_909, %get3A_911 : vector<16xf32>
      %get3A_913 = arith.constant 32 : index
      %get3A_914 = tpu.vector_load %arg31[%get3A_913] {strides = array<i32>} : memref<256xf32, #tpu.memory_space<vmem>>, vector<16xf32>,
      %add3A_915 = arith.addf %add3A_912, %get3A_914 : vector<16xf32>
      %get3A_916 = arith.constant 48 : index
      %get3A_917 = tpu.vector_load %arg31[%get3A_916] {strides = array<i32>} : memref<256xf32, #tpu.memory_space<vmem>>, vector<16xf32>,
      %add3A_918 = arith.addf %add3A_915, %get3A_917 : vector<16xf32>
      %get3A_919 = arith.constant 64 : index
      %get3A_920 = tpu.vector_load %arg31[%get3A_919] {strides = array<i32>} : memref<256xf32, #tpu.memory_space<vmem>>, vector<16xf32>,
      %add3A_921 = arith.addf %add3A_918, %get3A_920 : vector<16xf32>
      %get3A_922 = arith.constant 80 : index
      %get3A_923 = tpu.vector_load %arg31[%get3A_922] {strides = array<i32>} : memref<256xf32, #tpu.memory_space<vmem>>, vector<16xf32>,
      %add3A_924 = arith.addf %add3A_921, %get3A_923 : vector<16xf32>
      %get3A_925 = arith.constant 96 : index
      %get3A_926 = tpu.vector_load %arg31[%get3A_925] {strides = array<i32>} : memref<256xf32, #tpu.memory_space<vmem>>, vector<16xf32>,
      %add3A_927 = arith.addf %add3A_924, %get3A_926 : vector<16xf32>
      %get3A_928 = arith.constant 112 : index
      %get3A_929 = tpu.vector_load %arg31[%get3A_928] {strides = array<i32>} : memref<256xf32, #tpu.memory_space<vmem>>, vector<16xf32>,
      %add3A_930 = arith.addf %add3A_927, %get3A_929 : vector<16xf32>
      %get3A_931 = arith.constant 128 : index
      %get3A_932 = tpu.vector_load %arg31[%get3A_931] {strides = array<i32>} : memref<256xf32, #tpu.memory_space<vmem>>, vector<16xf32>,
      %add3A_933 = arith.addf %add3A_930, %get3A_932 : vector<16xf32>
      %get3A_934 = arith.constant 144 : index
      %get3A_935 = tpu.vector_load %arg31[%get3A_934] {strides = array<i32>} : memref<256xf32, #tpu.memory_space<vmem>>, vector<16xf32>,
      %add3A_936 = arith.addf %add3A_933, %get3A_935 : vector<16xf32>
      %get3A_937 = arith.constant 160 : index
      %get3A_938 = tpu.vector_load %arg31[%get3A_937] {strides = array<i32>} : memref<256xf32, #tpu.memory_space<vmem>>, vector<16xf32>,
      %add3A_939 = arith.addf %add3A_936, %get3A_938 : vector<16xf32>
      %get3A_940 = arith.constant 176 : index
      %get3A_941 = tpu.vector_load %arg31[%get3A_940] {strides = array<i32>} : memref<256xf32, #tpu.memory_space<vmem>>, vector<16xf32>,
      %add3A_942 = arith.addf %add3A_939, %get3A_941 : vector<16xf32>
      %get3A_943 = arith.constant 192 : index
      %get3A_944 = tpu.vector_load %arg31[%get3A_943] {strides = array<i32>} : memref<256xf32, #tpu.memory_space<vmem>>, vector<16xf32>,
      %add3A_945 = arith.addf %add3A_942, %get3A_944 : vector<16xf32>
      %get3A_946 = arith.constant 208 : index
      %get3A_947 = tpu.vector_load %arg31[%get3A_946] {strides = array<i32>} : memref<256xf32, #tpu.memory_space<vmem>>, vector<16xf32>,
      %add3A_948 = arith.addf %add3A_945, %get3A_947 : vector<16xf32>
      %get3A_949 = arith.constant 224 : index
      %get3A_950 = tpu.vector_load %arg31[%get3A_949] {strides = array<i32>} : memref<256xf32, #tpu.memory_space<vmem>>, vector<16xf32>,
      %add3A_951 = arith.addf %add3A_948, %get3A_950 : vector<16xf32>
      %get3A_952 = arith.constant 240 : index
      %get3A_953 = tpu.vector_load %arg31[%get3A_952] {strides = array<i32>} : memref<256xf32, #tpu.memory_space<vmem>>, vector<16xf32>,
      %add3A_954 = arith.addf %add3A_951, %get3A_953 : vector<16xf32>
      %reduce_sum3A = arith.constant true
      %reduce_sum3A_955 = vector.broadcast %reduce_sum3A : i1 to vector<16xi1>
      %reduce_sum3A_956 = tpu.scan <sum>, %add3A_954 masked %reduce_sum3A_955 : vector<16xf32>, vector<16xi1> -> vector<16xf32>
      %reduce_sum3A_957 = vector.extract %reduce_sum3A_956[15] : f32 from vector<16xf32>
      %get3A_958 = arith.constant 0 : index
      %get3A_959 = tpu.vector_load %arg26[%get3A_958] {strides = array<i32>} : memref<16xf32, #tpu.memory_space<vmem>>, vector<16xf32>,
      %slice3A = vector.extract_strided_slice %get3A_959 {offsets = [0], sizes = [1], strides = [1]} : vector<16xf32> to vector<1xf32>
      %squeeze3A = vector.extract %slice3A[0] : f32 from vector<1xf32>
      %slice3A_960 = vector.extract_strided_slice %get3A_959 {offsets = [1], sizes = [1], strides = [1]} : vector<16xf32> to vector<1xf32>
      %squeeze3A_961 = vector.extract %slice3A_960[0] : f32 from vector<1xf32>
      %mul3A_962 = arith.constant 9.990000e-01 : f32
      %mul3A_963 = arith.mulf %squeeze3A, %mul3A_962 : f32
      %mul3A_964 = arith.constant 6.10351563E-5 : f32
      %mul3A_965 = arith.mulf %reduce_sum3A_957, %mul3A_964 : f32
      %mul3A_966 = arith.constant 1.000000e-03 : f32
      %mul3A_967 = arith.mulf %mul3A_966, %mul3A_965 : f32
      %add3A_968 = arith.addf %mul3A_963, %mul3A_967 : f32
      %mul3A_969 = arith.mulf %squeeze3A_961, %add3A_968 : f32
      %broadcast_in_dim3A_970 = vector.broadcast %mul3A_969 : f32 to vector<16xf32>
      %broadcast_in_dim3A_971 = vector.broadcast %reduce_max3A_907 : f32 to vector<16xf32>
      %div3A = arith.divf %broadcast_in_dim3A_970, %broadcast_in_dim3A_971 : vector<16xf32>
      %eq3A_972 = arith.constant 0 : i32
      %eq3A_973 = vector.broadcast %eq3A_972 : i32 to vector<16xi32>
      %eq3A_974 = arith.cmpi eq, %iota3A, %eq3A_973 : vector<16xi32>
      %eq3A_975 = arith.constant 1 : i32
      %eq3A_976 = vector.broadcast %eq3A_975 : i32 to vector<16xi32>
      %eq3A_977 = arith.cmpi eq, %iota3A, %eq3A_976 : vector<16xi32>
      %jit3A_978 = arith.constant 0.000000e+00 : f32
      %broadcast_in_dim3A_979 = vector.broadcast %add3A_968 : f32 to vector<16xf32>
      %broadcast_in_dim3A_980 = vector.broadcast %jit3A_978 : f32 to vector<16xf32>
      %select_n3A_981 = arith.select %eq3A_977, %broadcast_in_dim3A_979, %broadcast_in_dim3A_980 : vector<16xi1>, vector<16xf32>
      %select_n3A_982 = arith.select %eq3A_974, %div3A, %select_n3A_981 : vector<16xi1>, vector<16xf32>
      %swap3A_983 = arith.constant 0 : index
      %swap3A_984 = tpu.vector_load %arg28[%swap3A_983] {strides = array<i32>} : memref<16xf32, #tpu.memory_space<vmem>>, vector<16xf32>,
      tpu.vector_store %arg28[%swap3A_983], %select_n3A_982 {strides = array<i32>} : memref<16xf32, #tpu.memory_space<vmem>>, vector<16xf32>,
      "tpu.region"() ({
        %run_scoped3A = tpu.sem_alloc : memref<!tpu.dma_semaphore, #tpu.memory_space<semaphore_mem>>
        %dma_start3A = arith.constant 2032 : i32
        %dma_start3A_985 = tpu.memref_slice %arg34[%dma_start3A] : memref<2560xf32, #tpu.memory_space<vmem_shared>> -> memref<16xf32, #tpu.memory_space<vmem_shared>>
        %dma_start3A_986 = arith.constant 2032 : i32
        %dma_start3A_987 = tpu.memref_slice %arg34[%dma_start3A_986] : memref<2560xf32, #tpu.memory_space<vmem_shared>> -> memref<16xf32, #tpu.memory_space<vmem_shared>>
        tpu.enqueue_dma source(%arg28 : memref<16xf32, #tpu.memory_space<vmem>>) target(%dma_start3A_987 : memref<16xf32, #tpu.memory_space<vmem_shared>>) target_semaphore(%run_scoped3A : memref<!tpu.dma_semaphore, #tpu.memory_space<semaphore_mem>>)
        %dma_wait3A = arith.constant 2032 : i32
        %dma_wait3A_988 = tpu.memref_slice %arg34[%dma_wait3A] : memref<2560xf32, #tpu.memory_space<vmem_shared>> -> memref<16xf32, #tpu.memory_space<vmem_shared>>
        %dma_wait3A_989 = arith.constant 2032 : i32
        %dma_wait3A_990 = tpu.memref_slice %arg34[%dma_wait3A_989] : memref<2560xf32, #tpu.memory_space<vmem_shared>> -> memref<16xf32, #tpu.memory_space<vmem_shared>>
        tpu.wait_dma2 semaphore(%run_scoped3A : memref<!tpu.dma_semaphore, #tpu.memory_space<semaphore_mem>>) src(%arg28 : memref<16xf32, #tpu.memory_space<vmem>>) dst(%dma_wait3A_990 : memref<16xf32, #tpu.memory_space<vmem_shared>>)
        tpu.yield
      }) : () -> ()
      "tpu.region"() ({
        %run_scoped3A = tpu.sem_alloc : memref<!tpu.dma_semaphore, #tpu.memory_space<semaphore_mem>>
        %dma_start3A = arith.constant 0 : i32
        %dma_start3A_985 = tpu.memref_slice %arg21[%dma_start3A] : memref<1024xf32, #tpu.memory_space<vmem>> -> memref<1000xf32, #tpu.memory_space<vmem>>
        %dma_start3A_986 = arith.constant 1024 : i32
        %dma_start3A_987 = tpu.memref_slice %arg34[%dma_start3A_986] : memref<2560xf32, #tpu.memory_space<vmem_shared>> -> memref<1000xf32, #tpu.memory_space<vmem_shared>>
        %dma_start3A_988 = arith.constant 1024 : i32
        %dma_start3A_989 = tpu.memref_slice %arg34[%dma_start3A_988] : memref<2560xf32, #tpu.memory_space<vmem_shared>> -> memref<1000xf32, #tpu.memory_space<vmem_shared>>
        %dma_start3A_990 = arith.constant 0 : i32
        %dma_start3A_991 = tpu.memref_slice %arg21[%dma_start3A_990] : memref<1024xf32, #tpu.memory_space<vmem>> -> memref<1000xf32, #tpu.memory_space<vmem>>
        tpu.enqueue_dma source(%dma_start3A_991 : memref<1000xf32, #tpu.memory_space<vmem>>) target(%dma_start3A_989 : memref<1000xf32, #tpu.memory_space<vmem_shared>>) target_semaphore(%run_scoped3A : memref<!tpu.dma_semaphore, #tpu.memory_space<semaphore_mem>>)
        %dma_wait3A = arith.constant 0 : i32
        %dma_wait3A_992 = tpu.memref_slice %arg21[%dma_wait3A] : memref<1024xf32, #tpu.memory_space<vmem>> -> memref<1000xf32, #tpu.memory_space<vmem>>
        %dma_wait3A_993 = arith.constant 1024 : i32
        %dma_wait3A_994 = tpu.memref_slice %arg34[%dma_wait3A_993] : memref<2560xf32, #tpu.memory_space<vmem_shared>> -> memref<1000xf32, #tpu.memory_space<vmem_shared>>
        %dma_wait3A_995 = arith.constant 1024 : i32
        %dma_wait3A_996 = tpu.memref_slice %arg34[%dma_wait3A_995] : memref<2560xf32, #tpu.memory_space<vmem_shared>> -> memref<1000xf32, #tpu.memory_space<vmem_shared>>
        %dma_wait3A_997 = arith.constant 0 : i32
        %dma_wait3A_998 = tpu.memref_slice %arg21[%dma_wait3A_997] : memref<1024xf32, #tpu.memory_space<vmem>> -> memref<1000xf32, #tpu.memory_space<vmem>>
        tpu.wait_dma2 semaphore(%run_scoped3A : memref<!tpu.dma_semaphore, #tpu.memory_space<semaphore_mem>>) src(%dma_wait3A_998 : memref<1000xf32, #tpu.memory_space<vmem>>) dst(%dma_wait3A_996 : memref<1000xf32, #tpu.memory_space<vmem_shared>>)
        tpu.yield
      }) : () -> ()
      "tpu.region"() ({
        %run_scoped3A = tpu.sem_alloc : memref<!tpu.dma_semaphore, #tpu.memory_space<semaphore_mem>>
        %dma_start3A = arith.constant 0 : i32
        %dma_start3A_985 = tpu.memref_slice %arg21[%dma_start3A] : memref<1024xf32, #tpu.memory_space<vmem>> -> memref<1000xf32, #tpu.memory_space<vmem>>
        %dma_start3A_986 = arith.constant 0 : i32
        %dma_start3A_987 = tpu.memref_slice %arg21[%dma_start3A_986] : memref<1024xf32, #tpu.memory_space<vmem>> -> memref<1000xf32, #tpu.memory_space<vmem>>
        tpu.enqueue_dma source(%dma_start3A_987 : memref<1000xf32, #tpu.memory_space<vmem>>) target(%arg11 : memref<1000xf32, #tpu.memory_space<hbm>>) target_semaphore(%run_scoped3A : memref<!tpu.dma_semaphore, #tpu.memory_space<semaphore_mem>>)
        %dma_wait3A = arith.constant 0 : i32
        %dma_wait3A_988 = tpu.memref_slice %arg21[%dma_wait3A] : memref<1024xf32, #tpu.memory_space<vmem>> -> memref<1000xf32, #tpu.memory_space<vmem>>
        %dma_wait3A_989 = arith.constant 0 : i32
        %dma_wait3A_990 = tpu.memref_slice %arg21[%dma_wait3A_989] : memref<1024xf32, #tpu.memory_space<vmem>> -> memref<1000xf32, #tpu.memory_space<vmem>>
        tpu.wait_dma2 semaphore(%run_scoped3A : memref<!tpu.dma_semaphore, #tpu.memory_space<semaphore_mem>>) src(%dma_wait3A_990 : memref<1000xf32, #tpu.memory_space<vmem>>) dst(%arg11 : memref<1000xf32, #tpu.memory_space<hbm>>)
        tpu.yield
      }) : () -> ()
    } else {
    }
    %barrier3A_12 = arith.constant 0 : index
    tpu.barrier barrier_id(%barrier3A_12)
    %convert_element_type3A_13 = arith.extui %eq3A_0 : i1 to i32
    %cond3A_14 = arith.constant 0 : i32
    %cond3A_15 = arith.cmpi ne, %convert_element_type3A_13, %cond3A_14 : i32
    scf.if %cond3A_15 {
      "tpu.region"() ({
        %run_scoped3A = tpu.sem_alloc : memref<!tpu.dma_semaphore, #tpu.memory_space<semaphore_mem>>
        %dma_start3A = arith.constant 1024 : i32
        %dma_start3A_1306 = tpu.memref_slice %arg34[%dma_start3A] : memref<2560xf32, #tpu.memory_space<vmem_shared>> -> memref<1024xf32, #tpu.memory_space<vmem_shared>>
        %dma_start3A_1307 = arith.constant 1024 : i32
        %dma_start3A_1308 = tpu.memref_slice %arg34[%dma_start3A_1307] : memref<2560xf32, #tpu.memory_space<vmem_shared>> -> memref<1024xf32, #tpu.memory_space<vmem_shared>>
        tpu.enqueue_dma source(%dma_start3A_1308 : memref<1024xf32, #tpu.memory_space<vmem_shared>>) target(%arg22 : memref<1024xf32, #tpu.memory_space<vmem>>) target_semaphore(%run_scoped3A : memref<!tpu.dma_semaphore, #tpu.memory_space<semaphore_mem>>)
        %dma_wait3A = arith.constant 1024 : i32
        %dma_wait3A_1309 = tpu.memref_slice %arg34[%dma_wait3A] : memref<2560xf32, #tpu.memory_space<vmem_shared>> -> memref<1024xf32, #tpu.memory_space<vmem_shared>>
        %dma_wait3A_1310 = arith.constant 1024 : i32
        %dma_wait3A_1311 = tpu.memref_slice %arg34[%dma_wait3A_1310] : memref<2560xf32, #tpu.memory_space<vmem_shared>> -> memref<1024xf32, #tpu.memory_space<vmem_shared>>
        tpu.wait_dma2 semaphore(%run_scoped3A : memref<!tpu.dma_semaphore, #tpu.memory_space<semaphore_mem>>) src(%dma_wait3A_1311 : memref<1024xf32, #tpu.memory_space<vmem_shared>>) dst(%arg22 : memref<1024xf32, #tpu.memory_space<vmem>>)
        tpu.yield
      }) : () -> ()
      %get3A = arith.constant 1008 : index
      %get3A_23 = tpu.vector_load %arg22[%get3A] {strides = array<i32>} : memref<1024xf32, #tpu.memory_space<vmem>>, vector<16xf32>,
      %slice3A = vector.extract_strided_slice %get3A_23 {offsets = [0], sizes = [1], strides = [1]} : vector<16xf32> to vector<1xf32>
      %squeeze3A = vector.extract %slice3A[0] : f32 from vector<1xf32>
      %broadcast_in_dim3A = vector.broadcast %squeeze3A : f32 to vector<16xf32>
      %broadcast_in_dim3A_24 = arith.constant 0.000000e+00 : f32
      %broadcast_in_dim3A_25 = vector.broadcast %broadcast_in_dim3A_24 : f32 to vector<16xf32>
      %get3A_26 = arith.constant 0 : i32
      %get3A_27 = arith.index_cast %get3A_26 : i32 to index
      %get3A_28 = arith.constant 0 : index
      %get3A_29 = tpu.vector_load %arg13[%get3A_27, %get3A_28] {strides = array<i32>} : memref<8x128xi32, #tpu.memory_space<vmem>>, vector<16xi32>,
      %gather3A = tpu.vector_load_idx %arg22[%get3A_29] : memref<1024xf32, #tpu.memory_space<vmem>>[vector<16xi32>], vector<16xf32>,
      %get3A_30 = arith.constant 0 : index
      %get3A_31 = tpu.vector_load %arg14[%get3A_30] {strides = array<i32>} : memref<1024xf32, #tpu.memory_space<vmem>>, vector<16xf32>,
      %mul3A_32 = arith.mulf %broadcast_in_dim3A, %gather3A : vector<16xf32>
      %ge3A = arith.cmpf oge, %get3A_31, %mul3A_32 : vector<16xf32>
      %jit3A = arith.constant 1.000000e+00 : f32
      %jit3A_33 = arith.constant 0.000000e+00 : f32
      %broadcast_in_dim3A_34 = vector.broadcast %jit3A : f32 to vector<16xf32>
      %broadcast_in_dim3A_35 = vector.broadcast %jit3A_33 : f32 to vector<16xf32>
      %select_n3A = arith.select %ge3A, %broadcast_in_dim3A_34, %broadcast_in_dim3A_35 : vector<16xi1>, vector<16xf32>
      %swap3A = arith.constant 0 : index
      %swap3A_36 = tpu.vector_load %arg16[%swap3A] {strides = array<i32>} : memref<1024xf32, #tpu.memory_space<vmem>>, vector<16xf32>,
      tpu.vector_store %arg16[%swap3A], %select_n3A {strides = array<i32>} : memref<1024xf32, #tpu.memory_space<vmem>>, vector<16xf32>,
      %get3A_37 = arith.constant 0 : index
      %get3A_38 = tpu.vector_load %arg15[%get3A_37] {strides = array<i32>} : memref<1024xf32, #tpu.memory_space<vmem>>, vector<16xf32>,
      %mul3A_39 = arith.mulf %select_n3A, %get3A_38 : vector<16xf32>
      %add3A = arith.addf %broadcast_in_dim3A_25, %mul3A_39 : vector<16xf32>
      %get3A_40 = arith.constant 0 : i32
      %get3A_41 = arith.index_cast %get3A_40 : i32 to index
      %get3A_42 = arith.constant 16 : index
      %get3A_43 = tpu.vector_load %arg13[%get3A_41, %get3A_42] {strides = array<i32>} : memref<8x128xi32, #tpu.memory_space<vmem>>, vector<16xi32>,
      %gather3A_44 = tpu.vector_load_idx %arg22[%get3A_43] : memref<1024xf32, #tpu.memory_space<vmem>>[vector<16xi32>], vector<16xf32>,
      %get3A_45 = arith.constant 16 : index
      %get3A_46 = tpu.vector_load %arg14[%get3A_45] {strides = array<i32>} : memref<1024xf32, #tpu.memory_space<vmem>>, vector<16xf32>,
      %mul3A_47 = arith.mulf %broadcast_in_dim3A, %gather3A_44 : vector<16xf32>
      %ge3A_48 = arith.cmpf oge, %get3A_46, %mul3A_47 : vector<16xf32>
      %jit3A_49 = arith.constant 1.000000e+00 : f32
      %jit3A_50 = arith.constant 0.000000e+00 : f32
      %broadcast_in_dim3A_51 = vector.broadcast %jit3A_49 : f32 to vector<16xf32>
      %broadcast_in_dim3A_52 = vector.broadcast %jit3A_50 : f32 to vector<16xf32>
      %select_n3A_53 = arith.select %ge3A_48, %broadcast_in_dim3A_51, %broadcast_in_dim3A_52 : vector<16xi1>, vector<16xf32>
      %swap3A_54 = arith.constant 16 : index
      %swap3A_55 = tpu.vector_load %arg16[%swap3A_54] {strides = array<i32>} : memref<1024xf32, #tpu.memory_space<vmem>>, vector<16xf32>,
      tpu.vector_store %arg16[%swap3A_54], %select_n3A_53 {strides = array<i32>} : memref<1024xf32, #tpu.memory_space<vmem>>, vector<16xf32>,
      %get3A_56 = arith.constant 16 : index
      %get3A_57 = tpu.vector_load %arg15[%get3A_56] {strides = array<i32>} : memref<1024xf32, #tpu.memory_space<vmem>>, vector<16xf32>,
      %mul3A_58 = arith.mulf %select_n3A_53, %get3A_57 : vector<16xf32>
      %add3A_59 = arith.addf %add3A, %mul3A_58 : vector<16xf32>
      %get3A_60 = arith.constant 0 : i32
      %get3A_61 = arith.index_cast %get3A_60 : i32 to index
      %get3A_62 = arith.constant 32 : index
      %get3A_63 = tpu.vector_load %arg13[%get3A_61, %get3A_62] {strides = array<i32>} : memref<8x128xi32, #tpu.memory_space<vmem>>, vector<16xi32>,
      %gather3A_64 = tpu.vector_load_idx %arg22[%get3A_63] : memref<1024xf32, #tpu.memory_space<vmem>>[vector<16xi32>], vector<16xf32>,
      %get3A_65 = arith.constant 32 : index
      %get3A_66 = tpu.vector_load %arg14[%get3A_65] {strides = array<i32>} : memref<1024xf32, #tpu.memory_space<vmem>>, vector<16xf32>,
      %mul3A_67 = arith.mulf %broadcast_in_dim3A, %gather3A_64 : vector<16xf32>
      %ge3A_68 = arith.cmpf oge, %get3A_66, %mul3A_67 : vector<16xf32>
      %jit3A_69 = arith.constant 1.000000e+00 : f32
      %jit3A_70 = arith.constant 0.000000e+00 : f32
      %broadcast_in_dim3A_71 = vector.broadcast %jit3A_69 : f32 to vector<16xf32>
      %broadcast_in_dim3A_72 = vector.broadcast %jit3A_70 : f32 to vector<16xf32>
      %select_n3A_73 = arith.select %ge3A_68, %broadcast_in_dim3A_71, %broadcast_in_dim3A_72 : vector<16xi1>, vector<16xf32>
      %swap3A_74 = arith.constant 32 : index
      %swap3A_75 = tpu.vector_load %arg16[%swap3A_74] {strides = array<i32>} : memref<1024xf32, #tpu.memory_space<vmem>>, vector<16xf32>,
      tpu.vector_store %arg16[%swap3A_74], %select_n3A_73 {strides = array<i32>} : memref<1024xf32, #tpu.memory_space<vmem>>, vector<16xf32>,
      %get3A_76 = arith.constant 32 : index
      %get3A_77 = tpu.vector_load %arg15[%get3A_76] {strides = array<i32>} : memref<1024xf32, #tpu.memory_space<vmem>>, vector<16xf32>,
      %mul3A_78 = arith.mulf %select_n3A_73, %get3A_77 : vector<16xf32>
      %add3A_79 = arith.addf %add3A_59, %mul3A_78 : vector<16xf32>
      %get3A_80 = arith.constant 0 : i32
      %get3A_81 = arith.index_cast %get3A_80 : i32 to index
      %get3A_82 = arith.constant 48 : index
      %get3A_83 = tpu.vector_load %arg13[%get3A_81, %get3A_82] {strides = array<i32>} : memref<8x128xi32, #tpu.memory_space<vmem>>, vector<16xi32>,
      %gather3A_84 = tpu.vector_load_idx %arg22[%get3A_83] : memref<1024xf32, #tpu.memory_space<vmem>>[vector<16xi32>], vector<16xf32>,
      %get3A_85 = arith.constant 48 : index
      %get3A_86 = tpu.vector_load %arg14[%get3A_85] {strides = array<i32>} : memref<1024xf32, #tpu.memory_space<vmem>>, vector<16xf32>,
      %mul3A_87 = arith.mulf %broadcast_in_dim3A, %gather3A_84 : vector<16xf32>
      %ge3A_88 = arith.cmpf oge, %get3A_86, %mul3A_87 : vector<16xf32>
      %jit3A_89 = arith.constant 1.000000e+00 : f32
      %jit3A_90 = arith.constant 0.000000e+00 : f32
      %broadcast_in_dim3A_91 = vector.broadcast %jit3A_89 : f32 to vector<16xf32>
      %broadcast_in_dim3A_92 = vector.broadcast %jit3A_90 : f32 to vector<16xf32>
      %select_n3A_93 = arith.select %ge3A_88, %broadcast_in_dim3A_91, %broadcast_in_dim3A_92 : vector<16xi1>, vector<16xf32>
      %swap3A_94 = arith.constant 48 : index
      %swap3A_95 = tpu.vector_load %arg16[%swap3A_94] {strides = array<i32>} : memref<1024xf32, #tpu.memory_space<vmem>>, vector<16xf32>,
      tpu.vector_store %arg16[%swap3A_94], %select_n3A_93 {strides = array<i32>} : memref<1024xf32, #tpu.memory_space<vmem>>, vector<16xf32>,
      %get3A_96 = arith.constant 48 : index
      %get3A_97 = tpu.vector_load %arg15[%get3A_96] {strides = array<i32>} : memref<1024xf32, #tpu.memory_space<vmem>>, vector<16xf32>,
      %mul3A_98 = arith.mulf %select_n3A_93, %get3A_97 : vector<16xf32>
      %add3A_99 = arith.addf %add3A_79, %mul3A_98 : vector<16xf32>
      %get3A_100 = arith.constant 0 : i32
      %get3A_101 = arith.index_cast %get3A_100 : i32 to index
      %get3A_102 = arith.constant 64 : index
      %get3A_103 = tpu.vector_load %arg13[%get3A_101, %get3A_102] {strides = array<i32>} : memref<8x128xi32, #tpu.memory_space<vmem>>, vector<16xi32>,
      %gather3A_104 = tpu.vector_load_idx %arg22[%get3A_103] : memref<1024xf32, #tpu.memory_space<vmem>>[vector<16xi32>], vector<16xf32>,
      %get3A_105 = arith.constant 64 : index
      %get3A_106 = tpu.vector_load %arg14[%get3A_105] {strides = array<i32>} : memref<1024xf32, #tpu.memory_space<vmem>>, vector<16xf32>,
      %mul3A_107 = arith.mulf %broadcast_in_dim3A, %gather3A_104 : vector<16xf32>
      %ge3A_108 = arith.cmpf oge, %get3A_106, %mul3A_107 : vector<16xf32>
      %jit3A_109 = arith.constant 1.000000e+00 : f32
      %jit3A_110 = arith.constant 0.000000e+00 : f32
      %broadcast_in_dim3A_111 = vector.broadcast %jit3A_109 : f32 to vector<16xf32>
      %broadcast_in_dim3A_112 = vector.broadcast %jit3A_110 : f32 to vector<16xf32>
      %select_n3A_113 = arith.select %ge3A_108, %broadcast_in_dim3A_111, %broadcast_in_dim3A_112 : vector<16xi1>, vector<16xf32>
      %swap3A_114 = arith.constant 64 : index
      %swap3A_115 = tpu.vector_load %arg16[%swap3A_114] {strides = array<i32>} : memref<1024xf32, #tpu.memory_space<vmem>>, vector<16xf32>,
      tpu.vector_store %arg16[%swap3A_114], %select_n3A_113 {strides = array<i32>} : memref<1024xf32, #tpu.memory_space<vmem>>, vector<16xf32>,
      %get3A_116 = arith.constant 64 : index
      %get3A_117 = tpu.vector_load %arg15[%get3A_116] {strides = array<i32>} : memref<1024xf32, #tpu.memory_space<vmem>>, vector<16xf32>,
      %mul3A_118 = arith.mulf %select_n3A_113, %get3A_117 : vector<16xf32>
      %add3A_119 = arith.addf %add3A_99, %mul3A_118 : vector<16xf32>
      %get3A_120 = arith.constant 0 : i32
      %get3A_121 = arith.index_cast %get3A_120 : i32 to index
      %get3A_122 = arith.constant 80 : index
      %get3A_123 = tpu.vector_load %arg13[%get3A_121, %get3A_122] {strides = array<i32>} : memref<8x128xi32, #tpu.memory_space<vmem>>, vector<16xi32>,
      %gather3A_124 = tpu.vector_load_idx %arg22[%get3A_123] : memref<1024xf32, #tpu.memory_space<vmem>>[vector<16xi32>], vector<16xf32>,
      %get3A_125 = arith.constant 80 : index
      %get3A_126 = tpu.vector_load %arg14[%get3A_125] {strides = array<i32>} : memref<1024xf32, #tpu.memory_space<vmem>>, vector<16xf32>,
      %mul3A_127 = arith.mulf %broadcast_in_dim3A, %gather3A_124 : vector<16xf32>
      %ge3A_128 = arith.cmpf oge, %get3A_126, %mul3A_127 : vector<16xf32>
      %jit3A_129 = arith.constant 1.000000e+00 : f32
      %jit3A_130 = arith.constant 0.000000e+00 : f32
      %broadcast_in_dim3A_131 = vector.broadcast %jit3A_129 : f32 to vector<16xf32>
      %broadcast_in_dim3A_132 = vector.broadcast %jit3A_130 : f32 to vector<16xf32>
      %select_n3A_133 = arith.select %ge3A_128, %broadcast_in_dim3A_131, %broadcast_in_dim3A_132 : vector<16xi1>, vector<16xf32>
      %swap3A_134 = arith.constant 80 : index
      %swap3A_135 = tpu.vector_load %arg16[%swap3A_134] {strides = array<i32>} : memref<1024xf32, #tpu.memory_space<vmem>>, vector<16xf32>,
      tpu.vector_store %arg16[%swap3A_134], %select_n3A_133 {strides = array<i32>} : memref<1024xf32, #tpu.memory_space<vmem>>, vector<16xf32>,
      %get3A_136 = arith.constant 80 : index
      %get3A_137 = tpu.vector_load %arg15[%get3A_136] {strides = array<i32>} : memref<1024xf32, #tpu.memory_space<vmem>>, vector<16xf32>,
      %mul3A_138 = arith.mulf %select_n3A_133, %get3A_137 : vector<16xf32>
      %add3A_139 = arith.addf %add3A_119, %mul3A_138 : vector<16xf32>
      %get3A_140 = arith.constant 0 : i32
      %get3A_141 = arith.index_cast %get3A_140 : i32 to index
      %get3A_142 = arith.constant 96 : index
      %get3A_143 = tpu.vector_load %arg13[%get3A_141, %get3A_142] {strides = array<i32>} : memref<8x128xi32, #tpu.memory_space<vmem>>, vector<16xi32>,
      %gather3A_144 = tpu.vector_load_idx %arg22[%get3A_143] : memref<1024xf32, #tpu.memory_space<vmem>>[vector<16xi32>], vector<16xf32>,
      %get3A_145 = arith.constant 96 : index
      %get3A_146 = tpu.vector_load %arg14[%get3A_145] {strides = array<i32>} : memref<1024xf32, #tpu.memory_space<vmem>>, vector<16xf32>,
      %mul3A_147 = arith.mulf %broadcast_in_dim3A, %gather3A_144 : vector<16xf32>
      %ge3A_148 = arith.cmpf oge, %get3A_146, %mul3A_147 : vector<16xf32>
      %jit3A_149 = arith.constant 1.000000e+00 : f32
      %jit3A_150 = arith.constant 0.000000e+00 : f32
      %broadcast_in_dim3A_151 = vector.broadcast %jit3A_149 : f32 to vector<16xf32>
      %broadcast_in_dim3A_152 = vector.broadcast %jit3A_150 : f32 to vector<16xf32>
      %select_n3A_153 = arith.select %ge3A_148, %broadcast_in_dim3A_151, %broadcast_in_dim3A_152 : vector<16xi1>, vector<16xf32>
      %swap3A_154 = arith.constant 96 : index
      %swap3A_155 = tpu.vector_load %arg16[%swap3A_154] {strides = array<i32>} : memref<1024xf32, #tpu.memory_space<vmem>>, vector<16xf32>,
      tpu.vector_store %arg16[%swap3A_154], %select_n3A_153 {strides = array<i32>} : memref<1024xf32, #tpu.memory_space<vmem>>, vector<16xf32>,
      %get3A_156 = arith.constant 96 : index
      %get3A_157 = tpu.vector_load %arg15[%get3A_156] {strides = array<i32>} : memref<1024xf32, #tpu.memory_space<vmem>>, vector<16xf32>,
      %mul3A_158 = arith.mulf %select_n3A_153, %get3A_157 : vector<16xf32>
      %add3A_159 = arith.addf %add3A_139, %mul3A_158 : vector<16xf32>
      %get3A_160 = arith.constant 0 : i32
      %get3A_161 = arith.index_cast %get3A_160 : i32 to index
      %get3A_162 = arith.constant 112 : index
      %get3A_163 = tpu.vector_load %arg13[%get3A_161, %get3A_162] {strides = array<i32>} : memref<8x128xi32, #tpu.memory_space<vmem>>, vector<16xi32>,
      %gather3A_164 = tpu.vector_load_idx %arg22[%get3A_163] : memref<1024xf32, #tpu.memory_space<vmem>>[vector<16xi32>], vector<16xf32>,
      %get3A_165 = arith.constant 112 : index
      %get3A_166 = tpu.vector_load %arg14[%get3A_165] {strides = array<i32>} : memref<1024xf32, #tpu.memory_space<vmem>>, vector<16xf32>,
      %mul3A_167 = arith.mulf %broadcast_in_dim3A, %gather3A_164 : vector<16xf32>
      %ge3A_168 = arith.cmpf oge, %get3A_166, %mul3A_167 : vector<16xf32>
      %jit3A_169 = arith.constant 1.000000e+00 : f32
      %jit3A_170 = arith.constant 0.000000e+00 : f32
      %broadcast_in_dim3A_171 = vector.broadcast %jit3A_169 : f32 to vector<16xf32>
      %broadcast_in_dim3A_172 = vector.broadcast %jit3A_170 : f32 to vector<16xf32>
      %select_n3A_173 = arith.select %ge3A_168, %broadcast_in_dim3A_171, %broadcast_in_dim3A_172 : vector<16xi1>, vector<16xf32>
      %swap3A_174 = arith.constant 112 : index
      %swap3A_175 = tpu.vector_load %arg16[%swap3A_174] {strides = array<i32>} : memref<1024xf32, #tpu.memory_space<vmem>>, vector<16xf32>,
      tpu.vector_store %arg16[%swap3A_174], %select_n3A_173 {strides = array<i32>} : memref<1024xf32, #tpu.memory_space<vmem>>, vector<16xf32>,
      %get3A_176 = arith.constant 112 : index
      %get3A_177 = tpu.vector_load %arg15[%get3A_176] {strides = array<i32>} : memref<1024xf32, #tpu.memory_space<vmem>>, vector<16xf32>,
      %mul3A_178 = arith.mulf %select_n3A_173, %get3A_177 : vector<16xf32>
      %add3A_179 = arith.addf %add3A_159, %mul3A_178 : vector<16xf32>
      %get3A_180 = arith.constant 1 : i32
      %get3A_181 = arith.index_cast %get3A_180 : i32 to index
      %get3A_182 = arith.constant 0 : index
      %get3A_183 = tpu.vector_load %arg13[%get3A_181, %get3A_182] {strides = array<i32>} : memref<8x128xi32, #tpu.memory_space<vmem>>, vector<16xi32>,
      %gather3A_184 = tpu.vector_load_idx %arg22[%get3A_183] : memref<1024xf32, #tpu.memory_space<vmem>>[vector<16xi32>], vector<16xf32>,
      %get3A_185 = arith.constant 128 : index
      %get3A_186 = tpu.vector_load %arg14[%get3A_185] {strides = array<i32>} : memref<1024xf32, #tpu.memory_space<vmem>>, vector<16xf32>,
      %mul3A_187 = arith.mulf %broadcast_in_dim3A, %gather3A_184 : vector<16xf32>
      %ge3A_188 = arith.cmpf oge, %get3A_186, %mul3A_187 : vector<16xf32>
      %jit3A_189 = arith.constant 1.000000e+00 : f32
      %jit3A_190 = arith.constant 0.000000e+00 : f32
      %broadcast_in_dim3A_191 = vector.broadcast %jit3A_189 : f32 to vector<16xf32>
      %broadcast_in_dim3A_192 = vector.broadcast %jit3A_190 : f32 to vector<16xf32>
      %select_n3A_193 = arith.select %ge3A_188, %broadcast_in_dim3A_191, %broadcast_in_dim3A_192 : vector<16xi1>, vector<16xf32>
      %swap3A_194 = arith.constant 128 : index
      %swap3A_195 = tpu.vector_load %arg16[%swap3A_194] {strides = array<i32>} : memref<1024xf32, #tpu.memory_space<vmem>>, vector<16xf32>,
      tpu.vector_store %arg16[%swap3A_194], %select_n3A_193 {strides = array<i32>} : memref<1024xf32, #tpu.memory_space<vmem>>, vector<16xf32>,
      %get3A_196 = arith.constant 128 : index
      %get3A_197 = tpu.vector_load %arg15[%get3A_196] {strides = array<i32>} : memref<1024xf32, #tpu.memory_space<vmem>>, vector<16xf32>,
      %mul3A_198 = arith.mulf %select_n3A_193, %get3A_197 : vector<16xf32>
      %add3A_199 = arith.addf %add3A_179, %mul3A_198 : vector<16xf32>
      %get3A_200 = arith.constant 1 : i32
      %get3A_201 = arith.index_cast %get3A_200 : i32 to index
      %get3A_202 = arith.constant 16 : index
      %get3A_203 = tpu.vector_load %arg13[%get3A_201, %get3A_202] {strides = array<i32>} : memref<8x128xi32, #tpu.memory_space<vmem>>, vector<16xi32>,
      %gather3A_204 = tpu.vector_load_idx %arg22[%get3A_203] : memref<1024xf32, #tpu.memory_space<vmem>>[vector<16xi32>], vector<16xf32>,
      %get3A_205 = arith.constant 144 : index
      %get3A_206 = tpu.vector_load %arg14[%get3A_205] {strides = array<i32>} : memref<1024xf32, #tpu.memory_space<vmem>>, vector<16xf32>,
      %mul3A_207 = arith.mulf %broadcast_in_dim3A, %gather3A_204 : vector<16xf32>
      %ge3A_208 = arith.cmpf oge, %get3A_206, %mul3A_207 : vector<16xf32>
      %jit3A_209 = arith.constant 1.000000e+00 : f32
      %jit3A_210 = arith.constant 0.000000e+00 : f32
      %broadcast_in_dim3A_211 = vector.broadcast %jit3A_209 : f32 to vector<16xf32>
      %broadcast_in_dim3A_212 = vector.broadcast %jit3A_210 : f32 to vector<16xf32>
      %select_n3A_213 = arith.select %ge3A_208, %broadcast_in_dim3A_211, %broadcast_in_dim3A_212 : vector<16xi1>, vector<16xf32>
      %swap3A_214 = arith.constant 144 : index
      %swap3A_215 = tpu.vector_load %arg16[%swap3A_214] {strides = array<i32>} : memref<1024xf32, #tpu.memory_space<vmem>>, vector<16xf32>,
      tpu.vector_store %arg16[%swap3A_214], %select_n3A_213 {strides = array<i32>} : memref<1024xf32, #tpu.memory_space<vmem>>, vector<16xf32>,
      %get3A_216 = arith.constant 144 : index
      %get3A_217 = tpu.vector_load %arg15[%get3A_216] {strides = array<i32>} : memref<1024xf32, #tpu.memory_space<vmem>>, vector<16xf32>,
      %mul3A_218 = arith.mulf %select_n3A_213, %get3A_217 : vector<16xf32>
      %add3A_219 = arith.addf %add3A_199, %mul3A_218 : vector<16xf32>
      %get3A_220 = arith.constant 1 : i32
      %get3A_221 = arith.index_cast %get3A_220 : i32 to index
      %get3A_222 = arith.constant 32 : index
      %get3A_223 = tpu.vector_load %arg13[%get3A_221, %get3A_222] {strides = array<i32>} : memref<8x128xi32, #tpu.memory_space<vmem>>, vector<16xi32>,
      %gather3A_224 = tpu.vector_load_idx %arg22[%get3A_223] : memref<1024xf32, #tpu.memory_space<vmem>>[vector<16xi32>], vector<16xf32>,
      %get3A_225 = arith.constant 160 : index
      %get3A_226 = tpu.vector_load %arg14[%get3A_225] {strides = array<i32>} : memref<1024xf32, #tpu.memory_space<vmem>>, vector<16xf32>,
      %mul3A_227 = arith.mulf %broadcast_in_dim3A, %gather3A_224 : vector<16xf32>
      %ge3A_228 = arith.cmpf oge, %get3A_226, %mul3A_227 : vector<16xf32>
      %jit3A_229 = arith.constant 1.000000e+00 : f32
      %jit3A_230 = arith.constant 0.000000e+00 : f32
      %broadcast_in_dim3A_231 = vector.broadcast %jit3A_229 : f32 to vector<16xf32>
      %broadcast_in_dim3A_232 = vector.broadcast %jit3A_230 : f32 to vector<16xf32>
      %select_n3A_233 = arith.select %ge3A_228, %broadcast_in_dim3A_231, %broadcast_in_dim3A_232 : vector<16xi1>, vector<16xf32>
      %swap3A_234 = arith.constant 160 : index
      %swap3A_235 = tpu.vector_load %arg16[%swap3A_234] {strides = array<i32>} : memref<1024xf32, #tpu.memory_space<vmem>>, vector<16xf32>,
      tpu.vector_store %arg16[%swap3A_234], %select_n3A_233 {strides = array<i32>} : memref<1024xf32, #tpu.memory_space<vmem>>, vector<16xf32>,
      %get3A_236 = arith.constant 160 : index
      %get3A_237 = tpu.vector_load %arg15[%get3A_236] {strides = array<i32>} : memref<1024xf32, #tpu.memory_space<vmem>>, vector<16xf32>,
      %mul3A_238 = arith.mulf %select_n3A_233, %get3A_237 : vector<16xf32>
      %add3A_239 = arith.addf %add3A_219, %mul3A_238 : vector<16xf32>
      %get3A_240 = arith.constant 1 : i32
      %get3A_241 = arith.index_cast %get3A_240 : i32 to index
      %get3A_242 = arith.constant 48 : index
      %get3A_243 = tpu.vector_load %arg13[%get3A_241, %get3A_242] {strides = array<i32>} : memref<8x128xi32, #tpu.memory_space<vmem>>, vector<16xi32>,
      %gather3A_244 = tpu.vector_load_idx %arg22[%get3A_243] : memref<1024xf32, #tpu.memory_space<vmem>>[vector<16xi32>], vector<16xf32>,
      %get3A_245 = arith.constant 176 : index
      %get3A_246 = tpu.vector_load %arg14[%get3A_245] {strides = array<i32>} : memref<1024xf32, #tpu.memory_space<vmem>>, vector<16xf32>,
      %mul3A_247 = arith.mulf %broadcast_in_dim3A, %gather3A_244 : vector<16xf32>
      %ge3A_248 = arith.cmpf oge, %get3A_246, %mul3A_247 : vector<16xf32>
      %jit3A_249 = arith.constant 1.000000e+00 : f32
      %jit3A_250 = arith.constant 0.000000e+00 : f32
      %broadcast_in_dim3A_251 = vector.broadcast %jit3A_249 : f32 to vector<16xf32>
      %broadcast_in_dim3A_252 = vector.broadcast %jit3A_250 : f32 to vector<16xf32>
      %select_n3A_253 = arith.select %ge3A_248, %broadcast_in_dim3A_251, %broadcast_in_dim3A_252 : vector<16xi1>, vector<16xf32>
      %swap3A_254 = arith.constant 176 : index
      %swap3A_255 = tpu.vector_load %arg16[%swap3A_254] {strides = array<i32>} : memref<1024xf32, #tpu.memory_space<vmem>>, vector<16xf32>,
      tpu.vector_store %arg16[%swap3A_254], %select_n3A_253 {strides = array<i32>} : memref<1024xf32, #tpu.memory_space<vmem>>, vector<16xf32>,
      %get3A_256 = arith.constant 176 : index
      %get3A_257 = tpu.vector_load %arg15[%get3A_256] {strides = array<i32>} : memref<1024xf32, #tpu.memory_space<vmem>>, vector<16xf32>,
      %mul3A_258 = arith.mulf %select_n3A_253, %get3A_257 : vector<16xf32>
      %add3A_259 = arith.addf %add3A_239, %mul3A_258 : vector<16xf32>
      %get3A_260 = arith.constant 1 : i32
      %get3A_261 = arith.index_cast %get3A_260 : i32 to index
      %get3A_262 = arith.constant 64 : index
      %get3A_263 = tpu.vector_load %arg13[%get3A_261, %get3A_262] {strides = array<i32>} : memref<8x128xi32, #tpu.memory_space<vmem>>, vector<16xi32>,
      %gather3A_264 = tpu.vector_load_idx %arg22[%get3A_263] : memref<1024xf32, #tpu.memory_space<vmem>>[vector<16xi32>], vector<16xf32>,
      %get3A_265 = arith.constant 192 : index
      %get3A_266 = tpu.vector_load %arg14[%get3A_265] {strides = array<i32>} : memref<1024xf32, #tpu.memory_space<vmem>>, vector<16xf32>,
      %mul3A_267 = arith.mulf %broadcast_in_dim3A, %gather3A_264 : vector<16xf32>
      %ge3A_268 = arith.cmpf oge, %get3A_266, %mul3A_267 : vector<16xf32>
      %jit3A_269 = arith.constant 1.000000e+00 : f32
      %jit3A_270 = arith.constant 0.000000e+00 : f32
      %broadcast_in_dim3A_271 = vector.broadcast %jit3A_269 : f32 to vector<16xf32>
      %broadcast_in_dim3A_272 = vector.broadcast %jit3A_270 : f32 to vector<16xf32>
      %select_n3A_273 = arith.select %ge3A_268, %broadcast_in_dim3A_271, %broadcast_in_dim3A_272 : vector<16xi1>, vector<16xf32>
      %swap3A_274 = arith.constant 192 : index
      %swap3A_275 = tpu.vector_load %arg16[%swap3A_274] {strides = array<i32>} : memref<1024xf32, #tpu.memory_space<vmem>>, vector<16xf32>,
      tpu.vector_store %arg16[%swap3A_274], %select_n3A_273 {strides = array<i32>} : memref<1024xf32, #tpu.memory_space<vmem>>, vector<16xf32>,
      %get3A_276 = arith.constant 192 : index
      %get3A_277 = tpu.vector_load %arg15[%get3A_276] {strides = array<i32>} : memref<1024xf32, #tpu.memory_space<vmem>>, vector<16xf32>,
      %mul3A_278 = arith.mulf %select_n3A_273, %get3A_277 : vector<16xf32>
      %add3A_279 = arith.addf %add3A_259, %mul3A_278 : vector<16xf32>
      %get3A_280 = arith.constant 1 : i32
      %get3A_281 = arith.index_cast %get3A_280 : i32 to index
      %get3A_282 = arith.constant 80 : index
      %get3A_283 = tpu.vector_load %arg13[%get3A_281, %get3A_282] {strides = array<i32>} : memref<8x128xi32, #tpu.memory_space<vmem>>, vector<16xi32>,
      %gather3A_284 = tpu.vector_load_idx %arg22[%get3A_283] : memref<1024xf32, #tpu.memory_space<vmem>>[vector<16xi32>], vector<16xf32>,
      %get3A_285 = arith.constant 208 : index
      %get3A_286 = tpu.vector_load %arg14[%get3A_285] {strides = array<i32>} : memref<1024xf32, #tpu.memory_space<vmem>>, vector<16xf32>,
      %mul3A_287 = arith.mulf %broadcast_in_dim3A, %gather3A_284 : vector<16xf32>
      %ge3A_288 = arith.cmpf oge, %get3A_286, %mul3A_287 : vector<16xf32>
      %jit3A_289 = arith.constant 1.000000e+00 : f32
      %jit3A_290 = arith.constant 0.000000e+00 : f32
      %broadcast_in_dim3A_291 = vector.broadcast %jit3A_289 : f32 to vector<16xf32>
      %broadcast_in_dim3A_292 = vector.broadcast %jit3A_290 : f32 to vector<16xf32>
      %select_n3A_293 = arith.select %ge3A_288, %broadcast_in_dim3A_291, %broadcast_in_dim3A_292 : vector<16xi1>, vector<16xf32>
      %swap3A_294 = arith.constant 208 : index
      %swap3A_295 = tpu.vector_load %arg16[%swap3A_294] {strides = array<i32>} : memref<1024xf32, #tpu.memory_space<vmem>>, vector<16xf32>,
      tpu.vector_store %arg16[%swap3A_294], %select_n3A_293 {strides = array<i32>} : memref<1024xf32, #tpu.memory_space<vmem>>, vector<16xf32>,
      %get3A_296 = arith.constant 208 : index
      %get3A_297 = tpu.vector_load %arg15[%get3A_296] {strides = array<i32>} : memref<1024xf32, #tpu.memory_space<vmem>>, vector<16xf32>,
      %mul3A_298 = arith.mulf %select_n3A_293, %get3A_297 : vector<16xf32>
      %add3A_299 = arith.addf %add3A_279, %mul3A_298 : vector<16xf32>
      %get3A_300 = arith.constant 1 : i32
      %get3A_301 = arith.index_cast %get3A_300 : i32 to index
      %get3A_302 = arith.constant 96 : index
      %get3A_303 = tpu.vector_load %arg13[%get3A_301, %get3A_302] {strides = array<i32>} : memref<8x128xi32, #tpu.memory_space<vmem>>, vector<16xi32>,
      %gather3A_304 = tpu.vector_load_idx %arg22[%get3A_303] : memref<1024xf32, #tpu.memory_space<vmem>>[vector<16xi32>], vector<16xf32>,
      %get3A_305 = arith.constant 224 : index
      %get3A_306 = tpu.vector_load %arg14[%get3A_305] {strides = array<i32>} : memref<1024xf32, #tpu.memory_space<vmem>>, vector<16xf32>,
      %mul3A_307 = arith.mulf %broadcast_in_dim3A, %gather3A_304 : vector<16xf32>
      %ge3A_308 = arith.cmpf oge, %get3A_306, %mul3A_307 : vector<16xf32>
      %jit3A_309 = arith.constant 1.000000e+00 : f32
      %jit3A_310 = arith.constant 0.000000e+00 : f32
      %broadcast_in_dim3A_311 = vector.broadcast %jit3A_309 : f32 to vector<16xf32>
      %broadcast_in_dim3A_312 = vector.broadcast %jit3A_310 : f32 to vector<16xf32>
      %select_n3A_313 = arith.select %ge3A_308, %broadcast_in_dim3A_311, %broadcast_in_dim3A_312 : vector<16xi1>, vector<16xf32>
      %swap3A_314 = arith.constant 224 : index
      %swap3A_315 = tpu.vector_load %arg16[%swap3A_314] {strides = array<i32>} : memref<1024xf32, #tpu.memory_space<vmem>>, vector<16xf32>,
      tpu.vector_store %arg16[%swap3A_314], %select_n3A_313 {strides = array<i32>} : memref<1024xf32, #tpu.memory_space<vmem>>, vector<16xf32>,
      %get3A_316 = arith.constant 224 : index
      %get3A_317 = tpu.vector_load %arg15[%get3A_316] {strides = array<i32>} : memref<1024xf32, #tpu.memory_space<vmem>>, vector<16xf32>,
      %mul3A_318 = arith.mulf %select_n3A_313, %get3A_317 : vector<16xf32>
      %add3A_319 = arith.addf %add3A_299, %mul3A_318 : vector<16xf32>
      %get3A_320 = arith.constant 1 : i32
      %get3A_321 = arith.index_cast %get3A_320 : i32 to index
      %get3A_322 = arith.constant 112 : index
      %get3A_323 = tpu.vector_load %arg13[%get3A_321, %get3A_322] {strides = array<i32>} : memref<8x128xi32, #tpu.memory_space<vmem>>, vector<16xi32>,
      %gather3A_324 = tpu.vector_load_idx %arg22[%get3A_323] : memref<1024xf32, #tpu.memory_space<vmem>>[vector<16xi32>], vector<16xf32>,
      %get3A_325 = arith.constant 240 : index
      %get3A_326 = tpu.vector_load %arg14[%get3A_325] {strides = array<i32>} : memref<1024xf32, #tpu.memory_space<vmem>>, vector<16xf32>,
      %mul3A_327 = arith.mulf %broadcast_in_dim3A, %gather3A_324 : vector<16xf32>
      %ge3A_328 = arith.cmpf oge, %get3A_326, %mul3A_327 : vector<16xf32>
      %jit3A_329 = arith.constant 1.000000e+00 : f32
      %jit3A_330 = arith.constant 0.000000e+00 : f32
      %broadcast_in_dim3A_331 = vector.broadcast %jit3A_329 : f32 to vector<16xf32>
      %broadcast_in_dim3A_332 = vector.broadcast %jit3A_330 : f32 to vector<16xf32>
      %select_n3A_333 = arith.select %ge3A_328, %broadcast_in_dim3A_331, %broadcast_in_dim3A_332 : vector<16xi1>, vector<16xf32>
      %swap3A_334 = arith.constant 240 : index
      %swap3A_335 = tpu.vector_load %arg16[%swap3A_334] {strides = array<i32>} : memref<1024xf32, #tpu.memory_space<vmem>>, vector<16xf32>,
      tpu.vector_store %arg16[%swap3A_334], %select_n3A_333 {strides = array<i32>} : memref<1024xf32, #tpu.memory_space<vmem>>, vector<16xf32>,
      %get3A_336 = arith.constant 240 : index
      %get3A_337 = tpu.vector_load %arg15[%get3A_336] {strides = array<i32>} : memref<1024xf32, #tpu.memory_space<vmem>>, vector<16xf32>,
      %mul3A_338 = arith.mulf %select_n3A_333, %get3A_337 : vector<16xf32>
      %add3A_339 = arith.addf %add3A_319, %mul3A_338 : vector<16xf32>
      %get3A_340 = arith.constant 2 : i32
      %get3A_341 = arith.index_cast %get3A_340 : i32 to index
      %get3A_342 = arith.constant 0 : index
      %get3A_343 = tpu.vector_load %arg13[%get3A_341, %get3A_342] {strides = array<i32>} : memref<8x128xi32, #tpu.memory_space<vmem>>, vector<16xi32>,
      %gather3A_344 = tpu.vector_load_idx %arg22[%get3A_343] : memref<1024xf32, #tpu.memory_space<vmem>>[vector<16xi32>], vector<16xf32>,
      %get3A_345 = arith.constant 256 : index
      %get3A_346 = tpu.vector_load %arg14[%get3A_345] {strides = array<i32>} : memref<1024xf32, #tpu.memory_space<vmem>>, vector<16xf32>,
      %mul3A_347 = arith.mulf %broadcast_in_dim3A, %gather3A_344 : vector<16xf32>
      %ge3A_348 = arith.cmpf oge, %get3A_346, %mul3A_347 : vector<16xf32>
      %jit3A_349 = arith.constant 1.000000e+00 : f32
      %jit3A_350 = arith.constant 0.000000e+00 : f32
      %broadcast_in_dim3A_351 = vector.broadcast %jit3A_349 : f32 to vector<16xf32>
      %broadcast_in_dim3A_352 = vector.broadcast %jit3A_350 : f32 to vector<16xf32>
      %select_n3A_353 = arith.select %ge3A_348, %broadcast_in_dim3A_351, %broadcast_in_dim3A_352 : vector<16xi1>, vector<16xf32>
      %swap3A_354 = arith.constant 256 : index
      %swap3A_355 = tpu.vector_load %arg16[%swap3A_354] {strides = array<i32>} : memref<1024xf32, #tpu.memory_space<vmem>>, vector<16xf32>,
      tpu.vector_store %arg16[%swap3A_354], %select_n3A_353 {strides = array<i32>} : memref<1024xf32, #tpu.memory_space<vmem>>, vector<16xf32>,
      %get3A_356 = arith.constant 256 : index
      %get3A_357 = tpu.vector_load %arg15[%get3A_356] {strides = array<i32>} : memref<1024xf32, #tpu.memory_space<vmem>>, vector<16xf32>,
      %mul3A_358 = arith.mulf %select_n3A_353, %get3A_357 : vector<16xf32>
      %add3A_359 = arith.addf %add3A_339, %mul3A_358 : vector<16xf32>
      %get3A_360 = arith.constant 2 : i32
      %get3A_361 = arith.index_cast %get3A_360 : i32 to index
      %get3A_362 = arith.constant 16 : index
      %get3A_363 = tpu.vector_load %arg13[%get3A_361, %get3A_362] {strides = array<i32>} : memref<8x128xi32, #tpu.memory_space<vmem>>, vector<16xi32>,
      %gather3A_364 = tpu.vector_load_idx %arg22[%get3A_363] : memref<1024xf32, #tpu.memory_space<vmem>>[vector<16xi32>], vector<16xf32>,
      %get3A_365 = arith.constant 272 : index
      %get3A_366 = tpu.vector_load %arg14[%get3A_365] {strides = array<i32>} : memref<1024xf32, #tpu.memory_space<vmem>>, vector<16xf32>,
      %mul3A_367 = arith.mulf %broadcast_in_dim3A, %gather3A_364 : vector<16xf32>
      %ge3A_368 = arith.cmpf oge, %get3A_366, %mul3A_367 : vector<16xf32>
      %jit3A_369 = arith.constant 1.000000e+00 : f32
      %jit3A_370 = arith.constant 0.000000e+00 : f32
      %broadcast_in_dim3A_371 = vector.broadcast %jit3A_369 : f32 to vector<16xf32>
      %broadcast_in_dim3A_372 = vector.broadcast %jit3A_370 : f32 to vector<16xf32>
      %select_n3A_373 = arith.select %ge3A_368, %broadcast_in_dim3A_371, %broadcast_in_dim3A_372 : vector<16xi1>, vector<16xf32>
      %swap3A_374 = arith.constant 272 : index
      %swap3A_375 = tpu.vector_load %arg16[%swap3A_374] {strides = array<i32>} : memref<1024xf32, #tpu.memory_space<vmem>>, vector<16xf32>,
      tpu.vector_store %arg16[%swap3A_374], %select_n3A_373 {strides = array<i32>} : memref<1024xf32, #tpu.memory_space<vmem>>, vector<16xf32>,
      %get3A_376 = arith.constant 272 : index
      %get3A_377 = tpu.vector_load %arg15[%get3A_376] {strides = array<i32>} : memref<1024xf32, #tpu.memory_space<vmem>>, vector<16xf32>,
      %mul3A_378 = arith.mulf %select_n3A_373, %get3A_377 : vector<16xf32>
      %add3A_379 = arith.addf %add3A_359, %mul3A_378 : vector<16xf32>
      %get3A_380 = arith.constant 2 : i32
      %get3A_381 = arith.index_cast %get3A_380 : i32 to index
      %get3A_382 = arith.constant 32 : index
      %get3A_383 = tpu.vector_load %arg13[%get3A_381, %get3A_382] {strides = array<i32>} : memref<8x128xi32, #tpu.memory_space<vmem>>, vector<16xi32>,
      %gather3A_384 = tpu.vector_load_idx %arg22[%get3A_383] : memref<1024xf32, #tpu.memory_space<vmem>>[vector<16xi32>], vector<16xf32>,
      %get3A_385 = arith.constant 288 : index
      %get3A_386 = tpu.vector_load %arg14[%get3A_385] {strides = array<i32>} : memref<1024xf32, #tpu.memory_space<vmem>>, vector<16xf32>,
      %mul3A_387 = arith.mulf %broadcast_in_dim3A, %gather3A_384 : vector<16xf32>
      %ge3A_388 = arith.cmpf oge, %get3A_386, %mul3A_387 : vector<16xf32>
      %jit3A_389 = arith.constant 1.000000e+00 : f32
      %jit3A_390 = arith.constant 0.000000e+00 : f32
      %broadcast_in_dim3A_391 = vector.broadcast %jit3A_389 : f32 to vector<16xf32>
      %broadcast_in_dim3A_392 = vector.broadcast %jit3A_390 : f32 to vector<16xf32>
      %select_n3A_393 = arith.select %ge3A_388, %broadcast_in_dim3A_391, %broadcast_in_dim3A_392 : vector<16xi1>, vector<16xf32>
      %swap3A_394 = arith.constant 288 : index
      %swap3A_395 = tpu.vector_load %arg16[%swap3A_394] {strides = array<i32>} : memref<1024xf32, #tpu.memory_space<vmem>>, vector<16xf32>,
      tpu.vector_store %arg16[%swap3A_394], %select_n3A_393 {strides = array<i32>} : memref<1024xf32, #tpu.memory_space<vmem>>, vector<16xf32>,
      %get3A_396 = arith.constant 288 : index
      %get3A_397 = tpu.vector_load %arg15[%get3A_396] {strides = array<i32>} : memref<1024xf32, #tpu.memory_space<vmem>>, vector<16xf32>,
      %mul3A_398 = arith.mulf %select_n3A_393, %get3A_397 : vector<16xf32>
      %add3A_399 = arith.addf %add3A_379, %mul3A_398 : vector<16xf32>
      %get3A_400 = arith.constant 2 : i32
      %get3A_401 = arith.index_cast %get3A_400 : i32 to index
      %get3A_402 = arith.constant 48 : index
      %get3A_403 = tpu.vector_load %arg13[%get3A_401, %get3A_402] {strides = array<i32>} : memref<8x128xi32, #tpu.memory_space<vmem>>, vector<16xi32>,
      %gather3A_404 = tpu.vector_load_idx %arg22[%get3A_403] : memref<1024xf32, #tpu.memory_space<vmem>>[vector<16xi32>], vector<16xf32>,
      %get3A_405 = arith.constant 304 : index
      %get3A_406 = tpu.vector_load %arg14[%get3A_405] {strides = array<i32>} : memref<1024xf32, #tpu.memory_space<vmem>>, vector<16xf32>,
      %mul3A_407 = arith.mulf %broadcast_in_dim3A, %gather3A_404 : vector<16xf32>
      %ge3A_408 = arith.cmpf oge, %get3A_406, %mul3A_407 : vector<16xf32>
      %jit3A_409 = arith.constant 1.000000e+00 : f32
      %jit3A_410 = arith.constant 0.000000e+00 : f32
      %broadcast_in_dim3A_411 = vector.broadcast %jit3A_409 : f32 to vector<16xf32>
      %broadcast_in_dim3A_412 = vector.broadcast %jit3A_410 : f32 to vector<16xf32>
      %select_n3A_413 = arith.select %ge3A_408, %broadcast_in_dim3A_411, %broadcast_in_dim3A_412 : vector<16xi1>, vector<16xf32>
      %swap3A_414 = arith.constant 304 : index
      %swap3A_415 = tpu.vector_load %arg16[%swap3A_414] {strides = array<i32>} : memref<1024xf32, #tpu.memory_space<vmem>>, vector<16xf32>,
      tpu.vector_store %arg16[%swap3A_414], %select_n3A_413 {strides = array<i32>} : memref<1024xf32, #tpu.memory_space<vmem>>, vector<16xf32>,
      %get3A_416 = arith.constant 304 : index
      %get3A_417 = tpu.vector_load %arg15[%get3A_416] {strides = array<i32>} : memref<1024xf32, #tpu.memory_space<vmem>>, vector<16xf32>,
      %mul3A_418 = arith.mulf %select_n3A_413, %get3A_417 : vector<16xf32>
      %add3A_419 = arith.addf %add3A_399, %mul3A_418 : vector<16xf32>
      %get3A_420 = arith.constant 2 : i32
      %get3A_421 = arith.index_cast %get3A_420 : i32 to index
      %get3A_422 = arith.constant 64 : index
      %get3A_423 = tpu.vector_load %arg13[%get3A_421, %get3A_422] {strides = array<i32>} : memref<8x128xi32, #tpu.memory_space<vmem>>, vector<16xi32>,
      %gather3A_424 = tpu.vector_load_idx %arg22[%get3A_423] : memref<1024xf32, #tpu.memory_space<vmem>>[vector<16xi32>], vector<16xf32>,
      %get3A_425 = arith.constant 320 : index
      %get3A_426 = tpu.vector_load %arg14[%get3A_425] {strides = array<i32>} : memref<1024xf32, #tpu.memory_space<vmem>>, vector<16xf32>,
      %mul3A_427 = arith.mulf %broadcast_in_dim3A, %gather3A_424 : vector<16xf32>
      %ge3A_428 = arith.cmpf oge, %get3A_426, %mul3A_427 : vector<16xf32>
      %jit3A_429 = arith.constant 1.000000e+00 : f32
      %jit3A_430 = arith.constant 0.000000e+00 : f32
      %broadcast_in_dim3A_431 = vector.broadcast %jit3A_429 : f32 to vector<16xf32>
      %broadcast_in_dim3A_432 = vector.broadcast %jit3A_430 : f32 to vector<16xf32>
      %select_n3A_433 = arith.select %ge3A_428, %broadcast_in_dim3A_431, %broadcast_in_dim3A_432 : vector<16xi1>, vector<16xf32>
      %swap3A_434 = arith.constant 320 : index
      %swap3A_435 = tpu.vector_load %arg16[%swap3A_434] {strides = array<i32>} : memref<1024xf32, #tpu.memory_space<vmem>>, vector<16xf32>,
      tpu.vector_store %arg16[%swap3A_434], %select_n3A_433 {strides = array<i32>} : memref<1024xf32, #tpu.memory_space<vmem>>, vector<16xf32>,
      %get3A_436 = arith.constant 320 : index
      %get3A_437 = tpu.vector_load %arg15[%get3A_436] {strides = array<i32>} : memref<1024xf32, #tpu.memory_space<vmem>>, vector<16xf32>,
      %mul3A_438 = arith.mulf %select_n3A_433, %get3A_437 : vector<16xf32>
      %add3A_439 = arith.addf %add3A_419, %mul3A_438 : vector<16xf32>
      %get3A_440 = arith.constant 2 : i32
      %get3A_441 = arith.index_cast %get3A_440 : i32 to index
      %get3A_442 = arith.constant 80 : index
      %get3A_443 = tpu.vector_load %arg13[%get3A_441, %get3A_442] {strides = array<i32>} : memref<8x128xi32, #tpu.memory_space<vmem>>, vector<16xi32>,
      %gather3A_444 = tpu.vector_load_idx %arg22[%get3A_443] : memref<1024xf32, #tpu.memory_space<vmem>>[vector<16xi32>], vector<16xf32>,
      %get3A_445 = arith.constant 336 : index
      %get3A_446 = tpu.vector_load %arg14[%get3A_445] {strides = array<i32>} : memref<1024xf32, #tpu.memory_space<vmem>>, vector<16xf32>,
      %mul3A_447 = arith.mulf %broadcast_in_dim3A, %gather3A_444 : vector<16xf32>
      %ge3A_448 = arith.cmpf oge, %get3A_446, %mul3A_447 : vector<16xf32>
      %jit3A_449 = arith.constant 1.000000e+00 : f32
      %jit3A_450 = arith.constant 0.000000e+00 : f32
      %broadcast_in_dim3A_451 = vector.broadcast %jit3A_449 : f32 to vector<16xf32>
      %broadcast_in_dim3A_452 = vector.broadcast %jit3A_450 : f32 to vector<16xf32>
      %select_n3A_453 = arith.select %ge3A_448, %broadcast_in_dim3A_451, %broadcast_in_dim3A_452 : vector<16xi1>, vector<16xf32>
      %swap3A_454 = arith.constant 336 : index
      %swap3A_455 = tpu.vector_load %arg16[%swap3A_454] {strides = array<i32>} : memref<1024xf32, #tpu.memory_space<vmem>>, vector<16xf32>,
      tpu.vector_store %arg16[%swap3A_454], %select_n3A_453 {strides = array<i32>} : memref<1024xf32, #tpu.memory_space<vmem>>, vector<16xf32>,
      %get3A_456 = arith.constant 336 : index
      %get3A_457 = tpu.vector_load %arg15[%get3A_456] {strides = array<i32>} : memref<1024xf32, #tpu.memory_space<vmem>>, vector<16xf32>,
      %mul3A_458 = arith.mulf %select_n3A_453, %get3A_457 : vector<16xf32>
      %add3A_459 = arith.addf %add3A_439, %mul3A_458 : vector<16xf32>
      %get3A_460 = arith.constant 2 : i32
      %get3A_461 = arith.index_cast %get3A_460 : i32 to index
      %get3A_462 = arith.constant 96 : index
      %get3A_463 = tpu.vector_load %arg13[%get3A_461, %get3A_462] {strides = array<i32>} : memref<8x128xi32, #tpu.memory_space<vmem>>, vector<16xi32>,
      %gather3A_464 = tpu.vector_load_idx %arg22[%get3A_463] : memref<1024xf32, #tpu.memory_space<vmem>>[vector<16xi32>], vector<16xf32>,
      %get3A_465 = arith.constant 352 : index
      %get3A_466 = tpu.vector_load %arg14[%get3A_465] {strides = array<i32>} : memref<1024xf32, #tpu.memory_space<vmem>>, vector<16xf32>,
      %mul3A_467 = arith.mulf %broadcast_in_dim3A, %gather3A_464 : vector<16xf32>
      %ge3A_468 = arith.cmpf oge, %get3A_466, %mul3A_467 : vector<16xf32>
      %jit3A_469 = arith.constant 1.000000e+00 : f32
      %jit3A_470 = arith.constant 0.000000e+00 : f32
      %broadcast_in_dim3A_471 = vector.broadcast %jit3A_469 : f32 to vector<16xf32>
      %broadcast_in_dim3A_472 = vector.broadcast %jit3A_470 : f32 to vector<16xf32>
      %select_n3A_473 = arith.select %ge3A_468, %broadcast_in_dim3A_471, %broadcast_in_dim3A_472 : vector<16xi1>, vector<16xf32>
      %swap3A_474 = arith.constant 352 : index
      %swap3A_475 = tpu.vector_load %arg16[%swap3A_474] {strides = array<i32>} : memref<1024xf32, #tpu.memory_space<vmem>>, vector<16xf32>,
      tpu.vector_store %arg16[%swap3A_474], %select_n3A_473 {strides = array<i32>} : memref<1024xf32, #tpu.memory_space<vmem>>, vector<16xf32>,
      %get3A_476 = arith.constant 352 : index
      %get3A_477 = tpu.vector_load %arg15[%get3A_476] {strides = array<i32>} : memref<1024xf32, #tpu.memory_space<vmem>>, vector<16xf32>,
      %mul3A_478 = arith.mulf %select_n3A_473, %get3A_477 : vector<16xf32>
      %add3A_479 = arith.addf %add3A_459, %mul3A_478 : vector<16xf32>
      %get3A_480 = arith.constant 2 : i32
      %get3A_481 = arith.index_cast %get3A_480 : i32 to index
      %get3A_482 = arith.constant 112 : index
      %get3A_483 = tpu.vector_load %arg13[%get3A_481, %get3A_482] {strides = array<i32>} : memref<8x128xi32, #tpu.memory_space<vmem>>, vector<16xi32>,
      %gather3A_484 = tpu.vector_load_idx %arg22[%get3A_483] : memref<1024xf32, #tpu.memory_space<vmem>>[vector<16xi32>], vector<16xf32>,
      %get3A_485 = arith.constant 368 : index
      %get3A_486 = tpu.vector_load %arg14[%get3A_485] {strides = array<i32>} : memref<1024xf32, #tpu.memory_space<vmem>>, vector<16xf32>,
      %mul3A_487 = arith.mulf %broadcast_in_dim3A, %gather3A_484 : vector<16xf32>
      %ge3A_488 = arith.cmpf oge, %get3A_486, %mul3A_487 : vector<16xf32>
      %jit3A_489 = arith.constant 1.000000e+00 : f32
      %jit3A_490 = arith.constant 0.000000e+00 : f32
      %broadcast_in_dim3A_491 = vector.broadcast %jit3A_489 : f32 to vector<16xf32>
      %broadcast_in_dim3A_492 = vector.broadcast %jit3A_490 : f32 to vector<16xf32>
      %select_n3A_493 = arith.select %ge3A_488, %broadcast_in_dim3A_491, %broadcast_in_dim3A_492 : vector<16xi1>, vector<16xf32>
      %swap3A_494 = arith.constant 368 : index
      %swap3A_495 = tpu.vector_load %arg16[%swap3A_494] {strides = array<i32>} : memref<1024xf32, #tpu.memory_space<vmem>>, vector<16xf32>,
      tpu.vector_store %arg16[%swap3A_494], %select_n3A_493 {strides = array<i32>} : memref<1024xf32, #tpu.memory_space<vmem>>, vector<16xf32>,
      %get3A_496 = arith.constant 368 : index
      %get3A_497 = tpu.vector_load %arg15[%get3A_496] {strides = array<i32>} : memref<1024xf32, #tpu.memory_space<vmem>>, vector<16xf32>,
      %mul3A_498 = arith.mulf %select_n3A_493, %get3A_497 : vector<16xf32>
      %add3A_499 = arith.addf %add3A_479, %mul3A_498 : vector<16xf32>
      %get3A_500 = arith.constant 3 : i32
      %get3A_501 = arith.index_cast %get3A_500 : i32 to index
      %get3A_502 = arith.constant 0 : index
      %get3A_503 = tpu.vector_load %arg13[%get3A_501, %get3A_502] {strides = array<i32>} : memref<8x128xi32, #tpu.memory_space<vmem>>, vector<16xi32>,
      %gather3A_504 = tpu.vector_load_idx %arg22[%get3A_503] : memref<1024xf32, #tpu.memory_space<vmem>>[vector<16xi32>], vector<16xf32>,
      %get3A_505 = arith.constant 384 : index
      %get3A_506 = tpu.vector_load %arg14[%get3A_505] {strides = array<i32>} : memref<1024xf32, #tpu.memory_space<vmem>>, vector<16xf32>,
      %mul3A_507 = arith.mulf %broadcast_in_dim3A, %gather3A_504 : vector<16xf32>
      %ge3A_508 = arith.cmpf oge, %get3A_506, %mul3A_507 : vector<16xf32>
      %jit3A_509 = arith.constant 1.000000e+00 : f32
      %jit3A_510 = arith.constant 0.000000e+00 : f32
      %broadcast_in_dim3A_511 = vector.broadcast %jit3A_509 : f32 to vector<16xf32>
      %broadcast_in_dim3A_512 = vector.broadcast %jit3A_510 : f32 to vector<16xf32>
      %select_n3A_513 = arith.select %ge3A_508, %broadcast_in_dim3A_511, %broadcast_in_dim3A_512 : vector<16xi1>, vector<16xf32>
      %swap3A_514 = arith.constant 384 : index
      %swap3A_515 = tpu.vector_load %arg16[%swap3A_514] {strides = array<i32>} : memref<1024xf32, #tpu.memory_space<vmem>>, vector<16xf32>,
      tpu.vector_store %arg16[%swap3A_514], %select_n3A_513 {strides = array<i32>} : memref<1024xf32, #tpu.memory_space<vmem>>, vector<16xf32>,
      %get3A_516 = arith.constant 384 : index
      %get3A_517 = tpu.vector_load %arg15[%get3A_516] {strides = array<i32>} : memref<1024xf32, #tpu.memory_space<vmem>>, vector<16xf32>,
      %mul3A_518 = arith.mulf %select_n3A_513, %get3A_517 : vector<16xf32>
      %add3A_519 = arith.addf %add3A_499, %mul3A_518 : vector<16xf32>
      %get3A_520 = arith.constant 3 : i32
      %get3A_521 = arith.index_cast %get3A_520 : i32 to index
      %get3A_522 = arith.constant 16 : index
      %get3A_523 = tpu.vector_load %arg13[%get3A_521, %get3A_522] {strides = array<i32>} : memref<8x128xi32, #tpu.memory_space<vmem>>, vector<16xi32>,
      %gather3A_524 = tpu.vector_load_idx %arg22[%get3A_523] : memref<1024xf32, #tpu.memory_space<vmem>>[vector<16xi32>], vector<16xf32>,
      %get3A_525 = arith.constant 400 : index
      %get3A_526 = tpu.vector_load %arg14[%get3A_525] {strides = array<i32>} : memref<1024xf32, #tpu.memory_space<vmem>>, vector<16xf32>,
      %mul3A_527 = arith.mulf %broadcast_in_dim3A, %gather3A_524 : vector<16xf32>
      %ge3A_528 = arith.cmpf oge, %get3A_526, %mul3A_527 : vector<16xf32>
      %jit3A_529 = arith.constant 1.000000e+00 : f32
      %jit3A_530 = arith.constant 0.000000e+00 : f32
      %broadcast_in_dim3A_531 = vector.broadcast %jit3A_529 : f32 to vector<16xf32>
      %broadcast_in_dim3A_532 = vector.broadcast %jit3A_530 : f32 to vector<16xf32>
      %select_n3A_533 = arith.select %ge3A_528, %broadcast_in_dim3A_531, %broadcast_in_dim3A_532 : vector<16xi1>, vector<16xf32>
      %swap3A_534 = arith.constant 400 : index
      %swap3A_535 = tpu.vector_load %arg16[%swap3A_534] {strides = array<i32>} : memref<1024xf32, #tpu.memory_space<vmem>>, vector<16xf32>,
      tpu.vector_store %arg16[%swap3A_534], %select_n3A_533 {strides = array<i32>} : memref<1024xf32, #tpu.memory_space<vmem>>, vector<16xf32>,
      %get3A_536 = arith.constant 400 : index
      %get3A_537 = tpu.vector_load %arg15[%get3A_536] {strides = array<i32>} : memref<1024xf32, #tpu.memory_space<vmem>>, vector<16xf32>,
      %mul3A_538 = arith.mulf %select_n3A_533, %get3A_537 : vector<16xf32>
      %add3A_539 = arith.addf %add3A_519, %mul3A_538 : vector<16xf32>
      %get3A_540 = arith.constant 3 : i32
      %get3A_541 = arith.index_cast %get3A_540 : i32 to index
      %get3A_542 = arith.constant 32 : index
      %get3A_543 = tpu.vector_load %arg13[%get3A_541, %get3A_542] {strides = array<i32>} : memref<8x128xi32, #tpu.memory_space<vmem>>, vector<16xi32>,
      %gather3A_544 = tpu.vector_load_idx %arg22[%get3A_543] : memref<1024xf32, #tpu.memory_space<vmem>>[vector<16xi32>], vector<16xf32>,
      %get3A_545 = arith.constant 416 : index
      %get3A_546 = tpu.vector_load %arg14[%get3A_545] {strides = array<i32>} : memref<1024xf32, #tpu.memory_space<vmem>>, vector<16xf32>,
      %mul3A_547 = arith.mulf %broadcast_in_dim3A, %gather3A_544 : vector<16xf32>
      %ge3A_548 = arith.cmpf oge, %get3A_546, %mul3A_547 : vector<16xf32>
      %jit3A_549 = arith.constant 1.000000e+00 : f32
      %jit3A_550 = arith.constant 0.000000e+00 : f32
      %broadcast_in_dim3A_551 = vector.broadcast %jit3A_549 : f32 to vector<16xf32>
      %broadcast_in_dim3A_552 = vector.broadcast %jit3A_550 : f32 to vector<16xf32>
      %select_n3A_553 = arith.select %ge3A_548, %broadcast_in_dim3A_551, %broadcast_in_dim3A_552 : vector<16xi1>, vector<16xf32>
      %swap3A_554 = arith.constant 416 : index
      %swap3A_555 = tpu.vector_load %arg16[%swap3A_554] {strides = array<i32>} : memref<1024xf32, #tpu.memory_space<vmem>>, vector<16xf32>,
      tpu.vector_store %arg16[%swap3A_554], %select_n3A_553 {strides = array<i32>} : memref<1024xf32, #tpu.memory_space<vmem>>, vector<16xf32>,
      %get3A_556 = arith.constant 416 : index
      %get3A_557 = tpu.vector_load %arg15[%get3A_556] {strides = array<i32>} : memref<1024xf32, #tpu.memory_space<vmem>>, vector<16xf32>,
      %mul3A_558 = arith.mulf %select_n3A_553, %get3A_557 : vector<16xf32>
      %add3A_559 = arith.addf %add3A_539, %mul3A_558 : vector<16xf32>
      %get3A_560 = arith.constant 3 : i32
      %get3A_561 = arith.index_cast %get3A_560 : i32 to index
      %get3A_562 = arith.constant 48 : index
      %get3A_563 = tpu.vector_load %arg13[%get3A_561, %get3A_562] {strides = array<i32>} : memref<8x128xi32, #tpu.memory_space<vmem>>, vector<16xi32>,
      %gather3A_564 = tpu.vector_load_idx %arg22[%get3A_563] : memref<1024xf32, #tpu.memory_space<vmem>>[vector<16xi32>], vector<16xf32>,
      %get3A_565 = arith.constant 432 : index
      %get3A_566 = tpu.vector_load %arg14[%get3A_565] {strides = array<i32>} : memref<1024xf32, #tpu.memory_space<vmem>>, vector<16xf32>,
      %mul3A_567 = arith.mulf %broadcast_in_dim3A, %gather3A_564 : vector<16xf32>
      %ge3A_568 = arith.cmpf oge, %get3A_566, %mul3A_567 : vector<16xf32>
      %jit3A_569 = arith.constant 1.000000e+00 : f32
      %jit3A_570 = arith.constant 0.000000e+00 : f32
      %broadcast_in_dim3A_571 = vector.broadcast %jit3A_569 : f32 to vector<16xf32>
      %broadcast_in_dim3A_572 = vector.broadcast %jit3A_570 : f32 to vector<16xf32>
      %select_n3A_573 = arith.select %ge3A_568, %broadcast_in_dim3A_571, %broadcast_in_dim3A_572 : vector<16xi1>, vector<16xf32>
      %swap3A_574 = arith.constant 432 : index
      %swap3A_575 = tpu.vector_load %arg16[%swap3A_574] {strides = array<i32>} : memref<1024xf32, #tpu.memory_space<vmem>>, vector<16xf32>,
      tpu.vector_store %arg16[%swap3A_574], %select_n3A_573 {strides = array<i32>} : memref<1024xf32, #tpu.memory_space<vmem>>, vector<16xf32>,
      %get3A_576 = arith.constant 432 : index
      %get3A_577 = tpu.vector_load %arg15[%get3A_576] {strides = array<i32>} : memref<1024xf32, #tpu.memory_space<vmem>>, vector<16xf32>,
      %mul3A_578 = arith.mulf %select_n3A_573, %get3A_577 : vector<16xf32>
      %add3A_579 = arith.addf %add3A_559, %mul3A_578 : vector<16xf32>
      %get3A_580 = arith.constant 3 : i32
      %get3A_581 = arith.index_cast %get3A_580 : i32 to index
      %get3A_582 = arith.constant 64 : index
      %get3A_583 = tpu.vector_load %arg13[%get3A_581, %get3A_582] {strides = array<i32>} : memref<8x128xi32, #tpu.memory_space<vmem>>, vector<16xi32>,
      %gather3A_584 = tpu.vector_load_idx %arg22[%get3A_583] : memref<1024xf32, #tpu.memory_space<vmem>>[vector<16xi32>], vector<16xf32>,
      %get3A_585 = arith.constant 448 : index
      %get3A_586 = tpu.vector_load %arg14[%get3A_585] {strides = array<i32>} : memref<1024xf32, #tpu.memory_space<vmem>>, vector<16xf32>,
      %mul3A_587 = arith.mulf %broadcast_in_dim3A, %gather3A_584 : vector<16xf32>
      %ge3A_588 = arith.cmpf oge, %get3A_586, %mul3A_587 : vector<16xf32>
      %jit3A_589 = arith.constant 1.000000e+00 : f32
      %jit3A_590 = arith.constant 0.000000e+00 : f32
      %broadcast_in_dim3A_591 = vector.broadcast %jit3A_589 : f32 to vector<16xf32>
      %broadcast_in_dim3A_592 = vector.broadcast %jit3A_590 : f32 to vector<16xf32>
      %select_n3A_593 = arith.select %ge3A_588, %broadcast_in_dim3A_591, %broadcast_in_dim3A_592 : vector<16xi1>, vector<16xf32>
      %swap3A_594 = arith.constant 448 : index
      %swap3A_595 = tpu.vector_load %arg16[%swap3A_594] {strides = array<i32>} : memref<1024xf32, #tpu.memory_space<vmem>>, vector<16xf32>,
      tpu.vector_store %arg16[%swap3A_594], %select_n3A_593 {strides = array<i32>} : memref<1024xf32, #tpu.memory_space<vmem>>, vector<16xf32>,
      %get3A_596 = arith.constant 448 : index
      %get3A_597 = tpu.vector_load %arg15[%get3A_596] {strides = array<i32>} : memref<1024xf32, #tpu.memory_space<vmem>>, vector<16xf32>,
      %mul3A_598 = arith.mulf %select_n3A_593, %get3A_597 : vector<16xf32>
      %add3A_599 = arith.addf %add3A_579, %mul3A_598 : vector<16xf32>
      %get3A_600 = arith.constant 3 : i32
      %get3A_601 = arith.index_cast %get3A_600 : i32 to index
      %get3A_602 = arith.constant 80 : index
      %get3A_603 = tpu.vector_load %arg13[%get3A_601, %get3A_602] {strides = array<i32>} : memref<8x128xi32, #tpu.memory_space<vmem>>, vector<16xi32>,
      %gather3A_604 = tpu.vector_load_idx %arg22[%get3A_603] : memref<1024xf32, #tpu.memory_space<vmem>>[vector<16xi32>], vector<16xf32>,
      %get3A_605 = arith.constant 464 : index
      %get3A_606 = tpu.vector_load %arg14[%get3A_605] {strides = array<i32>} : memref<1024xf32, #tpu.memory_space<vmem>>, vector<16xf32>,
      %mul3A_607 = arith.mulf %broadcast_in_dim3A, %gather3A_604 : vector<16xf32>
      %ge3A_608 = arith.cmpf oge, %get3A_606, %mul3A_607 : vector<16xf32>
      %jit3A_609 = arith.constant 1.000000e+00 : f32
      %jit3A_610 = arith.constant 0.000000e+00 : f32
      %broadcast_in_dim3A_611 = vector.broadcast %jit3A_609 : f32 to vector<16xf32>
      %broadcast_in_dim3A_612 = vector.broadcast %jit3A_610 : f32 to vector<16xf32>
      %select_n3A_613 = arith.select %ge3A_608, %broadcast_in_dim3A_611, %broadcast_in_dim3A_612 : vector<16xi1>, vector<16xf32>
      %swap3A_614 = arith.constant 464 : index
      %swap3A_615 = tpu.vector_load %arg16[%swap3A_614] {strides = array<i32>} : memref<1024xf32, #tpu.memory_space<vmem>>, vector<16xf32>,
      tpu.vector_store %arg16[%swap3A_614], %select_n3A_613 {strides = array<i32>} : memref<1024xf32, #tpu.memory_space<vmem>>, vector<16xf32>,
      %get3A_616 = arith.constant 464 : index
      %get3A_617 = tpu.vector_load %arg15[%get3A_616] {strides = array<i32>} : memref<1024xf32, #tpu.memory_space<vmem>>, vector<16xf32>,
      %mul3A_618 = arith.mulf %select_n3A_613, %get3A_617 : vector<16xf32>
      %add3A_619 = arith.addf %add3A_599, %mul3A_618 : vector<16xf32>
      %get3A_620 = arith.constant 3 : i32
      %get3A_621 = arith.index_cast %get3A_620 : i32 to index
      %get3A_622 = arith.constant 96 : index
      %get3A_623 = tpu.vector_load %arg13[%get3A_621, %get3A_622] {strides = array<i32>} : memref<8x128xi32, #tpu.memory_space<vmem>>, vector<16xi32>,
      %gather3A_624 = tpu.vector_load_idx %arg22[%get3A_623] : memref<1024xf32, #tpu.memory_space<vmem>>[vector<16xi32>], vector<16xf32>,
      %get3A_625 = arith.constant 480 : index
      %get3A_626 = tpu.vector_load %arg14[%get3A_625] {strides = array<i32>} : memref<1024xf32, #tpu.memory_space<vmem>>, vector<16xf32>,
      %mul3A_627 = arith.mulf %broadcast_in_dim3A, %gather3A_624 : vector<16xf32>
      %ge3A_628 = arith.cmpf oge, %get3A_626, %mul3A_627 : vector<16xf32>
      %jit3A_629 = arith.constant 1.000000e+00 : f32
      %jit3A_630 = arith.constant 0.000000e+00 : f32
      %broadcast_in_dim3A_631 = vector.broadcast %jit3A_629 : f32 to vector<16xf32>
      %broadcast_in_dim3A_632 = vector.broadcast %jit3A_630 : f32 to vector<16xf32>
      %select_n3A_633 = arith.select %ge3A_628, %broadcast_in_dim3A_631, %broadcast_in_dim3A_632 : vector<16xi1>, vector<16xf32>
      %swap3A_634 = arith.constant 480 : index
      %swap3A_635 = tpu.vector_load %arg16[%swap3A_634] {strides = array<i32>} : memref<1024xf32, #tpu.memory_space<vmem>>, vector<16xf32>,
      tpu.vector_store %arg16[%swap3A_634], %select_n3A_633 {strides = array<i32>} : memref<1024xf32, #tpu.memory_space<vmem>>, vector<16xf32>,
      %get3A_636 = arith.constant 480 : index
      %get3A_637 = tpu.vector_load %arg15[%get3A_636] {strides = array<i32>} : memref<1024xf32, #tpu.memory_space<vmem>>, vector<16xf32>,
      %mul3A_638 = arith.mulf %select_n3A_633, %get3A_637 : vector<16xf32>
      %add3A_639 = arith.addf %add3A_619, %mul3A_638 : vector<16xf32>
      %get3A_640 = arith.constant 3 : i32
      %get3A_641 = arith.index_cast %get3A_640 : i32 to index
      %get3A_642 = arith.constant 112 : index
      %get3A_643 = tpu.vector_load %arg13[%get3A_641, %get3A_642] {strides = array<i32>} : memref<8x128xi32, #tpu.memory_space<vmem>>, vector<16xi32>,
      %gather3A_644 = tpu.vector_load_idx %arg22[%get3A_643] : memref<1024xf32, #tpu.memory_space<vmem>>[vector<16xi32>], vector<16xf32>,
      %get3A_645 = arith.constant 496 : index
      %get3A_646 = tpu.vector_load %arg14[%get3A_645] {strides = array<i32>} : memref<1024xf32, #tpu.memory_space<vmem>>, vector<16xf32>,
      %mul3A_647 = arith.mulf %broadcast_in_dim3A, %gather3A_644 : vector<16xf32>
      %ge3A_648 = arith.cmpf oge, %get3A_646, %mul3A_647 : vector<16xf32>
      %jit3A_649 = arith.constant 1.000000e+00 : f32
      %jit3A_650 = arith.constant 0.000000e+00 : f32
      %broadcast_in_dim3A_651 = vector.broadcast %jit3A_649 : f32 to vector<16xf32>
      %broadcast_in_dim3A_652 = vector.broadcast %jit3A_650 : f32 to vector<16xf32>
      %select_n3A_653 = arith.select %ge3A_648, %broadcast_in_dim3A_651, %broadcast_in_dim3A_652 : vector<16xi1>, vector<16xf32>
      %swap3A_654 = arith.constant 496 : index
      %swap3A_655 = tpu.vector_load %arg16[%swap3A_654] {strides = array<i32>} : memref<1024xf32, #tpu.memory_space<vmem>>, vector<16xf32>,
      tpu.vector_store %arg16[%swap3A_654], %select_n3A_653 {strides = array<i32>} : memref<1024xf32, #tpu.memory_space<vmem>>, vector<16xf32>,
      %get3A_656 = arith.constant 496 : index
      %get3A_657 = tpu.vector_load %arg15[%get3A_656] {strides = array<i32>} : memref<1024xf32, #tpu.memory_space<vmem>>, vector<16xf32>,
      %mul3A_658 = arith.mulf %select_n3A_653, %get3A_657 : vector<16xf32>
      %add3A_659 = arith.addf %add3A_639, %mul3A_658 : vector<16xf32>
      %get3A_660 = arith.constant 4 : i32
      %get3A_661 = arith.index_cast %get3A_660 : i32 to index
      %get3A_662 = arith.constant 0 : index
      %get3A_663 = tpu.vector_load %arg13[%get3A_661, %get3A_662] {strides = array<i32>} : memref<8x128xi32, #tpu.memory_space<vmem>>, vector<16xi32>,
      %gather3A_664 = tpu.vector_load_idx %arg22[%get3A_663] : memref<1024xf32, #tpu.memory_space<vmem>>[vector<16xi32>], vector<16xf32>,
      %get3A_665 = arith.constant 512 : index
      %get3A_666 = tpu.vector_load %arg14[%get3A_665] {strides = array<i32>} : memref<1024xf32, #tpu.memory_space<vmem>>, vector<16xf32>,
      %mul3A_667 = arith.mulf %broadcast_in_dim3A, %gather3A_664 : vector<16xf32>
      %ge3A_668 = arith.cmpf oge, %get3A_666, %mul3A_667 : vector<16xf32>
      %jit3A_669 = arith.constant 1.000000e+00 : f32
      %jit3A_670 = arith.constant 0.000000e+00 : f32
      %broadcast_in_dim3A_671 = vector.broadcast %jit3A_669 : f32 to vector<16xf32>
      %broadcast_in_dim3A_672 = vector.broadcast %jit3A_670 : f32 to vector<16xf32>
      %select_n3A_673 = arith.select %ge3A_668, %broadcast_in_dim3A_671, %broadcast_in_dim3A_672 : vector<16xi1>, vector<16xf32>
      %swap3A_674 = arith.constant 512 : index
      %swap3A_675 = tpu.vector_load %arg16[%swap3A_674] {strides = array<i32>} : memref<1024xf32, #tpu.memory_space<vmem>>, vector<16xf32>,
      tpu.vector_store %arg16[%swap3A_674], %select_n3A_673 {strides = array<i32>} : memref<1024xf32, #tpu.memory_space<vmem>>, vector<16xf32>,
      %get3A_676 = arith.constant 512 : index
      %get3A_677 = tpu.vector_load %arg15[%get3A_676] {strides = array<i32>} : memref<1024xf32, #tpu.memory_space<vmem>>, vector<16xf32>,
      %mul3A_678 = arith.mulf %select_n3A_673, %get3A_677 : vector<16xf32>
      %add3A_679 = arith.addf %add3A_659, %mul3A_678 : vector<16xf32>
      %get3A_680 = arith.constant 4 : i32
      %get3A_681 = arith.index_cast %get3A_680 : i32 to index
      %get3A_682 = arith.constant 16 : index
      %get3A_683 = tpu.vector_load %arg13[%get3A_681, %get3A_682] {strides = array<i32>} : memref<8x128xi32, #tpu.memory_space<vmem>>, vector<16xi32>,
      %gather3A_684 = tpu.vector_load_idx %arg22[%get3A_683] : memref<1024xf32, #tpu.memory_space<vmem>>[vector<16xi32>], vector<16xf32>,
      %get3A_685 = arith.constant 528 : index
      %get3A_686 = tpu.vector_load %arg14[%get3A_685] {strides = array<i32>} : memref<1024xf32, #tpu.memory_space<vmem>>, vector<16xf32>,
      %mul3A_687 = arith.mulf %broadcast_in_dim3A, %gather3A_684 : vector<16xf32>
      %ge3A_688 = arith.cmpf oge, %get3A_686, %mul3A_687 : vector<16xf32>
      %jit3A_689 = arith.constant 1.000000e+00 : f32
      %jit3A_690 = arith.constant 0.000000e+00 : f32
      %broadcast_in_dim3A_691 = vector.broadcast %jit3A_689 : f32 to vector<16xf32>
      %broadcast_in_dim3A_692 = vector.broadcast %jit3A_690 : f32 to vector<16xf32>
      %select_n3A_693 = arith.select %ge3A_688, %broadcast_in_dim3A_691, %broadcast_in_dim3A_692 : vector<16xi1>, vector<16xf32>
      %swap3A_694 = arith.constant 528 : index
      %swap3A_695 = tpu.vector_load %arg16[%swap3A_694] {strides = array<i32>} : memref<1024xf32, #tpu.memory_space<vmem>>, vector<16xf32>,
      tpu.vector_store %arg16[%swap3A_694], %select_n3A_693 {strides = array<i32>} : memref<1024xf32, #tpu.memory_space<vmem>>, vector<16xf32>,
      %get3A_696 = arith.constant 528 : index
      %get3A_697 = tpu.vector_load %arg15[%get3A_696] {strides = array<i32>} : memref<1024xf32, #tpu.memory_space<vmem>>, vector<16xf32>,
      %mul3A_698 = arith.mulf %select_n3A_693, %get3A_697 : vector<16xf32>
      %add3A_699 = arith.addf %add3A_679, %mul3A_698 : vector<16xf32>
      %get3A_700 = arith.constant 4 : i32
      %get3A_701 = arith.index_cast %get3A_700 : i32 to index
      %get3A_702 = arith.constant 32 : index
      %get3A_703 = tpu.vector_load %arg13[%get3A_701, %get3A_702] {strides = array<i32>} : memref<8x128xi32, #tpu.memory_space<vmem>>, vector<16xi32>,
      %gather3A_704 = tpu.vector_load_idx %arg22[%get3A_703] : memref<1024xf32, #tpu.memory_space<vmem>>[vector<16xi32>], vector<16xf32>,
      %get3A_705 = arith.constant 544 : index
      %get3A_706 = tpu.vector_load %arg14[%get3A_705] {strides = array<i32>} : memref<1024xf32, #tpu.memory_space<vmem>>, vector<16xf32>,
      %mul3A_707 = arith.mulf %broadcast_in_dim3A, %gather3A_704 : vector<16xf32>
      %ge3A_708 = arith.cmpf oge, %get3A_706, %mul3A_707 : vector<16xf32>
      %jit3A_709 = arith.constant 1.000000e+00 : f32
      %jit3A_710 = arith.constant 0.000000e+00 : f32
      %broadcast_in_dim3A_711 = vector.broadcast %jit3A_709 : f32 to vector<16xf32>
      %broadcast_in_dim3A_712 = vector.broadcast %jit3A_710 : f32 to vector<16xf32>
      %select_n3A_713 = arith.select %ge3A_708, %broadcast_in_dim3A_711, %broadcast_in_dim3A_712 : vector<16xi1>, vector<16xf32>
      %swap3A_714 = arith.constant 544 : index
      %swap3A_715 = tpu.vector_load %arg16[%swap3A_714] {strides = array<i32>} : memref<1024xf32, #tpu.memory_space<vmem>>, vector<16xf32>,
      tpu.vector_store %arg16[%swap3A_714], %select_n3A_713 {strides = array<i32>} : memref<1024xf32, #tpu.memory_space<vmem>>, vector<16xf32>,
      %get3A_716 = arith.constant 544 : index
      %get3A_717 = tpu.vector_load %arg15[%get3A_716] {strides = array<i32>} : memref<1024xf32, #tpu.memory_space<vmem>>, vector<16xf32>,
      %mul3A_718 = arith.mulf %select_n3A_713, %get3A_717 : vector<16xf32>
      %add3A_719 = arith.addf %add3A_699, %mul3A_718 : vector<16xf32>
      %get3A_720 = arith.constant 4 : i32
      %get3A_721 = arith.index_cast %get3A_720 : i32 to index
      %get3A_722 = arith.constant 48 : index
      %get3A_723 = tpu.vector_load %arg13[%get3A_721, %get3A_722] {strides = array<i32>} : memref<8x128xi32, #tpu.memory_space<vmem>>, vector<16xi32>,
      %gather3A_724 = tpu.vector_load_idx %arg22[%get3A_723] : memref<1024xf32, #tpu.memory_space<vmem>>[vector<16xi32>], vector<16xf32>,
      %get3A_725 = arith.constant 560 : index
      %get3A_726 = tpu.vector_load %arg14[%get3A_725] {strides = array<i32>} : memref<1024xf32, #tpu.memory_space<vmem>>, vector<16xf32>,
      %mul3A_727 = arith.mulf %broadcast_in_dim3A, %gather3A_724 : vector<16xf32>
      %ge3A_728 = arith.cmpf oge, %get3A_726, %mul3A_727 : vector<16xf32>
      %jit3A_729 = arith.constant 1.000000e+00 : f32
      %jit3A_730 = arith.constant 0.000000e+00 : f32
      %broadcast_in_dim3A_731 = vector.broadcast %jit3A_729 : f32 to vector<16xf32>
      %broadcast_in_dim3A_732 = vector.broadcast %jit3A_730 : f32 to vector<16xf32>
      %select_n3A_733 = arith.select %ge3A_728, %broadcast_in_dim3A_731, %broadcast_in_dim3A_732 : vector<16xi1>, vector<16xf32>
      %swap3A_734 = arith.constant 560 : index
      %swap3A_735 = tpu.vector_load %arg16[%swap3A_734] {strides = array<i32>} : memref<1024xf32, #tpu.memory_space<vmem>>, vector<16xf32>,
      tpu.vector_store %arg16[%swap3A_734], %select_n3A_733 {strides = array<i32>} : memref<1024xf32, #tpu.memory_space<vmem>>, vector<16xf32>,
      %get3A_736 = arith.constant 560 : index
      %get3A_737 = tpu.vector_load %arg15[%get3A_736] {strides = array<i32>} : memref<1024xf32, #tpu.memory_space<vmem>>, vector<16xf32>,
      %mul3A_738 = arith.mulf %select_n3A_733, %get3A_737 : vector<16xf32>
      %add3A_739 = arith.addf %add3A_719, %mul3A_738 : vector<16xf32>
      %get3A_740 = arith.constant 4 : i32
      %get3A_741 = arith.index_cast %get3A_740 : i32 to index
      %get3A_742 = arith.constant 64 : index
      %get3A_743 = tpu.vector_load %arg13[%get3A_741, %get3A_742] {strides = array<i32>} : memref<8x128xi32, #tpu.memory_space<vmem>>, vector<16xi32>,
      %gather3A_744 = tpu.vector_load_idx %arg22[%get3A_743] : memref<1024xf32, #tpu.memory_space<vmem>>[vector<16xi32>], vector<16xf32>,
      %get3A_745 = arith.constant 576 : index
      %get3A_746 = tpu.vector_load %arg14[%get3A_745] {strides = array<i32>} : memref<1024xf32, #tpu.memory_space<vmem>>, vector<16xf32>,
      %mul3A_747 = arith.mulf %broadcast_in_dim3A, %gather3A_744 : vector<16xf32>
      %ge3A_748 = arith.cmpf oge, %get3A_746, %mul3A_747 : vector<16xf32>
      %jit3A_749 = arith.constant 1.000000e+00 : f32
      %jit3A_750 = arith.constant 0.000000e+00 : f32
      %broadcast_in_dim3A_751 = vector.broadcast %jit3A_749 : f32 to vector<16xf32>
      %broadcast_in_dim3A_752 = vector.broadcast %jit3A_750 : f32 to vector<16xf32>
      %select_n3A_753 = arith.select %ge3A_748, %broadcast_in_dim3A_751, %broadcast_in_dim3A_752 : vector<16xi1>, vector<16xf32>
      %swap3A_754 = arith.constant 576 : index
      %swap3A_755 = tpu.vector_load %arg16[%swap3A_754] {strides = array<i32>} : memref<1024xf32, #tpu.memory_space<vmem>>, vector<16xf32>,
      tpu.vector_store %arg16[%swap3A_754], %select_n3A_753 {strides = array<i32>} : memref<1024xf32, #tpu.memory_space<vmem>>, vector<16xf32>,
      %get3A_756 = arith.constant 576 : index
      %get3A_757 = tpu.vector_load %arg15[%get3A_756] {strides = array<i32>} : memref<1024xf32, #tpu.memory_space<vmem>>, vector<16xf32>,
      %mul3A_758 = arith.mulf %select_n3A_753, %get3A_757 : vector<16xf32>
      %add3A_759 = arith.addf %add3A_739, %mul3A_758 : vector<16xf32>
      %get3A_760 = arith.constant 4 : i32
      %get3A_761 = arith.index_cast %get3A_760 : i32 to index
      %get3A_762 = arith.constant 80 : index
      %get3A_763 = tpu.vector_load %arg13[%get3A_761, %get3A_762] {strides = array<i32>} : memref<8x128xi32, #tpu.memory_space<vmem>>, vector<16xi32>,
      %gather3A_764 = tpu.vector_load_idx %arg22[%get3A_763] : memref<1024xf32, #tpu.memory_space<vmem>>[vector<16xi32>], vector<16xf32>,
      %get3A_765 = arith.constant 592 : index
      %get3A_766 = tpu.vector_load %arg14[%get3A_765] {strides = array<i32>} : memref<1024xf32, #tpu.memory_space<vmem>>, vector<16xf32>,
      %mul3A_767 = arith.mulf %broadcast_in_dim3A, %gather3A_764 : vector<16xf32>
      %ge3A_768 = arith.cmpf oge, %get3A_766, %mul3A_767 : vector<16xf32>
      %jit3A_769 = arith.constant 1.000000e+00 : f32
      %jit3A_770 = arith.constant 0.000000e+00 : f32
      %broadcast_in_dim3A_771 = vector.broadcast %jit3A_769 : f32 to vector<16xf32>
      %broadcast_in_dim3A_772 = vector.broadcast %jit3A_770 : f32 to vector<16xf32>
      %select_n3A_773 = arith.select %ge3A_768, %broadcast_in_dim3A_771, %broadcast_in_dim3A_772 : vector<16xi1>, vector<16xf32>
      %swap3A_774 = arith.constant 592 : index
      %swap3A_775 = tpu.vector_load %arg16[%swap3A_774] {strides = array<i32>} : memref<1024xf32, #tpu.memory_space<vmem>>, vector<16xf32>,
      tpu.vector_store %arg16[%swap3A_774], %select_n3A_773 {strides = array<i32>} : memref<1024xf32, #tpu.memory_space<vmem>>, vector<16xf32>,
      %get3A_776 = arith.constant 592 : index
      %get3A_777 = tpu.vector_load %arg15[%get3A_776] {strides = array<i32>} : memref<1024xf32, #tpu.memory_space<vmem>>, vector<16xf32>,
      %mul3A_778 = arith.mulf %select_n3A_773, %get3A_777 : vector<16xf32>
      %add3A_779 = arith.addf %add3A_759, %mul3A_778 : vector<16xf32>
      %get3A_780 = arith.constant 4 : i32
      %get3A_781 = arith.index_cast %get3A_780 : i32 to index
      %get3A_782 = arith.constant 96 : index
      %get3A_783 = tpu.vector_load %arg13[%get3A_781, %get3A_782] {strides = array<i32>} : memref<8x128xi32, #tpu.memory_space<vmem>>, vector<16xi32>,
      %gather3A_784 = tpu.vector_load_idx %arg22[%get3A_783] : memref<1024xf32, #tpu.memory_space<vmem>>[vector<16xi32>], vector<16xf32>,
      %get3A_785 = arith.constant 608 : index
      %get3A_786 = tpu.vector_load %arg14[%get3A_785] {strides = array<i32>} : memref<1024xf32, #tpu.memory_space<vmem>>, vector<16xf32>,
      %mul3A_787 = arith.mulf %broadcast_in_dim3A, %gather3A_784 : vector<16xf32>
      %ge3A_788 = arith.cmpf oge, %get3A_786, %mul3A_787 : vector<16xf32>
      %jit3A_789 = arith.constant 1.000000e+00 : f32
      %jit3A_790 = arith.constant 0.000000e+00 : f32
      %broadcast_in_dim3A_791 = vector.broadcast %jit3A_789 : f32 to vector<16xf32>
      %broadcast_in_dim3A_792 = vector.broadcast %jit3A_790 : f32 to vector<16xf32>
      %select_n3A_793 = arith.select %ge3A_788, %broadcast_in_dim3A_791, %broadcast_in_dim3A_792 : vector<16xi1>, vector<16xf32>
      %swap3A_794 = arith.constant 608 : index
      %swap3A_795 = tpu.vector_load %arg16[%swap3A_794] {strides = array<i32>} : memref<1024xf32, #tpu.memory_space<vmem>>, vector<16xf32>,
      tpu.vector_store %arg16[%swap3A_794], %select_n3A_793 {strides = array<i32>} : memref<1024xf32, #tpu.memory_space<vmem>>, vector<16xf32>,
      %get3A_796 = arith.constant 608 : index
      %get3A_797 = tpu.vector_load %arg15[%get3A_796] {strides = array<i32>} : memref<1024xf32, #tpu.memory_space<vmem>>, vector<16xf32>,
      %mul3A_798 = arith.mulf %select_n3A_793, %get3A_797 : vector<16xf32>
      %add3A_799 = arith.addf %add3A_779, %mul3A_798 : vector<16xf32>
      %get3A_800 = arith.constant 4 : i32
      %get3A_801 = arith.index_cast %get3A_800 : i32 to index
      %get3A_802 = arith.constant 112 : index
      %get3A_803 = tpu.vector_load %arg13[%get3A_801, %get3A_802] {strides = array<i32>} : memref<8x128xi32, #tpu.memory_space<vmem>>, vector<16xi32>,
      %gather3A_804 = tpu.vector_load_idx %arg22[%get3A_803] : memref<1024xf32, #tpu.memory_space<vmem>>[vector<16xi32>], vector<16xf32>,
      %get3A_805 = arith.constant 624 : index
      %get3A_806 = tpu.vector_load %arg14[%get3A_805] {strides = array<i32>} : memref<1024xf32, #tpu.memory_space<vmem>>, vector<16xf32>,
      %mul3A_807 = arith.mulf %broadcast_in_dim3A, %gather3A_804 : vector<16xf32>
      %ge3A_808 = arith.cmpf oge, %get3A_806, %mul3A_807 : vector<16xf32>
      %jit3A_809 = arith.constant 1.000000e+00 : f32
      %jit3A_810 = arith.constant 0.000000e+00 : f32
      %broadcast_in_dim3A_811 = vector.broadcast %jit3A_809 : f32 to vector<16xf32>
      %broadcast_in_dim3A_812 = vector.broadcast %jit3A_810 : f32 to vector<16xf32>
      %select_n3A_813 = arith.select %ge3A_808, %broadcast_in_dim3A_811, %broadcast_in_dim3A_812 : vector<16xi1>, vector<16xf32>
      %swap3A_814 = arith.constant 624 : index
      %swap3A_815 = tpu.vector_load %arg16[%swap3A_814] {strides = array<i32>} : memref<1024xf32, #tpu.memory_space<vmem>>, vector<16xf32>,
      tpu.vector_store %arg16[%swap3A_814], %select_n3A_813 {strides = array<i32>} : memref<1024xf32, #tpu.memory_space<vmem>>, vector<16xf32>,
      %get3A_816 = arith.constant 624 : index
      %get3A_817 = tpu.vector_load %arg15[%get3A_816] {strides = array<i32>} : memref<1024xf32, #tpu.memory_space<vmem>>, vector<16xf32>,
      %mul3A_818 = arith.mulf %select_n3A_813, %get3A_817 : vector<16xf32>
      %add3A_819 = arith.addf %add3A_799, %mul3A_818 : vector<16xf32>
      %get3A_820 = arith.constant 5 : i32
      %get3A_821 = arith.index_cast %get3A_820 : i32 to index
      %get3A_822 = arith.constant 0 : index
      %get3A_823 = tpu.vector_load %arg13[%get3A_821, %get3A_822] {strides = array<i32>} : memref<8x128xi32, #tpu.memory_space<vmem>>, vector<16xi32>,
      %gather3A_824 = tpu.vector_load_idx %arg22[%get3A_823] : memref<1024xf32, #tpu.memory_space<vmem>>[vector<16xi32>], vector<16xf32>,
      %get3A_825 = arith.constant 640 : index
      %get3A_826 = tpu.vector_load %arg14[%get3A_825] {strides = array<i32>} : memref<1024xf32, #tpu.memory_space<vmem>>, vector<16xf32>,
      %mul3A_827 = arith.mulf %broadcast_in_dim3A, %gather3A_824 : vector<16xf32>
      %ge3A_828 = arith.cmpf oge, %get3A_826, %mul3A_827 : vector<16xf32>
      %jit3A_829 = arith.constant 1.000000e+00 : f32
      %jit3A_830 = arith.constant 0.000000e+00 : f32
      %broadcast_in_dim3A_831 = vector.broadcast %jit3A_829 : f32 to vector<16xf32>
      %broadcast_in_dim3A_832 = vector.broadcast %jit3A_830 : f32 to vector<16xf32>
      %select_n3A_833 = arith.select %ge3A_828, %broadcast_in_dim3A_831, %broadcast_in_dim3A_832 : vector<16xi1>, vector<16xf32>
      %swap3A_834 = arith.constant 640 : index
      %swap3A_835 = tpu.vector_load %arg16[%swap3A_834] {strides = array<i32>} : memref<1024xf32, #tpu.memory_space<vmem>>, vector<16xf32>,
      tpu.vector_store %arg16[%swap3A_834], %select_n3A_833 {strides = array<i32>} : memref<1024xf32, #tpu.memory_space<vmem>>, vector<16xf32>,
      %get3A_836 = arith.constant 640 : index
      %get3A_837 = tpu.vector_load %arg15[%get3A_836] {strides = array<i32>} : memref<1024xf32, #tpu.memory_space<vmem>>, vector<16xf32>,
      %mul3A_838 = arith.mulf %select_n3A_833, %get3A_837 : vector<16xf32>
      %add3A_839 = arith.addf %add3A_819, %mul3A_838 : vector<16xf32>
      %get3A_840 = arith.constant 5 : i32
      %get3A_841 = arith.index_cast %get3A_840 : i32 to index
      %get3A_842 = arith.constant 16 : index
      %get3A_843 = tpu.vector_load %arg13[%get3A_841, %get3A_842] {strides = array<i32>} : memref<8x128xi32, #tpu.memory_space<vmem>>, vector<16xi32>,
      %gather3A_844 = tpu.vector_load_idx %arg22[%get3A_843] : memref<1024xf32, #tpu.memory_space<vmem>>[vector<16xi32>], vector<16xf32>,
      %get3A_845 = arith.constant 656 : index
      %get3A_846 = tpu.vector_load %arg14[%get3A_845] {strides = array<i32>} : memref<1024xf32, #tpu.memory_space<vmem>>, vector<16xf32>,
      %mul3A_847 = arith.mulf %broadcast_in_dim3A, %gather3A_844 : vector<16xf32>
      %ge3A_848 = arith.cmpf oge, %get3A_846, %mul3A_847 : vector<16xf32>
      %jit3A_849 = arith.constant 1.000000e+00 : f32
      %jit3A_850 = arith.constant 0.000000e+00 : f32
      %broadcast_in_dim3A_851 = vector.broadcast %jit3A_849 : f32 to vector<16xf32>
      %broadcast_in_dim3A_852 = vector.broadcast %jit3A_850 : f32 to vector<16xf32>
      %select_n3A_853 = arith.select %ge3A_848, %broadcast_in_dim3A_851, %broadcast_in_dim3A_852 : vector<16xi1>, vector<16xf32>
      %swap3A_854 = arith.constant 656 : index
      %swap3A_855 = tpu.vector_load %arg16[%swap3A_854] {strides = array<i32>} : memref<1024xf32, #tpu.memory_space<vmem>>, vector<16xf32>,
      tpu.vector_store %arg16[%swap3A_854], %select_n3A_853 {strides = array<i32>} : memref<1024xf32, #tpu.memory_space<vmem>>, vector<16xf32>,
      %get3A_856 = arith.constant 656 : index
      %get3A_857 = tpu.vector_load %arg15[%get3A_856] {strides = array<i32>} : memref<1024xf32, #tpu.memory_space<vmem>>, vector<16xf32>,
      %mul3A_858 = arith.mulf %select_n3A_853, %get3A_857 : vector<16xf32>
      %add3A_859 = arith.addf %add3A_839, %mul3A_858 : vector<16xf32>
      %get3A_860 = arith.constant 5 : i32
      %get3A_861 = arith.index_cast %get3A_860 : i32 to index
      %get3A_862 = arith.constant 32 : index
      %get3A_863 = tpu.vector_load %arg13[%get3A_861, %get3A_862] {strides = array<i32>} : memref<8x128xi32, #tpu.memory_space<vmem>>, vector<16xi32>,
      %gather3A_864 = tpu.vector_load_idx %arg22[%get3A_863] : memref<1024xf32, #tpu.memory_space<vmem>>[vector<16xi32>], vector<16xf32>,
      %get3A_865 = arith.constant 672 : index
      %get3A_866 = tpu.vector_load %arg14[%get3A_865] {strides = array<i32>} : memref<1024xf32, #tpu.memory_space<vmem>>, vector<16xf32>,
      %mul3A_867 = arith.mulf %broadcast_in_dim3A, %gather3A_864 : vector<16xf32>
      %ge3A_868 = arith.cmpf oge, %get3A_866, %mul3A_867 : vector<16xf32>
      %jit3A_869 = arith.constant 1.000000e+00 : f32
      %jit3A_870 = arith.constant 0.000000e+00 : f32
      %broadcast_in_dim3A_871 = vector.broadcast %jit3A_869 : f32 to vector<16xf32>
      %broadcast_in_dim3A_872 = vector.broadcast %jit3A_870 : f32 to vector<16xf32>
      %select_n3A_873 = arith.select %ge3A_868, %broadcast_in_dim3A_871, %broadcast_in_dim3A_872 : vector<16xi1>, vector<16xf32>
      %swap3A_874 = arith.constant 672 : index
      %swap3A_875 = tpu.vector_load %arg16[%swap3A_874] {strides = array<i32>} : memref<1024xf32, #tpu.memory_space<vmem>>, vector<16xf32>,
      tpu.vector_store %arg16[%swap3A_874], %select_n3A_873 {strides = array<i32>} : memref<1024xf32, #tpu.memory_space<vmem>>, vector<16xf32>,
      %get3A_876 = arith.constant 672 : index
      %get3A_877 = tpu.vector_load %arg15[%get3A_876] {strides = array<i32>} : memref<1024xf32, #tpu.memory_space<vmem>>, vector<16xf32>,
      %mul3A_878 = arith.mulf %select_n3A_873, %get3A_877 : vector<16xf32>
      %add3A_879 = arith.addf %add3A_859, %mul3A_878 : vector<16xf32>
      %get3A_880 = arith.constant 5 : i32
      %get3A_881 = arith.index_cast %get3A_880 : i32 to index
      %get3A_882 = arith.constant 48 : index
      %get3A_883 = tpu.vector_load %arg13[%get3A_881, %get3A_882] {strides = array<i32>} : memref<8x128xi32, #tpu.memory_space<vmem>>, vector<16xi32>,
      %gather3A_884 = tpu.vector_load_idx %arg22[%get3A_883] : memref<1024xf32, #tpu.memory_space<vmem>>[vector<16xi32>], vector<16xf32>,
      %get3A_885 = arith.constant 688 : index
      %get3A_886 = tpu.vector_load %arg14[%get3A_885] {strides = array<i32>} : memref<1024xf32, #tpu.memory_space<vmem>>, vector<16xf32>,
      %mul3A_887 = arith.mulf %broadcast_in_dim3A, %gather3A_884 : vector<16xf32>
      %ge3A_888 = arith.cmpf oge, %get3A_886, %mul3A_887 : vector<16xf32>
      %jit3A_889 = arith.constant 1.000000e+00 : f32
      %jit3A_890 = arith.constant 0.000000e+00 : f32
      %broadcast_in_dim3A_891 = vector.broadcast %jit3A_889 : f32 to vector<16xf32>
      %broadcast_in_dim3A_892 = vector.broadcast %jit3A_890 : f32 to vector<16xf32>
      %select_n3A_893 = arith.select %ge3A_888, %broadcast_in_dim3A_891, %broadcast_in_dim3A_892 : vector<16xi1>, vector<16xf32>
      %swap3A_894 = arith.constant 688 : index
      %swap3A_895 = tpu.vector_load %arg16[%swap3A_894] {strides = array<i32>} : memref<1024xf32, #tpu.memory_space<vmem>>, vector<16xf32>,
      tpu.vector_store %arg16[%swap3A_894], %select_n3A_893 {strides = array<i32>} : memref<1024xf32, #tpu.memory_space<vmem>>, vector<16xf32>,
      %get3A_896 = arith.constant 688 : index
      %get3A_897 = tpu.vector_load %arg15[%get3A_896] {strides = array<i32>} : memref<1024xf32, #tpu.memory_space<vmem>>, vector<16xf32>,
      %mul3A_898 = arith.mulf %select_n3A_893, %get3A_897 : vector<16xf32>
      %add3A_899 = arith.addf %add3A_879, %mul3A_898 : vector<16xf32>
      %get3A_900 = arith.constant 5 : i32
      %get3A_901 = arith.index_cast %get3A_900 : i32 to index
      %get3A_902 = arith.constant 64 : index
      %get3A_903 = tpu.vector_load %arg13[%get3A_901, %get3A_902] {strides = array<i32>} : memref<8x128xi32, #tpu.memory_space<vmem>>, vector<16xi32>,
      %gather3A_904 = tpu.vector_load_idx %arg22[%get3A_903] : memref<1024xf32, #tpu.memory_space<vmem>>[vector<16xi32>], vector<16xf32>,
      %get3A_905 = arith.constant 704 : index
      %get3A_906 = tpu.vector_load %arg14[%get3A_905] {strides = array<i32>} : memref<1024xf32, #tpu.memory_space<vmem>>, vector<16xf32>,
      %mul3A_907 = arith.mulf %broadcast_in_dim3A, %gather3A_904 : vector<16xf32>
      %ge3A_908 = arith.cmpf oge, %get3A_906, %mul3A_907 : vector<16xf32>
      %jit3A_909 = arith.constant 1.000000e+00 : f32
      %jit3A_910 = arith.constant 0.000000e+00 : f32
      %broadcast_in_dim3A_911 = vector.broadcast %jit3A_909 : f32 to vector<16xf32>
      %broadcast_in_dim3A_912 = vector.broadcast %jit3A_910 : f32 to vector<16xf32>
      %select_n3A_913 = arith.select %ge3A_908, %broadcast_in_dim3A_911, %broadcast_in_dim3A_912 : vector<16xi1>, vector<16xf32>
      %swap3A_914 = arith.constant 704 : index
      %swap3A_915 = tpu.vector_load %arg16[%swap3A_914] {strides = array<i32>} : memref<1024xf32, #tpu.memory_space<vmem>>, vector<16xf32>,
      tpu.vector_store %arg16[%swap3A_914], %select_n3A_913 {strides = array<i32>} : memref<1024xf32, #tpu.memory_space<vmem>>, vector<16xf32>,
      %get3A_916 = arith.constant 704 : index
      %get3A_917 = tpu.vector_load %arg15[%get3A_916] {strides = array<i32>} : memref<1024xf32, #tpu.memory_space<vmem>>, vector<16xf32>,
      %mul3A_918 = arith.mulf %select_n3A_913, %get3A_917 : vector<16xf32>
      %add3A_919 = arith.addf %add3A_899, %mul3A_918 : vector<16xf32>
      %get3A_920 = arith.constant 5 : i32
      %get3A_921 = arith.index_cast %get3A_920 : i32 to index
      %get3A_922 = arith.constant 80 : index
      %get3A_923 = tpu.vector_load %arg13[%get3A_921, %get3A_922] {strides = array<i32>} : memref<8x128xi32, #tpu.memory_space<vmem>>, vector<16xi32>,
      %gather3A_924 = tpu.vector_load_idx %arg22[%get3A_923] : memref<1024xf32, #tpu.memory_space<vmem>>[vector<16xi32>], vector<16xf32>,
      %get3A_925 = arith.constant 720 : index
      %get3A_926 = tpu.vector_load %arg14[%get3A_925] {strides = array<i32>} : memref<1024xf32, #tpu.memory_space<vmem>>, vector<16xf32>,
      %mul3A_927 = arith.mulf %broadcast_in_dim3A, %gather3A_924 : vector<16xf32>
      %ge3A_928 = arith.cmpf oge, %get3A_926, %mul3A_927 : vector<16xf32>
      %jit3A_929 = arith.constant 1.000000e+00 : f32
      %jit3A_930 = arith.constant 0.000000e+00 : f32
      %broadcast_in_dim3A_931 = vector.broadcast %jit3A_929 : f32 to vector<16xf32>
      %broadcast_in_dim3A_932 = vector.broadcast %jit3A_930 : f32 to vector<16xf32>
      %select_n3A_933 = arith.select %ge3A_928, %broadcast_in_dim3A_931, %broadcast_in_dim3A_932 : vector<16xi1>, vector<16xf32>
      %swap3A_934 = arith.constant 720 : index
      %swap3A_935 = tpu.vector_load %arg16[%swap3A_934] {strides = array<i32>} : memref<1024xf32, #tpu.memory_space<vmem>>, vector<16xf32>,
      tpu.vector_store %arg16[%swap3A_934], %select_n3A_933 {strides = array<i32>} : memref<1024xf32, #tpu.memory_space<vmem>>, vector<16xf32>,
      %get3A_936 = arith.constant 720 : index
      %get3A_937 = tpu.vector_load %arg15[%get3A_936] {strides = array<i32>} : memref<1024xf32, #tpu.memory_space<vmem>>, vector<16xf32>,
      %mul3A_938 = arith.mulf %select_n3A_933, %get3A_937 : vector<16xf32>
      %add3A_939 = arith.addf %add3A_919, %mul3A_938 : vector<16xf32>
      %get3A_940 = arith.constant 5 : i32
      %get3A_941 = arith.index_cast %get3A_940 : i32 to index
      %get3A_942 = arith.constant 96 : index
      %get3A_943 = tpu.vector_load %arg13[%get3A_941, %get3A_942] {strides = array<i32>} : memref<8x128xi32, #tpu.memory_space<vmem>>, vector<16xi32>,
      %gather3A_944 = tpu.vector_load_idx %arg22[%get3A_943] : memref<1024xf32, #tpu.memory_space<vmem>>[vector<16xi32>], vector<16xf32>,
      %get3A_945 = arith.constant 736 : index
      %get3A_946 = tpu.vector_load %arg14[%get3A_945] {strides = array<i32>} : memref<1024xf32, #tpu.memory_space<vmem>>, vector<16xf32>,
      %mul3A_947 = arith.mulf %broadcast_in_dim3A, %gather3A_944 : vector<16xf32>
      %ge3A_948 = arith.cmpf oge, %get3A_946, %mul3A_947 : vector<16xf32>
      %jit3A_949 = arith.constant 1.000000e+00 : f32
      %jit3A_950 = arith.constant 0.000000e+00 : f32
      %broadcast_in_dim3A_951 = vector.broadcast %jit3A_949 : f32 to vector<16xf32>
      %broadcast_in_dim3A_952 = vector.broadcast %jit3A_950 : f32 to vector<16xf32>
      %select_n3A_953 = arith.select %ge3A_948, %broadcast_in_dim3A_951, %broadcast_in_dim3A_952 : vector<16xi1>, vector<16xf32>
      %swap3A_954 = arith.constant 736 : index
      %swap3A_955 = tpu.vector_load %arg16[%swap3A_954] {strides = array<i32>} : memref<1024xf32, #tpu.memory_space<vmem>>, vector<16xf32>,
      tpu.vector_store %arg16[%swap3A_954], %select_n3A_953 {strides = array<i32>} : memref<1024xf32, #tpu.memory_space<vmem>>, vector<16xf32>,
      %get3A_956 = arith.constant 736 : index
      %get3A_957 = tpu.vector_load %arg15[%get3A_956] {strides = array<i32>} : memref<1024xf32, #tpu.memory_space<vmem>>, vector<16xf32>,
      %mul3A_958 = arith.mulf %select_n3A_953, %get3A_957 : vector<16xf32>
      %add3A_959 = arith.addf %add3A_939, %mul3A_958 : vector<16xf32>
      %get3A_960 = arith.constant 5 : i32
      %get3A_961 = arith.index_cast %get3A_960 : i32 to index
      %get3A_962 = arith.constant 112 : index
      %get3A_963 = tpu.vector_load %arg13[%get3A_961, %get3A_962] {strides = array<i32>} : memref<8x128xi32, #tpu.memory_space<vmem>>, vector<16xi32>,
      %gather3A_964 = tpu.vector_load_idx %arg22[%get3A_963] : memref<1024xf32, #tpu.memory_space<vmem>>[vector<16xi32>], vector<16xf32>,
      %get3A_965 = arith.constant 752 : index
      %get3A_966 = tpu.vector_load %arg14[%get3A_965] {strides = array<i32>} : memref<1024xf32, #tpu.memory_space<vmem>>, vector<16xf32>,
      %mul3A_967 = arith.mulf %broadcast_in_dim3A, %gather3A_964 : vector<16xf32>
      %ge3A_968 = arith.cmpf oge, %get3A_966, %mul3A_967 : vector<16xf32>
      %jit3A_969 = arith.constant 1.000000e+00 : f32
      %jit3A_970 = arith.constant 0.000000e+00 : f32
      %broadcast_in_dim3A_971 = vector.broadcast %jit3A_969 : f32 to vector<16xf32>
      %broadcast_in_dim3A_972 = vector.broadcast %jit3A_970 : f32 to vector<16xf32>
      %select_n3A_973 = arith.select %ge3A_968, %broadcast_in_dim3A_971, %broadcast_in_dim3A_972 : vector<16xi1>, vector<16xf32>
      %swap3A_974 = arith.constant 752 : index
      %swap3A_975 = tpu.vector_load %arg16[%swap3A_974] {strides = array<i32>} : memref<1024xf32, #tpu.memory_space<vmem>>, vector<16xf32>,
      tpu.vector_store %arg16[%swap3A_974], %select_n3A_973 {strides = array<i32>} : memref<1024xf32, #tpu.memory_space<vmem>>, vector<16xf32>,
      %get3A_976 = arith.constant 752 : index
      %get3A_977 = tpu.vector_load %arg15[%get3A_976] {strides = array<i32>} : memref<1024xf32, #tpu.memory_space<vmem>>, vector<16xf32>,
      %mul3A_978 = arith.mulf %select_n3A_973, %get3A_977 : vector<16xf32>
      %add3A_979 = arith.addf %add3A_959, %mul3A_978 : vector<16xf32>
      %get3A_980 = arith.constant 6 : i32
      %get3A_981 = arith.index_cast %get3A_980 : i32 to index
      %get3A_982 = arith.constant 0 : index
      %get3A_983 = tpu.vector_load %arg13[%get3A_981, %get3A_982] {strides = array<i32>} : memref<8x128xi32, #tpu.memory_space<vmem>>, vector<16xi32>,
      %gather3A_984 = tpu.vector_load_idx %arg22[%get3A_983] : memref<1024xf32, #tpu.memory_space<vmem>>[vector<16xi32>], vector<16xf32>,
      %get3A_985 = arith.constant 768 : index
      %get3A_986 = tpu.vector_load %arg14[%get3A_985] {strides = array<i32>} : memref<1024xf32, #tpu.memory_space<vmem>>, vector<16xf32>,
      %mul3A_987 = arith.mulf %broadcast_in_dim3A, %gather3A_984 : vector<16xf32>
      %ge3A_988 = arith.cmpf oge, %get3A_986, %mul3A_987 : vector<16xf32>
      %jit3A_989 = arith.constant 1.000000e+00 : f32
      %jit3A_990 = arith.constant 0.000000e+00 : f32
      %broadcast_in_dim3A_991 = vector.broadcast %jit3A_989 : f32 to vector<16xf32>
      %broadcast_in_dim3A_992 = vector.broadcast %jit3A_990 : f32 to vector<16xf32>
      %select_n3A_993 = arith.select %ge3A_988, %broadcast_in_dim3A_991, %broadcast_in_dim3A_992 : vector<16xi1>, vector<16xf32>
      %swap3A_994 = arith.constant 768 : index
      %swap3A_995 = tpu.vector_load %arg16[%swap3A_994] {strides = array<i32>} : memref<1024xf32, #tpu.memory_space<vmem>>, vector<16xf32>,
      tpu.vector_store %arg16[%swap3A_994], %select_n3A_993 {strides = array<i32>} : memref<1024xf32, #tpu.memory_space<vmem>>, vector<16xf32>,
      %get3A_996 = arith.constant 768 : index
      %get3A_997 = tpu.vector_load %arg15[%get3A_996] {strides = array<i32>} : memref<1024xf32, #tpu.memory_space<vmem>>, vector<16xf32>,
      %mul3A_998 = arith.mulf %select_n3A_993, %get3A_997 : vector<16xf32>
      %add3A_999 = arith.addf %add3A_979, %mul3A_998 : vector<16xf32>
      %get3A_1000 = arith.constant 6 : i32
      %get3A_1001 = arith.index_cast %get3A_1000 : i32 to index
      %get3A_1002 = arith.constant 16 : index
      %get3A_1003 = tpu.vector_load %arg13[%get3A_1001, %get3A_1002] {strides = array<i32>} : memref<8x128xi32, #tpu.memory_space<vmem>>, vector<16xi32>,
      %gather3A_1004 = tpu.vector_load_idx %arg22[%get3A_1003] : memref<1024xf32, #tpu.memory_space<vmem>>[vector<16xi32>], vector<16xf32>,
      %get3A_1005 = arith.constant 784 : index
      %get3A_1006 = tpu.vector_load %arg14[%get3A_1005] {strides = array<i32>} : memref<1024xf32, #tpu.memory_space<vmem>>, vector<16xf32>,
      %mul3A_1007 = arith.mulf %broadcast_in_dim3A, %gather3A_1004 : vector<16xf32>
      %ge3A_1008 = arith.cmpf oge, %get3A_1006, %mul3A_1007 : vector<16xf32>
      %jit3A_1009 = arith.constant 1.000000e+00 : f32
      %jit3A_1010 = arith.constant 0.000000e+00 : f32
      %broadcast_in_dim3A_1011 = vector.broadcast %jit3A_1009 : f32 to vector<16xf32>
      %broadcast_in_dim3A_1012 = vector.broadcast %jit3A_1010 : f32 to vector<16xf32>
      %select_n3A_1013 = arith.select %ge3A_1008, %broadcast_in_dim3A_1011, %broadcast_in_dim3A_1012 : vector<16xi1>, vector<16xf32>
      %swap3A_1014 = arith.constant 784 : index
      %swap3A_1015 = tpu.vector_load %arg16[%swap3A_1014] {strides = array<i32>} : memref<1024xf32, #tpu.memory_space<vmem>>, vector<16xf32>,
      tpu.vector_store %arg16[%swap3A_1014], %select_n3A_1013 {strides = array<i32>} : memref<1024xf32, #tpu.memory_space<vmem>>, vector<16xf32>,
      %get3A_1016 = arith.constant 784 : index
      %get3A_1017 = tpu.vector_load %arg15[%get3A_1016] {strides = array<i32>} : memref<1024xf32, #tpu.memory_space<vmem>>, vector<16xf32>,
      %mul3A_1018 = arith.mulf %select_n3A_1013, %get3A_1017 : vector<16xf32>
      %add3A_1019 = arith.addf %add3A_999, %mul3A_1018 : vector<16xf32>
      %get3A_1020 = arith.constant 6 : i32
      %get3A_1021 = arith.index_cast %get3A_1020 : i32 to index
      %get3A_1022 = arith.constant 32 : index
      %get3A_1023 = tpu.vector_load %arg13[%get3A_1021, %get3A_1022] {strides = array<i32>} : memref<8x128xi32, #tpu.memory_space<vmem>>, vector<16xi32>,
      %gather3A_1024 = tpu.vector_load_idx %arg22[%get3A_1023] : memref<1024xf32, #tpu.memory_space<vmem>>[vector<16xi32>], vector<16xf32>,
      %get3A_1025 = arith.constant 800 : index
      %get3A_1026 = tpu.vector_load %arg14[%get3A_1025] {strides = array<i32>} : memref<1024xf32, #tpu.memory_space<vmem>>, vector<16xf32>,
      %mul3A_1027 = arith.mulf %broadcast_in_dim3A, %gather3A_1024 : vector<16xf32>
      %ge3A_1028 = arith.cmpf oge, %get3A_1026, %mul3A_1027 : vector<16xf32>
      %jit3A_1029 = arith.constant 1.000000e+00 : f32
      %jit3A_1030 = arith.constant 0.000000e+00 : f32
      %broadcast_in_dim3A_1031 = vector.broadcast %jit3A_1029 : f32 to vector<16xf32>
      %broadcast_in_dim3A_1032 = vector.broadcast %jit3A_1030 : f32 to vector<16xf32>
      %select_n3A_1033 = arith.select %ge3A_1028, %broadcast_in_dim3A_1031, %broadcast_in_dim3A_1032 : vector<16xi1>, vector<16xf32>
      %swap3A_1034 = arith.constant 800 : index
      %swap3A_1035 = tpu.vector_load %arg16[%swap3A_1034] {strides = array<i32>} : memref<1024xf32, #tpu.memory_space<vmem>>, vector<16xf32>,
      tpu.vector_store %arg16[%swap3A_1034], %select_n3A_1033 {strides = array<i32>} : memref<1024xf32, #tpu.memory_space<vmem>>, vector<16xf32>,
      %get3A_1036 = arith.constant 800 : index
      %get3A_1037 = tpu.vector_load %arg15[%get3A_1036] {strides = array<i32>} : memref<1024xf32, #tpu.memory_space<vmem>>, vector<16xf32>,
      %mul3A_1038 = arith.mulf %select_n3A_1033, %get3A_1037 : vector<16xf32>
      %add3A_1039 = arith.addf %add3A_1019, %mul3A_1038 : vector<16xf32>
      %get3A_1040 = arith.constant 6 : i32
      %get3A_1041 = arith.index_cast %get3A_1040 : i32 to index
      %get3A_1042 = arith.constant 48 : index
      %get3A_1043 = tpu.vector_load %arg13[%get3A_1041, %get3A_1042] {strides = array<i32>} : memref<8x128xi32, #tpu.memory_space<vmem>>, vector<16xi32>,
      %gather3A_1044 = tpu.vector_load_idx %arg22[%get3A_1043] : memref<1024xf32, #tpu.memory_space<vmem>>[vector<16xi32>], vector<16xf32>,
      %get3A_1045 = arith.constant 816 : index
      %get3A_1046 = tpu.vector_load %arg14[%get3A_1045] {strides = array<i32>} : memref<1024xf32, #tpu.memory_space<vmem>>, vector<16xf32>,
      %mul3A_1047 = arith.mulf %broadcast_in_dim3A, %gather3A_1044 : vector<16xf32>
      %ge3A_1048 = arith.cmpf oge, %get3A_1046, %mul3A_1047 : vector<16xf32>
      %jit3A_1049 = arith.constant 1.000000e+00 : f32
      %jit3A_1050 = arith.constant 0.000000e+00 : f32
      %broadcast_in_dim3A_1051 = vector.broadcast %jit3A_1049 : f32 to vector<16xf32>
      %broadcast_in_dim3A_1052 = vector.broadcast %jit3A_1050 : f32 to vector<16xf32>
      %select_n3A_1053 = arith.select %ge3A_1048, %broadcast_in_dim3A_1051, %broadcast_in_dim3A_1052 : vector<16xi1>, vector<16xf32>
      %swap3A_1054 = arith.constant 816 : index
      %swap3A_1055 = tpu.vector_load %arg16[%swap3A_1054] {strides = array<i32>} : memref<1024xf32, #tpu.memory_space<vmem>>, vector<16xf32>,
      tpu.vector_store %arg16[%swap3A_1054], %select_n3A_1053 {strides = array<i32>} : memref<1024xf32, #tpu.memory_space<vmem>>, vector<16xf32>,
      %get3A_1056 = arith.constant 816 : index
      %get3A_1057 = tpu.vector_load %arg15[%get3A_1056] {strides = array<i32>} : memref<1024xf32, #tpu.memory_space<vmem>>, vector<16xf32>,
      %mul3A_1058 = arith.mulf %select_n3A_1053, %get3A_1057 : vector<16xf32>
      %add3A_1059 = arith.addf %add3A_1039, %mul3A_1058 : vector<16xf32>
      %get3A_1060 = arith.constant 6 : i32
      %get3A_1061 = arith.index_cast %get3A_1060 : i32 to index
      %get3A_1062 = arith.constant 64 : index
      %get3A_1063 = tpu.vector_load %arg13[%get3A_1061, %get3A_1062] {strides = array<i32>} : memref<8x128xi32, #tpu.memory_space<vmem>>, vector<16xi32>,
      %gather3A_1064 = tpu.vector_load_idx %arg22[%get3A_1063] : memref<1024xf32, #tpu.memory_space<vmem>>[vector<16xi32>], vector<16xf32>,
      %get3A_1065 = arith.constant 832 : index
      %get3A_1066 = tpu.vector_load %arg14[%get3A_1065] {strides = array<i32>} : memref<1024xf32, #tpu.memory_space<vmem>>, vector<16xf32>,
      %mul3A_1067 = arith.mulf %broadcast_in_dim3A, %gather3A_1064 : vector<16xf32>
      %ge3A_1068 = arith.cmpf oge, %get3A_1066, %mul3A_1067 : vector<16xf32>
      %jit3A_1069 = arith.constant 1.000000e+00 : f32
      %jit3A_1070 = arith.constant 0.000000e+00 : f32
      %broadcast_in_dim3A_1071 = vector.broadcast %jit3A_1069 : f32 to vector<16xf32>
      %broadcast_in_dim3A_1072 = vector.broadcast %jit3A_1070 : f32 to vector<16xf32>
      %select_n3A_1073 = arith.select %ge3A_1068, %broadcast_in_dim3A_1071, %broadcast_in_dim3A_1072 : vector<16xi1>, vector<16xf32>
      %swap3A_1074 = arith.constant 832 : index
      %swap3A_1075 = tpu.vector_load %arg16[%swap3A_1074] {strides = array<i32>} : memref<1024xf32, #tpu.memory_space<vmem>>, vector<16xf32>,
      tpu.vector_store %arg16[%swap3A_1074], %select_n3A_1073 {strides = array<i32>} : memref<1024xf32, #tpu.memory_space<vmem>>, vector<16xf32>,
      %get3A_1076 = arith.constant 832 : index
      %get3A_1077 = tpu.vector_load %arg15[%get3A_1076] {strides = array<i32>} : memref<1024xf32, #tpu.memory_space<vmem>>, vector<16xf32>,
      %mul3A_1078 = arith.mulf %select_n3A_1073, %get3A_1077 : vector<16xf32>
      %add3A_1079 = arith.addf %add3A_1059, %mul3A_1078 : vector<16xf32>
      %get3A_1080 = arith.constant 6 : i32
      %get3A_1081 = arith.index_cast %get3A_1080 : i32 to index
      %get3A_1082 = arith.constant 80 : index
      %get3A_1083 = tpu.vector_load %arg13[%get3A_1081, %get3A_1082] {strides = array<i32>} : memref<8x128xi32, #tpu.memory_space<vmem>>, vector<16xi32>,
      %gather3A_1084 = tpu.vector_load_idx %arg22[%get3A_1083] : memref<1024xf32, #tpu.memory_space<vmem>>[vector<16xi32>], vector<16xf32>,
      %get3A_1085 = arith.constant 848 : index
      %get3A_1086 = tpu.vector_load %arg14[%get3A_1085] {strides = array<i32>} : memref<1024xf32, #tpu.memory_space<vmem>>, vector<16xf32>,
      %mul3A_1087 = arith.mulf %broadcast_in_dim3A, %gather3A_1084 : vector<16xf32>
      %ge3A_1088 = arith.cmpf oge, %get3A_1086, %mul3A_1087 : vector<16xf32>
      %jit3A_1089 = arith.constant 1.000000e+00 : f32
      %jit3A_1090 = arith.constant 0.000000e+00 : f32
      %broadcast_in_dim3A_1091 = vector.broadcast %jit3A_1089 : f32 to vector<16xf32>
      %broadcast_in_dim3A_1092 = vector.broadcast %jit3A_1090 : f32 to vector<16xf32>
      %select_n3A_1093 = arith.select %ge3A_1088, %broadcast_in_dim3A_1091, %broadcast_in_dim3A_1092 : vector<16xi1>, vector<16xf32>
      %swap3A_1094 = arith.constant 848 : index
      %swap3A_1095 = tpu.vector_load %arg16[%swap3A_1094] {strides = array<i32>} : memref<1024xf32, #tpu.memory_space<vmem>>, vector<16xf32>,
      tpu.vector_store %arg16[%swap3A_1094], %select_n3A_1093 {strides = array<i32>} : memref<1024xf32, #tpu.memory_space<vmem>>, vector<16xf32>,
      %get3A_1096 = arith.constant 848 : index
      %get3A_1097 = tpu.vector_load %arg15[%get3A_1096] {strides = array<i32>} : memref<1024xf32, #tpu.memory_space<vmem>>, vector<16xf32>,
      %mul3A_1098 = arith.mulf %select_n3A_1093, %get3A_1097 : vector<16xf32>
      %add3A_1099 = arith.addf %add3A_1079, %mul3A_1098 : vector<16xf32>
      %get3A_1100 = arith.constant 6 : i32
      %get3A_1101 = arith.index_cast %get3A_1100 : i32 to index
      %get3A_1102 = arith.constant 96 : index
      %get3A_1103 = tpu.vector_load %arg13[%get3A_1101, %get3A_1102] {strides = array<i32>} : memref<8x128xi32, #tpu.memory_space<vmem>>, vector<16xi32>,
      %gather3A_1104 = tpu.vector_load_idx %arg22[%get3A_1103] : memref<1024xf32, #tpu.memory_space<vmem>>[vector<16xi32>], vector<16xf32>,
      %get3A_1105 = arith.constant 864 : index
      %get3A_1106 = tpu.vector_load %arg14[%get3A_1105] {strides = array<i32>} : memref<1024xf32, #tpu.memory_space<vmem>>, vector<16xf32>,
      %mul3A_1107 = arith.mulf %broadcast_in_dim3A, %gather3A_1104 : vector<16xf32>
      %ge3A_1108 = arith.cmpf oge, %get3A_1106, %mul3A_1107 : vector<16xf32>
      %jit3A_1109 = arith.constant 1.000000e+00 : f32
      %jit3A_1110 = arith.constant 0.000000e+00 : f32
      %broadcast_in_dim3A_1111 = vector.broadcast %jit3A_1109 : f32 to vector<16xf32>
      %broadcast_in_dim3A_1112 = vector.broadcast %jit3A_1110 : f32 to vector<16xf32>
      %select_n3A_1113 = arith.select %ge3A_1108, %broadcast_in_dim3A_1111, %broadcast_in_dim3A_1112 : vector<16xi1>, vector<16xf32>
      %swap3A_1114 = arith.constant 864 : index
      %swap3A_1115 = tpu.vector_load %arg16[%swap3A_1114] {strides = array<i32>} : memref<1024xf32, #tpu.memory_space<vmem>>, vector<16xf32>,
      tpu.vector_store %arg16[%swap3A_1114], %select_n3A_1113 {strides = array<i32>} : memref<1024xf32, #tpu.memory_space<vmem>>, vector<16xf32>,
      %get3A_1116 = arith.constant 864 : index
      %get3A_1117 = tpu.vector_load %arg15[%get3A_1116] {strides = array<i32>} : memref<1024xf32, #tpu.memory_space<vmem>>, vector<16xf32>,
      %mul3A_1118 = arith.mulf %select_n3A_1113, %get3A_1117 : vector<16xf32>
      %add3A_1119 = arith.addf %add3A_1099, %mul3A_1118 : vector<16xf32>
      %get3A_1120 = arith.constant 6 : i32
      %get3A_1121 = arith.index_cast %get3A_1120 : i32 to index
      %get3A_1122 = arith.constant 112 : index
      %get3A_1123 = tpu.vector_load %arg13[%get3A_1121, %get3A_1122] {strides = array<i32>} : memref<8x128xi32, #tpu.memory_space<vmem>>, vector<16xi32>,
      %gather3A_1124 = tpu.vector_load_idx %arg22[%get3A_1123] : memref<1024xf32, #tpu.memory_space<vmem>>[vector<16xi32>], vector<16xf32>,
      %get3A_1125 = arith.constant 880 : index
      %get3A_1126 = tpu.vector_load %arg14[%get3A_1125] {strides = array<i32>} : memref<1024xf32, #tpu.memory_space<vmem>>, vector<16xf32>,
      %mul3A_1127 = arith.mulf %broadcast_in_dim3A, %gather3A_1124 : vector<16xf32>
      %ge3A_1128 = arith.cmpf oge, %get3A_1126, %mul3A_1127 : vector<16xf32>
      %jit3A_1129 = arith.constant 1.000000e+00 : f32
      %jit3A_1130 = arith.constant 0.000000e+00 : f32
      %broadcast_in_dim3A_1131 = vector.broadcast %jit3A_1129 : f32 to vector<16xf32>
      %broadcast_in_dim3A_1132 = vector.broadcast %jit3A_1130 : f32 to vector<16xf32>
      %select_n3A_1133 = arith.select %ge3A_1128, %broadcast_in_dim3A_1131, %broadcast_in_dim3A_1132 : vector<16xi1>, vector<16xf32>
      %swap3A_1134 = arith.constant 880 : index
      %swap3A_1135 = tpu.vector_load %arg16[%swap3A_1134] {strides = array<i32>} : memref<1024xf32, #tpu.memory_space<vmem>>, vector<16xf32>,
      tpu.vector_store %arg16[%swap3A_1134], %select_n3A_1133 {strides = array<i32>} : memref<1024xf32, #tpu.memory_space<vmem>>, vector<16xf32>,
      %get3A_1136 = arith.constant 880 : index
      %get3A_1137 = tpu.vector_load %arg15[%get3A_1136] {strides = array<i32>} : memref<1024xf32, #tpu.memory_space<vmem>>, vector<16xf32>,
      %mul3A_1138 = arith.mulf %select_n3A_1133, %get3A_1137 : vector<16xf32>
      %add3A_1139 = arith.addf %add3A_1119, %mul3A_1138 : vector<16xf32>
      %get3A_1140 = arith.constant 7 : i32
      %get3A_1141 = arith.index_cast %get3A_1140 : i32 to index
      %get3A_1142 = arith.constant 0 : index
      %get3A_1143 = tpu.vector_load %arg13[%get3A_1141, %get3A_1142] {strides = array<i32>} : memref<8x128xi32, #tpu.memory_space<vmem>>, vector<16xi32>,
      %gather3A_1144 = tpu.vector_load_idx %arg22[%get3A_1143] : memref<1024xf32, #tpu.memory_space<vmem>>[vector<16xi32>], vector<16xf32>,
      %get3A_1145 = arith.constant 896 : index
      %get3A_1146 = tpu.vector_load %arg14[%get3A_1145] {strides = array<i32>} : memref<1024xf32, #tpu.memory_space<vmem>>, vector<16xf32>,
      %mul3A_1147 = arith.mulf %broadcast_in_dim3A, %gather3A_1144 : vector<16xf32>
      %ge3A_1148 = arith.cmpf oge, %get3A_1146, %mul3A_1147 : vector<16xf32>
      %jit3A_1149 = arith.constant 1.000000e+00 : f32
      %jit3A_1150 = arith.constant 0.000000e+00 : f32
      %broadcast_in_dim3A_1151 = vector.broadcast %jit3A_1149 : f32 to vector<16xf32>
      %broadcast_in_dim3A_1152 = vector.broadcast %jit3A_1150 : f32 to vector<16xf32>
      %select_n3A_1153 = arith.select %ge3A_1148, %broadcast_in_dim3A_1151, %broadcast_in_dim3A_1152 : vector<16xi1>, vector<16xf32>
      %swap3A_1154 = arith.constant 896 : index
      %swap3A_1155 = tpu.vector_load %arg16[%swap3A_1154] {strides = array<i32>} : memref<1024xf32, #tpu.memory_space<vmem>>, vector<16xf32>,
      tpu.vector_store %arg16[%swap3A_1154], %select_n3A_1153 {strides = array<i32>} : memref<1024xf32, #tpu.memory_space<vmem>>, vector<16xf32>,
      %get3A_1156 = arith.constant 896 : index
      %get3A_1157 = tpu.vector_load %arg15[%get3A_1156] {strides = array<i32>} : memref<1024xf32, #tpu.memory_space<vmem>>, vector<16xf32>,
      %mul3A_1158 = arith.mulf %select_n3A_1153, %get3A_1157 : vector<16xf32>
      %add3A_1159 = arith.addf %add3A_1139, %mul3A_1158 : vector<16xf32>
      %get3A_1160 = arith.constant 7 : i32
      %get3A_1161 = arith.index_cast %get3A_1160 : i32 to index
      %get3A_1162 = arith.constant 16 : index
      %get3A_1163 = tpu.vector_load %arg13[%get3A_1161, %get3A_1162] {strides = array<i32>} : memref<8x128xi32, #tpu.memory_space<vmem>>, vector<16xi32>,
      %gather3A_1164 = tpu.vector_load_idx %arg22[%get3A_1163] : memref<1024xf32, #tpu.memory_space<vmem>>[vector<16xi32>], vector<16xf32>,
      %get3A_1165 = arith.constant 912 : index
      %get3A_1166 = tpu.vector_load %arg14[%get3A_1165] {strides = array<i32>} : memref<1024xf32, #tpu.memory_space<vmem>>, vector<16xf32>,
      %mul3A_1167 = arith.mulf %broadcast_in_dim3A, %gather3A_1164 : vector<16xf32>
      %ge3A_1168 = arith.cmpf oge, %get3A_1166, %mul3A_1167 : vector<16xf32>
      %jit3A_1169 = arith.constant 1.000000e+00 : f32
      %jit3A_1170 = arith.constant 0.000000e+00 : f32
      %broadcast_in_dim3A_1171 = vector.broadcast %jit3A_1169 : f32 to vector<16xf32>
      %broadcast_in_dim3A_1172 = vector.broadcast %jit3A_1170 : f32 to vector<16xf32>
      %select_n3A_1173 = arith.select %ge3A_1168, %broadcast_in_dim3A_1171, %broadcast_in_dim3A_1172 : vector<16xi1>, vector<16xf32>
      %swap3A_1174 = arith.constant 912 : index
      %swap3A_1175 = tpu.vector_load %arg16[%swap3A_1174] {strides = array<i32>} : memref<1024xf32, #tpu.memory_space<vmem>>, vector<16xf32>,
      tpu.vector_store %arg16[%swap3A_1174], %select_n3A_1173 {strides = array<i32>} : memref<1024xf32, #tpu.memory_space<vmem>>, vector<16xf32>,
      %get3A_1176 = arith.constant 912 : index
      %get3A_1177 = tpu.vector_load %arg15[%get3A_1176] {strides = array<i32>} : memref<1024xf32, #tpu.memory_space<vmem>>, vector<16xf32>,
      %mul3A_1178 = arith.mulf %select_n3A_1173, %get3A_1177 : vector<16xf32>
      %add3A_1179 = arith.addf %add3A_1159, %mul3A_1178 : vector<16xf32>
      %get3A_1180 = arith.constant 7 : i32
      %get3A_1181 = arith.index_cast %get3A_1180 : i32 to index
      %get3A_1182 = arith.constant 32 : index
      %get3A_1183 = tpu.vector_load %arg13[%get3A_1181, %get3A_1182] {strides = array<i32>} : memref<8x128xi32, #tpu.memory_space<vmem>>, vector<16xi32>,
      %gather3A_1184 = tpu.vector_load_idx %arg22[%get3A_1183] : memref<1024xf32, #tpu.memory_space<vmem>>[vector<16xi32>], vector<16xf32>,
      %get3A_1185 = arith.constant 928 : index
      %get3A_1186 = tpu.vector_load %arg14[%get3A_1185] {strides = array<i32>} : memref<1024xf32, #tpu.memory_space<vmem>>, vector<16xf32>,
      %mul3A_1187 = arith.mulf %broadcast_in_dim3A, %gather3A_1184 : vector<16xf32>
      %ge3A_1188 = arith.cmpf oge, %get3A_1186, %mul3A_1187 : vector<16xf32>
      %jit3A_1189 = arith.constant 1.000000e+00 : f32
      %jit3A_1190 = arith.constant 0.000000e+00 : f32
      %broadcast_in_dim3A_1191 = vector.broadcast %jit3A_1189 : f32 to vector<16xf32>
      %broadcast_in_dim3A_1192 = vector.broadcast %jit3A_1190 : f32 to vector<16xf32>
      %select_n3A_1193 = arith.select %ge3A_1188, %broadcast_in_dim3A_1191, %broadcast_in_dim3A_1192 : vector<16xi1>, vector<16xf32>
      %swap3A_1194 = arith.constant 928 : index
      %swap3A_1195 = tpu.vector_load %arg16[%swap3A_1194] {strides = array<i32>} : memref<1024xf32, #tpu.memory_space<vmem>>, vector<16xf32>,
      tpu.vector_store %arg16[%swap3A_1194], %select_n3A_1193 {strides = array<i32>} : memref<1024xf32, #tpu.memory_space<vmem>>, vector<16xf32>,
      %get3A_1196 = arith.constant 928 : index
      %get3A_1197 = tpu.vector_load %arg15[%get3A_1196] {strides = array<i32>} : memref<1024xf32, #tpu.memory_space<vmem>>, vector<16xf32>,
      %mul3A_1198 = arith.mulf %select_n3A_1193, %get3A_1197 : vector<16xf32>
      %add3A_1199 = arith.addf %add3A_1179, %mul3A_1198 : vector<16xf32>
      %get3A_1200 = arith.constant 7 : i32
      %get3A_1201 = arith.index_cast %get3A_1200 : i32 to index
      %get3A_1202 = arith.constant 48 : index
      %get3A_1203 = tpu.vector_load %arg13[%get3A_1201, %get3A_1202] {strides = array<i32>} : memref<8x128xi32, #tpu.memory_space<vmem>>, vector<16xi32>,
      %gather3A_1204 = tpu.vector_load_idx %arg22[%get3A_1203] : memref<1024xf32, #tpu.memory_space<vmem>>[vector<16xi32>], vector<16xf32>,
      %get3A_1205 = arith.constant 944 : index
      %get3A_1206 = tpu.vector_load %arg14[%get3A_1205] {strides = array<i32>} : memref<1024xf32, #tpu.memory_space<vmem>>, vector<16xf32>,
      %mul3A_1207 = arith.mulf %broadcast_in_dim3A, %gather3A_1204 : vector<16xf32>
      %ge3A_1208 = arith.cmpf oge, %get3A_1206, %mul3A_1207 : vector<16xf32>
      %jit3A_1209 = arith.constant 1.000000e+00 : f32
      %jit3A_1210 = arith.constant 0.000000e+00 : f32
      %broadcast_in_dim3A_1211 = vector.broadcast %jit3A_1209 : f32 to vector<16xf32>
      %broadcast_in_dim3A_1212 = vector.broadcast %jit3A_1210 : f32 to vector<16xf32>
      %select_n3A_1213 = arith.select %ge3A_1208, %broadcast_in_dim3A_1211, %broadcast_in_dim3A_1212 : vector<16xi1>, vector<16xf32>
      %swap3A_1214 = arith.constant 944 : index
      %swap3A_1215 = tpu.vector_load %arg16[%swap3A_1214] {strides = array<i32>} : memref<1024xf32, #tpu.memory_space<vmem>>, vector<16xf32>,
      tpu.vector_store %arg16[%swap3A_1214], %select_n3A_1213 {strides = array<i32>} : memref<1024xf32, #tpu.memory_space<vmem>>, vector<16xf32>,
      %get3A_1216 = arith.constant 944 : index
      %get3A_1217 = tpu.vector_load %arg15[%get3A_1216] {strides = array<i32>} : memref<1024xf32, #tpu.memory_space<vmem>>, vector<16xf32>,
      %mul3A_1218 = arith.mulf %select_n3A_1213, %get3A_1217 : vector<16xf32>
      %add3A_1219 = arith.addf %add3A_1199, %mul3A_1218 : vector<16xf32>
      %get3A_1220 = arith.constant 7 : i32
      %get3A_1221 = arith.index_cast %get3A_1220 : i32 to index
      %get3A_1222 = arith.constant 64 : index
      %get3A_1223 = tpu.vector_load %arg13[%get3A_1221, %get3A_1222] {strides = array<i32>} : memref<8x128xi32, #tpu.memory_space<vmem>>, vector<16xi32>,
      %gather3A_1224 = tpu.vector_load_idx %arg22[%get3A_1223] : memref<1024xf32, #tpu.memory_space<vmem>>[vector<16xi32>], vector<16xf32>,
      %get3A_1225 = arith.constant 960 : index
      %get3A_1226 = tpu.vector_load %arg14[%get3A_1225] {strides = array<i32>} : memref<1024xf32, #tpu.memory_space<vmem>>, vector<16xf32>,
      %mul3A_1227 = arith.mulf %broadcast_in_dim3A, %gather3A_1224 : vector<16xf32>
      %ge3A_1228 = arith.cmpf oge, %get3A_1226, %mul3A_1227 : vector<16xf32>
      %jit3A_1229 = arith.constant 1.000000e+00 : f32
      %jit3A_1230 = arith.constant 0.000000e+00 : f32
      %broadcast_in_dim3A_1231 = vector.broadcast %jit3A_1229 : f32 to vector<16xf32>
      %broadcast_in_dim3A_1232 = vector.broadcast %jit3A_1230 : f32 to vector<16xf32>
      %select_n3A_1233 = arith.select %ge3A_1228, %broadcast_in_dim3A_1231, %broadcast_in_dim3A_1232 : vector<16xi1>, vector<16xf32>
      %swap3A_1234 = arith.constant 960 : index
      %swap3A_1235 = tpu.vector_load %arg16[%swap3A_1234] {strides = array<i32>} : memref<1024xf32, #tpu.memory_space<vmem>>, vector<16xf32>,
      tpu.vector_store %arg16[%swap3A_1234], %select_n3A_1233 {strides = array<i32>} : memref<1024xf32, #tpu.memory_space<vmem>>, vector<16xf32>,
      %get3A_1236 = arith.constant 960 : index
      %get3A_1237 = tpu.vector_load %arg15[%get3A_1236] {strides = array<i32>} : memref<1024xf32, #tpu.memory_space<vmem>>, vector<16xf32>,
      %mul3A_1238 = arith.mulf %select_n3A_1233, %get3A_1237 : vector<16xf32>
      %add3A_1239 = arith.addf %add3A_1219, %mul3A_1238 : vector<16xf32>
      %get3A_1240 = arith.constant 7 : i32
      %get3A_1241 = arith.index_cast %get3A_1240 : i32 to index
      %get3A_1242 = arith.constant 80 : index
      %get3A_1243 = tpu.vector_load %arg13[%get3A_1241, %get3A_1242] {strides = array<i32>} : memref<8x128xi32, #tpu.memory_space<vmem>>, vector<16xi32>,
      %gather3A_1244 = tpu.vector_load_idx %arg22[%get3A_1243] : memref<1024xf32, #tpu.memory_space<vmem>>[vector<16xi32>], vector<16xf32>,
      %get3A_1245 = arith.constant 976 : index
      %get3A_1246 = tpu.vector_load %arg14[%get3A_1245] {strides = array<i32>} : memref<1024xf32, #tpu.memory_space<vmem>>, vector<16xf32>,
      %mul3A_1247 = arith.mulf %broadcast_in_dim3A, %gather3A_1244 : vector<16xf32>
      %ge3A_1248 = arith.cmpf oge, %get3A_1246, %mul3A_1247 : vector<16xf32>
      %jit3A_1249 = arith.constant 1.000000e+00 : f32
      %jit3A_1250 = arith.constant 0.000000e+00 : f32
      %broadcast_in_dim3A_1251 = vector.broadcast %jit3A_1249 : f32 to vector<16xf32>
      %broadcast_in_dim3A_1252 = vector.broadcast %jit3A_1250 : f32 to vector<16xf32>
      %select_n3A_1253 = arith.select %ge3A_1248, %broadcast_in_dim3A_1251, %broadcast_in_dim3A_1252 : vector<16xi1>, vector<16xf32>
      %swap3A_1254 = arith.constant 976 : index
      %swap3A_1255 = tpu.vector_load %arg16[%swap3A_1254] {strides = array<i32>} : memref<1024xf32, #tpu.memory_space<vmem>>, vector<16xf32>,
      tpu.vector_store %arg16[%swap3A_1254], %select_n3A_1253 {strides = array<i32>} : memref<1024xf32, #tpu.memory_space<vmem>>, vector<16xf32>,
      %get3A_1256 = arith.constant 976 : index
      %get3A_1257 = tpu.vector_load %arg15[%get3A_1256] {strides = array<i32>} : memref<1024xf32, #tpu.memory_space<vmem>>, vector<16xf32>,
      %mul3A_1258 = arith.mulf %select_n3A_1253, %get3A_1257 : vector<16xf32>
      %add3A_1259 = arith.addf %add3A_1239, %mul3A_1258 : vector<16xf32>
      %get3A_1260 = arith.constant 7 : i32
      %get3A_1261 = arith.index_cast %get3A_1260 : i32 to index
      %get3A_1262 = arith.constant 96 : index
      %get3A_1263 = tpu.vector_load %arg13[%get3A_1261, %get3A_1262] {strides = array<i32>} : memref<8x128xi32, #tpu.memory_space<vmem>>, vector<16xi32>,
      %gather3A_1264 = tpu.vector_load_idx %arg22[%get3A_1263] : memref<1024xf32, #tpu.memory_space<vmem>>[vector<16xi32>], vector<16xf32>,
      %get3A_1265 = arith.constant 992 : index
      %get3A_1266 = tpu.vector_load %arg14[%get3A_1265] {strides = array<i32>} : memref<1024xf32, #tpu.memory_space<vmem>>, vector<16xf32>,
      %mul3A_1267 = arith.mulf %broadcast_in_dim3A, %gather3A_1264 : vector<16xf32>
      %ge3A_1268 = arith.cmpf oge, %get3A_1266, %mul3A_1267 : vector<16xf32>
      %jit3A_1269 = arith.constant 1.000000e+00 : f32
      %jit3A_1270 = arith.constant 0.000000e+00 : f32
      %broadcast_in_dim3A_1271 = vector.broadcast %jit3A_1269 : f32 to vector<16xf32>
      %broadcast_in_dim3A_1272 = vector.broadcast %jit3A_1270 : f32 to vector<16xf32>
      %select_n3A_1273 = arith.select %ge3A_1268, %broadcast_in_dim3A_1271, %broadcast_in_dim3A_1272 : vector<16xi1>, vector<16xf32>
      %swap3A_1274 = arith.constant 992 : index
      %swap3A_1275 = tpu.vector_load %arg16[%swap3A_1274] {strides = array<i32>} : memref<1024xf32, #tpu.memory_space<vmem>>, vector<16xf32>,
      tpu.vector_store %arg16[%swap3A_1274], %select_n3A_1273 {strides = array<i32>} : memref<1024xf32, #tpu.memory_space<vmem>>, vector<16xf32>,
      %get3A_1276 = arith.constant 992 : index
      %get3A_1277 = tpu.vector_load %arg15[%get3A_1276] {strides = array<i32>} : memref<1024xf32, #tpu.memory_space<vmem>>, vector<16xf32>,
      %mul3A_1278 = arith.mulf %select_n3A_1273, %get3A_1277 : vector<16xf32>
      %add3A_1279 = arith.addf %add3A_1259, %mul3A_1278 : vector<16xf32>
      %get3A_1280 = arith.constant 7 : i32
      %get3A_1281 = arith.index_cast %get3A_1280 : i32 to index
      %get3A_1282 = arith.constant 112 : index
      %get3A_1283 = tpu.vector_load %arg13[%get3A_1281, %get3A_1282] {strides = array<i32>} : memref<8x128xi32, #tpu.memory_space<vmem>>, vector<16xi32>,
      %gather3A_1284 = tpu.vector_load_idx %arg22[%get3A_1283] : memref<1024xf32, #tpu.memory_space<vmem>>[vector<16xi32>], vector<16xf32>,
      %get3A_1285 = arith.constant 1008 : index
      %get3A_1286 = tpu.vector_load %arg14[%get3A_1285] {strides = array<i32>} : memref<1024xf32, #tpu.memory_space<vmem>>, vector<16xf32>,
      %mul3A_1287 = arith.mulf %broadcast_in_dim3A, %gather3A_1284 : vector<16xf32>
      %ge3A_1288 = arith.cmpf oge, %get3A_1286, %mul3A_1287 : vector<16xf32>
      %jit3A_1289 = arith.constant 1.000000e+00 : f32
      %jit3A_1290 = arith.constant 0.000000e+00 : f32
      %broadcast_in_dim3A_1291 = vector.broadcast %jit3A_1289 : f32 to vector<16xf32>
      %broadcast_in_dim3A_1292 = vector.broadcast %jit3A_1290 : f32 to vector<16xf32>
      %select_n3A_1293 = arith.select %ge3A_1288, %broadcast_in_dim3A_1291, %broadcast_in_dim3A_1292 : vector<16xi1>, vector<16xf32>
      %swap3A_1294 = arith.constant 1008 : index
      %swap3A_1295 = tpu.vector_load %arg16[%swap3A_1294] {strides = array<i32>} : memref<1024xf32, #tpu.memory_space<vmem>>, vector<16xf32>,
      tpu.vector_store %arg16[%swap3A_1294], %select_n3A_1293 {strides = array<i32>} : memref<1024xf32, #tpu.memory_space<vmem>>, vector<16xf32>,
      %get3A_1296 = arith.constant 1008 : index
      %get3A_1297 = tpu.vector_load %arg15[%get3A_1296] {strides = array<i32>} : memref<1024xf32, #tpu.memory_space<vmem>>, vector<16xf32>,
      %mul3A_1298 = arith.mulf %select_n3A_1293, %get3A_1297 : vector<16xf32>
      %add3A_1299 = arith.addf %add3A_1279, %mul3A_1298 : vector<16xf32>
      "tpu.region"() ({
        %run_scoped3A = tpu.sem_alloc : memref<!tpu.dma_semaphore, #tpu.memory_space<semaphore_mem>>
        %dma_start3A = tpu.memref_slice %arg9[%mul3A_1] : memref<16384xf32, #tpu.memory_space<hbm>> -> memref<1024xf32, #tpu.memory_space<hbm>>
        %dma_start3A_1306 = tpu.memref_slice %arg9[%mul3A_1] : memref<16384xf32, #tpu.memory_space<hbm>> -> memref<1024xf32, #tpu.memory_space<hbm>>
        tpu.enqueue_dma source(%arg16 : memref<1024xf32, #tpu.memory_space<vmem>>) target(%dma_start3A_1306 : memref<1024xf32, #tpu.memory_space<hbm>>) target_semaphore(%run_scoped3A : memref<!tpu.dma_semaphore, #tpu.memory_space<semaphore_mem>>)
        %dma_wait3A = tpu.memref_slice %arg9[%mul3A_1] : memref<16384xf32, #tpu.memory_space<hbm>> -> memref<1024xf32, #tpu.memory_space<hbm>>
        %dma_wait3A_1307 = tpu.memref_slice %arg9[%mul3A_1] : memref<16384xf32, #tpu.memory_space<hbm>> -> memref<1024xf32, #tpu.memory_space<hbm>>
        tpu.wait_dma2 semaphore(%run_scoped3A : memref<!tpu.dma_semaphore, #tpu.memory_space<semaphore_mem>>) src(%arg16 : memref<1024xf32, #tpu.memory_space<vmem>>) dst(%dma_wait3A_1307 : memref<1024xf32, #tpu.memory_space<hbm>>)
        tpu.yield
      }) : () -> ()
      %swap3A_1300 = arith.constant 0 : index
      %swap3A_1301 = tpu.vector_load %arg30[%swap3A_1300] {strides = array<i32>} : memref<16xf32, #tpu.memory_space<vmem>>, vector<16xf32>,
      tpu.vector_store %arg30[%swap3A_1300], %add3A_1299 {strides = array<i32>} : memref<16xf32, #tpu.memory_space<vmem>>, vector<16xf32>,
      %mul3A_1302 = arith.constant 16 : i32
      %mul3A_1303 = arith.muli %arg1, %mul3A_1302 : i32
      %add3A_1304 = arith.constant 2304 : i32
      %add3A_1305 = arith.addi %add3A_1304, %mul3A_1303 : i32
      "tpu.region"() ({
        %run_scoped3A = tpu.sem_alloc : memref<!tpu.dma_semaphore, #tpu.memory_space<semaphore_mem>>
        %dma_start3A = tpu.memref_slice %arg34[%add3A_1305] : memref<2560xf32, #tpu.memory_space<vmem_shared>> -> memref<16xf32, #tpu.memory_space<vmem_shared>>
        %dma_start3A_1306 = tpu.memref_slice %arg34[%add3A_1305] : memref<2560xf32, #tpu.memory_space<vmem_shared>> -> memref<16xf32, #tpu.memory_space<vmem_shared>>
        tpu.enqueue_dma source(%arg30 : memref<16xf32, #tpu.memory_space<vmem>>) target(%dma_start3A_1306 : memref<16xf32, #tpu.memory_space<vmem_shared>>) target_semaphore(%run_scoped3A : memref<!tpu.dma_semaphore, #tpu.memory_space<semaphore_mem>>)
        %dma_wait3A = tpu.memref_slice %arg34[%add3A_1305] : memref<2560xf32, #tpu.memory_space<vmem_shared>> -> memref<16xf32, #tpu.memory_space<vmem_shared>>
        %dma_wait3A_1307 = tpu.memref_slice %arg34[%add3A_1305] : memref<2560xf32, #tpu.memory_space<vmem_shared>> -> memref<16xf32, #tpu.memory_space<vmem_shared>>
        tpu.wait_dma2 semaphore(%run_scoped3A : memref<!tpu.dma_semaphore, #tpu.memory_space<semaphore_mem>>) src(%arg30 : memref<16xf32, #tpu.memory_space<vmem>>) dst(%dma_wait3A_1307 : memref<16xf32, #tpu.memory_space<vmem_shared>>)
        tpu.yield
      }) : () -> ()
    } else {
    }
    %barrier3A_16 = arith.constant 0 : index
    tpu.barrier barrier_id(%barrier3A_16)
    %eq3A_17 = arith.constant 0 : i32
    %eq3A_18 = arith.cmpi eq, %arg1, %eq3A_17 : i32
    %and3A_19 = arith.andi %eq3A_0, %eq3A_18 : i1
    %convert_element_type3A_20 = arith.extui %and3A_19 : i1 to i32
    %cond3A_21 = arith.constant 0 : i32
    %cond3A_22 = arith.cmpi ne, %convert_element_type3A_20, %cond3A_21 : i32
    scf.if %cond3A_22 {
      "tpu.region"() ({
        %run_scoped3A = tpu.sem_alloc : memref<!tpu.dma_semaphore, #tpu.memory_space<semaphore_mem>>
        %dma_start3A = arith.constant 2304 : i32
        %dma_start3A_904 = tpu.memref_slice %arg34[%dma_start3A] : memref<2560xf32, #tpu.memory_space<vmem_shared>> -> memref<256xf32, #tpu.memory_space<vmem_shared>>
        %dma_start3A_905 = arith.constant 2304 : i32
        %dma_start3A_906 = tpu.memref_slice %arg34[%dma_start3A_905] : memref<2560xf32, #tpu.memory_space<vmem_shared>> -> memref<256xf32, #tpu.memory_space<vmem_shared>>
        tpu.enqueue_dma source(%dma_start3A_906 : memref<256xf32, #tpu.memory_space<vmem_shared>>) target(%arg32 : memref<256xf32, #tpu.memory_space<vmem>>) target_semaphore(%run_scoped3A : memref<!tpu.dma_semaphore, #tpu.memory_space<semaphore_mem>>)
        %dma_wait3A = arith.constant 2304 : i32
        %dma_wait3A_907 = tpu.memref_slice %arg34[%dma_wait3A] : memref<2560xf32, #tpu.memory_space<vmem_shared>> -> memref<256xf32, #tpu.memory_space<vmem_shared>>
        %dma_wait3A_908 = arith.constant 2304 : i32
        %dma_wait3A_909 = tpu.memref_slice %arg34[%dma_wait3A_908] : memref<2560xf32, #tpu.memory_space<vmem_shared>> -> memref<256xf32, #tpu.memory_space<vmem_shared>>
        tpu.wait_dma2 semaphore(%run_scoped3A : memref<!tpu.dma_semaphore, #tpu.memory_space<semaphore_mem>>) src(%dma_wait3A_909 : memref<256xf32, #tpu.memory_space<vmem_shared>>) dst(%arg32 : memref<256xf32, #tpu.memory_space<vmem>>)
        tpu.yield
      }) : () -> ()
      %get3A = arith.constant 0 : index
      %get3A_23 = tpu.vector_load %arg32[%get3A] {strides = array<i32>} : memref<256xf32, #tpu.memory_space<vmem>>, vector<16xf32>,
      %get3A_24 = arith.constant 16 : index
      %get3A_25 = tpu.vector_load %arg32[%get3A_24] {strides = array<i32>} : memref<256xf32, #tpu.memory_space<vmem>>, vector<16xf32>,
      %add3A = arith.addf %get3A_23, %get3A_25 : vector<16xf32>
      %get3A_26 = arith.constant 32 : index
      %get3A_27 = tpu.vector_load %arg32[%get3A_26] {strides = array<i32>} : memref<256xf32, #tpu.memory_space<vmem>>, vector<16xf32>,
      %add3A_28 = arith.addf %add3A, %get3A_27 : vector<16xf32>
      %get3A_29 = arith.constant 48 : index
      %get3A_30 = tpu.vector_load %arg32[%get3A_29] {strides = array<i32>} : memref<256xf32, #tpu.memory_space<vmem>>, vector<16xf32>,
      %add3A_31 = arith.addf %add3A_28, %get3A_30 : vector<16xf32>
      %get3A_32 = arith.constant 64 : index
      %get3A_33 = tpu.vector_load %arg32[%get3A_32] {strides = array<i32>} : memref<256xf32, #tpu.memory_space<vmem>>, vector<16xf32>,
      %add3A_34 = arith.addf %add3A_31, %get3A_33 : vector<16xf32>
      %get3A_35 = arith.constant 80 : index
      %get3A_36 = tpu.vector_load %arg32[%get3A_35] {strides = array<i32>} : memref<256xf32, #tpu.memory_space<vmem>>, vector<16xf32>,
      %add3A_37 = arith.addf %add3A_34, %get3A_36 : vector<16xf32>
      %get3A_38 = arith.constant 96 : index
      %get3A_39 = tpu.vector_load %arg32[%get3A_38] {strides = array<i32>} : memref<256xf32, #tpu.memory_space<vmem>>, vector<16xf32>,
      %add3A_40 = arith.addf %add3A_37, %get3A_39 : vector<16xf32>
      %get3A_41 = arith.constant 112 : index
      %get3A_42 = tpu.vector_load %arg32[%get3A_41] {strides = array<i32>} : memref<256xf32, #tpu.memory_space<vmem>>, vector<16xf32>,
      %add3A_43 = arith.addf %add3A_40, %get3A_42 : vector<16xf32>
      %get3A_44 = arith.constant 128 : index
      %get3A_45 = tpu.vector_load %arg32[%get3A_44] {strides = array<i32>} : memref<256xf32, #tpu.memory_space<vmem>>, vector<16xf32>,
      %add3A_46 = arith.addf %add3A_43, %get3A_45 : vector<16xf32>
      %get3A_47 = arith.constant 144 : index
      %get3A_48 = tpu.vector_load %arg32[%get3A_47] {strides = array<i32>} : memref<256xf32, #tpu.memory_space<vmem>>, vector<16xf32>,
      %add3A_49 = arith.addf %add3A_46, %get3A_48 : vector<16xf32>
      %get3A_50 = arith.constant 160 : index
      %get3A_51 = tpu.vector_load %arg32[%get3A_50] {strides = array<i32>} : memref<256xf32, #tpu.memory_space<vmem>>, vector<16xf32>,
      %add3A_52 = arith.addf %add3A_49, %get3A_51 : vector<16xf32>
      %get3A_53 = arith.constant 176 : index
      %get3A_54 = tpu.vector_load %arg32[%get3A_53] {strides = array<i32>} : memref<256xf32, #tpu.memory_space<vmem>>, vector<16xf32>,
      %add3A_55 = arith.addf %add3A_52, %get3A_54 : vector<16xf32>
      %get3A_56 = arith.constant 192 : index
      %get3A_57 = tpu.vector_load %arg32[%get3A_56] {strides = array<i32>} : memref<256xf32, #tpu.memory_space<vmem>>, vector<16xf32>,
      %add3A_58 = arith.addf %add3A_55, %get3A_57 : vector<16xf32>
      %get3A_59 = arith.constant 208 : index
      %get3A_60 = tpu.vector_load %arg32[%get3A_59] {strides = array<i32>} : memref<256xf32, #tpu.memory_space<vmem>>, vector<16xf32>,
      %add3A_61 = arith.addf %add3A_58, %get3A_60 : vector<16xf32>
      %get3A_62 = arith.constant 224 : index
      %get3A_63 = tpu.vector_load %arg32[%get3A_62] {strides = array<i32>} : memref<256xf32, #tpu.memory_space<vmem>>, vector<16xf32>,
      %add3A_64 = arith.addf %add3A_61, %get3A_63 : vector<16xf32>
      %get3A_65 = arith.constant 240 : index
      %get3A_66 = tpu.vector_load %arg32[%get3A_65] {strides = array<i32>} : memref<256xf32, #tpu.memory_space<vmem>>, vector<16xf32>,
      %add3A_67 = arith.addf %add3A_64, %get3A_66 : vector<16xf32>
      %reduce_sum3A = arith.constant true
      %reduce_sum3A_68 = vector.broadcast %reduce_sum3A : i1 to vector<16xi1>
      %reduce_sum3A_69 = tpu.scan <sum>, %add3A_67 masked %reduce_sum3A_68 : vector<16xf32>, vector<16xi1> -> vector<16xf32>
      %reduce_sum3A_70 = vector.extract %reduce_sum3A_69[15] : f32 from vector<16xf32>
      %mul3A_71 = arith.constant 6.10351563E-5 : f32
      %mul3A_72 = arith.mulf %reduce_sum3A_70, %mul3A_71 : f32
      %get3A_73 = arith.constant 1008 : index
      %get3A_74 = tpu.vector_load %arg22[%get3A_73] {strides = array<i32>} : memref<1024xf32, #tpu.memory_space<vmem>>, vector<16xf32>,
      %slice3A = vector.extract_strided_slice %get3A_74 {offsets = [1], sizes = [1], strides = [1]} : vector<16xf32> to vector<1xf32>
      %squeeze3A = vector.extract %slice3A[0] : f32 from vector<1xf32>
      "tpu.region"() ({
        %run_scoped3A = tpu.sem_alloc : memref<!tpu.dma_semaphore, #tpu.memory_space<semaphore_mem>>
        %dma_start3A = arith.constant 0 : i32
        %dma_start3A_904 = tpu.memref_slice %arg34[%dma_start3A] : memref<2560xf32, #tpu.memory_space<vmem_shared>> -> memref<1024xf32, #tpu.memory_space<vmem_shared>>
        %dma_start3A_905 = arith.constant 0 : i32
        %dma_start3A_906 = tpu.memref_slice %arg34[%dma_start3A_905] : memref<2560xf32, #tpu.memory_space<vmem_shared>> -> memref<1024xf32, #tpu.memory_space<vmem_shared>>
        tpu.enqueue_dma source(%dma_start3A_906 : memref<1024xf32, #tpu.memory_space<vmem_shared>>) target(%arg23 : memref<1024xf32, #tpu.memory_space<vmem>>) target_semaphore(%run_scoped3A : memref<!tpu.dma_semaphore, #tpu.memory_space<semaphore_mem>>)
        %dma_wait3A = arith.constant 0 : i32
        %dma_wait3A_907 = tpu.memref_slice %arg34[%dma_wait3A] : memref<2560xf32, #tpu.memory_space<vmem_shared>> -> memref<1024xf32, #tpu.memory_space<vmem_shared>>
        %dma_wait3A_908 = arith.constant 0 : i32
        %dma_wait3A_909 = tpu.memref_slice %arg34[%dma_wait3A_908] : memref<2560xf32, #tpu.memory_space<vmem_shared>> -> memref<1024xf32, #tpu.memory_space<vmem_shared>>
        tpu.wait_dma2 semaphore(%run_scoped3A : memref<!tpu.dma_semaphore, #tpu.memory_space<semaphore_mem>>) src(%dma_wait3A_909 : memref<1024xf32, #tpu.memory_space<vmem_shared>>) dst(%arg23 : memref<1024xf32, #tpu.memory_space<vmem>>)
        tpu.yield
      }) : () -> ()
      "tpu.region"() ({
        %run_scoped3A = tpu.sem_alloc : memref<!tpu.dma_semaphore, #tpu.memory_space<semaphore_mem>>
        %dma_start3A = arith.constant 0 : i32
        %dma_start3A_904 = tpu.memref_slice %arg24[%dma_start3A] : memref<1024xf32, #tpu.memory_space<vmem>> -> memref<1000xf32, #tpu.memory_space<vmem>>
        %dma_start3A_905 = arith.constant 0 : i32
        %dma_start3A_906 = tpu.memref_slice %arg24[%dma_start3A_905] : memref<1024xf32, #tpu.memory_space<vmem>> -> memref<1000xf32, #tpu.memory_space<vmem>>
        tpu.enqueue_dma source(%arg7 : memref<1000xf32, #tpu.memory_space<hbm>>) target(%dma_start3A_906 : memref<1000xf32, #tpu.memory_space<vmem>>) target_semaphore(%run_scoped3A : memref<!tpu.dma_semaphore, #tpu.memory_space<semaphore_mem>>)
        %dma_wait3A = arith.constant 0 : i32
        %dma_wait3A_907 = tpu.memref_slice %arg24[%dma_wait3A] : memref<1024xf32, #tpu.memory_space<vmem>> -> memref<1000xf32, #tpu.memory_space<vmem>>
        %dma_wait3A_908 = arith.constant 0 : i32
        %dma_wait3A_909 = tpu.memref_slice %arg24[%dma_wait3A_908] : memref<1024xf32, #tpu.memory_space<vmem>> -> memref<1000xf32, #tpu.memory_space<vmem>>
        tpu.wait_dma2 semaphore(%run_scoped3A : memref<!tpu.dma_semaphore, #tpu.memory_space<semaphore_mem>>) src(%arg7 : memref<1000xf32, #tpu.memory_space<hbm>>) dst(%dma_wait3A_909 : memref<1000xf32, #tpu.memory_space<vmem>>)
        tpu.yield
      }) : () -> ()
      %get3A_75 = arith.constant 0 : index
      %get3A_76 = tpu.vector_load %arg24[%get3A_75] {strides = array<i32>} : memref<1024xf32, #tpu.memory_space<vmem>>, vector<16xf32>,
      %mul3A_77 = arith.constant 9.990000e-01 : f32
      %mul3A_78 = vector.broadcast %mul3A_77 : f32 to vector<16xf32>
      %mul3A_79 = arith.mulf %get3A_76, %mul3A_78 : vector<16xf32>
      %get3A_80 = arith.constant 0 : index
      %get3A_81 = tpu.vector_load %arg23[%get3A_80] {strides = array<i32>} : memref<1024xf32, #tpu.memory_space<vmem>>, vector<16xf32>,
      %mul3A_82 = arith.constant 6.10351591E-8 : f32
      %mul3A_83 = vector.broadcast %mul3A_82 : f32 to vector<16xf32>
      %mul3A_84 = arith.mulf %get3A_81, %mul3A_83 : vector<16xf32>
      %add3A_85 = arith.addf %mul3A_79, %mul3A_84 : vector<16xf32>
      %swap3A = arith.constant 0 : index
      %swap3A_86 = tpu.vector_load %arg25[%swap3A] {strides = array<i32>} : memref<1024xf32, #tpu.memory_space<vmem>>, vector<16xf32>,
      tpu.vector_store %arg25[%swap3A], %add3A_85 {strides = array<i32>} : memref<1024xf32, #tpu.memory_space<vmem>>, vector<16xf32>,
      %get3A_87 = arith.constant 16 : index
      %get3A_88 = tpu.vector_load %arg24[%get3A_87] {strides = array<i32>} : memref<1024xf32, #tpu.memory_space<vmem>>, vector<16xf32>,
      %mul3A_89 = arith.constant 9.990000e-01 : f32
      %mul3A_90 = vector.broadcast %mul3A_89 : f32 to vector<16xf32>
      %mul3A_91 = arith.mulf %get3A_88, %mul3A_90 : vector<16xf32>
      %get3A_92 = arith.constant 16 : index
      %get3A_93 = tpu.vector_load %arg23[%get3A_92] {strides = array<i32>} : memref<1024xf32, #tpu.memory_space<vmem>>, vector<16xf32>,
      %mul3A_94 = arith.constant 6.10351591E-8 : f32
      %mul3A_95 = vector.broadcast %mul3A_94 : f32 to vector<16xf32>
      %mul3A_96 = arith.mulf %get3A_93, %mul3A_95 : vector<16xf32>
      %add3A_97 = arith.addf %mul3A_91, %mul3A_96 : vector<16xf32>
      %swap3A_98 = arith.constant 16 : index
      %swap3A_99 = tpu.vector_load %arg25[%swap3A_98] {strides = array<i32>} : memref<1024xf32, #tpu.memory_space<vmem>>, vector<16xf32>,
      tpu.vector_store %arg25[%swap3A_98], %add3A_97 {strides = array<i32>} : memref<1024xf32, #tpu.memory_space<vmem>>, vector<16xf32>,
      %get3A_100 = arith.constant 32 : index
      %get3A_101 = tpu.vector_load %arg24[%get3A_100] {strides = array<i32>} : memref<1024xf32, #tpu.memory_space<vmem>>, vector<16xf32>,
      %mul3A_102 = arith.constant 9.990000e-01 : f32
      %mul3A_103 = vector.broadcast %mul3A_102 : f32 to vector<16xf32>
      %mul3A_104 = arith.mulf %get3A_101, %mul3A_103 : vector<16xf32>
      %get3A_105 = arith.constant 32 : index
      %get3A_106 = tpu.vector_load %arg23[%get3A_105] {strides = array<i32>} : memref<1024xf32, #tpu.memory_space<vmem>>, vector<16xf32>,
      %mul3A_107 = arith.constant 6.10351591E-8 : f32
      %mul3A_108 = vector.broadcast %mul3A_107 : f32 to vector<16xf32>
      %mul3A_109 = arith.mulf %get3A_106, %mul3A_108 : vector<16xf32>
      %add3A_110 = arith.addf %mul3A_104, %mul3A_109 : vector<16xf32>
      %swap3A_111 = arith.constant 32 : index
      %swap3A_112 = tpu.vector_load %arg25[%swap3A_111] {strides = array<i32>} : memref<1024xf32, #tpu.memory_space<vmem>>, vector<16xf32>,
      tpu.vector_store %arg25[%swap3A_111], %add3A_110 {strides = array<i32>} : memref<1024xf32, #tpu.memory_space<vmem>>, vector<16xf32>,
      %get3A_113 = arith.constant 48 : index
      %get3A_114 = tpu.vector_load %arg24[%get3A_113] {strides = array<i32>} : memref<1024xf32, #tpu.memory_space<vmem>>, vector<16xf32>,
      %mul3A_115 = arith.constant 9.990000e-01 : f32
      %mul3A_116 = vector.broadcast %mul3A_115 : f32 to vector<16xf32>
      %mul3A_117 = arith.mulf %get3A_114, %mul3A_116 : vector<16xf32>
      %get3A_118 = arith.constant 48 : index
      %get3A_119 = tpu.vector_load %arg23[%get3A_118] {strides = array<i32>} : memref<1024xf32, #tpu.memory_space<vmem>>, vector<16xf32>,
      %mul3A_120 = arith.constant 6.10351591E-8 : f32
      %mul3A_121 = vector.broadcast %mul3A_120 : f32 to vector<16xf32>
      %mul3A_122 = arith.mulf %get3A_119, %mul3A_121 : vector<16xf32>
      %add3A_123 = arith.addf %mul3A_117, %mul3A_122 : vector<16xf32>
      %swap3A_124 = arith.constant 48 : index
      %swap3A_125 = tpu.vector_load %arg25[%swap3A_124] {strides = array<i32>} : memref<1024xf32, #tpu.memory_space<vmem>>, vector<16xf32>,
      tpu.vector_store %arg25[%swap3A_124], %add3A_123 {strides = array<i32>} : memref<1024xf32, #tpu.memory_space<vmem>>, vector<16xf32>,
      %get3A_126 = arith.constant 64 : index
      %get3A_127 = tpu.vector_load %arg24[%get3A_126] {strides = array<i32>} : memref<1024xf32, #tpu.memory_space<vmem>>, vector<16xf32>,
      %mul3A_128 = arith.constant 9.990000e-01 : f32
      %mul3A_129 = vector.broadcast %mul3A_128 : f32 to vector<16xf32>
      %mul3A_130 = arith.mulf %get3A_127, %mul3A_129 : vector<16xf32>
      %get3A_131 = arith.constant 64 : index
      %get3A_132 = tpu.vector_load %arg23[%get3A_131] {strides = array<i32>} : memref<1024xf32, #tpu.memory_space<vmem>>, vector<16xf32>,
      %mul3A_133 = arith.constant 6.10351591E-8 : f32
      %mul3A_134 = vector.broadcast %mul3A_133 : f32 to vector<16xf32>
      %mul3A_135 = arith.mulf %get3A_132, %mul3A_134 : vector<16xf32>
      %add3A_136 = arith.addf %mul3A_130, %mul3A_135 : vector<16xf32>
      %swap3A_137 = arith.constant 64 : index
      %swap3A_138 = tpu.vector_load %arg25[%swap3A_137] {strides = array<i32>} : memref<1024xf32, #tpu.memory_space<vmem>>, vector<16xf32>,
      tpu.vector_store %arg25[%swap3A_137], %add3A_136 {strides = array<i32>} : memref<1024xf32, #tpu.memory_space<vmem>>, vector<16xf32>,
      %get3A_139 = arith.constant 80 : index
      %get3A_140 = tpu.vector_load %arg24[%get3A_139] {strides = array<i32>} : memref<1024xf32, #tpu.memory_space<vmem>>, vector<16xf32>,
      %mul3A_141 = arith.constant 9.990000e-01 : f32
      %mul3A_142 = vector.broadcast %mul3A_141 : f32 to vector<16xf32>
      %mul3A_143 = arith.mulf %get3A_140, %mul3A_142 : vector<16xf32>
      %get3A_144 = arith.constant 80 : index
      %get3A_145 = tpu.vector_load %arg23[%get3A_144] {strides = array<i32>} : memref<1024xf32, #tpu.memory_space<vmem>>, vector<16xf32>,
      %mul3A_146 = arith.constant 6.10351591E-8 : f32
      %mul3A_147 = vector.broadcast %mul3A_146 : f32 to vector<16xf32>
      %mul3A_148 = arith.mulf %get3A_145, %mul3A_147 : vector<16xf32>
      %add3A_149 = arith.addf %mul3A_143, %mul3A_148 : vector<16xf32>
      %swap3A_150 = arith.constant 80 : index
      %swap3A_151 = tpu.vector_load %arg25[%swap3A_150] {strides = array<i32>} : memref<1024xf32, #tpu.memory_space<vmem>>, vector<16xf32>,
      tpu.vector_store %arg25[%swap3A_150], %add3A_149 {strides = array<i32>} : memref<1024xf32, #tpu.memory_space<vmem>>, vector<16xf32>,
      %get3A_152 = arith.constant 96 : index
      %get3A_153 = tpu.vector_load %arg24[%get3A_152] {strides = array<i32>} : memref<1024xf32, #tpu.memory_space<vmem>>, vector<16xf32>,
      %mul3A_154 = arith.constant 9.990000e-01 : f32
      %mul3A_155 = vector.broadcast %mul3A_154 : f32 to vector<16xf32>
      %mul3A_156 = arith.mulf %get3A_153, %mul3A_155 : vector<16xf32>
      %get3A_157 = arith.constant 96 : index
      %get3A_158 = tpu.vector_load %arg23[%get3A_157] {strides = array<i32>} : memref<1024xf32, #tpu.memory_space<vmem>>, vector<16xf32>,
      %mul3A_159 = arith.constant 6.10351591E-8 : f32
      %mul3A_160 = vector.broadcast %mul3A_159 : f32 to vector<16xf32>
      %mul3A_161 = arith.mulf %get3A_158, %mul3A_160 : vector<16xf32>
      %add3A_162 = arith.addf %mul3A_156, %mul3A_161 : vector<16xf32>
      %swap3A_163 = arith.constant 96 : index
      %swap3A_164 = tpu.vector_load %arg25[%swap3A_163] {strides = array<i32>} : memref<1024xf32, #tpu.memory_space<vmem>>, vector<16xf32>,
      tpu.vector_store %arg25[%swap3A_163], %add3A_162 {strides = array<i32>} : memref<1024xf32, #tpu.memory_space<vmem>>, vector<16xf32>,
      %get3A_165 = arith.constant 112 : index
      %get3A_166 = tpu.vector_load %arg24[%get3A_165] {strides = array<i32>} : memref<1024xf32, #tpu.memory_space<vmem>>, vector<16xf32>,
      %mul3A_167 = arith.constant 9.990000e-01 : f32
      %mul3A_168 = vector.broadcast %mul3A_167 : f32 to vector<16xf32>
      %mul3A_169 = arith.mulf %get3A_166, %mul3A_168 : vector<16xf32>
      %get3A_170 = arith.constant 112 : index
      %get3A_171 = tpu.vector_load %arg23[%get3A_170] {strides = array<i32>} : memref<1024xf32, #tpu.memory_space<vmem>>, vector<16xf32>,
      %mul3A_172 = arith.constant 6.10351591E-8 : f32
      %mul3A_173 = vector.broadcast %mul3A_172 : f32 to vector<16xf32>
      %mul3A_174 = arith.mulf %get3A_171, %mul3A_173 : vector<16xf32>
      %add3A_175 = arith.addf %mul3A_169, %mul3A_174 : vector<16xf32>
      %swap3A_176 = arith.constant 112 : index
      %swap3A_177 = tpu.vector_load %arg25[%swap3A_176] {strides = array<i32>} : memref<1024xf32, #tpu.memory_space<vmem>>, vector<16xf32>,
      tpu.vector_store %arg25[%swap3A_176], %add3A_175 {strides = array<i32>} : memref<1024xf32, #tpu.memory_space<vmem>>, vector<16xf32>,
      %get3A_178 = arith.constant 128 : index
      %get3A_179 = tpu.vector_load %arg24[%get3A_178] {strides = array<i32>} : memref<1024xf32, #tpu.memory_space<vmem>>, vector<16xf32>,
      %mul3A_180 = arith.constant 9.990000e-01 : f32
      %mul3A_181 = vector.broadcast %mul3A_180 : f32 to vector<16xf32>
      %mul3A_182 = arith.mulf %get3A_179, %mul3A_181 : vector<16xf32>
      %get3A_183 = arith.constant 128 : index
      %get3A_184 = tpu.vector_load %arg23[%get3A_183] {strides = array<i32>} : memref<1024xf32, #tpu.memory_space<vmem>>, vector<16xf32>,
      %mul3A_185 = arith.constant 6.10351591E-8 : f32
      %mul3A_186 = vector.broadcast %mul3A_185 : f32 to vector<16xf32>
      %mul3A_187 = arith.mulf %get3A_184, %mul3A_186 : vector<16xf32>
      %add3A_188 = arith.addf %mul3A_182, %mul3A_187 : vector<16xf32>
      %swap3A_189 = arith.constant 128 : index
      %swap3A_190 = tpu.vector_load %arg25[%swap3A_189] {strides = array<i32>} : memref<1024xf32, #tpu.memory_space<vmem>>, vector<16xf32>,
      tpu.vector_store %arg25[%swap3A_189], %add3A_188 {strides = array<i32>} : memref<1024xf32, #tpu.memory_space<vmem>>, vector<16xf32>,
      %get3A_191 = arith.constant 144 : index
      %get3A_192 = tpu.vector_load %arg24[%get3A_191] {strides = array<i32>} : memref<1024xf32, #tpu.memory_space<vmem>>, vector<16xf32>,
      %mul3A_193 = arith.constant 9.990000e-01 : f32
      %mul3A_194 = vector.broadcast %mul3A_193 : f32 to vector<16xf32>
      %mul3A_195 = arith.mulf %get3A_192, %mul3A_194 : vector<16xf32>
      %get3A_196 = arith.constant 144 : index
      %get3A_197 = tpu.vector_load %arg23[%get3A_196] {strides = array<i32>} : memref<1024xf32, #tpu.memory_space<vmem>>, vector<16xf32>,
      %mul3A_198 = arith.constant 6.10351591E-8 : f32
      %mul3A_199 = vector.broadcast %mul3A_198 : f32 to vector<16xf32>
      %mul3A_200 = arith.mulf %get3A_197, %mul3A_199 : vector<16xf32>
      %add3A_201 = arith.addf %mul3A_195, %mul3A_200 : vector<16xf32>
      %swap3A_202 = arith.constant 144 : index
      %swap3A_203 = tpu.vector_load %arg25[%swap3A_202] {strides = array<i32>} : memref<1024xf32, #tpu.memory_space<vmem>>, vector<16xf32>,
      tpu.vector_store %arg25[%swap3A_202], %add3A_201 {strides = array<i32>} : memref<1024xf32, #tpu.memory_space<vmem>>, vector<16xf32>,
      %get3A_204 = arith.constant 160 : index
      %get3A_205 = tpu.vector_load %arg24[%get3A_204] {strides = array<i32>} : memref<1024xf32, #tpu.memory_space<vmem>>, vector<16xf32>,
      %mul3A_206 = arith.constant 9.990000e-01 : f32
      %mul3A_207 = vector.broadcast %mul3A_206 : f32 to vector<16xf32>
      %mul3A_208 = arith.mulf %get3A_205, %mul3A_207 : vector<16xf32>
      %get3A_209 = arith.constant 160 : index
      %get3A_210 = tpu.vector_load %arg23[%get3A_209] {strides = array<i32>} : memref<1024xf32, #tpu.memory_space<vmem>>, vector<16xf32>,
      %mul3A_211 = arith.constant 6.10351591E-8 : f32
      %mul3A_212 = vector.broadcast %mul3A_211 : f32 to vector<16xf32>
      %mul3A_213 = arith.mulf %get3A_210, %mul3A_212 : vector<16xf32>
      %add3A_214 = arith.addf %mul3A_208, %mul3A_213 : vector<16xf32>
      %swap3A_215 = arith.constant 160 : index
      %swap3A_216 = tpu.vector_load %arg25[%swap3A_215] {strides = array<i32>} : memref<1024xf32, #tpu.memory_space<vmem>>, vector<16xf32>,
      tpu.vector_store %arg25[%swap3A_215], %add3A_214 {strides = array<i32>} : memref<1024xf32, #tpu.memory_space<vmem>>, vector<16xf32>,
      %get3A_217 = arith.constant 176 : index
      %get3A_218 = tpu.vector_load %arg24[%get3A_217] {strides = array<i32>} : memref<1024xf32, #tpu.memory_space<vmem>>, vector<16xf32>,
      %mul3A_219 = arith.constant 9.990000e-01 : f32
      %mul3A_220 = vector.broadcast %mul3A_219 : f32 to vector<16xf32>
      %mul3A_221 = arith.mulf %get3A_218, %mul3A_220 : vector<16xf32>
      %get3A_222 = arith.constant 176 : index
      %get3A_223 = tpu.vector_load %arg23[%get3A_222] {strides = array<i32>} : memref<1024xf32, #tpu.memory_space<vmem>>, vector<16xf32>,
      %mul3A_224 = arith.constant 6.10351591E-8 : f32
      %mul3A_225 = vector.broadcast %mul3A_224 : f32 to vector<16xf32>
      %mul3A_226 = arith.mulf %get3A_223, %mul3A_225 : vector<16xf32>
      %add3A_227 = arith.addf %mul3A_221, %mul3A_226 : vector<16xf32>
      %swap3A_228 = arith.constant 176 : index
      %swap3A_229 = tpu.vector_load %arg25[%swap3A_228] {strides = array<i32>} : memref<1024xf32, #tpu.memory_space<vmem>>, vector<16xf32>,
      tpu.vector_store %arg25[%swap3A_228], %add3A_227 {strides = array<i32>} : memref<1024xf32, #tpu.memory_space<vmem>>, vector<16xf32>,
      %get3A_230 = arith.constant 192 : index
      %get3A_231 = tpu.vector_load %arg24[%get3A_230] {strides = array<i32>} : memref<1024xf32, #tpu.memory_space<vmem>>, vector<16xf32>,
      %mul3A_232 = arith.constant 9.990000e-01 : f32
      %mul3A_233 = vector.broadcast %mul3A_232 : f32 to vector<16xf32>
      %mul3A_234 = arith.mulf %get3A_231, %mul3A_233 : vector<16xf32>
      %get3A_235 = arith.constant 192 : index
      %get3A_236 = tpu.vector_load %arg23[%get3A_235] {strides = array<i32>} : memref<1024xf32, #tpu.memory_space<vmem>>, vector<16xf32>,
      %mul3A_237 = arith.constant 6.10351591E-8 : f32
      %mul3A_238 = vector.broadcast %mul3A_237 : f32 to vector<16xf32>
      %mul3A_239 = arith.mulf %get3A_236, %mul3A_238 : vector<16xf32>
      %add3A_240 = arith.addf %mul3A_234, %mul3A_239 : vector<16xf32>
      %swap3A_241 = arith.constant 192 : index
      %swap3A_242 = tpu.vector_load %arg25[%swap3A_241] {strides = array<i32>} : memref<1024xf32, #tpu.memory_space<vmem>>, vector<16xf32>,
      tpu.vector_store %arg25[%swap3A_241], %add3A_240 {strides = array<i32>} : memref<1024xf32, #tpu.memory_space<vmem>>, vector<16xf32>,
      %get3A_243 = arith.constant 208 : index
      %get3A_244 = tpu.vector_load %arg24[%get3A_243] {strides = array<i32>} : memref<1024xf32, #tpu.memory_space<vmem>>, vector<16xf32>,
      %mul3A_245 = arith.constant 9.990000e-01 : f32
      %mul3A_246 = vector.broadcast %mul3A_245 : f32 to vector<16xf32>
      %mul3A_247 = arith.mulf %get3A_244, %mul3A_246 : vector<16xf32>
      %get3A_248 = arith.constant 208 : index
      %get3A_249 = tpu.vector_load %arg23[%get3A_248] {strides = array<i32>} : memref<1024xf32, #tpu.memory_space<vmem>>, vector<16xf32>,
      %mul3A_250 = arith.constant 6.10351591E-8 : f32
      %mul3A_251 = vector.broadcast %mul3A_250 : f32 to vector<16xf32>
      %mul3A_252 = arith.mulf %get3A_249, %mul3A_251 : vector<16xf32>
      %add3A_253 = arith.addf %mul3A_247, %mul3A_252 : vector<16xf32>
      %swap3A_254 = arith.constant 208 : index
      %swap3A_255 = tpu.vector_load %arg25[%swap3A_254] {strides = array<i32>} : memref<1024xf32, #tpu.memory_space<vmem>>, vector<16xf32>,
      tpu.vector_store %arg25[%swap3A_254], %add3A_253 {strides = array<i32>} : memref<1024xf32, #tpu.memory_space<vmem>>, vector<16xf32>,
      %get3A_256 = arith.constant 224 : index
      %get3A_257 = tpu.vector_load %arg24[%get3A_256] {strides = array<i32>} : memref<1024xf32, #tpu.memory_space<vmem>>, vector<16xf32>,
      %mul3A_258 = arith.constant 9.990000e-01 : f32
      %mul3A_259 = vector.broadcast %mul3A_258 : f32 to vector<16xf32>
      %mul3A_260 = arith.mulf %get3A_257, %mul3A_259 : vector<16xf32>
      %get3A_261 = arith.constant 224 : index
      %get3A_262 = tpu.vector_load %arg23[%get3A_261] {strides = array<i32>} : memref<1024xf32, #tpu.memory_space<vmem>>, vector<16xf32>,
      %mul3A_263 = arith.constant 6.10351591E-8 : f32
      %mul3A_264 = vector.broadcast %mul3A_263 : f32 to vector<16xf32>
      %mul3A_265 = arith.mulf %get3A_262, %mul3A_264 : vector<16xf32>
      %add3A_266 = arith.addf %mul3A_260, %mul3A_265 : vector<16xf32>
      %swap3A_267 = arith.constant 224 : index
      %swap3A_268 = tpu.vector_load %arg25[%swap3A_267] {strides = array<i32>} : memref<1024xf32, #tpu.memory_space<vmem>>, vector<16xf32>,
      tpu.vector_store %arg25[%swap3A_267], %add3A_266 {strides = array<i32>} : memref<1024xf32, #tpu.memory_space<vmem>>, vector<16xf32>,
      %get3A_269 = arith.constant 240 : index
      %get3A_270 = tpu.vector_load %arg24[%get3A_269] {strides = array<i32>} : memref<1024xf32, #tpu.memory_space<vmem>>, vector<16xf32>,
      %mul3A_271 = arith.constant 9.990000e-01 : f32
      %mul3A_272 = vector.broadcast %mul3A_271 : f32 to vector<16xf32>
      %mul3A_273 = arith.mulf %get3A_270, %mul3A_272 : vector<16xf32>
      %get3A_274 = arith.constant 240 : index
      %get3A_275 = tpu.vector_load %arg23[%get3A_274] {strides = array<i32>} : memref<1024xf32, #tpu.memory_space<vmem>>, vector<16xf32>,
      %mul3A_276 = arith.constant 6.10351591E-8 : f32
      %mul3A_277 = vector.broadcast %mul3A_276 : f32 to vector<16xf32>
      %mul3A_278 = arith.mulf %get3A_275, %mul3A_277 : vector<16xf32>
      %add3A_279 = arith.addf %mul3A_273, %mul3A_278 : vector<16xf32>
      %swap3A_280 = arith.constant 240 : index
      %swap3A_281 = tpu.vector_load %arg25[%swap3A_280] {strides = array<i32>} : memref<1024xf32, #tpu.memory_space<vmem>>, vector<16xf32>,
      tpu.vector_store %arg25[%swap3A_280], %add3A_279 {strides = array<i32>} : memref<1024xf32, #tpu.memory_space<vmem>>, vector<16xf32>,
      %get3A_282 = arith.constant 256 : index
      %get3A_283 = tpu.vector_load %arg24[%get3A_282] {strides = array<i32>} : memref<1024xf32, #tpu.memory_space<vmem>>, vector<16xf32>,
      %mul3A_284 = arith.constant 9.990000e-01 : f32
      %mul3A_285 = vector.broadcast %mul3A_284 : f32 to vector<16xf32>
      %mul3A_286 = arith.mulf %get3A_283, %mul3A_285 : vector<16xf32>
      %get3A_287 = arith.constant 256 : index
      %get3A_288 = tpu.vector_load %arg23[%get3A_287] {strides = array<i32>} : memref<1024xf32, #tpu.memory_space<vmem>>, vector<16xf32>,
      %mul3A_289 = arith.constant 6.10351591E-8 : f32
      %mul3A_290 = vector.broadcast %mul3A_289 : f32 to vector<16xf32>
      %mul3A_291 = arith.mulf %get3A_288, %mul3A_290 : vector<16xf32>
      %add3A_292 = arith.addf %mul3A_286, %mul3A_291 : vector<16xf32>
      %swap3A_293 = arith.constant 256 : index
      %swap3A_294 = tpu.vector_load %arg25[%swap3A_293] {strides = array<i32>} : memref<1024xf32, #tpu.memory_space<vmem>>, vector<16xf32>,
      tpu.vector_store %arg25[%swap3A_293], %add3A_292 {strides = array<i32>} : memref<1024xf32, #tpu.memory_space<vmem>>, vector<16xf32>,
      %get3A_295 = arith.constant 272 : index
      %get3A_296 = tpu.vector_load %arg24[%get3A_295] {strides = array<i32>} : memref<1024xf32, #tpu.memory_space<vmem>>, vector<16xf32>,
      %mul3A_297 = arith.constant 9.990000e-01 : f32
      %mul3A_298 = vector.broadcast %mul3A_297 : f32 to vector<16xf32>
      %mul3A_299 = arith.mulf %get3A_296, %mul3A_298 : vector<16xf32>
      %get3A_300 = arith.constant 272 : index
      %get3A_301 = tpu.vector_load %arg23[%get3A_300] {strides = array<i32>} : memref<1024xf32, #tpu.memory_space<vmem>>, vector<16xf32>,
      %mul3A_302 = arith.constant 6.10351591E-8 : f32
      %mul3A_303 = vector.broadcast %mul3A_302 : f32 to vector<16xf32>
      %mul3A_304 = arith.mulf %get3A_301, %mul3A_303 : vector<16xf32>
      %add3A_305 = arith.addf %mul3A_299, %mul3A_304 : vector<16xf32>
      %swap3A_306 = arith.constant 272 : index
      %swap3A_307 = tpu.vector_load %arg25[%swap3A_306] {strides = array<i32>} : memref<1024xf32, #tpu.memory_space<vmem>>, vector<16xf32>,
      tpu.vector_store %arg25[%swap3A_306], %add3A_305 {strides = array<i32>} : memref<1024xf32, #tpu.memory_space<vmem>>, vector<16xf32>,
      %get3A_308 = arith.constant 288 : index
      %get3A_309 = tpu.vector_load %arg24[%get3A_308] {strides = array<i32>} : memref<1024xf32, #tpu.memory_space<vmem>>, vector<16xf32>,
      %mul3A_310 = arith.constant 9.990000e-01 : f32
      %mul3A_311 = vector.broadcast %mul3A_310 : f32 to vector<16xf32>
      %mul3A_312 = arith.mulf %get3A_309, %mul3A_311 : vector<16xf32>
      %get3A_313 = arith.constant 288 : index
      %get3A_314 = tpu.vector_load %arg23[%get3A_313] {strides = array<i32>} : memref<1024xf32, #tpu.memory_space<vmem>>, vector<16xf32>,
      %mul3A_315 = arith.constant 6.10351591E-8 : f32
      %mul3A_316 = vector.broadcast %mul3A_315 : f32 to vector<16xf32>
      %mul3A_317 = arith.mulf %get3A_314, %mul3A_316 : vector<16xf32>
      %add3A_318 = arith.addf %mul3A_312, %mul3A_317 : vector<16xf32>
      %swap3A_319 = arith.constant 288 : index
      %swap3A_320 = tpu.vector_load %arg25[%swap3A_319] {strides = array<i32>} : memref<1024xf32, #tpu.memory_space<vmem>>, vector<16xf32>,
      tpu.vector_store %arg25[%swap3A_319], %add3A_318 {strides = array<i32>} : memref<1024xf32, #tpu.memory_space<vmem>>, vector<16xf32>,
      %get3A_321 = arith.constant 304 : index
      %get3A_322 = tpu.vector_load %arg24[%get3A_321] {strides = array<i32>} : memref<1024xf32, #tpu.memory_space<vmem>>, vector<16xf32>,
      %mul3A_323 = arith.constant 9.990000e-01 : f32
      %mul3A_324 = vector.broadcast %mul3A_323 : f32 to vector<16xf32>
      %mul3A_325 = arith.mulf %get3A_322, %mul3A_324 : vector<16xf32>
      %get3A_326 = arith.constant 304 : index
      %get3A_327 = tpu.vector_load %arg23[%get3A_326] {strides = array<i32>} : memref<1024xf32, #tpu.memory_space<vmem>>, vector<16xf32>,
      %mul3A_328 = arith.constant 6.10351591E-8 : f32
      %mul3A_329 = vector.broadcast %mul3A_328 : f32 to vector<16xf32>
      %mul3A_330 = arith.mulf %get3A_327, %mul3A_329 : vector<16xf32>
      %add3A_331 = arith.addf %mul3A_325, %mul3A_330 : vector<16xf32>
      %swap3A_332 = arith.constant 304 : index
      %swap3A_333 = tpu.vector_load %arg25[%swap3A_332] {strides = array<i32>} : memref<1024xf32, #tpu.memory_space<vmem>>, vector<16xf32>,
      tpu.vector_store %arg25[%swap3A_332], %add3A_331 {strides = array<i32>} : memref<1024xf32, #tpu.memory_space<vmem>>, vector<16xf32>,
      %get3A_334 = arith.constant 320 : index
      %get3A_335 = tpu.vector_load %arg24[%get3A_334] {strides = array<i32>} : memref<1024xf32, #tpu.memory_space<vmem>>, vector<16xf32>,
      %mul3A_336 = arith.constant 9.990000e-01 : f32
      %mul3A_337 = vector.broadcast %mul3A_336 : f32 to vector<16xf32>
      %mul3A_338 = arith.mulf %get3A_335, %mul3A_337 : vector<16xf32>
      %get3A_339 = arith.constant 320 : index
      %get3A_340 = tpu.vector_load %arg23[%get3A_339] {strides = array<i32>} : memref<1024xf32, #tpu.memory_space<vmem>>, vector<16xf32>,
      %mul3A_341 = arith.constant 6.10351591E-8 : f32
      %mul3A_342 = vector.broadcast %mul3A_341 : f32 to vector<16xf32>
      %mul3A_343 = arith.mulf %get3A_340, %mul3A_342 : vector<16xf32>
      %add3A_344 = arith.addf %mul3A_338, %mul3A_343 : vector<16xf32>
      %swap3A_345 = arith.constant 320 : index
      %swap3A_346 = tpu.vector_load %arg25[%swap3A_345] {strides = array<i32>} : memref<1024xf32, #tpu.memory_space<vmem>>, vector<16xf32>,
      tpu.vector_store %arg25[%swap3A_345], %add3A_344 {strides = array<i32>} : memref<1024xf32, #tpu.memory_space<vmem>>, vector<16xf32>,
      %get3A_347 = arith.constant 336 : index
      %get3A_348 = tpu.vector_load %arg24[%get3A_347] {strides = array<i32>} : memref<1024xf32, #tpu.memory_space<vmem>>, vector<16xf32>,
      %mul3A_349 = arith.constant 9.990000e-01 : f32
      %mul3A_350 = vector.broadcast %mul3A_349 : f32 to vector<16xf32>
      %mul3A_351 = arith.mulf %get3A_348, %mul3A_350 : vector<16xf32>
      %get3A_352 = arith.constant 336 : index
      %get3A_353 = tpu.vector_load %arg23[%get3A_352] {strides = array<i32>} : memref<1024xf32, #tpu.memory_space<vmem>>, vector<16xf32>,
      %mul3A_354 = arith.constant 6.10351591E-8 : f32
      %mul3A_355 = vector.broadcast %mul3A_354 : f32 to vector<16xf32>
      %mul3A_356 = arith.mulf %get3A_353, %mul3A_355 : vector<16xf32>
      %add3A_357 = arith.addf %mul3A_351, %mul3A_356 : vector<16xf32>
      %swap3A_358 = arith.constant 336 : index
      %swap3A_359 = tpu.vector_load %arg25[%swap3A_358] {strides = array<i32>} : memref<1024xf32, #tpu.memory_space<vmem>>, vector<16xf32>,
      tpu.vector_store %arg25[%swap3A_358], %add3A_357 {strides = array<i32>} : memref<1024xf32, #tpu.memory_space<vmem>>, vector<16xf32>,
      %get3A_360 = arith.constant 352 : index
      %get3A_361 = tpu.vector_load %arg24[%get3A_360] {strides = array<i32>} : memref<1024xf32, #tpu.memory_space<vmem>>, vector<16xf32>,
      %mul3A_362 = arith.constant 9.990000e-01 : f32
      %mul3A_363 = vector.broadcast %mul3A_362 : f32 to vector<16xf32>
      %mul3A_364 = arith.mulf %get3A_361, %mul3A_363 : vector<16xf32>
      %get3A_365 = arith.constant 352 : index
      %get3A_366 = tpu.vector_load %arg23[%get3A_365] {strides = array<i32>} : memref<1024xf32, #tpu.memory_space<vmem>>, vector<16xf32>,
      %mul3A_367 = arith.constant 6.10351591E-8 : f32
      %mul3A_368 = vector.broadcast %mul3A_367 : f32 to vector<16xf32>
      %mul3A_369 = arith.mulf %get3A_366, %mul3A_368 : vector<16xf32>
      %add3A_370 = arith.addf %mul3A_364, %mul3A_369 : vector<16xf32>
      %swap3A_371 = arith.constant 352 : index
      %swap3A_372 = tpu.vector_load %arg25[%swap3A_371] {strides = array<i32>} : memref<1024xf32, #tpu.memory_space<vmem>>, vector<16xf32>,
      tpu.vector_store %arg25[%swap3A_371], %add3A_370 {strides = array<i32>} : memref<1024xf32, #tpu.memory_space<vmem>>, vector<16xf32>,
      %get3A_373 = arith.constant 368 : index
      %get3A_374 = tpu.vector_load %arg24[%get3A_373] {strides = array<i32>} : memref<1024xf32, #tpu.memory_space<vmem>>, vector<16xf32>,
      %mul3A_375 = arith.constant 9.990000e-01 : f32
      %mul3A_376 = vector.broadcast %mul3A_375 : f32 to vector<16xf32>
      %mul3A_377 = arith.mulf %get3A_374, %mul3A_376 : vector<16xf32>
      %get3A_378 = arith.constant 368 : index
      %get3A_379 = tpu.vector_load %arg23[%get3A_378] {strides = array<i32>} : memref<1024xf32, #tpu.memory_space<vmem>>, vector<16xf32>,
      %mul3A_380 = arith.constant 6.10351591E-8 : f32
      %mul3A_381 = vector.broadcast %mul3A_380 : f32 to vector<16xf32>
      %mul3A_382 = arith.mulf %get3A_379, %mul3A_381 : vector<16xf32>
      %add3A_383 = arith.addf %mul3A_377, %mul3A_382 : vector<16xf32>
      %swap3A_384 = arith.constant 368 : index
      %swap3A_385 = tpu.vector_load %arg25[%swap3A_384] {strides = array<i32>} : memref<1024xf32, #tpu.memory_space<vmem>>, vector<16xf32>,
      tpu.vector_store %arg25[%swap3A_384], %add3A_383 {strides = array<i32>} : memref<1024xf32, #tpu.memory_space<vmem>>, vector<16xf32>,
      %get3A_386 = arith.constant 384 : index
      %get3A_387 = tpu.vector_load %arg24[%get3A_386] {strides = array<i32>} : memref<1024xf32, #tpu.memory_space<vmem>>, vector<16xf32>,
      %mul3A_388 = arith.constant 9.990000e-01 : f32
      %mul3A_389 = vector.broadcast %mul3A_388 : f32 to vector<16xf32>
      %mul3A_390 = arith.mulf %get3A_387, %mul3A_389 : vector<16xf32>
      %get3A_391 = arith.constant 384 : index
      %get3A_392 = tpu.vector_load %arg23[%get3A_391] {strides = array<i32>} : memref<1024xf32, #tpu.memory_space<vmem>>, vector<16xf32>,
      %mul3A_393 = arith.constant 6.10351591E-8 : f32
      %mul3A_394 = vector.broadcast %mul3A_393 : f32 to vector<16xf32>
      %mul3A_395 = arith.mulf %get3A_392, %mul3A_394 : vector<16xf32>
      %add3A_396 = arith.addf %mul3A_390, %mul3A_395 : vector<16xf32>
      %swap3A_397 = arith.constant 384 : index
      %swap3A_398 = tpu.vector_load %arg25[%swap3A_397] {strides = array<i32>} : memref<1024xf32, #tpu.memory_space<vmem>>, vector<16xf32>,
      tpu.vector_store %arg25[%swap3A_397], %add3A_396 {strides = array<i32>} : memref<1024xf32, #tpu.memory_space<vmem>>, vector<16xf32>,
      %get3A_399 = arith.constant 400 : index
      %get3A_400 = tpu.vector_load %arg24[%get3A_399] {strides = array<i32>} : memref<1024xf32, #tpu.memory_space<vmem>>, vector<16xf32>,
      %mul3A_401 = arith.constant 9.990000e-01 : f32
      %mul3A_402 = vector.broadcast %mul3A_401 : f32 to vector<16xf32>
      %mul3A_403 = arith.mulf %get3A_400, %mul3A_402 : vector<16xf32>
      %get3A_404 = arith.constant 400 : index
      %get3A_405 = tpu.vector_load %arg23[%get3A_404] {strides = array<i32>} : memref<1024xf32, #tpu.memory_space<vmem>>, vector<16xf32>,
      %mul3A_406 = arith.constant 6.10351591E-8 : f32
      %mul3A_407 = vector.broadcast %mul3A_406 : f32 to vector<16xf32>
      %mul3A_408 = arith.mulf %get3A_405, %mul3A_407 : vector<16xf32>
      %add3A_409 = arith.addf %mul3A_403, %mul3A_408 : vector<16xf32>
      %swap3A_410 = arith.constant 400 : index
      %swap3A_411 = tpu.vector_load %arg25[%swap3A_410] {strides = array<i32>} : memref<1024xf32, #tpu.memory_space<vmem>>, vector<16xf32>,
      tpu.vector_store %arg25[%swap3A_410], %add3A_409 {strides = array<i32>} : memref<1024xf32, #tpu.memory_space<vmem>>, vector<16xf32>,
      %get3A_412 = arith.constant 416 : index
      %get3A_413 = tpu.vector_load %arg24[%get3A_412] {strides = array<i32>} : memref<1024xf32, #tpu.memory_space<vmem>>, vector<16xf32>,
      %mul3A_414 = arith.constant 9.990000e-01 : f32
      %mul3A_415 = vector.broadcast %mul3A_414 : f32 to vector<16xf32>
      %mul3A_416 = arith.mulf %get3A_413, %mul3A_415 : vector<16xf32>
      %get3A_417 = arith.constant 416 : index
      %get3A_418 = tpu.vector_load %arg23[%get3A_417] {strides = array<i32>} : memref<1024xf32, #tpu.memory_space<vmem>>, vector<16xf32>,
      %mul3A_419 = arith.constant 6.10351591E-8 : f32
      %mul3A_420 = vector.broadcast %mul3A_419 : f32 to vector<16xf32>
      %mul3A_421 = arith.mulf %get3A_418, %mul3A_420 : vector<16xf32>
      %add3A_422 = arith.addf %mul3A_416, %mul3A_421 : vector<16xf32>
      %swap3A_423 = arith.constant 416 : index
      %swap3A_424 = tpu.vector_load %arg25[%swap3A_423] {strides = array<i32>} : memref<1024xf32, #tpu.memory_space<vmem>>, vector<16xf32>,
      tpu.vector_store %arg25[%swap3A_423], %add3A_422 {strides = array<i32>} : memref<1024xf32, #tpu.memory_space<vmem>>, vector<16xf32>,
      %get3A_425 = arith.constant 432 : index
      %get3A_426 = tpu.vector_load %arg24[%get3A_425] {strides = array<i32>} : memref<1024xf32, #tpu.memory_space<vmem>>, vector<16xf32>,
      %mul3A_427 = arith.constant 9.990000e-01 : f32
      %mul3A_428 = vector.broadcast %mul3A_427 : f32 to vector<16xf32>
      %mul3A_429 = arith.mulf %get3A_426, %mul3A_428 : vector<16xf32>
      %get3A_430 = arith.constant 432 : index
      %get3A_431 = tpu.vector_load %arg23[%get3A_430] {strides = array<i32>} : memref<1024xf32, #tpu.memory_space<vmem>>, vector<16xf32>,
      %mul3A_432 = arith.constant 6.10351591E-8 : f32
      %mul3A_433 = vector.broadcast %mul3A_432 : f32 to vector<16xf32>
      %mul3A_434 = arith.mulf %get3A_431, %mul3A_433 : vector<16xf32>
      %add3A_435 = arith.addf %mul3A_429, %mul3A_434 : vector<16xf32>
      %swap3A_436 = arith.constant 432 : index
      %swap3A_437 = tpu.vector_load %arg25[%swap3A_436] {strides = array<i32>} : memref<1024xf32, #tpu.memory_space<vmem>>, vector<16xf32>,
      tpu.vector_store %arg25[%swap3A_436], %add3A_435 {strides = array<i32>} : memref<1024xf32, #tpu.memory_space<vmem>>, vector<16xf32>,
      %get3A_438 = arith.constant 448 : index
      %get3A_439 = tpu.vector_load %arg24[%get3A_438] {strides = array<i32>} : memref<1024xf32, #tpu.memory_space<vmem>>, vector<16xf32>,
      %mul3A_440 = arith.constant 9.990000e-01 : f32
      %mul3A_441 = vector.broadcast %mul3A_440 : f32 to vector<16xf32>
      %mul3A_442 = arith.mulf %get3A_439, %mul3A_441 : vector<16xf32>
      %get3A_443 = arith.constant 448 : index
      %get3A_444 = tpu.vector_load %arg23[%get3A_443] {strides = array<i32>} : memref<1024xf32, #tpu.memory_space<vmem>>, vector<16xf32>,
      %mul3A_445 = arith.constant 6.10351591E-8 : f32
      %mul3A_446 = vector.broadcast %mul3A_445 : f32 to vector<16xf32>
      %mul3A_447 = arith.mulf %get3A_444, %mul3A_446 : vector<16xf32>
      %add3A_448 = arith.addf %mul3A_442, %mul3A_447 : vector<16xf32>
      %swap3A_449 = arith.constant 448 : index
      %swap3A_450 = tpu.vector_load %arg25[%swap3A_449] {strides = array<i32>} : memref<1024xf32, #tpu.memory_space<vmem>>, vector<16xf32>,
      tpu.vector_store %arg25[%swap3A_449], %add3A_448 {strides = array<i32>} : memref<1024xf32, #tpu.memory_space<vmem>>, vector<16xf32>,
      %get3A_451 = arith.constant 464 : index
      %get3A_452 = tpu.vector_load %arg24[%get3A_451] {strides = array<i32>} : memref<1024xf32, #tpu.memory_space<vmem>>, vector<16xf32>,
      %mul3A_453 = arith.constant 9.990000e-01 : f32
      %mul3A_454 = vector.broadcast %mul3A_453 : f32 to vector<16xf32>
      %mul3A_455 = arith.mulf %get3A_452, %mul3A_454 : vector<16xf32>
      %get3A_456 = arith.constant 464 : index
      %get3A_457 = tpu.vector_load %arg23[%get3A_456] {strides = array<i32>} : memref<1024xf32, #tpu.memory_space<vmem>>, vector<16xf32>,
      %mul3A_458 = arith.constant 6.10351591E-8 : f32
      %mul3A_459 = vector.broadcast %mul3A_458 : f32 to vector<16xf32>
      %mul3A_460 = arith.mulf %get3A_457, %mul3A_459 : vector<16xf32>
      %add3A_461 = arith.addf %mul3A_455, %mul3A_460 : vector<16xf32>
      %swap3A_462 = arith.constant 464 : index
      %swap3A_463 = tpu.vector_load %arg25[%swap3A_462] {strides = array<i32>} : memref<1024xf32, #tpu.memory_space<vmem>>, vector<16xf32>,
      tpu.vector_store %arg25[%swap3A_462], %add3A_461 {strides = array<i32>} : memref<1024xf32, #tpu.memory_space<vmem>>, vector<16xf32>,
      %get3A_464 = arith.constant 480 : index
      %get3A_465 = tpu.vector_load %arg24[%get3A_464] {strides = array<i32>} : memref<1024xf32, #tpu.memory_space<vmem>>, vector<16xf32>,
      %mul3A_466 = arith.constant 9.990000e-01 : f32
      %mul3A_467 = vector.broadcast %mul3A_466 : f32 to vector<16xf32>
      %mul3A_468 = arith.mulf %get3A_465, %mul3A_467 : vector<16xf32>
      %get3A_469 = arith.constant 480 : index
      %get3A_470 = tpu.vector_load %arg23[%get3A_469] {strides = array<i32>} : memref<1024xf32, #tpu.memory_space<vmem>>, vector<16xf32>,
      %mul3A_471 = arith.constant 6.10351591E-8 : f32
      %mul3A_472 = vector.broadcast %mul3A_471 : f32 to vector<16xf32>
      %mul3A_473 = arith.mulf %get3A_470, %mul3A_472 : vector<16xf32>
      %add3A_474 = arith.addf %mul3A_468, %mul3A_473 : vector<16xf32>
      %swap3A_475 = arith.constant 480 : index
      %swap3A_476 = tpu.vector_load %arg25[%swap3A_475] {strides = array<i32>} : memref<1024xf32, #tpu.memory_space<vmem>>, vector<16xf32>,
      tpu.vector_store %arg25[%swap3A_475], %add3A_474 {strides = array<i32>} : memref<1024xf32, #tpu.memory_space<vmem>>, vector<16xf32>,
      %get3A_477 = arith.constant 496 : index
      %get3A_478 = tpu.vector_load %arg24[%get3A_477] {strides = array<i32>} : memref<1024xf32, #tpu.memory_space<vmem>>, vector<16xf32>,
      %mul3A_479 = arith.constant 9.990000e-01 : f32
      %mul3A_480 = vector.broadcast %mul3A_479 : f32 to vector<16xf32>
      %mul3A_481 = arith.mulf %get3A_478, %mul3A_480 : vector<16xf32>
      %get3A_482 = arith.constant 496 : index
      %get3A_483 = tpu.vector_load %arg23[%get3A_482] {strides = array<i32>} : memref<1024xf32, #tpu.memory_space<vmem>>, vector<16xf32>,
      %mul3A_484 = arith.constant 6.10351591E-8 : f32
      %mul3A_485 = vector.broadcast %mul3A_484 : f32 to vector<16xf32>
      %mul3A_486 = arith.mulf %get3A_483, %mul3A_485 : vector<16xf32>
      %add3A_487 = arith.addf %mul3A_481, %mul3A_486 : vector<16xf32>
      %swap3A_488 = arith.constant 496 : index
      %swap3A_489 = tpu.vector_load %arg25[%swap3A_488] {strides = array<i32>} : memref<1024xf32, #tpu.memory_space<vmem>>, vector<16xf32>,
      tpu.vector_store %arg25[%swap3A_488], %add3A_487 {strides = array<i32>} : memref<1024xf32, #tpu.memory_space<vmem>>, vector<16xf32>,
      %get3A_490 = arith.constant 512 : index
      %get3A_491 = tpu.vector_load %arg24[%get3A_490] {strides = array<i32>} : memref<1024xf32, #tpu.memory_space<vmem>>, vector<16xf32>,
      %mul3A_492 = arith.constant 9.990000e-01 : f32
      %mul3A_493 = vector.broadcast %mul3A_492 : f32 to vector<16xf32>
      %mul3A_494 = arith.mulf %get3A_491, %mul3A_493 : vector<16xf32>
      %get3A_495 = arith.constant 512 : index
      %get3A_496 = tpu.vector_load %arg23[%get3A_495] {strides = array<i32>} : memref<1024xf32, #tpu.memory_space<vmem>>, vector<16xf32>,
      %mul3A_497 = arith.constant 6.10351591E-8 : f32
      %mul3A_498 = vector.broadcast %mul3A_497 : f32 to vector<16xf32>
      %mul3A_499 = arith.mulf %get3A_496, %mul3A_498 : vector<16xf32>
      %add3A_500 = arith.addf %mul3A_494, %mul3A_499 : vector<16xf32>
      %swap3A_501 = arith.constant 512 : index
      %swap3A_502 = tpu.vector_load %arg25[%swap3A_501] {strides = array<i32>} : memref<1024xf32, #tpu.memory_space<vmem>>, vector<16xf32>,
      tpu.vector_store %arg25[%swap3A_501], %add3A_500 {strides = array<i32>} : memref<1024xf32, #tpu.memory_space<vmem>>, vector<16xf32>,
      %get3A_503 = arith.constant 528 : index
      %get3A_504 = tpu.vector_load %arg24[%get3A_503] {strides = array<i32>} : memref<1024xf32, #tpu.memory_space<vmem>>, vector<16xf32>,
      %mul3A_505 = arith.constant 9.990000e-01 : f32
      %mul3A_506 = vector.broadcast %mul3A_505 : f32 to vector<16xf32>
      %mul3A_507 = arith.mulf %get3A_504, %mul3A_506 : vector<16xf32>
      %get3A_508 = arith.constant 528 : index
      %get3A_509 = tpu.vector_load %arg23[%get3A_508] {strides = array<i32>} : memref<1024xf32, #tpu.memory_space<vmem>>, vector<16xf32>,
      %mul3A_510 = arith.constant 6.10351591E-8 : f32
      %mul3A_511 = vector.broadcast %mul3A_510 : f32 to vector<16xf32>
      %mul3A_512 = arith.mulf %get3A_509, %mul3A_511 : vector<16xf32>
      %add3A_513 = arith.addf %mul3A_507, %mul3A_512 : vector<16xf32>
      %swap3A_514 = arith.constant 528 : index
      %swap3A_515 = tpu.vector_load %arg25[%swap3A_514] {strides = array<i32>} : memref<1024xf32, #tpu.memory_space<vmem>>, vector<16xf32>,
      tpu.vector_store %arg25[%swap3A_514], %add3A_513 {strides = array<i32>} : memref<1024xf32, #tpu.memory_space<vmem>>, vector<16xf32>,
      %get3A_516 = arith.constant 544 : index
      %get3A_517 = tpu.vector_load %arg24[%get3A_516] {strides = array<i32>} : memref<1024xf32, #tpu.memory_space<vmem>>, vector<16xf32>,
      %mul3A_518 = arith.constant 9.990000e-01 : f32
      %mul3A_519 = vector.broadcast %mul3A_518 : f32 to vector<16xf32>
      %mul3A_520 = arith.mulf %get3A_517, %mul3A_519 : vector<16xf32>
      %get3A_521 = arith.constant 544 : index
      %get3A_522 = tpu.vector_load %arg23[%get3A_521] {strides = array<i32>} : memref<1024xf32, #tpu.memory_space<vmem>>, vector<16xf32>,
      %mul3A_523 = arith.constant 6.10351591E-8 : f32
      %mul3A_524 = vector.broadcast %mul3A_523 : f32 to vector<16xf32>
      %mul3A_525 = arith.mulf %get3A_522, %mul3A_524 : vector<16xf32>
      %add3A_526 = arith.addf %mul3A_520, %mul3A_525 : vector<16xf32>
      %swap3A_527 = arith.constant 544 : index
      %swap3A_528 = tpu.vector_load %arg25[%swap3A_527] {strides = array<i32>} : memref<1024xf32, #tpu.memory_space<vmem>>, vector<16xf32>,
      tpu.vector_store %arg25[%swap3A_527], %add3A_526 {strides = array<i32>} : memref<1024xf32, #tpu.memory_space<vmem>>, vector<16xf32>,
      %get3A_529 = arith.constant 560 : index
      %get3A_530 = tpu.vector_load %arg24[%get3A_529] {strides = array<i32>} : memref<1024xf32, #tpu.memory_space<vmem>>, vector<16xf32>,
      %mul3A_531 = arith.constant 9.990000e-01 : f32
      %mul3A_532 = vector.broadcast %mul3A_531 : f32 to vector<16xf32>
      %mul3A_533 = arith.mulf %get3A_530, %mul3A_532 : vector<16xf32>
      %get3A_534 = arith.constant 560 : index
      %get3A_535 = tpu.vector_load %arg23[%get3A_534] {strides = array<i32>} : memref<1024xf32, #tpu.memory_space<vmem>>, vector<16xf32>,
      %mul3A_536 = arith.constant 6.10351591E-8 : f32
      %mul3A_537 = vector.broadcast %mul3A_536 : f32 to vector<16xf32>
      %mul3A_538 = arith.mulf %get3A_535, %mul3A_537 : vector<16xf32>
      %add3A_539 = arith.addf %mul3A_533, %mul3A_538 : vector<16xf32>
      %swap3A_540 = arith.constant 560 : index
      %swap3A_541 = tpu.vector_load %arg25[%swap3A_540] {strides = array<i32>} : memref<1024xf32, #tpu.memory_space<vmem>>, vector<16xf32>,
      tpu.vector_store %arg25[%swap3A_540], %add3A_539 {strides = array<i32>} : memref<1024xf32, #tpu.memory_space<vmem>>, vector<16xf32>,
      %get3A_542 = arith.constant 576 : index
      %get3A_543 = tpu.vector_load %arg24[%get3A_542] {strides = array<i32>} : memref<1024xf32, #tpu.memory_space<vmem>>, vector<16xf32>,
      %mul3A_544 = arith.constant 9.990000e-01 : f32
      %mul3A_545 = vector.broadcast %mul3A_544 : f32 to vector<16xf32>
      %mul3A_546 = arith.mulf %get3A_543, %mul3A_545 : vector<16xf32>
      %get3A_547 = arith.constant 576 : index
      %get3A_548 = tpu.vector_load %arg23[%get3A_547] {strides = array<i32>} : memref<1024xf32, #tpu.memory_space<vmem>>, vector<16xf32>,
      %mul3A_549 = arith.constant 6.10351591E-8 : f32
      %mul3A_550 = vector.broadcast %mul3A_549 : f32 to vector<16xf32>
      %mul3A_551 = arith.mulf %get3A_548, %mul3A_550 : vector<16xf32>
      %add3A_552 = arith.addf %mul3A_546, %mul3A_551 : vector<16xf32>
      %swap3A_553 = arith.constant 576 : index
      %swap3A_554 = tpu.vector_load %arg25[%swap3A_553] {strides = array<i32>} : memref<1024xf32, #tpu.memory_space<vmem>>, vector<16xf32>,
      tpu.vector_store %arg25[%swap3A_553], %add3A_552 {strides = array<i32>} : memref<1024xf32, #tpu.memory_space<vmem>>, vector<16xf32>,
      %get3A_555 = arith.constant 592 : index
      %get3A_556 = tpu.vector_load %arg24[%get3A_555] {strides = array<i32>} : memref<1024xf32, #tpu.memory_space<vmem>>, vector<16xf32>,
      %mul3A_557 = arith.constant 9.990000e-01 : f32
      %mul3A_558 = vector.broadcast %mul3A_557 : f32 to vector<16xf32>
      %mul3A_559 = arith.mulf %get3A_556, %mul3A_558 : vector<16xf32>
      %get3A_560 = arith.constant 592 : index
      %get3A_561 = tpu.vector_load %arg23[%get3A_560] {strides = array<i32>} : memref<1024xf32, #tpu.memory_space<vmem>>, vector<16xf32>,
      %mul3A_562 = arith.constant 6.10351591E-8 : f32
      %mul3A_563 = vector.broadcast %mul3A_562 : f32 to vector<16xf32>
      %mul3A_564 = arith.mulf %get3A_561, %mul3A_563 : vector<16xf32>
      %add3A_565 = arith.addf %mul3A_559, %mul3A_564 : vector<16xf32>
      %swap3A_566 = arith.constant 592 : index
      %swap3A_567 = tpu.vector_load %arg25[%swap3A_566] {strides = array<i32>} : memref<1024xf32, #tpu.memory_space<vmem>>, vector<16xf32>,
      tpu.vector_store %arg25[%swap3A_566], %add3A_565 {strides = array<i32>} : memref<1024xf32, #tpu.memory_space<vmem>>, vector<16xf32>,
      %get3A_568 = arith.constant 608 : index
      %get3A_569 = tpu.vector_load %arg24[%get3A_568] {strides = array<i32>} : memref<1024xf32, #tpu.memory_space<vmem>>, vector<16xf32>,
      %mul3A_570 = arith.constant 9.990000e-01 : f32
      %mul3A_571 = vector.broadcast %mul3A_570 : f32 to vector<16xf32>
      %mul3A_572 = arith.mulf %get3A_569, %mul3A_571 : vector<16xf32>
      %get3A_573 = arith.constant 608 : index
      %get3A_574 = tpu.vector_load %arg23[%get3A_573] {strides = array<i32>} : memref<1024xf32, #tpu.memory_space<vmem>>, vector<16xf32>,
      %mul3A_575 = arith.constant 6.10351591E-8 : f32
      %mul3A_576 = vector.broadcast %mul3A_575 : f32 to vector<16xf32>
      %mul3A_577 = arith.mulf %get3A_574, %mul3A_576 : vector<16xf32>
      %add3A_578 = arith.addf %mul3A_572, %mul3A_577 : vector<16xf32>
      %swap3A_579 = arith.constant 608 : index
      %swap3A_580 = tpu.vector_load %arg25[%swap3A_579] {strides = array<i32>} : memref<1024xf32, #tpu.memory_space<vmem>>, vector<16xf32>,
      tpu.vector_store %arg25[%swap3A_579], %add3A_578 {strides = array<i32>} : memref<1024xf32, #tpu.memory_space<vmem>>, vector<16xf32>,
      %get3A_581 = arith.constant 624 : index
      %get3A_582 = tpu.vector_load %arg24[%get3A_581] {strides = array<i32>} : memref<1024xf32, #tpu.memory_space<vmem>>, vector<16xf32>,
      %mul3A_583 = arith.constant 9.990000e-01 : f32
      %mul3A_584 = vector.broadcast %mul3A_583 : f32 to vector<16xf32>
      %mul3A_585 = arith.mulf %get3A_582, %mul3A_584 : vector<16xf32>
      %get3A_586 = arith.constant 624 : index
      %get3A_587 = tpu.vector_load %arg23[%get3A_586] {strides = array<i32>} : memref<1024xf32, #tpu.memory_space<vmem>>, vector<16xf32>,
      %mul3A_588 = arith.constant 6.10351591E-8 : f32
      %mul3A_589 = vector.broadcast %mul3A_588 : f32 to vector<16xf32>
      %mul3A_590 = arith.mulf %get3A_587, %mul3A_589 : vector<16xf32>
      %add3A_591 = arith.addf %mul3A_585, %mul3A_590 : vector<16xf32>
      %swap3A_592 = arith.constant 624 : index
      %swap3A_593 = tpu.vector_load %arg25[%swap3A_592] {strides = array<i32>} : memref<1024xf32, #tpu.memory_space<vmem>>, vector<16xf32>,
      tpu.vector_store %arg25[%swap3A_592], %add3A_591 {strides = array<i32>} : memref<1024xf32, #tpu.memory_space<vmem>>, vector<16xf32>,
      %get3A_594 = arith.constant 640 : index
      %get3A_595 = tpu.vector_load %arg24[%get3A_594] {strides = array<i32>} : memref<1024xf32, #tpu.memory_space<vmem>>, vector<16xf32>,
      %mul3A_596 = arith.constant 9.990000e-01 : f32
      %mul3A_597 = vector.broadcast %mul3A_596 : f32 to vector<16xf32>
      %mul3A_598 = arith.mulf %get3A_595, %mul3A_597 : vector<16xf32>
      %get3A_599 = arith.constant 640 : index
      %get3A_600 = tpu.vector_load %arg23[%get3A_599] {strides = array<i32>} : memref<1024xf32, #tpu.memory_space<vmem>>, vector<16xf32>,
      %mul3A_601 = arith.constant 6.10351591E-8 : f32
      %mul3A_602 = vector.broadcast %mul3A_601 : f32 to vector<16xf32>
      %mul3A_603 = arith.mulf %get3A_600, %mul3A_602 : vector<16xf32>
      %add3A_604 = arith.addf %mul3A_598, %mul3A_603 : vector<16xf32>
      %swap3A_605 = arith.constant 640 : index
      %swap3A_606 = tpu.vector_load %arg25[%swap3A_605] {strides = array<i32>} : memref<1024xf32, #tpu.memory_space<vmem>>, vector<16xf32>,
      tpu.vector_store %arg25[%swap3A_605], %add3A_604 {strides = array<i32>} : memref<1024xf32, #tpu.memory_space<vmem>>, vector<16xf32>,
      %get3A_607 = arith.constant 656 : index
      %get3A_608 = tpu.vector_load %arg24[%get3A_607] {strides = array<i32>} : memref<1024xf32, #tpu.memory_space<vmem>>, vector<16xf32>,
      %mul3A_609 = arith.constant 9.990000e-01 : f32
      %mul3A_610 = vector.broadcast %mul3A_609 : f32 to vector<16xf32>
      %mul3A_611 = arith.mulf %get3A_608, %mul3A_610 : vector<16xf32>
      %get3A_612 = arith.constant 656 : index
      %get3A_613 = tpu.vector_load %arg23[%get3A_612] {strides = array<i32>} : memref<1024xf32, #tpu.memory_space<vmem>>, vector<16xf32>,
      %mul3A_614 = arith.constant 6.10351591E-8 : f32
      %mul3A_615 = vector.broadcast %mul3A_614 : f32 to vector<16xf32>
      %mul3A_616 = arith.mulf %get3A_613, %mul3A_615 : vector<16xf32>
      %add3A_617 = arith.addf %mul3A_611, %mul3A_616 : vector<16xf32>
      %swap3A_618 = arith.constant 656 : index
      %swap3A_619 = tpu.vector_load %arg25[%swap3A_618] {strides = array<i32>} : memref<1024xf32, #tpu.memory_space<vmem>>, vector<16xf32>,
      tpu.vector_store %arg25[%swap3A_618], %add3A_617 {strides = array<i32>} : memref<1024xf32, #tpu.memory_space<vmem>>, vector<16xf32>,
      %get3A_620 = arith.constant 672 : index
      %get3A_621 = tpu.vector_load %arg24[%get3A_620] {strides = array<i32>} : memref<1024xf32, #tpu.memory_space<vmem>>, vector<16xf32>,
      %mul3A_622 = arith.constant 9.990000e-01 : f32
      %mul3A_623 = vector.broadcast %mul3A_622 : f32 to vector<16xf32>
      %mul3A_624 = arith.mulf %get3A_621, %mul3A_623 : vector<16xf32>
      %get3A_625 = arith.constant 672 : index
      %get3A_626 = tpu.vector_load %arg23[%get3A_625] {strides = array<i32>} : memref<1024xf32, #tpu.memory_space<vmem>>, vector<16xf32>,
      %mul3A_627 = arith.constant 6.10351591E-8 : f32
      %mul3A_628 = vector.broadcast %mul3A_627 : f32 to vector<16xf32>
      %mul3A_629 = arith.mulf %get3A_626, %mul3A_628 : vector<16xf32>
      %add3A_630 = arith.addf %mul3A_624, %mul3A_629 : vector<16xf32>
      %swap3A_631 = arith.constant 672 : index
      %swap3A_632 = tpu.vector_load %arg25[%swap3A_631] {strides = array<i32>} : memref<1024xf32, #tpu.memory_space<vmem>>, vector<16xf32>,
      tpu.vector_store %arg25[%swap3A_631], %add3A_630 {strides = array<i32>} : memref<1024xf32, #tpu.memory_space<vmem>>, vector<16xf32>,
      %get3A_633 = arith.constant 688 : index
      %get3A_634 = tpu.vector_load %arg24[%get3A_633] {strides = array<i32>} : memref<1024xf32, #tpu.memory_space<vmem>>, vector<16xf32>,
      %mul3A_635 = arith.constant 9.990000e-01 : f32
      %mul3A_636 = vector.broadcast %mul3A_635 : f32 to vector<16xf32>
      %mul3A_637 = arith.mulf %get3A_634, %mul3A_636 : vector<16xf32>
      %get3A_638 = arith.constant 688 : index
      %get3A_639 = tpu.vector_load %arg23[%get3A_638] {strides = array<i32>} : memref<1024xf32, #tpu.memory_space<vmem>>, vector<16xf32>,
      %mul3A_640 = arith.constant 6.10351591E-8 : f32
      %mul3A_641 = vector.broadcast %mul3A_640 : f32 to vector<16xf32>
      %mul3A_642 = arith.mulf %get3A_639, %mul3A_641 : vector<16xf32>
      %add3A_643 = arith.addf %mul3A_637, %mul3A_642 : vector<16xf32>
      %swap3A_644 = arith.constant 688 : index
      %swap3A_645 = tpu.vector_load %arg25[%swap3A_644] {strides = array<i32>} : memref<1024xf32, #tpu.memory_space<vmem>>, vector<16xf32>,
      tpu.vector_store %arg25[%swap3A_644], %add3A_643 {strides = array<i32>} : memref<1024xf32, #tpu.memory_space<vmem>>, vector<16xf32>,
      %get3A_646 = arith.constant 704 : index
      %get3A_647 = tpu.vector_load %arg24[%get3A_646] {strides = array<i32>} : memref<1024xf32, #tpu.memory_space<vmem>>, vector<16xf32>,
      %mul3A_648 = arith.constant 9.990000e-01 : f32
      %mul3A_649 = vector.broadcast %mul3A_648 : f32 to vector<16xf32>
      %mul3A_650 = arith.mulf %get3A_647, %mul3A_649 : vector<16xf32>
      %get3A_651 = arith.constant 704 : index
      %get3A_652 = tpu.vector_load %arg23[%get3A_651] {strides = array<i32>} : memref<1024xf32, #tpu.memory_space<vmem>>, vector<16xf32>,
      %mul3A_653 = arith.constant 6.10351591E-8 : f32
      %mul3A_654 = vector.broadcast %mul3A_653 : f32 to vector<16xf32>
      %mul3A_655 = arith.mulf %get3A_652, %mul3A_654 : vector<16xf32>
      %add3A_656 = arith.addf %mul3A_650, %mul3A_655 : vector<16xf32>
      %swap3A_657 = arith.constant 704 : index
      %swap3A_658 = tpu.vector_load %arg25[%swap3A_657] {strides = array<i32>} : memref<1024xf32, #tpu.memory_space<vmem>>, vector<16xf32>,
      tpu.vector_store %arg25[%swap3A_657], %add3A_656 {strides = array<i32>} : memref<1024xf32, #tpu.memory_space<vmem>>, vector<16xf32>,
      %get3A_659 = arith.constant 720 : index
      %get3A_660 = tpu.vector_load %arg24[%get3A_659] {strides = array<i32>} : memref<1024xf32, #tpu.memory_space<vmem>>, vector<16xf32>,
      %mul3A_661 = arith.constant 9.990000e-01 : f32
      %mul3A_662 = vector.broadcast %mul3A_661 : f32 to vector<16xf32>
      %mul3A_663 = arith.mulf %get3A_660, %mul3A_662 : vector<16xf32>
      %get3A_664 = arith.constant 720 : index
      %get3A_665 = tpu.vector_load %arg23[%get3A_664] {strides = array<i32>} : memref<1024xf32, #tpu.memory_space<vmem>>, vector<16xf32>,
      %mul3A_666 = arith.constant 6.10351591E-8 : f32
      %mul3A_667 = vector.broadcast %mul3A_666 : f32 to vector<16xf32>
      %mul3A_668 = arith.mulf %get3A_665, %mul3A_667 : vector<16xf32>
      %add3A_669 = arith.addf %mul3A_663, %mul3A_668 : vector<16xf32>
      %swap3A_670 = arith.constant 720 : index
      %swap3A_671 = tpu.vector_load %arg25[%swap3A_670] {strides = array<i32>} : memref<1024xf32, #tpu.memory_space<vmem>>, vector<16xf32>,
      tpu.vector_store %arg25[%swap3A_670], %add3A_669 {strides = array<i32>} : memref<1024xf32, #tpu.memory_space<vmem>>, vector<16xf32>,
      %get3A_672 = arith.constant 736 : index
      %get3A_673 = tpu.vector_load %arg24[%get3A_672] {strides = array<i32>} : memref<1024xf32, #tpu.memory_space<vmem>>, vector<16xf32>,
      %mul3A_674 = arith.constant 9.990000e-01 : f32
      %mul3A_675 = vector.broadcast %mul3A_674 : f32 to vector<16xf32>
      %mul3A_676 = arith.mulf %get3A_673, %mul3A_675 : vector<16xf32>
      %get3A_677 = arith.constant 736 : index
      %get3A_678 = tpu.vector_load %arg23[%get3A_677] {strides = array<i32>} : memref<1024xf32, #tpu.memory_space<vmem>>, vector<16xf32>,
      %mul3A_679 = arith.constant 6.10351591E-8 : f32
      %mul3A_680 = vector.broadcast %mul3A_679 : f32 to vector<16xf32>
      %mul3A_681 = arith.mulf %get3A_678, %mul3A_680 : vector<16xf32>
      %add3A_682 = arith.addf %mul3A_676, %mul3A_681 : vector<16xf32>
      %swap3A_683 = arith.constant 736 : index
      %swap3A_684 = tpu.vector_load %arg25[%swap3A_683] {strides = array<i32>} : memref<1024xf32, #tpu.memory_space<vmem>>, vector<16xf32>,
      tpu.vector_store %arg25[%swap3A_683], %add3A_682 {strides = array<i32>} : memref<1024xf32, #tpu.memory_space<vmem>>, vector<16xf32>,
      %get3A_685 = arith.constant 752 : index
      %get3A_686 = tpu.vector_load %arg24[%get3A_685] {strides = array<i32>} : memref<1024xf32, #tpu.memory_space<vmem>>, vector<16xf32>,
      %mul3A_687 = arith.constant 9.990000e-01 : f32
      %mul3A_688 = vector.broadcast %mul3A_687 : f32 to vector<16xf32>
      %mul3A_689 = arith.mulf %get3A_686, %mul3A_688 : vector<16xf32>
      %get3A_690 = arith.constant 752 : index
      %get3A_691 = tpu.vector_load %arg23[%get3A_690] {strides = array<i32>} : memref<1024xf32, #tpu.memory_space<vmem>>, vector<16xf32>,
      %mul3A_692 = arith.constant 6.10351591E-8 : f32
      %mul3A_693 = vector.broadcast %mul3A_692 : f32 to vector<16xf32>
      %mul3A_694 = arith.mulf %get3A_691, %mul3A_693 : vector<16xf32>
      %add3A_695 = arith.addf %mul3A_689, %mul3A_694 : vector<16xf32>
      %swap3A_696 = arith.constant 752 : index
      %swap3A_697 = tpu.vector_load %arg25[%swap3A_696] {strides = array<i32>} : memref<1024xf32, #tpu.memory_space<vmem>>, vector<16xf32>,
      tpu.vector_store %arg25[%swap3A_696], %add3A_695 {strides = array<i32>} : memref<1024xf32, #tpu.memory_space<vmem>>, vector<16xf32>,
      %get3A_698 = arith.constant 768 : index
      %get3A_699 = tpu.vector_load %arg24[%get3A_698] {strides = array<i32>} : memref<1024xf32, #tpu.memory_space<vmem>>, vector<16xf32>,
      %mul3A_700 = arith.constant 9.990000e-01 : f32
      %mul3A_701 = vector.broadcast %mul3A_700 : f32 to vector<16xf32>
      %mul3A_702 = arith.mulf %get3A_699, %mul3A_701 : vector<16xf32>
      %get3A_703 = arith.constant 768 : index
      %get3A_704 = tpu.vector_load %arg23[%get3A_703] {strides = array<i32>} : memref<1024xf32, #tpu.memory_space<vmem>>, vector<16xf32>,
      %mul3A_705 = arith.constant 6.10351591E-8 : f32
      %mul3A_706 = vector.broadcast %mul3A_705 : f32 to vector<16xf32>
      %mul3A_707 = arith.mulf %get3A_704, %mul3A_706 : vector<16xf32>
      %add3A_708 = arith.addf %mul3A_702, %mul3A_707 : vector<16xf32>
      %swap3A_709 = arith.constant 768 : index
      %swap3A_710 = tpu.vector_load %arg25[%swap3A_709] {strides = array<i32>} : memref<1024xf32, #tpu.memory_space<vmem>>, vector<16xf32>,
      tpu.vector_store %arg25[%swap3A_709], %add3A_708 {strides = array<i32>} : memref<1024xf32, #tpu.memory_space<vmem>>, vector<16xf32>,
      %get3A_711 = arith.constant 784 : index
      %get3A_712 = tpu.vector_load %arg24[%get3A_711] {strides = array<i32>} : memref<1024xf32, #tpu.memory_space<vmem>>, vector<16xf32>,
      %mul3A_713 = arith.constant 9.990000e-01 : f32
      %mul3A_714 = vector.broadcast %mul3A_713 : f32 to vector<16xf32>
      %mul3A_715 = arith.mulf %get3A_712, %mul3A_714 : vector<16xf32>
      %get3A_716 = arith.constant 784 : index
      %get3A_717 = tpu.vector_load %arg23[%get3A_716] {strides = array<i32>} : memref<1024xf32, #tpu.memory_space<vmem>>, vector<16xf32>,
      %mul3A_718 = arith.constant 6.10351591E-8 : f32
      %mul3A_719 = vector.broadcast %mul3A_718 : f32 to vector<16xf32>
      %mul3A_720 = arith.mulf %get3A_717, %mul3A_719 : vector<16xf32>
      %add3A_721 = arith.addf %mul3A_715, %mul3A_720 : vector<16xf32>
      %swap3A_722 = arith.constant 784 : index
      %swap3A_723 = tpu.vector_load %arg25[%swap3A_722] {strides = array<i32>} : memref<1024xf32, #tpu.memory_space<vmem>>, vector<16xf32>,
      tpu.vector_store %arg25[%swap3A_722], %add3A_721 {strides = array<i32>} : memref<1024xf32, #tpu.memory_space<vmem>>, vector<16xf32>,
      %get3A_724 = arith.constant 800 : index
      %get3A_725 = tpu.vector_load %arg24[%get3A_724] {strides = array<i32>} : memref<1024xf32, #tpu.memory_space<vmem>>, vector<16xf32>,
      %mul3A_726 = arith.constant 9.990000e-01 : f32
      %mul3A_727 = vector.broadcast %mul3A_726 : f32 to vector<16xf32>
      %mul3A_728 = arith.mulf %get3A_725, %mul3A_727 : vector<16xf32>
      %get3A_729 = arith.constant 800 : index
      %get3A_730 = tpu.vector_load %arg23[%get3A_729] {strides = array<i32>} : memref<1024xf32, #tpu.memory_space<vmem>>, vector<16xf32>,
      %mul3A_731 = arith.constant 6.10351591E-8 : f32
      %mul3A_732 = vector.broadcast %mul3A_731 : f32 to vector<16xf32>
      %mul3A_733 = arith.mulf %get3A_730, %mul3A_732 : vector<16xf32>
      %add3A_734 = arith.addf %mul3A_728, %mul3A_733 : vector<16xf32>
      %swap3A_735 = arith.constant 800 : index
      %swap3A_736 = tpu.vector_load %arg25[%swap3A_735] {strides = array<i32>} : memref<1024xf32, #tpu.memory_space<vmem>>, vector<16xf32>,
      tpu.vector_store %arg25[%swap3A_735], %add3A_734 {strides = array<i32>} : memref<1024xf32, #tpu.memory_space<vmem>>, vector<16xf32>,
      %get3A_737 = arith.constant 816 : index
      %get3A_738 = tpu.vector_load %arg24[%get3A_737] {strides = array<i32>} : memref<1024xf32, #tpu.memory_space<vmem>>, vector<16xf32>,
      %mul3A_739 = arith.constant 9.990000e-01 : f32
      %mul3A_740 = vector.broadcast %mul3A_739 : f32 to vector<16xf32>
      %mul3A_741 = arith.mulf %get3A_738, %mul3A_740 : vector<16xf32>
      %get3A_742 = arith.constant 816 : index
      %get3A_743 = tpu.vector_load %arg23[%get3A_742] {strides = array<i32>} : memref<1024xf32, #tpu.memory_space<vmem>>, vector<16xf32>,
      %mul3A_744 = arith.constant 6.10351591E-8 : f32
      %mul3A_745 = vector.broadcast %mul3A_744 : f32 to vector<16xf32>
      %mul3A_746 = arith.mulf %get3A_743, %mul3A_745 : vector<16xf32>
      %add3A_747 = arith.addf %mul3A_741, %mul3A_746 : vector<16xf32>
      %swap3A_748 = arith.constant 816 : index
      %swap3A_749 = tpu.vector_load %arg25[%swap3A_748] {strides = array<i32>} : memref<1024xf32, #tpu.memory_space<vmem>>, vector<16xf32>,
      tpu.vector_store %arg25[%swap3A_748], %add3A_747 {strides = array<i32>} : memref<1024xf32, #tpu.memory_space<vmem>>, vector<16xf32>,
      %get3A_750 = arith.constant 832 : index
      %get3A_751 = tpu.vector_load %arg24[%get3A_750] {strides = array<i32>} : memref<1024xf32, #tpu.memory_space<vmem>>, vector<16xf32>,
      %mul3A_752 = arith.constant 9.990000e-01 : f32
      %mul3A_753 = vector.broadcast %mul3A_752 : f32 to vector<16xf32>
      %mul3A_754 = arith.mulf %get3A_751, %mul3A_753 : vector<16xf32>
      %get3A_755 = arith.constant 832 : index
      %get3A_756 = tpu.vector_load %arg23[%get3A_755] {strides = array<i32>} : memref<1024xf32, #tpu.memory_space<vmem>>, vector<16xf32>,
      %mul3A_757 = arith.constant 6.10351591E-8 : f32
      %mul3A_758 = vector.broadcast %mul3A_757 : f32 to vector<16xf32>
      %mul3A_759 = arith.mulf %get3A_756, %mul3A_758 : vector<16xf32>
      %add3A_760 = arith.addf %mul3A_754, %mul3A_759 : vector<16xf32>
      %swap3A_761 = arith.constant 832 : index
      %swap3A_762 = tpu.vector_load %arg25[%swap3A_761] {strides = array<i32>} : memref<1024xf32, #tpu.memory_space<vmem>>, vector<16xf32>,
      tpu.vector_store %arg25[%swap3A_761], %add3A_760 {strides = array<i32>} : memref<1024xf32, #tpu.memory_space<vmem>>, vector<16xf32>,
      %get3A_763 = arith.constant 848 : index
      %get3A_764 = tpu.vector_load %arg24[%get3A_763] {strides = array<i32>} : memref<1024xf32, #tpu.memory_space<vmem>>, vector<16xf32>,
      %mul3A_765 = arith.constant 9.990000e-01 : f32
      %mul3A_766 = vector.broadcast %mul3A_765 : f32 to vector<16xf32>
      %mul3A_767 = arith.mulf %get3A_764, %mul3A_766 : vector<16xf32>
      %get3A_768 = arith.constant 848 : index
      %get3A_769 = tpu.vector_load %arg23[%get3A_768] {strides = array<i32>} : memref<1024xf32, #tpu.memory_space<vmem>>, vector<16xf32>,
      %mul3A_770 = arith.constant 6.10351591E-8 : f32
      %mul3A_771 = vector.broadcast %mul3A_770 : f32 to vector<16xf32>
      %mul3A_772 = arith.mulf %get3A_769, %mul3A_771 : vector<16xf32>
      %add3A_773 = arith.addf %mul3A_767, %mul3A_772 : vector<16xf32>
      %swap3A_774 = arith.constant 848 : index
      %swap3A_775 = tpu.vector_load %arg25[%swap3A_774] {strides = array<i32>} : memref<1024xf32, #tpu.memory_space<vmem>>, vector<16xf32>,
      tpu.vector_store %arg25[%swap3A_774], %add3A_773 {strides = array<i32>} : memref<1024xf32, #tpu.memory_space<vmem>>, vector<16xf32>,
      %get3A_776 = arith.constant 864 : index
      %get3A_777 = tpu.vector_load %arg24[%get3A_776] {strides = array<i32>} : memref<1024xf32, #tpu.memory_space<vmem>>, vector<16xf32>,
      %mul3A_778 = arith.constant 9.990000e-01 : f32
      %mul3A_779 = vector.broadcast %mul3A_778 : f32 to vector<16xf32>
      %mul3A_780 = arith.mulf %get3A_777, %mul3A_779 : vector<16xf32>
      %get3A_781 = arith.constant 864 : index
      %get3A_782 = tpu.vector_load %arg23[%get3A_781] {strides = array<i32>} : memref<1024xf32, #tpu.memory_space<vmem>>, vector<16xf32>,
      %mul3A_783 = arith.constant 6.10351591E-8 : f32
      %mul3A_784 = vector.broadcast %mul3A_783 : f32 to vector<16xf32>
      %mul3A_785 = arith.mulf %get3A_782, %mul3A_784 : vector<16xf32>
      %add3A_786 = arith.addf %mul3A_780, %mul3A_785 : vector<16xf32>
      %swap3A_787 = arith.constant 864 : index
      %swap3A_788 = tpu.vector_load %arg25[%swap3A_787] {strides = array<i32>} : memref<1024xf32, #tpu.memory_space<vmem>>, vector<16xf32>,
      tpu.vector_store %arg25[%swap3A_787], %add3A_786 {strides = array<i32>} : memref<1024xf32, #tpu.memory_space<vmem>>, vector<16xf32>,
      %get3A_789 = arith.constant 880 : index
      %get3A_790 = tpu.vector_load %arg24[%get3A_789] {strides = array<i32>} : memref<1024xf32, #tpu.memory_space<vmem>>, vector<16xf32>,
      %mul3A_791 = arith.constant 9.990000e-01 : f32
      %mul3A_792 = vector.broadcast %mul3A_791 : f32 to vector<16xf32>
      %mul3A_793 = arith.mulf %get3A_790, %mul3A_792 : vector<16xf32>
      %get3A_794 = arith.constant 880 : index
      %get3A_795 = tpu.vector_load %arg23[%get3A_794] {strides = array<i32>} : memref<1024xf32, #tpu.memory_space<vmem>>, vector<16xf32>,
      %mul3A_796 = arith.constant 6.10351591E-8 : f32
      %mul3A_797 = vector.broadcast %mul3A_796 : f32 to vector<16xf32>
      %mul3A_798 = arith.mulf %get3A_795, %mul3A_797 : vector<16xf32>
      %add3A_799 = arith.addf %mul3A_793, %mul3A_798 : vector<16xf32>
      %swap3A_800 = arith.constant 880 : index
      %swap3A_801 = tpu.vector_load %arg25[%swap3A_800] {strides = array<i32>} : memref<1024xf32, #tpu.memory_space<vmem>>, vector<16xf32>,
      tpu.vector_store %arg25[%swap3A_800], %add3A_799 {strides = array<i32>} : memref<1024xf32, #tpu.memory_space<vmem>>, vector<16xf32>,
      %get3A_802 = arith.constant 896 : index
      %get3A_803 = tpu.vector_load %arg24[%get3A_802] {strides = array<i32>} : memref<1024xf32, #tpu.memory_space<vmem>>, vector<16xf32>,
      %mul3A_804 = arith.constant 9.990000e-01 : f32
      %mul3A_805 = vector.broadcast %mul3A_804 : f32 to vector<16xf32>
      %mul3A_806 = arith.mulf %get3A_803, %mul3A_805 : vector<16xf32>
      %get3A_807 = arith.constant 896 : index
      %get3A_808 = tpu.vector_load %arg23[%get3A_807] {strides = array<i32>} : memref<1024xf32, #tpu.memory_space<vmem>>, vector<16xf32>,
      %mul3A_809 = arith.constant 6.10351591E-8 : f32
      %mul3A_810 = vector.broadcast %mul3A_809 : f32 to vector<16xf32>
      %mul3A_811 = arith.mulf %get3A_808, %mul3A_810 : vector<16xf32>
      %add3A_812 = arith.addf %mul3A_806, %mul3A_811 : vector<16xf32>
      %swap3A_813 = arith.constant 896 : index
      %swap3A_814 = tpu.vector_load %arg25[%swap3A_813] {strides = array<i32>} : memref<1024xf32, #tpu.memory_space<vmem>>, vector<16xf32>,
      tpu.vector_store %arg25[%swap3A_813], %add3A_812 {strides = array<i32>} : memref<1024xf32, #tpu.memory_space<vmem>>, vector<16xf32>,
      %get3A_815 = arith.constant 912 : index
      %get3A_816 = tpu.vector_load %arg24[%get3A_815] {strides = array<i32>} : memref<1024xf32, #tpu.memory_space<vmem>>, vector<16xf32>,
      %mul3A_817 = arith.constant 9.990000e-01 : f32
      %mul3A_818 = vector.broadcast %mul3A_817 : f32 to vector<16xf32>
      %mul3A_819 = arith.mulf %get3A_816, %mul3A_818 : vector<16xf32>
      %get3A_820 = arith.constant 912 : index
      %get3A_821 = tpu.vector_load %arg23[%get3A_820] {strides = array<i32>} : memref<1024xf32, #tpu.memory_space<vmem>>, vector<16xf32>,
      %mul3A_822 = arith.constant 6.10351591E-8 : f32
      %mul3A_823 = vector.broadcast %mul3A_822 : f32 to vector<16xf32>
      %mul3A_824 = arith.mulf %get3A_821, %mul3A_823 : vector<16xf32>
      %add3A_825 = arith.addf %mul3A_819, %mul3A_824 : vector<16xf32>
      %swap3A_826 = arith.constant 912 : index
      %swap3A_827 = tpu.vector_load %arg25[%swap3A_826] {strides = array<i32>} : memref<1024xf32, #tpu.memory_space<vmem>>, vector<16xf32>,
      tpu.vector_store %arg25[%swap3A_826], %add3A_825 {strides = array<i32>} : memref<1024xf32, #tpu.memory_space<vmem>>, vector<16xf32>,
      %get3A_828 = arith.constant 928 : index
      %get3A_829 = tpu.vector_load %arg24[%get3A_828] {strides = array<i32>} : memref<1024xf32, #tpu.memory_space<vmem>>, vector<16xf32>,
      %mul3A_830 = arith.constant 9.990000e-01 : f32
      %mul3A_831 = vector.broadcast %mul3A_830 : f32 to vector<16xf32>
      %mul3A_832 = arith.mulf %get3A_829, %mul3A_831 : vector<16xf32>
      %get3A_833 = arith.constant 928 : index
      %get3A_834 = tpu.vector_load %arg23[%get3A_833] {strides = array<i32>} : memref<1024xf32, #tpu.memory_space<vmem>>, vector<16xf32>,
      %mul3A_835 = arith.constant 6.10351591E-8 : f32
      %mul3A_836 = vector.broadcast %mul3A_835 : f32 to vector<16xf32>
      %mul3A_837 = arith.mulf %get3A_834, %mul3A_836 : vector<16xf32>
      %add3A_838 = arith.addf %mul3A_832, %mul3A_837 : vector<16xf32>
      %swap3A_839 = arith.constant 928 : index
      %swap3A_840 = tpu.vector_load %arg25[%swap3A_839] {strides = array<i32>} : memref<1024xf32, #tpu.memory_space<vmem>>, vector<16xf32>,
      tpu.vector_store %arg25[%swap3A_839], %add3A_838 {strides = array<i32>} : memref<1024xf32, #tpu.memory_space<vmem>>, vector<16xf32>,
      %get3A_841 = arith.constant 944 : index
      %get3A_842 = tpu.vector_load %arg24[%get3A_841] {strides = array<i32>} : memref<1024xf32, #tpu.memory_space<vmem>>, vector<16xf32>,
      %mul3A_843 = arith.constant 9.990000e-01 : f32
      %mul3A_844 = vector.broadcast %mul3A_843 : f32 to vector<16xf32>
      %mul3A_845 = arith.mulf %get3A_842, %mul3A_844 : vector<16xf32>
      %get3A_846 = arith.constant 944 : index
      %get3A_847 = tpu.vector_load %arg23[%get3A_846] {strides = array<i32>} : memref<1024xf32, #tpu.memory_space<vmem>>, vector<16xf32>,
      %mul3A_848 = arith.constant 6.10351591E-8 : f32
      %mul3A_849 = vector.broadcast %mul3A_848 : f32 to vector<16xf32>
      %mul3A_850 = arith.mulf %get3A_847, %mul3A_849 : vector<16xf32>
      %add3A_851 = arith.addf %mul3A_845, %mul3A_850 : vector<16xf32>
      %swap3A_852 = arith.constant 944 : index
      %swap3A_853 = tpu.vector_load %arg25[%swap3A_852] {strides = array<i32>} : memref<1024xf32, #tpu.memory_space<vmem>>, vector<16xf32>,
      tpu.vector_store %arg25[%swap3A_852], %add3A_851 {strides = array<i32>} : memref<1024xf32, #tpu.memory_space<vmem>>, vector<16xf32>,
      %get3A_854 = arith.constant 960 : index
      %get3A_855 = tpu.vector_load %arg24[%get3A_854] {strides = array<i32>} : memref<1024xf32, #tpu.memory_space<vmem>>, vector<16xf32>,
      %mul3A_856 = arith.constant 9.990000e-01 : f32
      %mul3A_857 = vector.broadcast %mul3A_856 : f32 to vector<16xf32>
      %mul3A_858 = arith.mulf %get3A_855, %mul3A_857 : vector<16xf32>
      %get3A_859 = arith.constant 960 : index
      %get3A_860 = tpu.vector_load %arg23[%get3A_859] {strides = array<i32>} : memref<1024xf32, #tpu.memory_space<vmem>>, vector<16xf32>,
      %mul3A_861 = arith.constant 6.10351591E-8 : f32
      %mul3A_862 = vector.broadcast %mul3A_861 : f32 to vector<16xf32>
      %mul3A_863 = arith.mulf %get3A_860, %mul3A_862 : vector<16xf32>
      %add3A_864 = arith.addf %mul3A_858, %mul3A_863 : vector<16xf32>
      %swap3A_865 = arith.constant 960 : index
      %swap3A_866 = tpu.vector_load %arg25[%swap3A_865] {strides = array<i32>} : memref<1024xf32, #tpu.memory_space<vmem>>, vector<16xf32>,
      tpu.vector_store %arg25[%swap3A_865], %add3A_864 {strides = array<i32>} : memref<1024xf32, #tpu.memory_space<vmem>>, vector<16xf32>,
      %get3A_867 = arith.constant 976 : index
      %get3A_868 = tpu.vector_load %arg24[%get3A_867] {strides = array<i32>} : memref<1024xf32, #tpu.memory_space<vmem>>, vector<16xf32>,
      %mul3A_869 = arith.constant 9.990000e-01 : f32
      %mul3A_870 = vector.broadcast %mul3A_869 : f32 to vector<16xf32>
      %mul3A_871 = arith.mulf %get3A_868, %mul3A_870 : vector<16xf32>
      %get3A_872 = arith.constant 976 : index
      %get3A_873 = tpu.vector_load %arg23[%get3A_872] {strides = array<i32>} : memref<1024xf32, #tpu.memory_space<vmem>>, vector<16xf32>,
      %mul3A_874 = arith.constant 6.10351591E-8 : f32
      %mul3A_875 = vector.broadcast %mul3A_874 : f32 to vector<16xf32>
      %mul3A_876 = arith.mulf %get3A_873, %mul3A_875 : vector<16xf32>
      %add3A_877 = arith.addf %mul3A_871, %mul3A_876 : vector<16xf32>
      %swap3A_878 = arith.constant 976 : index
      %swap3A_879 = tpu.vector_load %arg25[%swap3A_878] {strides = array<i32>} : memref<1024xf32, #tpu.memory_space<vmem>>, vector<16xf32>,
      tpu.vector_store %arg25[%swap3A_878], %add3A_877 {strides = array<i32>} : memref<1024xf32, #tpu.memory_space<vmem>>, vector<16xf32>,
      %get3A_880 = arith.constant 992 : index
      %get3A_881 = tpu.vector_load %arg24[%get3A_880] {strides = array<i32>} : memref<1024xf32, #tpu.memory_space<vmem>>, vector<16xf32>,
      %mul3A_882 = arith.constant 9.990000e-01 : f32
      %mul3A_883 = vector.broadcast %mul3A_882 : f32 to vector<16xf32>
      %mul3A_884 = arith.mulf %get3A_881, %mul3A_883 : vector<16xf32>
      %get3A_885 = arith.constant 992 : index
      %get3A_886 = tpu.vector_load %arg23[%get3A_885] {strides = array<i32>} : memref<1024xf32, #tpu.memory_space<vmem>>, vector<16xf32>,
      %mul3A_887 = arith.constant 6.10351591E-8 : f32
      %mul3A_888 = vector.broadcast %mul3A_887 : f32 to vector<16xf32>
      %mul3A_889 = arith.mulf %get3A_886, %mul3A_888 : vector<16xf32>
      %add3A_890 = arith.addf %mul3A_884, %mul3A_889 : vector<16xf32>
      %swap3A_891 = arith.constant 992 : index
      %swap3A_892 = tpu.vector_load %arg25[%swap3A_891] {strides = array<i32>} : memref<1024xf32, #tpu.memory_space<vmem>>, vector<16xf32>,
      tpu.vector_store %arg25[%swap3A_891], %add3A_890 {strides = array<i32>} : memref<1024xf32, #tpu.memory_space<vmem>>, vector<16xf32>,
      "tpu.region"() ({
        %run_scoped3A = tpu.sem_alloc : memref<!tpu.dma_semaphore, #tpu.memory_space<semaphore_mem>>
        %dma_start3A = arith.constant 0 : i32
        %dma_start3A_904 = tpu.memref_slice %arg25[%dma_start3A] : memref<1024xf32, #tpu.memory_space<vmem>> -> memref<1000xf32, #tpu.memory_space<vmem>>
        %dma_start3A_905 = arith.constant 0 : i32
        %dma_start3A_906 = tpu.memref_slice %arg25[%dma_start3A_905] : memref<1024xf32, #tpu.memory_space<vmem>> -> memref<1000xf32, #tpu.memory_space<vmem>>
        tpu.enqueue_dma source(%dma_start3A_906 : memref<1000xf32, #tpu.memory_space<vmem>>) target(%arg12 : memref<1000xf32, #tpu.memory_space<hbm>>) target_semaphore(%run_scoped3A : memref<!tpu.dma_semaphore, #tpu.memory_space<semaphore_mem>>)
        %dma_wait3A = arith.constant 0 : i32
        %dma_wait3A_907 = tpu.memref_slice %arg25[%dma_wait3A] : memref<1024xf32, #tpu.memory_space<vmem>> -> memref<1000xf32, #tpu.memory_space<vmem>>
        %dma_wait3A_908 = arith.constant 0 : i32
        %dma_wait3A_909 = tpu.memref_slice %arg25[%dma_wait3A_908] : memref<1024xf32, #tpu.memory_space<vmem>> -> memref<1000xf32, #tpu.memory_space<vmem>>
        tpu.wait_dma2 semaphore(%run_scoped3A : memref<!tpu.dma_semaphore, #tpu.memory_space<semaphore_mem>>) src(%dma_wait3A_909 : memref<1000xf32, #tpu.memory_space<vmem>>) dst(%arg12 : memref<1000xf32, #tpu.memory_space<hbm>>)
        tpu.yield
      }) : () -> ()
      %iota3A = tpu.iota {dimensions = array<i32: 0>} : vector<16xi32>
      %eq3A_893 = arith.constant 0 : i32
      %eq3A_894 = vector.broadcast %eq3A_893 : i32 to vector<16xi32>
      %eq3A_895 = arith.cmpi eq, %iota3A, %eq3A_894 : vector<16xi32>
      %eq3A_896 = arith.constant 1 : i32
      %eq3A_897 = vector.broadcast %eq3A_896 : i32 to vector<16xi32>
      %eq3A_898 = arith.cmpi eq, %iota3A, %eq3A_897 : vector<16xi32>
      %jit3A = arith.constant 0.000000e+00 : f32
      %broadcast_in_dim3A = vector.broadcast %squeeze3A : f32 to vector<16xf32>
      %broadcast_in_dim3A_899 = vector.broadcast %jit3A : f32 to vector<16xf32>
      %select_n3A = arith.select %eq3A_898, %broadcast_in_dim3A, %broadcast_in_dim3A_899 : vector<16xi1>, vector<16xf32>
      %broadcast_in_dim3A_900 = vector.broadcast %mul3A_72 : f32 to vector<16xf32>
      %select_n3A_901 = arith.select %eq3A_895, %broadcast_in_dim3A_900, %select_n3A : vector<16xi1>, vector<16xf32>
      %swap3A_902 = arith.constant 0 : index
      %swap3A_903 = tpu.vector_load %arg29[%swap3A_902] {strides = array<i32>} : memref<16xf32, #tpu.memory_space<vmem>>, vector<16xf32>,
      tpu.vector_store %arg29[%swap3A_902], %select_n3A_901 {strides = array<i32>} : memref<16xf32, #tpu.memory_space<vmem>>, vector<16xf32>,
      "tpu.region"() ({
        %run_scoped3A = tpu.sem_alloc : memref<!tpu.dma_semaphore, #tpu.memory_space<semaphore_mem>>
        tpu.enqueue_dma source(%arg29 : memref<16xf32, #tpu.memory_space<vmem>>) target(%arg10 : memref<16xf32, #tpu.memory_space<hbm>>) target_semaphore(%run_scoped3A : memref<!tpu.dma_semaphore, #tpu.memory_space<semaphore_mem>>)
        tpu.wait_dma2 semaphore(%run_scoped3A : memref<!tpu.dma_semaphore, #tpu.memory_space<semaphore_mem>>) src(%arg29 : memref<16xf32, #tpu.memory_space<vmem>>) dst(%arg10 : memref<16xf32, #tpu.memory_space<hbm>>)
        tpu.yield
      }) : () -> ()
    } else {
    }
    return
  }
}

module attributes {stable_mosaic.version = 14 : i64} {
  func.func @_tc_body(%arg0: i32, %arg1: memref<512x1000xf32, #tpu.memory_space<vmem>>, %arg2: memref<512x1000xf32, #tpu.memory_space<vmem>>, %arg3: memref<512xf32, #tpu.memory_space<vmem>>, %arg4: memref<512xi32, #tpu.memory_space<vmem>>, %arg5: memref<512xf32, #tpu.memory_space<vmem>>, %arg6: memref<1000xf32, #tpu.memory_space<vmem>>) attributes {dimension_semantics = [#tpu.dimension_semantics<arbitrary>], iteration_bounds = array<i64: 32>, scalar_prefetch = 0 : i64, scratch_operands = 0 : i64, tpu.core_type = #tpu.core_type<tc>, window_params = [{transform_indices = @transform_0, window_bounds = array<i64: 512, 1000>}, {transform_indices = @transform_1, window_bounds = array<i64: 512, 1000>}, {transform_indices = @transform_2, window_bounds = array<i64: 512>}, {transform_indices = @transform_3, window_bounds = array<i64: 512>}, {transform_indices = @transform_4, window_bounds = array<i64: 512>}, {pipeline_mode = #tpu.pipeline_mode<synchronous>, transform_indices = @transform_5, window_bounds = array<i64: 1000>}]} {
    %get3A = arith.constant 0 : index
    %get3A_0 = arith.constant 0 : index
    %get3A_1 = vector.load %arg1[%get3A, %get3A_0] : memref<512x1000xf32, #tpu.memory_space<vmem>>, vector<512x1000xf32>
    %reduce_max3A = arith.constant dense<0xFF800000> : vector<512xf32>
    %reduce_max3A_2 = vector.multi_reduction <maximumf>, %get3A_1, %reduce_max3A [1] : vector<512x1000xf32> to vector<512xf32>
    %broadcast_in_dim3A = vector.shape_cast %reduce_max3A_2 : vector<512xf32> to vector<512x1xf32>
    %sub3A = vector.broadcast %broadcast_in_dim3A : vector<512x1xf32> to vector<512x1000xf32>
    %sub3A_3 = arith.subf %get3A_1, %sub3A : vector<512x1000xf32>
    %exp3A = math.exp %sub3A_3 : vector<512x1000xf32>
    %reduce_sum3A = arith.constant dense<0.000000e+00> : vector<512xf32>
    %reduce_sum3A_4 = vector.multi_reduction <add>, %exp3A, %reduce_sum3A [1] : vector<512x1000xf32> to vector<512xf32>
    %broadcast_in_dim3A_5 = vector.shape_cast %reduce_sum3A_4 : vector<512xf32> to vector<512x1xf32>
    %div3A = arith.constant 1.000000e+00 : f32
    %div3A_6 = vector.broadcast %div3A : f32 to vector<512x1xf32>
    %div3A_7 = arith.divf %div3A_6, %broadcast_in_dim3A_5 : vector<512x1xf32>
    %mul3A = vector.broadcast %div3A_7 : vector<512x1xf32> to vector<512x1000xf32>
    %mul3A_8 = arith.mulf %exp3A, %mul3A : vector<512x1000xf32>
    %reduce_sum3A_9 = arith.constant dense<0.000000e+00> : vector<1000xf32>
    %reduce_sum3A_10 = vector.multi_reduction <add>, %mul3A_8, %reduce_sum3A_9 [0] : vector<512x1000xf32> to vector<1000xf32>
    %eq3A = arith.constant 0 : i32
    %eq3A_11 = arith.cmpi eq, %arg0, %eq3A : i32
    %convert_element_type3A = arith.extui %eq3A_11 : i1 to i32
    %cond3A = arith.constant 0 : i32
    %cond3A_12 = arith.cmpi ne, %convert_element_type3A, %cond3A : i32
    scf.if %cond3A_12 {
      %broadcast_in_dim3A_47 = arith.constant 0.000000e+00 : f32
      %broadcast_in_dim3A_48 = vector.broadcast %broadcast_in_dim3A_47 : f32 to vector<1000xf32>
      %swap3A_49 = arith.constant 0 : index
      %swap3A_50 = vector.load %arg6[%swap3A_49] : memref<1000xf32, #tpu.memory_space<vmem>>, vector<1000xf32>
      tpu.vector_store %arg6[%swap3A_49], %broadcast_in_dim3A_48 {strides = array<i32>} : memref<1000xf32, #tpu.memory_space<vmem>>, vector<1000xf32>,
    } else {
    }
    %get3A_13 = arith.constant 0 : index
    %get3A_14 = vector.load %arg6[%get3A_13] : memref<1000xf32, #tpu.memory_space<vmem>>, vector<1000xf32>
    %add3A = arith.addf %get3A_14, %reduce_sum3A_10 : vector<1000xf32>
    %swap3A = arith.constant 0 : index
    %swap3A_15 = vector.load %arg6[%swap3A] : memref<1000xf32, #tpu.memory_space<vmem>>, vector<1000xf32>
    tpu.vector_store %arg6[%swap3A], %add3A {strides = array<i32>} : memref<1000xf32, #tpu.memory_space<vmem>>, vector<1000xf32>,
    %squeeze3A = vector.shape_cast %div3A_7 : vector<512x1xf32> to vector<512xf32>
    %swap3A_16 = arith.constant 0 : index
    %swap3A_17 = vector.load %arg3[%swap3A_16] : memref<512xf32, #tpu.memory_space<vmem>>, vector<512xf32>
    tpu.vector_store %arg3[%swap3A_16], %squeeze3A {strides = array<i32>} : memref<512xf32, #tpu.memory_space<vmem>>, vector<512xf32>,
    %iota3A = tpu.iota {dimensions = array<i32: 1>} : vector<512x1000xi32>
    %convert_element_type3A_18 = arith.sitofp %iota3A : vector<512x1000xi32> to vector<512x1000xf32>
    %eq3A_19 = vector.broadcast %broadcast_in_dim3A : vector<512x1xf32> to vector<512x1000xf32>
    %eq3A_20 = arith.cmpf oeq, %get3A_1, %eq3A_19 : vector<512x1000xf32>
    %jit3A = arith.constant 1.000000e+03 : f32
    %broadcast_in_dim3A_21 = vector.broadcast %jit3A : f32 to vector<512x1000xf32>
    %select_n3A = arith.select %eq3A_20, %convert_element_type3A_18, %broadcast_in_dim3A_21 : vector<512x1000xi1>, vector<512x1000xf32>
    %reduce_min3A = arith.constant dense<0x7F800000> : vector<512xf32>
    %reduce_min3A_22 = vector.multi_reduction <minimumf>, %select_n3A, %reduce_min3A [1] : vector<512x1000xf32> to vector<512xf32>
    %convert_element_type3A_23 = arith.fptosi %reduce_min3A_22 : vector<512xf32> to vector<512xi32>
    %swap3A_24 = arith.constant 0 : index
    %swap3A_25 = vector.load %arg4[%swap3A_24] : memref<512xi32, #tpu.memory_space<vmem>>, vector<512xi32>
    tpu.vector_store %arg4[%swap3A_24], %convert_element_type3A_23 {strides = array<i32>} : memref<512xi32, #tpu.memory_space<vmem>>, vector<512xi32>,
    %get3A_26 = arith.constant 0 : index
    %get3A_27 = arith.constant 0 : index
    %get3A_28 = vector.load %arg2[%get3A_26, %get3A_27] : memref<512x1000xf32, #tpu.memory_space<vmem>>, vector<512x1000xf32>
    %reduce_max3A_29 = arith.constant dense<0xFF800000> : vector<512xf32>
    %reduce_max3A_30 = vector.multi_reduction <maximumf>, %get3A_28, %reduce_max3A_29 [1] : vector<512x1000xf32> to vector<512xf32>
    %broadcast_in_dim3A_31 = vector.shape_cast %reduce_max3A_30 : vector<512xf32> to vector<512x1xf32>
    %sub3A_32 = vector.broadcast %broadcast_in_dim3A_31 : vector<512x1xf32> to vector<512x1000xf32>
    %sub3A_33 = arith.subf %get3A_28, %sub3A_32 : vector<512x1000xf32>
    %exp3A_34 = math.exp %sub3A_33 : vector<512x1000xf32>
    %reduce_sum3A_35 = arith.constant dense<0.000000e+00> : vector<512xf32>
    %reduce_sum3A_36 = vector.multi_reduction <add>, %exp3A_34, %reduce_sum3A_35 [1] : vector<512x1000xf32> to vector<512xf32>
    %jit3A_37 = arith.constant 0.000000e+00 : f32
    %broadcast_in_dim3A_38 = vector.broadcast %jit3A_37 : f32 to vector<512x1000xf32>
    %select_n3A_39 = arith.select %eq3A_20, %get3A_28, %broadcast_in_dim3A_38 : vector<512x1000xi1>, vector<512x1000xf32>
    %reduce_sum3A_40 = arith.constant dense<0.000000e+00> : vector<512xf32>
    %reduce_sum3A_41 = vector.multi_reduction <add>, %select_n3A_39, %reduce_sum3A_40 [1] : vector<512x1000xf32> to vector<512xf32>
    %squeeze3A_42 = vector.shape_cast %broadcast_in_dim3A_31 : vector<512x1xf32> to vector<512xf32>
    %log3A = math.log %reduce_sum3A_36 : vector<512xf32>
    %add3A_43 = arith.addf %squeeze3A_42, %log3A : vector<512xf32>
    %sub3A_44 = arith.subf %add3A_43, %reduce_sum3A_41 : vector<512xf32>
    %swap3A_45 = arith.constant 0 : index
    %swap3A_46 = vector.load %arg5[%swap3A_45] : memref<512xf32, #tpu.memory_space<vmem>>, vector<512xf32>
    tpu.vector_store %arg5[%swap3A_45], %sub3A_44 {strides = array<i32>} : memref<512xf32, #tpu.memory_space<vmem>>, vector<512xf32>,
    return
  }
  func.func @transform_0(%arg0: i32) -> (i32, i32) {
    %c0_i32 = arith.constant 0 : i32
    %c0_i32_0 = arith.constant 0 : i32
    return %arg0, %c0_i32 : i32, i32
  }
  func.func @transform_1(%arg0: i32) -> (i32, i32) {
    %c0_i32 = arith.constant 0 : i32
    %c0_i32_0 = arith.constant 0 : i32
    return %arg0, %c0_i32 : i32, i32
  }
  func.func @transform_2(%arg0: i32) -> i32 {
    %c0_i32 = arith.constant 0 : i32
    return %arg0 : i32
  }
  func.func @transform_3(%arg0: i32) -> i32 {
    %c0_i32 = arith.constant 0 : i32
    return %arg0 : i32
  }
  func.func @transform_4(%arg0: i32) -> i32 {
    %c0_i32 = arith.constant 0 : i32
    return %arg0 : i32
  }
  func.func @transform_5(%arg0: i32) -> i32 {
    %c0_i32 = arith.constant 0 : i32
    %c0_i32_0 = arith.constant 0 : i32
    return %c0_i32 : i32
  }
}

</mosaic_0001>

<sc_bundles>
// kernel: kernel.4.cloned.1.call-start
scs
__scs_entry_jumppad:
0x0: {  	(pc) =	sbr.rel $0x88, $3  }
0x1: {  	(tag) =	ssettag $0x0;
	lr =	simm.s32 $0x1  }
0x2: {  	[smem:$0x3F9B] =	sst lr;
	_ =	strace $0xD0000000  }
0x3: {  	_ = 	snop  }
0x4: {  	_ = 	snop  }
0x5: {  	_ = 	snop  }
0x6: {  	_ = 	snop  }
0x7: {  	_ = 	snop  }
__scs_overlays_trampoline_lowered:
0x8: {  	[smem:$0x3FAA] =	sst s0  }
0x9: {  	[smem:$0x3FAB] =	sst s1  }
0xa: {  	[smem:$0x3FAC] =	sst s2  }
0xb: {  	[smem:$0x3FAD] =	sst s3  }
0xc: {  	[smem:$0x3FAE] =	sst s4  }
0xd: {  	[smem:$0x3FAF] =	sst s5  }
0xe: {  	[smem:$0x3FB0] =	sst s6  }
0xf: {  	[smem:$0x3FB1] =	sst s7  }
0x10: {  	[smem:$0x3FB2] =	sst s8  }
0x11: {  	[smem:$0x3FB3] =	sst s9;
	s0 =	simm.s32 @!p0 $0x0  }
0x12: {  	s1 =	sld [smem:$0x3F99];
	s0 =	simm.s32 @p0 $0x1  }
0x13: {  	[smem:$0x3FB4] =	sst s0;
	s0 =	simm.s32 @!p1 $0x0  }
0x14: {  	s2 =	sld [smem:$0x3F98];
	s0 =	simm.s32 @p1 $0x1  }
0x15: {  	[smem:$0x3FB5] =	sst s0;
	s0 =	simm.s32 @!p2 $0x0  }
0x16: {  	s3 =	sld [smem:$0x3FDB];
	s0 =	simm.s32 @p2 $0x1  }
0x17: {  	s4 =	simm.s32 $0x1BF5;
	[smem:$0x3FB7] =	sst s0  }
0x18: {  	s0 =	sld [smem:$0x3F9A];
	_ =	swait.ge [sflag:s4], $0x0  }
0x19: {  	s7 =	sld [smem:$0x3F9B]  }
0x1a: {  	s8 =	sadd.s32 $0xFFFFE003, lr  }
0x1b: {  	s9 =	sadd.s32 $0xFFFFFEF7, lr;
	s5 =	simm.s32 $0xFFFFFFFF;
	p2 =	slt.u32 s8, $0xFFFFF086  }
0x1c: {  	p1 =	slt.u32 s9, $0xF7A;
	s5 =	simm.s32 @!p2 $0x0  }
0x1d: {  	s5 =	simm.s32 @p1 $0x1;
	p0 =	seq.s32 s7, s2  }
0x1e: {  	s7 =	smul.u32 @!p0 $0xF7A, s2;
	p2 =	seq.s32 @!p0 s5, $0x0  }
0x1f: {  	s9 =	smul.u32 $0xF7A, s1;
	s8 =	simm.s32 @!p0 $0x1BF5;
	p2 =	por !p2, p0  }
0x20: {  	[sflag:s8] =	ssyncset.s32 @!p0 $0xFFFFF086;
	s6 =	sadd.s32 @!p0 s3, s7;
	s7 =	simm.s32 @!p0 $0x108  }
0x21: {  	s3 =	sadd.s32 s3, s9;
	s6 =	sadd.s32 @!p0 $0x88, s6;
	s7 =	simm.s32 @p2 $0x1082  }
0x22: {  	[simem:s7], [sflag:s8] =	dma.local @!p0 [hbm:s6], $0xF7A  }
0x23: {  	s9 =	sor.u32 $0xD0000000, s2;
	s6 =	simm.s32 $0x108;
	_ =	swait.ge @!p0 [sflag:s8], $0x0  }
0x24: {  	s3 =	sadd.s32 $0x88, s3;
	s6 =	simm.s32 @!p1 $0x1082;
	[sflag:s4] =	ssyncset.s32 $0xFFFFF086  }
0x25: {  	[simem:s6], [sflag:s4] =	dma.local [hbm:s3], $0xF7A  }
0x26: {  	[smem:$0x3F9B] =	sst s1;
	(tag) =	ssettag s2;
	_ =	strace s9  }
0x27: {  	s1 =	sld [smem:$0x3FAB]  }
0x28: {  	s2 =	sld [smem:$0x3FAC]  }
0x29: {  	s4 =	sld [smem:$0x3FAE]  }
0x2a: {  	p0 =	seq.s32 s5, $0x0;
	s5 =	sld [smem:$0x3FAF]  }
0x2b: {  	s6 =	sld [smem:$0x3FB0]  }
0x2c: {  	s7 =	sld [smem:$0x3FB1]  }
0x2d: {  	s3 =	simm.s32 $0x108;
	s8 =	sld [smem:$0x3FB2]  }
0x2e: {  	s3 =	simm.s32 @!p0 $0x1082;
	s9 =	sld [smem:$0x3FB3]  }
0x2f: {  	lr =	sadd.s32 s0, s3;
	s0 =	sld [smem:$0x3FAA]  }
0x30: {  	s3 =	sld [smem:$0x3FAD]  }
0x31: {  	[smem:$0x3FB6] =	sst s10  }
0x32: {  	s10 =	sld [smem:$0x3FB4];
	_ =	sdelay $0x3  }
0x33: {  	p0 =	seq.s32 s10, $0x1;
	s10 =	sld [smem:$0x3FB6];
	_ =	sdelay $0x3  }
0x34: {  	[smem:$0x3FB6] =	sst s10  }
0x35: {  	s10 =	sld [smem:$0x3FB5];
	_ =	sdelay $0x3  }
0x36: {  	p1 =	seq.s32 s10, $0x1;
	s10 =	sld [smem:$0x3FB6];
	_ =	sdelay $0x3  }
0x37: {  	[smem:$0x3FB6] =	sst s10  }
0x38: {  	s10 =	sld [smem:$0x3FB7]  }
0x39: {  	_ = 	snop;
	(pc) =	sbr.ind lr, $3  }
0x3a: {  	_ = 	snop  }
0x3b: {  	_ = 	snop  }
0x3c: {  	p2 =	seq.s32 s10, $0x1;
	s10 =	sld [smem:$0x3FB6]  }
0x3d: {  	_ =	shalt  }
0x3e: {  	_ =	shalt  }
0x3f: {  	_ =	shalt  }
0x40: {  	_ =	shalt  }
0x41: {  	_ =	shalt  }
0x42: {  	_ =	shalt  }
0x43: {  	_ =	shalt  }
0x44: {  	_ =	shalt  }
0x45: {  	_ =	shalt  }
0x46: {  	_ =	shalt  }
0x47: {  	_ =	shalt  }
0x48: {  	_ =	shalt  }
0x49: {  	_ =	shalt  }
0x4a: {  	_ =	shalt  }
0x4b: {  	_ =	shalt  }
0x4c: {  	_ =	shalt  }
0x4d: {  	_ =	shalt  }
0x4e: {  	_ =	shalt  }
0x4f: {  	_ =	shalt  }
0x50: {  	_ =	shalt  }
0x51: {  	_ =	shalt  }
0x52: {  	_ =	shalt  }
0x53: {  	_ =	shalt  }
0x54: {  	_ =	shalt  }
0x55: {  	_ =	shalt  }
0x56: {  	_ =	shalt  }
0x57: {  	_ =	shalt  }
0x58: {  	_ =	shalt  }
0x59: {  	_ =	shalt  }
0x5a: {  	_ =	shalt  }
0x5b: {  	_ =	shalt  }
0x5c: {  	_ =	shalt  }
0x5d: {  	_ =	shalt  }
0x5e: {  	_ =	shalt  }
0x5f: {  	_ =	shalt  }
0x60: {  	_ =	shalt  }
0x61: {  	_ =	shalt  }
0x62: {  	_ =	shalt  }
0x63: {  	_ =	shalt  }
0x64: {  	_ =	shalt  }
0x65: {  	_ =	shalt  }
0x66: {  	_ =	shalt  }
0x67: {  	_ =	shalt  }
0x68: {  	_ =	shalt  }
0x69: {  	_ =	shalt  }
0x6a: {  	_ =	shalt  }
0x6b: {  	_ =	shalt  }
0x6c: {  	_ =	shalt  }
0x6d: {  	_ =	shalt  }
0x6e: {  	_ =	shalt  }
0x6f: {  	_ =	shalt  }
0x70: {  	_ =	shalt  }
0x71: {  	_ =	shalt  }
0x72: {  	_ =	shalt  }
0x73: {  	_ =	shalt  }
0x74: {  	_ =	shalt  }
0x75: {  	_ =	shalt  }
0x76: {  	_ =	shalt  }
0x77: {  	_ =	shalt  }
0x78: {  	_ =	shalt  }
0x79: {  	_ =	shalt  }
0x7a: {  	_ =	shalt  }
0x7b: {  	_ =	shalt  }
0x7c: {  	_ =	shalt  }
0x7d: {  	_ =	shalt  }
0x7e: {  	_ =	shalt  }
0x7f: {  	_ =	shalt  }
0x80: {  	_ =	shalt  }
0x81: {  	_ =	shalt  }
0x82: {  	_ =	shalt  }
0x83: {  	_ =	shalt  }
0x84: {  	_ =	shalt  }
0x85: {  	_ =	shalt  }
0x86: {  	_ =	shalt  }
0x87: {  	_ =	shalt  }
.Lfunc_end0:
.L_simem_size_0:
called_computation_lowered:
.L_overlay_start_0:
0x88: {  	s2 =	sld [smem:$0x3FD9]  }
0x89: {  	s3 =	sld [smem:$0x3FFE];
	_ =	sdelay $0x1  }
0x8a: {  	s1 =	srdreg.scid  }
0x8b: {  	s0 =	sand.u32 $0x1, s1  }
0x8c: {  	s14 =	sshll.u32 s0, $0xA;
	s2 =	sadd.s32 s3, s2  }
0x8d: {  	s2 =	sadd.s32 s2, s14  }
0x8e: {  	[smem:$0x3FC2] =	sst s2  }
0x8f: {  	_ = 	snop  }
0x90: {  	s2 =	sld [smem:$0x3FD0];
	_ =	sdelay $0x1  }
0x91: {  	s15 =	sld [smem:$0x3FC6]  }
0x92: {  	s5 =	simm.s32 $0xA;
	s6 =	simm.s32 $0x10;
	s4 =	sld [smem:$0x3FC5]  }
0x93: {  	[smem:s6], [sflag:s5] =	dma.local [hbm:s2], $0x1  }
0x94: {  	_ =	swait.eq [sflag:s5], $0x1  }
0x95: {  	s16 =	sld [smem:$0x11]  }
0x96: {  	s17 =	sld [smem:$0x12];
	[sflag:s5] =	ssyncset.done $0x0  }
0x97: {  	s7 =	sld [smem:$0x14];
	[sflag:s5] =	ssyncadd.s32 $0xFFFFFFFF  }
0x98: {  	s18 =	sld [smem:$0x15];
	(tm) =	ssettm $0x1  }
0x99: {  	s8 =	sld [smem:$0x3FFB];
	_ =	sdelay $0x3  }
0x9a: {  	_ =	strace s8  }
0x9b: {  	s8 =	sld [smem:$0x3FFC];
	_ =	sdelay $0x3  }
0x9c: {  	_ =	strace s8  }
0x9d: {  	s8 =	sld [smem:$0x3FFD];
	_ =	sdelay $0x3  }
0x9e: {  	_ =	strace s8  }
0x9f: {  	_ =	strace $0x8FFFFFFF  }
0xa0: {  	s19 =	sld [smem:$0x3FDB];
	_ =	sdelay $0x1  }
0xa1: {  	s9 =	simm.s32 $_scs_section_size  }
0xa2: {  	s10 =	simm.s32 $_size__tile_overlayer_lowered;
	s11 =	simm.s32 $_tile_overlayer_lowered  }
0xa3: {  	s22 =	simm.s32 $0x1BFF;
	s21 =	sshll.u32 s11, $0x1;
	s8 =	sadd.s32 s9, s19  }
0xa4: {  	s12 =	simm.s32 $0x0;
	s20 =	sshll.u32 s10, $0x1;
	s10 =	sadd.s32 s21, s8  }
0xa5: {  	[timem:s12], [sflag:s22] =	dma.local [hbm:s10], s20  }
0xa6: {  	_ =	swait.ge [sflag:s22], s20  }
0xa7: {  	s9 =	ssub.s32 $0x0, s20;
	[sflag:s22] =	ssyncset.done $0x0  }
0xa8: {  	[sflag:s22] =	ssyncadd.s32 s9;
	_ =	sdelay $0x1  }
0xa9: {  	s23 =	simm.s32 $0x1B8B  }
0xaa: {  	_ =	swait.ge [sflag:s23], $0x1  }
0xab: {  	[sflag:s23] =	ssyncset.done $0x0  }
0xac: {  	s25 =	simm.s32 $0x1B8E;
	s24 =	sld [smem:$0x3FFE];
	[sflag:s23] =	ssyncadd.s32 $0xFFFFFFFF  }
0xad: {  	s26 =	simm.s32 $execute0_lowered;
	[smem:$0x3FD2] =	sst s25  }
0xae: {  	s10 =	sshll.u32 s26, $0x1;
	_ =	strace $0x80000046;
	[dreg:$0x1] =	wrdreg $0xFFFFFFFF  }
0xaf: {  	s28 =	simm.s32 $_size_execute0_lowered;
	s8 =	sadd.s32 s8, s10;
	[dreg:$0x0] =	wrdreg $0x0  }
0xb0: {  	s10 =	sshll.u32 s28, $0x1;
	[dreg:$0x2] =	wrdreg s8  }
0xb1: {  	[dreg:$0x3] =	wrdreg s10  }
0xb2: {  	[dreg:$0x4] =	wrdreg $0xC0  }
0xb3: {  	_ =	task [dreg:s12], $0x5FFFF  }
0xb4: {  	[dreg:$0x1] =	wrdreg $0xFFFFFFFF  }
0xb5: {  	[dreg:$0x0] =	wrdreg $0x60  }
0xb6: {  	[dreg:$0x2] =	wrdreg s16  }
0xb7: {  	[dreg:$0x3] =	wrdreg s24  }
0xb8: {  	[dreg:$0x4] =	wrdreg s15  }
0xb9: {  	[dreg:$0x5] =	wrdreg s4  }
0xba: {  	[dreg:$0x6] =	wrdreg s17  }
0xbb: {  	[dreg:$0x7] =	wrdreg s7  }
0xbc: {  	[dreg:$0x8] =	wrdreg s18  }
0xbd: {  	[dreg:$0x9] =	wrdreg $0x31800  }
0xbe: {  	[dreg:$0xa] =	wrdreg $0x9  }
0xbf: {  	_ =	task.clear_ibuf [dreg:s12], $0xBFFFF;
	_ =	strace $0x90000046  }
0xc0: {  	s29 =	simm.s32 $0x9;
	_ =	strace $0x80000048  }
0xc1: {  	_ =	swait.ge [sflag:s29], $0x1  }
0xc2: {  	[sflag:s29] =	ssyncadd.s32 $0xFFFFFFFF  }
0xc3: {  	_ =	strace $0x90000048  }
0xc4: {  	_ =	sfence  }
0xc5: {  	s30 =	sld [smem:$0x0];
	_ =	sdelay $0x2  }
0xc6: {  	s31 =	sshll.u32 s1, $0xD;
	s1 =	sshrl.u32 s1, $0x2  }
0xc7: {  	s3 =	sand.u32 $0x4000, s31;
	s1 =	sadd.s32 s1, s30  }
0xc8: {  	s0 =	sor.u32 s3, s0;
	s1 =	sshll.u32 s1, $0x11  }
0xc9: {  	s0 =	sor.u32 s1, s0  }
0xca: {  	s0 =	sadd.s32 $0x8F2B, s0  }
0xcb: {  	[sflag:s0] =	ssyncadd.remote.s32 $0x1  }
0xcc: {  	_ =	sfence.sel $0xFFFF  }
0xcd: {  	[dreg:$0x0] =	wrdreg $0xFFFFFFFF;
	(pc) =	sbr.abs _section_cstart, $3  }
0xce: {  	[dreg:$0x1] =	wrdreg $0xFFFFFFFF  }
0xcf: {  	_ =	task.clear_ibuf [dreg:s12], $0x2FFFF;
	_ =	strace $0x9FFFFFFF  }
0xd0: {  	(tm) =	ssettm $0x7FFFFFFF  }
0xd1: {  	_ =	shalt  }
tec
execute0_lowered:
.L_overlay_start_1:
0x0: {  	(tag) =	ssettag $0x1  }
0x1: {  	s0 =	rddreg [dreg:$0x0]  }
0x2: {  	s1 =	rddreg [dreg:$0x1]  }
0x3: {  	s2 =	rddreg [dreg:$0x4]  }
0x4: {  	s6 =	rddreg [dreg:$0x7];
	s7 =	simm.s32 $0x0;
	s16 =	stileid.u32  }
0x5: {  	s3 =	srdreg.scid;
	s23 =	simm.s32 $0x1900;
	s28 =	simm.s32 $0x1D00  }
0x6: {  	s29 =	simm.s32 $0xC00;
	s30 =	simm.s32 $0x2F00;
	[smem:$0x7FF] =	sst s7  }
0x7: {  	s4 =	sshll.u32 s16, $0x7;
	s3 =	sand.u32 $0x1, s3;
	s8 =	sadd.s32 $0x2200, s1  }
0x8: {  	s9 =	sadd.s32 $0x2400, s1;
	s10 =	sadd.s32 $0x2600, s1;
	s25 =	sshll.u32 s16, $0x6  }
0x9: {  	s26 =	sshll.u32 s16, $0x4;
	s17 =	sadd.s32 $0x7F0, s6;
	s18 =	sadd.s32 $0x400, s6  }
0xa: {  	s21 =	sadd.s32 $0x900, s6;
	_ =	strace $0x80000047;
	s5 =	sadd.s32 s4, s1  }
0xb: {  	s11 =	ssub.s32 $0x2, s3;
	s31 =	sor.u32 s16, s3;
	s16 =	sadd.s32 $0x800, s6  }
0xc: {  	s19 =	sadd.s32 s2, s4;
	p0 =	sne.s32 s3, $0x0;
	s1 =	simm.s32 $0x400  }
0xd: {  	s2 =	simm.s32 $0x800;
	s3 =	simm.s32 $0x2D80;
	s12 =	sshrl.u32 s11, $0x1  }
.Ltmp0:
0xe: {  	s13 =	sadd.s32 $0x1200, s5;
	s14 =	sadd.s32 $0x1A00, s5;
	(pc) =	sbr.rel .LBB2_1-.Ltmp0, $4  }
0xf: {  	p1 =	sne.s32 s31, $0x0;
	s5 =	simm.s32 $0x1;
	s24 =	ssub.s32 s11, s12  }
0x10: {  	s11 =	sadd.s32 s25, s6;
	s12 =	sadd.s32 s0, s4;
	s0 =	sadd.s32 s26, s6  }
0x11: {  	v2 =	vimm.f32 $0.0e+00;
	vm0 =	vmmov $0xff;
	s25 =	simm.s32 $0x80;
	s26 =	simm.s32 $0x1000;
	s15 =	sadd.s32 $0x800, s0  }
0x12: {  	vm1 =	vcmask $0x704;
	vm2 =	vmmov $0x1;
	vm3 =	vcmask $0x3F08;
	s20 =	sadd.s32 $0x900, s0;
	s22 =	smax.u32 s24, $0x1;
	s24 =	simm.s32 $0x2  }
.LBB2_8:
.Ltmp1:
0x13: {  	(pc) =	sbr.rel @!p1 .LBB2_9-.Ltmp1, $2  }
0x14: {  	_ =	sdelay $0x1  }
0x15: {  	[bflag:$0x0] =	sbarrier.arrive $0xFFFF;
	_ =	sdelay $0x1  }
.LBB2_10:
0x16: {  	s22 =	sadd.s32 $0xFFFFFFFF, s22  }
0x17: {  	p2 =	sne.s32 s22, $0x0  }
.Ltmp2:
0x18: {  	_ = 	snop;
	(pc) =	sbr.rel @!p2 .LBB2_11-.Ltmp2, $1  }
0x19: {  	_ =	sdelay $0x3  }
.LBB2_1:
.Ltmp3:
0x1a: {  	(pc) =	sbr.rel @p0 .LBB2_3-.Ltmp3, $1  }
0x1b: {  	_ =	sdelay $0x3  }
0x1c: {  	[tilespmem:$0x1080] =	vst v2  }
0x1d: {  	[tilespmem:$0x1090] =	vst v2  }
0x1e: {  	[tilespmem:$0x10A0] =	vst v2  }
0x1f: {  	[tilespmem:$0x10B0] =	vst v2;
	s0 =	simm.s32 $0x1080  }
0x20: {  	[spmem:s11] =	stream.linear.scatter [tilespmem:s0], [sflag:$0x2], $0x40, $0x38;
	[tilespmem:$0x3220] =	vst v63  }
0x21: {  	_ =	swait.ge [sflag:s24], $0x40  }
0x22: {  	[sflag:s24] =	ssyncset.done $0x0  }
0x23: {  	[sflag:s24] =	ssyncadd.s32 $0xFFFFFFC0  }
0x24: {  	v0 =	vimm.f32 $1.000000000e+00;
	[bflag:$0x0] =	sbarrier.arrive $0xFFFF  }
0x25: {  	[tilespmem:$0x1000] =	vst v0  }
0x26: {  	[tilespmem:$0x1010] =	vst v0  }
0x27: {  	[tilespmem:$0x1020] =	vst v0  }
0x28: {  	[tilespmem:$0x1030] =	vst v0  }
0x29: {  	[tilespmem:$0x1040] =	vst v0  }
0x2a: {  	[tilespmem:$0x1050] =	vst v0  }
0x2b: {  	[tilespmem:$0x1060] =	vst v0  }
0x2c: {  	[tilespmem:$0x1070] =	vst v0  }
0x2d: {  	[tilespmem:s7], [sflag:$0x2] =	stream.linear.gather [hbm4b:s12+s7], $0x400, $0x38;
	[tilespmem:$0x3220] =	vst v63  }
0x2e: {  	_ =	swait.ge [sflag:s24], $0x400  }
0x2f: {  	[sflag:s24] =	ssyncset.done $0x0  }
0x30: {  	[sflag:s24] =	ssyncadd.s32 $0xFFFFFC00  }
0x31: {  	[spmem:s6] =	stream.indirect.scatter.add.f32 [tilespmem:s26], [sflag:$0x1], $0x1, s7, s25, $0xb8;
	[tilespmem:$0x3220] =	vst v63  }
0x32: {  	_ = 	snop  }
0x33: {  	[spmem:s6] =	stream.indirect.scatter.add.f32 [tilespmem:s26], [sflag:$0x1], $0x1, s25, s25, $0xb8;
	[tilespmem:$0x3220] =	vst v63  }
0x34: {  	s4 =	simm.s32 $0x100  }
0x35: {  	[spmem:s6] =	stream.indirect.scatter.add.f32 [tilespmem:s26], [sflag:$0x1], $0x1, s4, s25, $0xb8;
	[tilespmem:$0x3220] =	vst v63  }
0x36: {  	s31 =	simm.s32 $0x180  }
0x37: {  	[spmem:s6] =	stream.indirect.scatter.add.f32 [tilespmem:s26], [sflag:$0x1], $0x1, s31, s25, $0xb8;
	[tilespmem:$0x3220] =	vst v63  }
0x38: {  	s4 =	simm.s32 $0x200  }
0x39: {  	[spmem:s6] =	stream.indirect.scatter.add.f32 [tilespmem:s26], [sflag:$0x1], $0x1, s4, s25, $0xb8;
	[tilespmem:$0x3220] =	vst v63  }
0x3a: {  	s31 =	simm.s32 $0x280  }
0x3b: {  	[spmem:s6] =	stream.indirect.scatter.add.f32 [tilespmem:s26], [sflag:$0x1], $0x1, s31, s25, $0xb8;
	[tilespmem:$0x3220] =	vst v63  }
0x3c: {  	s4 =	simm.s32 $0x300  }
0x3d: {  	[spmem:s6] =	stream.indirect.scatter.add.f32 [tilespmem:s26], [sflag:$0x1], $0x1, s4, s25, $0xb8;
	[tilespmem:$0x3220] =	vst v63  }
0x3e: {  	s31 =	simm.s32 $0x380  }
0x3f: {  	[spmem:s6] =	stream.indirect.scatter.add.f32 [tilespmem:s26], [sflag:$0x1], $0x1, s31, s25, $0xb8;
	[tilespmem:$0x3220] =	vst v63  }
0x40: {  	_ = 	snop  }
0x41: {  	[tilespmem:s1], [sflag:$0x2] =	stream.linear.gather [hbm4b:s13+s7], $0x400, $0x38;
	[tilespmem:$0x3220] =	vst v63  }
0x42: {  	_ =	swait.ge [sflag:s24], $0x400  }
0x43: {  	[sflag:s24] =	ssyncset.done $0x0  }
0x44: {  	[sflag:s24] =	ssyncadd.s32 $0xFFFFFC00  }
0x45: {  	[tilespmem:s2], [sflag:$0x2] =	stream.linear.gather [hbm4b:s14+s7], $0x400, $0x38;
	[tilespmem:$0x3220] =	vst v63  }
0x46: {  	_ =	swait.ge [sflag:s24], $0x400  }
0x47: {  	[sflag:s24] =	ssyncset.done $0x0  }
0x48: {  	[sflag:s24] =	ssyncadd.s32 $0xFFFFFC00  }
0x49: {  	v3 =	vld [tilespmem:$0x400];
	_ =	sdelay $0x1  }
0x4a: {  	v4 =	vld [tilespmem:$0x410];
	_ =	sdelay $0x1  }
0x4b: {  	v5 =	vld [tilespmem:$0x420]  }
0x4c: {  	v3 =	vadd.f32 $0.0e+00, v3  }
0x4d: {  	v6 =	vld [tilespmem:$0x430]  }
0x4e: {  	v3 =	vadd.f32 v4, v3  }
0x4f: {  	v59 =	vld [tilespmem:$0x440]  }
0x50: {  	v3 =	vadd.f32 v5, v3  }
0x51: {  	v60 =	vld [tilespmem:$0x450]  }
0x52: {  	v3 =	vadd.f32 v6, v3  }
0x53: {  	v61 =	vld [tilespmem:$0x460]  }
0x54: {  	v3 =	vadd.f32 v59, v3  }
0x55: {  	v62 =	vld [tilespmem:$0x470]  }
0x56: {  	v3 =	vadd.f32 v60, v3  }
0x57: {  	v63 =	vld [tilespmem:$0x480]  }
0x58: {  	v3 =	vadd.f32 v61, v3  }
0x59: {  	v9 =	vld [tilespmem:$0x490]  }
0x5a: {  	v3 =	vadd.f32 v62, v3  }
0x5b: {  	v10 =	vld [tilespmem:$0x4A0]  }
0x5c: {  	v3 =	vadd.f32 v63, v3  }
0x5d: {  	v11 =	vld [tilespmem:$0x4B0]  }
0x5e: {  	v3 =	vadd.f32 v9, v3  }
0x5f: {  	v12 =	vld [tilespmem:$0x4C0]  }
0x60: {  	v3 =	vadd.f32 v10, v3  }
0x61: {  	v13 =	vld [tilespmem:$0x4D0]  }
0x62: {  	v3 =	vadd.f32 v11, v3  }
0x63: {  	v14 =	vld [tilespmem:$0x4E0]  }
0x64: {  	v3 =	vadd.f32 v12, v3  }
0x65: {  	v15 =	vld [tilespmem:$0x4F0]  }
0x66: {  	v3 =	vadd.f32 v13, v3  }
0x67: {  	v16 =	vld [tilespmem:$0x500]  }
0x68: {  	v3 =	vadd.f32 v14, v3  }
0x69: {  	v17 =	vld [tilespmem:$0x510]  }
0x6a: {  	v3 =	vadd.f32 v15, v3  }
0x6b: {  	v18 =	vld [tilespmem:$0x520]  }
0x6c: {  	v3 =	vadd.f32 v16, v3  }
0x6d: {  	v19 =	vld [tilespmem:$0x530]  }
0x6e: {  	v3 =	vadd.f32 v17, v3  }
0x6f: {  	v20 =	vld [tilespmem:$0x540]  }
0x70: {  	v3 =	vadd.f32 v18, v3  }
0x71: {  	v21 =	vld [tilespmem:$0x550]  }
0x72: {  	v3 =	vadd.f32 v19, v3  }
0x73: {  	v22 =	vld [tilespmem:$0x560]  }
0x74: {  	v3 =	vadd.f32 v20, v3  }
0x75: {  	v23 =	vld [tilespmem:$0x570]  }
0x76: {  	v3 =	vadd.f32 v21, v3  }
0x77: {  	v24 =	vld [tilespmem:$0x580]  }
0x78: {  	v3 =	vadd.f32 v22, v3  }
0x79: {  	v25 =	vld [tilespmem:$0x590]  }
0x7a: {  	v3 =	vadd.f32 v23, v3  }
0x7b: {  	v26 =	vld [tilespmem:$0x5A0]  }
0x7c: {  	v3 =	vadd.f32 v24, v3  }
0x7d: {  	v27 =	vld [tilespmem:$0x5B0]  }
0x7e: {  	v3 =	vadd.f32 v25, v3  }
0x7f: {  	v28 =	vld [tilespmem:$0x5C0]  }
0x80: {  	v3 =	vadd.f32 v26, v3  }
0x81: {  	v29 =	vld [tilespmem:$0x5D0]  }
0x82: {  	v3 =	vadd.f32 v27, v3  }
0x83: {  	v30 =	vld [tilespmem:$0x5E0]  }
0x84: {  	v3 =	vadd.f32 v28, v3  }
0x85: {  	v31 =	vld [tilespmem:$0x5F0]  }
0x86: {  	v3 =	vadd.f32 v29, v3  }
0x87: {  	v32 =	vld [tilespmem:$0x600]  }
0x88: {  	v3 =	vadd.f32 v30, v3  }
0x89: {  	v33 =	vld [tilespmem:$0x610]  }
0x8a: {  	v3 =	vadd.f32 v31, v3  }
0x8b: {  	v34 =	vld [tilespmem:$0x620]  }
0x8c: {  	v3 =	vadd.f32 v32, v3  }
0x8d: {  	v35 =	vld [tilespmem:$0x630]  }
0x8e: {  	v3 =	vadd.f32 v33, v3  }
0x8f: {  	v36 =	vld [tilespmem:$0x640]  }
0x90: {  	v3 =	vadd.f32 v34, v3  }
0x91: {  	v37 =	vld [tilespmem:$0x650]  }
0x92: {  	v3 =	vadd.f32 v35, v3  }
0x93: {  	v38 =	vld [tilespmem:$0x660]  }
0x94: {  	v3 =	vadd.f32 v36, v3  }
0x95: {  	v39 =	vld [tilespmem:$0x670]  }
0x96: {  	v3 =	vadd.f32 v37, v3  }
0x97: {  	v40 =	vld [tilespmem:$0x680]  }
0x98: {  	v3 =	vadd.f32 v38, v3  }
0x99: {  	v41 =	vld [tilespmem:$0x690]  }
0x9a: {  	v3 =	vadd.f32 v39, v3  }
0x9b: {  	v42 =	vld [tilespmem:$0x6A0]  }
0x9c: {  	v3 =	vadd.f32 v40, v3  }
0x9d: {  	v43 =	vld [tilespmem:$0x6B0]  }
0x9e: {  	v3 =	vadd.f32 v41, v3  }
0x9f: {  	v44 =	vld [tilespmem:$0x6C0]  }
0xa0: {  	v3 =	vadd.f32 v42, v3  }
0xa1: {  	v45 =	vld [tilespmem:$0x6D0]  }
0xa2: {  	v3 =	vadd.f32 v43, v3  }
0xa3: {  	v46 =	vld [tilespmem:$0x6E0]  }
0xa4: {  	v3 =	vadd.f32 v44, v3  }
0xa5: {  	v47 =	vld [tilespmem:$0x6F0]  }
0xa6: {  	v3 =	vadd.f32 v45, v3  }
0xa7: {  	v48 =	vld [tilespmem:$0x700]  }
0xa8: {  	v3 =	vadd.f32 v46, v3  }
0xa9: {  	v49 =	vld [tilespmem:$0x710]  }
0xaa: {  	v3 =	vadd.f32 v47, v3  }
0xab: {  	v50 =	vld [tilespmem:$0x720]  }
0xac: {  	v3 =	vadd.f32 v48, v3  }
0xad: {  	v51 =	vld [tilespmem:$0x730]  }
0xae: {  	v3 =	vadd.f32 v49, v3  }
0xaf: {  	v52 =	vld [tilespmem:$0x740]  }
0xb0: {  	v3 =	vadd.f32 v50, v3  }
0xb1: {  	v53 =	vld [tilespmem:$0x750]  }
0xb2: {  	v3 =	vadd.f32 v51, v3  }
0xb3: {  	v54 =	vld [tilespmem:$0x760]  }
0xb4: {  	v3 =	vadd.f32 v52, v3  }
0xb5: {  	v55 =	vld [tilespmem:$0x770]  }
0xb6: {  	v3 =	vadd.f32 v53, v3  }
0xb7: {  	v56 =	vld [tilespmem:$0x780]  }
0xb8: {  	v3 =	vadd.f32 v54, v3  }
0xb9: {  	v57 =	vld [tilespmem:$0x790]  }
0xba: {  	v3 =	vadd.f32 v55, v3  }
0xbb: {  	v58 =	vld [tilespmem:$0x7A0]  }
0xbc: {  	v3 =	vadd.f32 v56, v3  }
0xbd: {  	v59 =	vld [tilespmem:$0x7B0]  }
0xbe: {  	v3 =	vadd.f32 v57, v3  }
0xbf: {  	v60 =	vld [tilespmem:$0x7C0]  }
0xc0: {  	v3 =	vadd.f32 v58, v3  }
0xc1: {  	v61 =	vld [tilespmem:$0x7D0]  }
0xc2: {  	v3 =	vadd.f32 v59, v3  }
0xc3: {  	v62 =	vld [tilespmem:$0x7E0]  }
0xc4: {  	v3 =	vadd.f32 v60, v3  }
0xc5: {  	v63 =	vld [tilespmem:$0x7F0]  }
0xc6: {  	v3 =	vadd.f32 v61, v3;
	_ =	sdelay $0x1  }
0xc7: {  	v3 =	vadd.f32 v62, v3;
	_ =	sdelay $0x1  }
0xc8: {  	v3 =	vadd.f32 v63, v3;
	_ =	sdelay $0x1  }
0xc9: {  	[tilespmem:$0x2D80] =	vst v3  }
0xca: {  	[spmem:s15] =	stream.linear.scatter [tilespmem:s3], [sflag:$0x2], $0x10, $0x38;
	[tilespmem:$0x3220] =	vst v63  }
0xcb: {  	_ =	swait.ge [sflag:s24], $0x10  }
0xcc: {  	[sflag:s24] =	ssyncset.done $0x0  }
0xcd: {  	[sflag:s24] =	ssyncadd.s32 $0xFFFFFFF0  }
0xce: {  	_ =	swait.ge [sflag:s5], $0x80  }
0xcf: {  	[sflag:s5] =	ssyncset.done $0x0  }
0xd0: {  	[sflag:s5] =	ssyncadd.s32 $0xFFFFFF80  }
0xd1: {  	_ =	swait.ge [sflag:s5], $0x80  }
0xd2: {  	[sflag:s5] =	ssyncset.done $0x0  }
0xd3: {  	[sflag:s5] =	ssyncadd.s32 $0xFFFFFF80  }
0xd4: {  	_ =	swait.ge [sflag:s5], $0x80  }
0xd5: {  	[sflag:s5] =	ssyncset.done $0x0  }
0xd6: {  	[sflag:s5] =	ssyncadd.s32 $0xFFFFFF80  }
0xd7: {  	_ =	swait.ge [sflag:s5], $0x80  }
0xd8: {  	[sflag:s5] =	ssyncset.done $0x0  }
0xd9: {  	[sflag:s5] =	ssyncadd.s32 $0xFFFFFF80  }
0xda: {  	_ =	swait.ge [sflag:s5], $0x80  }
0xdb: {  	[sflag:s5] =	ssyncset.done $0x0  }
0xdc: {  	[sflag:s5] =	ssyncadd.s32 $0xFFFFFF80  }
0xdd: {  	_ =	swait.ge [sflag:s5], $0x80  }
0xde: {  	[sflag:s5] =	ssyncset.done $0x0  }
0xdf: {  	[sflag:s5] =	ssyncadd.s32 $0xFFFFFF80  }
0xe0: {  	_ =	swait.ge [sflag:s5], $0x80  }
.Ltmp4:
0xe1: {  	[sflag:s5] =	ssyncset.done $0x0;
	(pc) =	sbr.rel .LBB2_4-.Ltmp4, $4  }
0xe2: {  	[sflag:s5] =	ssyncadd.s32 $0xFFFFFF80  }
0xe3: {  	_ =	swait.ge [sflag:s5], $0x80  }
0xe4: {  	[sflag:s5] =	ssyncset.done $0x0  }
0xe5: {  	[sflag:s5] =	ssyncadd.s32 $0xFFFFFF80  }
.LBB2_3:
0xe6: {  	[bflag:$0x0] =	sbarrier.arrive $0xFFFF  }
.LBB2_4:
.Ltmp5:
0xe7: {  	(pc) =	sbr.rel @p1 .LBB2_6-.Ltmp5, $2  }
0xe8: {  	_ =	sdelay $0x1  }
0xe9: {  	[bflag:$0x0] =	sbarrier.arrive $0xFFFF;
	_ =	sdelay $0x1  }
0xea: {  	s0 =	simm.s32 $0x1100  }
0xeb: {  	[tilespmem:s0], [sflag:$0x2] =	stream.linear.gather [hbm4b:s8+s7], $0x3E8, $0x38;
	[tilespmem:$0x3220] =	vst v63  }
0xec: {  	_ =	swait.ge [sflag:s24], $0x3E8  }
0xed: {  	[sflag:s24] =	ssyncset.done $0x0  }
0xee: {  	[sflag:s24] =	ssyncadd.s32 $0xFFFFFC18  }
0xef: {  	s31 =	simm.s32 $0x1500;
	s4 =	rddreg [dreg:$0x2]  }
0xf0: {  	[tilespmem:s31], [sflag:$0x2] =	stream.linear.gather [hbm4b:s4+s7], $0x3E8, $0x38;
	[tilespmem:$0x3220] =	vst v63  }
0xf1: {  	_ =	swait.ge [sflag:s24], $0x3E8  }
0xf2: {  	[sflag:s24] =	ssyncset.done $0x0  }
0xf3: {  	s4 =	simm.s32 $0x2D00;
	[sflag:s24] =	ssyncadd.s32 $0xFFFFFC18  }
0xf4: {  	[tilespmem:s4], [sflag:$0x2] =	stream.linear.gather [hbm4b:s9+s7], $0x2, $0x38;
	[tilespmem:$0x3220] =	vst v63  }
0xf5: {  	_ =	swait.ge [sflag:s24], $0x2  }
0xf6: {  	[sflag:s24] =	ssyncset.done $0x0  }
0xf7: {  	[sflag:s24] =	ssyncadd.s32 $0xFFFFFFFE  }
0xf8: {  	v3 =	vld [tilespmem:$0x1500]  }
0xf9: {  	v4 =	vld [tilespmem:$0x1100]  }
0xfa: {  	v5 =	vld [tilespmem:$0x1510]  }
0xfb: {  	v6 =	vld [tilespmem:$0x1110]  }
0xfc: {  	v7 =	vld [tilespmem:$0x1520]  }
0xfd: {  	v8 =	vld [tilespmem:$0x1120]  }
0xfe: {  	v9 =	vld [tilespmem:$0x1530]  }
0xff: {  	v10 =	vld [tilespmem:$0x1130]  }
0x100: {  	v11 =	vld [tilespmem:$0x1540]  }
0x101: {  	v12 =	vld [tilespmem:$0x1140]  }
0x102: {  	v13 =	vld [tilespmem:$0x1550]  }
0x103: {  	v14 =	vld [tilespmem:$0x1150]  }
0x104: {  	v15 =	vld [tilespmem:$0x1560]  }
0x105: {  	v16 =	vld [tilespmem:$0x1160]  }
0x106: {  	v17 =	vld [tilespmem:$0x1570]  }
0x107: {  	v18 =	vld [tilespmem:$0x1170]  }
0x108: {  	v19 =	vld [tilespmem:$0x1580]  }
0x109: {  	v20 =	vld [tilespmem:$0x1180]  }
0x10a: {  	v21 =	vld [tilespmem:$0x1590]  }
0x10b: {  	v22 =	vld [tilespmem:$0x1190]  }
0x10c: {  	v23 =	vld [tilespmem:$0x15A0]  }
0x10d: {  	v24 =	vld [tilespmem:$0x11A0]  }
0x10e: {  	v25 =	vld [tilespmem:$0x15B0]  }
0x10f: {  	v26 =	vld [tilespmem:$0x11B0]  }
0x110: {  	v27 =	vld [tilespmem:$0x15C0]  }
0x111: {  	v28 =	vld [tilespmem:$0x11C0]  }
0x112: {  	v29 =	vld [tilespmem:$0x15D0]  }
0x113: {  	v30 =	vld [tilespmem:$0x11D0]  }
0x114: {  	v31 =	vld [tilespmem:$0x15E0]  }
0x115: {  	v32 =	vld [tilespmem:$0x11E0]  }
0x116: {  	v33 =	vld [tilespmem:$0x15F0]  }
0x117: {  	v34 =	vld [tilespmem:$0x11F0]  }
0x118: {  	v35 =	vld [tilespmem:$0x1600]  }
0x119: {  	v36 =	vld [tilespmem:$0x1200]  }
0x11a: {  	v37 =	vld [tilespmem:$0x1610]  }
0x11b: {  	v38 =	vld [tilespmem:$0x1210]  }
0x11c: {  	v39 =	vld [tilespmem:$0x1620]  }
0x11d: {  	v40 =	vld [tilespmem:$0x1220]  }
0x11e: {  	v41 =	vld [tilespmem:$0x1630]  }
0x11f: {  	v42 =	vld [tilespmem:$0x1230]  }
0x120: {  	v43 =	vld [tilespmem:$0x1640]  }
0x121: {  	v44 =	vld [tilespmem:$0x1240]  }
0x122: {  	v45 =	vld [tilespmem:$0x1650]  }
0x123: {  	v46 =	vld [tilespmem:$0x1250]  }
0x124: {  	v47 =	vld [tilespmem:$0x1660]  }
0x125: {  	v48 =	vld [tilespmem:$0x1260]  }
0x126: {  	v3 =	vmul.f32 $9.990000120e-01, v3;
	v63 =	vmul.f32 $6.103515910e-08, v12;
	v12 =	vld [tilespmem:$0x1670]  }
0x127: {  	v4 =	vmul.f32 $6.103515910e-08, v4;
	v50 =	vmul.f32 $6.103515910e-08, v14;
	v14 =	vld [tilespmem:$0x1270]  }
0x128: {  	v5 =	vmul.f32 $9.990000120e-01, v5;
	v51 =	vmul.f32 $9.990000120e-01, v15;
	v15 =	vld [tilespmem:$0x1680]  }
0x129: {  	v6 =	vmul.f32 $6.103515910e-08, v6;
	v49 =	vmul.f32 $9.990000120e-01, v13;
	v13 =	vld [tilespmem:$0x1280]  }
0x12a: {  	v58 =	vmul.f32 $6.103515910e-08, v8;
	v62 =	vmul.f32 $9.990000120e-01, v11;
	v11 =	vld [tilespmem:$0x1690]  }
0x12b: {  	v60 =	vmul.f32 $9.990000120e-01, v9;
	v56 =	vmul.f32 $6.103515910e-08, v18;
	v18 =	vld [tilespmem:$0x1290]  }
0x12c: {  	v61 =	vmul.f32 $6.103515910e-08, v10;
	v57 =	vmul.f32 $9.990000120e-01, v21;
	v21 =	vld [tilespmem:$0x12B0]  }
0x12d: {  	v19 =	vmul.f32 $9.990000120e-01, v19;
	v20 =	vmul.f32 $6.103515910e-08, v20;
	v8 =	vadd.f32 v50, v49;
	v49 =	vld [tilespmem:$0x16A0]  }
0x12e: {  	v52 =	vmul.f32 $6.103515910e-08, v16;
	v9 =	vadd.f32 v61, v60;
	v60 =	vmul.f32 $6.103515910e-08, v24;
	v24 =	vld [tilespmem:$0x16B0]  }
0x12f: {  	v55 =	vmul.f32 $9.990000120e-01, v17;
	v4 =	vadd.f32 v4, v3;
	v19 =	vadd.f32 v20, v19;
	v20 =	vld [tilespmem:$0x16C0]  }
0x130: {  	v3 =	vmul.f32 $9.990000120e-01, v7;
	v7 =	vadd.f32 v63, v62;
	v63 =	vmul.f32 $6.103515910e-08, v30;
	v30 =	vld [tilespmem:$0x12D0]  }
0x131: {  	v25 =	vmul.f32 $9.990000120e-01, v25;
	v62 =	vmul.f32 $9.990000120e-01, v29;
	v29 =	vld [tilespmem:$0x12E0]  }
0x132: {  	v26 =	vmul.f32 $6.103515910e-08, v26;
	v16 =	vadd.f32 v56, v55;
	v55 =	vmul.f32 $6.103515910e-08, v38;
	v38 =	vld [tilespmem:$0x1300]  }
0x133: {  	v27 =	vmul.f32 $9.990000120e-01, v27;
	v5 =	vadd.f32 v6, v5;
	v56 =	vmul.f32 $9.990000120e-01, v39;
	v39 =	vld [tilespmem:$0x1720]  }
0x134: {  	v25 =	vadd.f32 v26, v25;
	v3 =	vadd.f32 v58, v3;
	v58 =	vmul.f32 $6.103515910e-08, v22;
	v22 =	vld [tilespmem:$0x12A0]  }
0x135: {  	v26 =	vadd.f32 v63, v62;
	v12 =	vmul.f32 $9.990000120e-01, v12;
	v62 =	vmul.f32 $6.103515910e-08, v18;
	v18 =	vld [tilespmem:$0x1360]  }
0x136: {  	v14 =	vmul.f32 $6.103515910e-08, v14;
	v17 =	vadd.f32 v58, v57;
	v57 =	vmul.f32 $6.103515910e-08, v40;
	v40 =	vld [tilespmem:$0x1710]  }
0x137: {  	v59 =	vmax.f32 v4, $0.0e+00;
	v15 =	vmul.f32 $9.990000120e-01, v15;
	v58 =	vmul.f32 $9.990000120e-01, v45;
	v45 =	vld [tilespmem:$0x1340]  }
0x138: {  	v6 =	vmax.f32 v59, v5;
	v13 =	vmul.f32 $6.103515910e-08, v13;
	v63 =	vmul.f32 $9.990000120e-01, v49;
	v49 =	vld [tilespmem:$0x1770]  }
0x139: {  	v28 =	vmul.f32 $6.103515910e-08, v28;
	v6 =	vmax.f32 v6, v3;
	v12 =	vadd.f32 v14, v12;
	v14 =	vld [tilespmem:$0x1370]  }
0x13a: {  	v35 =	vmul.f32 $9.990000120e-01, v35;
	v6 =	vmax.f32 v6, v9;
	v13 =	vadd.f32 v13, v15;
	v15 =	vld [tilespmem:$0x1780]  }
0x13b: {  	v36 =	vmul.f32 $6.103515910e-08, v36;
	v53 =	vmax.f32 v6, v7;
	v6 =	vadd.f32 v52, v51;
	v51 =	vld [tilespmem:$0x16D0]  }
0x13c: {  	v33 =	vmul.f32 $9.990000120e-01, v33;
	v52 =	vmul.f32 $9.990000120e-01, v31;
	v31 =	vld [tilespmem:$0x16F0]  }
0x13d: {  	v34 =	vmul.f32 $6.103515910e-08, v34;
	v35 =	vadd.f32 v36, v35;
	v36 =	vadd.f32 v57, v56;
	v56 =	vld [tilespmem:$0x1350]  }
0x13e: {  	v41 =	vmul.f32 $9.990000120e-01, v41;
	v42 =	vmul.f32 $6.103515910e-08, v42;
	v57 =	vld [tilespmem:$0x1760]  }
0x13f: {  	v43 =	vmul.f32 $9.990000120e-01, v43;
	v44 =	vmul.f32 $6.103515910e-08, v44;
	[tilespmem:$0x1940] =	vst v7;
	v7 =	vld [tilespmem:$0x13A0]  }
0x140: {  	v27 =	vadd.f32 v28, v27;
	v54 =	vmax.f32 v53, v8;
	v53 =	vmul.f32 $6.103515910e-08, v32;
	v32 =	vld [tilespmem:$0x16E0]  }
0x141: {  	v33 =	vadd.f32 v34, v33;
	v10 =	vmax.f32 v54, v6;
	v54 =	vmul.f32 $9.990000120e-01, v37;
	v37 =	vld [tilespmem:$0x1310]  }
0x142: {  	v59 =	vmul.f32 $9.990000120e-01, v23;
	v22 =	vmul.f32 $6.103515910e-08, v22;
	v28 =	vadd.f32 v53, v52;
	v52 =	vld [tilespmem:$0x12F0]  }
0x143: {  	v41 =	vadd.f32 v42, v41;
	v11 =	vmul.f32 $9.990000120e-01, v11;
	v21 =	vmul.f32 $6.103515910e-08, v21;
	v53 =	vld [tilespmem:$0x1700]  }
0x144: {  	[tilespmem:$0x1910] =	vst v5;
	v18 =	vmul.f32 $6.103515910e-08, v18;
	v10 =	vmax.f32 v10, v16;
	v5 =	vadd.f32 v22, v63;
	v22 =	vld [tilespmem:$0x1380]  }
0x145: {  	[tilespmem:$0x1970] =	vst v16;
	v63 =	vmul.f32 $6.103515910e-08, v30;
	v16 =	vld [tilespmem:$0x17B0];
	v50 =	vmax.f32 v10, v19;
	v10 =	vadd.f32 v60, v59  }
0x146: {  	v34 =	vadd.f32 v55, v54;
	v54 =	vld [tilespmem:$0x1320];
	v59 =	vmul.f32 $6.103515910e-08, v46;
	v60 =	vmul.f32 $9.990000120e-01, v47  }
0x147: {  	v43 =	vadd.f32 v44, v43;
	v55 =	vld [tilespmem:$0x1730];
	v14 =	vmul.f32 $6.103515910e-08, v14;
	v15 =	vmul.f32 $9.990000120e-01, v15  }
0x148: {  	v11 =	vadd.f32 v62, v11;
	v46 =	vld [tilespmem:$0x1330];
	v62 =	vmul.f32 $9.990000120e-01, v51;
	v51 =	vmul.f32 $9.990000120e-01, v31  }
0x149: {  	v61 =	vmax.f32 v50, v17;
	v50 =	vld [tilespmem:$0x12C0];
	v56 =	vmul.f32 $6.103515910e-08, v56;
	v7 =	vmul.f32 $6.103515910e-08, v7  }
0x14a: {  	[tilespmem:$0x1900] =	vst v4;
	v47 =	vld [tilespmem:$0x1750];
	v23 =	vmax.f32 v61, v10;
	v61 =	vmul.f32 $6.103515910e-08, v48;
	v42 =	vadd.f32 v59, v58  }
0x14b: {  	[tilespmem:$0x1930] =	vst v9;
	v59 =	vmul.f32 $9.990000120e-01, v24;
	v24 =	vld [tilespmem:$0x1390];
	v32 =	vmul.f32 $9.990000120e-01, v32;
	v23 =	vmax.f32 v23, v25  }
0x14c: {  	[tilespmem:$0x1960] =	vst v6;
	v31 =	vld [tilespmem:$0x17C0];
	v6 =	vadd.f32 v63, v62;
	v62 =	vmul.f32 $6.103515910e-08, v37;
	v23 =	vmax.f32 v23, v27  }
0x14d: {  	[tilespmem:$0x1950] =	vst v8;
	v48 =	vld [tilespmem:$0x1740];
	v63 =	vmul.f32 $9.990000120e-01, v39;
	v44 =	vadd.f32 v61, v60;
	v23 =	vmax.f32 v23, v26  }
0x14e: {  	[tilespmem:$0x1980] =	vst v19;
	v37 =	vld [tilespmem:$0x17D0];
	v60 =	vmul.f32 $9.990000120e-01, v20;
	v23 =	vmax.f32 v23, v28;
	v61 =	vmul.f32 $6.103515910e-08, v50  }
0x14f: {  	[tilespmem:$0x19B0] =	vst v25;
	v39 =	vld [tilespmem:$0x17F0];
	v22 =	vmul.f32 $6.103515910e-08, v22;
	v50 =	vmul.f32 $6.103515910e-08, v29;
	v23 =	vmax.f32 v23, v33  }
0x150: {  	[tilespmem:$0x19C0] =	vst v27;
	v20 =	vld [tilespmem:$0x13D0];
	v24 =	vmul.f32 $6.103515910e-08, v24;
	v23 =	vmax.f32 v23, v35;
	v8 =	vadd.f32 v61, v60  }
0x151: {  	[tilespmem:$0x19F0] =	vst v33;
	v29 =	vld [tilespmem:$0x17A0];
	v9 =	vadd.f32 v50, v32;
	v60 =	vmul.f32 $6.103515910e-08, v38;
	v61 =	vmul.f32 $9.990000120e-01, v40  }
0x152: {  	[tilespmem:$0x19D0] =	vst v26;
	v26 =	vld [tilespmem:$0x17E0];
	v40 =	vmul.f32 $6.103515910e-08, v54;
	v50 =	vmul.f32 $9.990000120e-01, v55;
	v23 =	vmax.f32 v23, v34  }
0x153: {  	[tilespmem:$0x1A00] =	vst v35;
	v32 =	vld [tilespmem:$0x13C0];
	v54 =	vmul.f32 $6.103515910e-08, v45;
	v55 =	vmul.f32 $9.990000120e-01, v47;
	v23 =	vmax.f32 v23, v36  }
0x154: {  	[tilespmem:$0x1A10] =	vst v34;
	v34 =	vld [tilespmem:$0x1810];
	v19 =	vadd.f32 v62, v61;
	v25 =	vadd.f32 v40, v63;
	v23 =	vmax.f32 v23, v41  }
0x155: {  	[tilespmem:$0x19E0] =	vst v28;
	v28 =	vadd.f32 v56, v55;
	v62 =	vmul.f32 $9.990000120e-01, v49;
	v63 =	vld [tilespmem:$0x1410];
	v23 =	vmax.f32 v23, v43  }
0x156: {  	[tilespmem:$0x1A20] =	vst v36;
	v36 =	vld [tilespmem:$0x1420];
	v49 =	vmul.f32 $6.103515910e-08, v20;
	v29 =	vmul.f32 $9.990000120e-01, v29;
	v23 =	vmax.f32 v23, v42  }
0x157: {  	[tilespmem:$0x1A40] =	vst v43;
	v35 =	vld [tilespmem:$0x14E0];
	v56 =	vmul.f32 $9.990000120e-01, v39;
	v14 =	vadd.f32 v14, v62;
	v23 =	vmax.f32 v23, v44  }
0x158: {  	[tilespmem:$0x1920] =	vst v3;
	v61 =	vld [tilespmem:$0x1400];
	v7 =	vadd.f32 v7, v29;
	v47 =	vmul.f32 $6.103515910e-08, v32;
	v58 =	vmax.f32 v23, v12  }
0x159: {  	[tilespmem:$0x1A60] =	vst v44;
	v43 =	vld [tilespmem:$0x1830];
	v44 =	vmul.f32 $9.990000120e-01, v16;
	v62 =	vmul.f32 $9.990000120e-01, v34;
	v4 =	vmax.f32 v58, v13  }
0x15a: {  	[tilespmem:$0x1A70] =	vst v12;
	v55 =	vld [tilespmem:$0x1870];
	v12 =	vadd.f32 v22, v15;
	v3 =	vmax.f32 v4, v11;
	v4 =	vadd.f32 v21, v59  }
0x15b: {  	[tilespmem:$0x1A50] =	vst v42;
	v42 =	vld [tilespmem:$0x1820];
	v63 =	vmul.f32 $6.103515910e-08, v63;
	v39 =	vmul.f32 $6.103515910e-08, v36;
	v3 =	vmax.f32 v3, v5  }
0x15c: {  	[tilespmem:$0x1A30] =	vst v41;
	v40 =	vld [tilespmem:$0x1890];
	v58 =	vmul.f32 $6.103515910e-08, v52;
	v59 =	vmul.f32 $9.990000120e-01, v53;
	v3 =	vmax.f32 v3, v4  }
0x15d: {  	[tilespmem:$0x1990] =	vst v17;
	v23 =	vld [tilespmem:$0x1790];
	v53 =	vmul.f32 $9.990000120e-01, v48;
	v48 =	vmul.f32 $9.990000120e-01, v37;
	v3 =	vmax.f32 v3, v8  }
0x15e: {  	[tilespmem:$0x19A0] =	vst v10;
	v41 =	vld [tilespmem:$0x1490];
	v43 =	vmul.f32 $9.990000120e-01, v43;
	v10 =	vadd.f32 v58, v51;
	v3 =	vmax.f32 v3, v6  }
0x15f: {  	[tilespmem:$0x1A80] =	vst v13;
	v16 =	vld [tilespmem:$0x1440];
	v51 =	vmul.f32 $6.103515910e-08, v46;
	v17 =	vadd.f32 v60, v59;
	v3 =	vmax.f32 v3, v9  }
0x160: {  	[tilespmem:$0x1A90] =	vst v11;
	v52 =	vld [tilespmem:$0x13E0];
	v46 =	vmul.f32 $9.990000120e-01, v31;
	v38 =	vmul.f32 $9.990000120e-01, v42;
	v3 =	vmax.f32 v3, v10  }
0x161: {  	[tilespmem:$0x1AA0] =	vst v5;
	v21 =	vld [tilespmem:$0x13B0];
	v33 =	vadd.f32 v54, v53;
	v59 =	vmul.f32 $9.990000120e-01, v57;
	v3 =	vmax.f32 v3, v17  }
0x162: {  	[tilespmem:$0x1AD0] =	vst v6;
	v11 =	vld [tilespmem:$0x1840];
	v27 =	vadd.f32 v51, v50;
	v23 =	vmul.f32 $9.990000120e-01, v23;
	v3 =	vmax.f32 v3, v19  }
0x163: {  	v58 =	vld [tilespmem:$0x13F0];
	[tilespmem:$0x1AB0] =	vst v4;
	v4 =	vadd.f32 v47, v46;
	v51 =	vmul.f32 $9.990000120e-01, v26;
	v3 =	vmax.f32 v3, v25  }
0x164: {  	[tilespmem:$0x1AC0] =	vst v8;
	v42 =	vld [tilespmem:$0x18A0];
	v8 =	vadd.f32 v49, v48;
	v46 =	vmul.f32 $6.103515910e-08, v16;
	v3 =	vmax.f32 v3, v27  }
0x165: {  	[tilespmem:$0x1AE0] =	vst v9;
	v60 =	vld [tilespmem:$0x1800];
	v16 =	vmul.f32 $6.103515910e-08, v35;
	v18 =	vadd.f32 v18, v59;
	v3 =	vmax.f32 v3, v33  }
0x166: {  	[tilespmem:$0x1B10] =	vst v19;
	v53 =	vld [tilespmem:$0x1860];
	v52 =	vmul.f32 $6.103515910e-08, v52;
	v13 =	vadd.f32 v24, v23;
	v3 =	vmax.f32 v3, v28  }
0x167: {  	[tilespmem:$0x1B20] =	vst v25;
	v54 =	vld [tilespmem:$0x1460];
	v45 =	vmul.f32 $6.103515910e-08, v21;
	v11 =	vmul.f32 $9.990000120e-01, v11;
	v3 =	vmax.f32 v3, v18  }
0x168: {  	[tilespmem:$0x1B50] =	vst v28;
	v37 =	vld [tilespmem:$0x1480];
	v6 =	vadd.f32 v52, v51;
	v57 =	vmul.f32 $6.103515910e-08, v58;
	v3 =	vmax.f32 v3, v14  }
0x169: {  	[tilespmem:$0x1B70] =	vst v14;
	v50 =	vld [tilespmem:$0x1450];
	v29 =	vmul.f32 $9.990000120e-01, v42;
	v5 =	vadd.f32 v45, v44;
	v3 =	vmax.f32 v3, v12  }
0x16a: {  	[tilespmem:$0x1BA0] =	vst v7;
	v47 =	vld [tilespmem:$0x18B0];
	v59 =	vmul.f32 $9.990000120e-01, v60;
	v60 =	vmul.f32 $6.103515910e-08, v61;
	v3 =	vmax.f32 v3, v13  }
0x16b: {  	[tilespmem:$0x1B00] =	vst v17;
	v23 =	vld [tilespmem:$0x1430];
	v17 =	vadd.f32 v63, v62;
	v11 =	vadd.f32 v46, v11;
	v3 =	vmax.f32 v3, v7  }
0x16c: {  	[tilespmem:$0x1B80] =	vst v12;
	v24 =	vld [tilespmem:$0x1850];
	v51 =	vmul.f32 $9.990000120e-01, v53;
	v9 =	vmul.f32 $6.103515910e-08, v54;
	v3 =	vmax.f32 v3, v5  }
0x16d: {  	[tilespmem:$0x1AF0] =	vst v10;
	v58 =	vld [tilespmem:$0x1470];
	v53 =	vmul.f32 $9.990000120e-01, v55;
	v15 =	vadd.f32 v57, v56;
	v3 =	vmax.f32 v3, v4  }
0x16e: {  	[tilespmem:$0x1B40] =	vst v33;
	v52 =	vld [tilespmem:$0x18C0];
	v20 =	vmul.f32 $6.103515910e-08, v50;
	v57 =	vmul.f32 $6.103515910e-08, v37;
	v3 =	vmax.f32 v3, v8  }
0x16f: {  	[tilespmem:$0x1B30] =	vst v27;
	v61 =	vld [tilespmem:$0x1880];
	v19 =	vadd.f32 v60, v59;
	v60 =	vmul.f32 $9.990000120e-01, v40;
	v3 =	vmax.f32 v3, v6  }
0x170: {  	[tilespmem:$0x1BC0] =	vst v4;
	v45 =	vld [tilespmem:$0x14A0];
	v63 =	vadd.f32 v9, v51;
	v44 =	vmul.f32 $6.103515910e-08, v23;
	v3 =	vmax.f32 v3, v15  }
0x171: {  	[tilespmem:$0x1BD0] =	vst v8;
	v55 =	vld [tilespmem:$0x14C0];
	v27 =	vadd.f32 v39, v38;
	v49 =	vmul.f32 $9.990000120e-01, v24;
	v3 =	vmax.f32 v3, v19  }
0x172: {  	[tilespmem:$0x1B60] =	vst v18;
	v62 =	vld [tilespmem:$0x14D0];
	v54 =	vmul.f32 $6.103515910e-08, v58;
	v48 =	vadd.f32 v44, v43;
	v3 =	vmax.f32 v3, v17  }
0x173: {  	[tilespmem:$0x1B90] =	vst v13;
	v50 =	vld [tilespmem:$0x14B0];
	v33 =	vmul.f32 $9.990000120e-01, v47;
	v37 =	vmul.f32 $9.990000120e-01, v52;
	v3 =	vmax.f32 v3, v27  }
0x174: {  	v31 =	vld [tilespmem:$0x18E0];
	[tilespmem:$0x1BE0] =	vst v6;
	v56 =	vmul.f32 $9.990000120e-01, v61;
	v59 =	vadd.f32 v20, v49;
	v3 =	vmax.f32 v3, v48  }
0x175: {  	[tilespmem:$0x1BB0] =	vst v5;
	v58 =	vld [tilespmem:$0x18D0];
	v61 =	vmul.f32 $6.103515910e-08, v41;
	v30 =	vmul.f32 $6.103515910e-08, v45;
	v3 =	vmax.f32 v3, v11  }
0x176: {  	[tilespmem:$0x1C10] =	vst v17;
	v38 =	vmul.f32 $6.103515910e-08, v55;
	v32 =	vadd.f32 v54, v53;
	v3 =	vmax.f32 v3, v59  }
0x177: {  	[tilespmem:$0x1C40] =	vst v11;
	v40 =	vmul.f32 $6.103515910e-08, v62;
	v5 =	vadd.f32 v57, v56;
	v3 =	vmax.f32 v3, v63  }
0x178: {  	[tilespmem:$0x1BF0] =	vst v15;
	v34 =	vmul.f32 $6.103515910e-08, v50;
	v36 =	vadd.f32 v61, v60;
	v3 =	vmax.f32 v3, v32  }
0x179: {  	[tilespmem:$0x1C00] =	vst v19;
	v41 =	vmul.f32 $9.990000120e-01, v31;
	v9 =	vadd.f32 v30, v29;
	v3 =	vmax.f32 v3, v5  }
0x17a: {  	[tilespmem:$0x1C60] =	vst v63;
	v39 =	vmul.f32 $9.990000120e-01, v58;
	v7 =	vadd.f32 v34, v33;
	v3 =	vmax.f32 v3, v36  }
0x17b: {  	[tilespmem:$0x1C20] =	vst v27;
	v10 =	vadd.f32 v38, v37;
	v3 =	vmax.f32 v3, v9  }
0x17c: {  	[tilespmem:$0x1C30] =	vst v48;
	v43 =	vadd.f32 v16, v41;
	v42 =	vadd.f32 v40, v39;
	v3 =	vmax.f32 v3, v7  }
0x17d: {  	[tilespmem:$0x1C50] =	vst v59;
	v3 =	vmax.f32 v3, v10  }
0x17e: {  	[tilespmem:$0x1C70] =	vst v32;
	v44 =	vnsel vm0, $0x0, v43;
	v3 =	vmax.f32 v3, v42  }
0x17f: {  	[tilespmem:$0x1C90] =	vst v36;
	v3 =	vmax.f32 v3, v44  }
0x180: {  	[tilespmem:$0x1CA0] =	vst v9;
	(xrf0) =	vmax.scan.msk.f32 $0xffff, v3  }
0x181: {  	[tilespmem:$0x1CC0] =	vst v10  }
0x182: {  	[tilespmem:$0x1CE0] =	vst v44  }
0x183: {  	[tilespmem:$0x1CB0] =	vst v7  }
0x184: {  	[tilespmem:$0x1C80] =	vst v5  }
0x185: {  	s31 =	simm.s32 $0x2F80;
	[tilespmem:$0x1CD0] =	vst v42  }
0x186: {  	[tilespmem:s31], [sflag:$0x2] =	stream.linear.gather [spmem:s16], $0x100, $0x38;
	v3, _, _ =	vpop (xrf0);
	[tilespmem:$0x3220] =	vst v63  }
0x187: {  	_ =	swait.ge [sflag:s24], $0x100  }
0x188: {  	[sflag:s24] =	ssyncset.done $0x0  }
0x189: {  	[sflag:s24] =	ssyncadd.s32 $0xFFFFFF00  }
0x18a: {  	v45 =	vld [tilespmem:$0x2F80]  }
0x18b: {  	v46 =	vld [tilespmem:$0x2F90];
	_ =	sdelay $0x1  }
0x18c: {  	v47 =	vld [tilespmem:$0x2FA0];
	_ =	sdelay $0x1  }
0x18d: {  	v48 =	vld [tilespmem:$0x2FB0]  }
0x18e: {  	v4 =	vadd.f32 v46, v45  }
0x18f: {  	v49 =	vld [tilespmem:$0x2FC0]  }
0x190: {  	v4 =	vadd.f32 v47, v4  }
0x191: {  	v50 =	vld [tilespmem:$0x2FD0]  }
0x192: {  	v4 =	vadd.f32 v48, v4  }
0x193: {  	v51 =	vld [tilespmem:$0x2FE0]  }
0x194: {  	v4 =	vadd.f32 v49, v4  }
0x195: {  	v52 =	vld [tilespmem:$0x2FF0]  }
0x196: {  	v4 =	vadd.f32 v50, v4  }
0x197: {  	v53 =	vld [tilespmem:$0x3000]  }
0x198: {  	v4 =	vadd.f32 v51, v4  }
0x199: {  	v54 =	vld [tilespmem:$0x3010]  }
0x19a: {  	v4 =	vadd.f32 v52, v4  }
0x19b: {  	v55 =	vld [tilespmem:$0x3020]  }
0x19c: {  	v4 =	vadd.f32 v53, v4  }
0x19d: {  	v56 =	vld [tilespmem:$0x3030]  }
0x19e: {  	v4 =	vadd.f32 v54, v4  }
0x19f: {  	v57 =	vld [tilespmem:$0x3040]  }
0x1a0: {  	v4 =	vadd.f32 v55, v4  }
0x1a1: {  	v58 =	vld [tilespmem:$0x3050]  }
0x1a2: {  	v4 =	vadd.f32 v56, v4  }
0x1a3: {  	v59 =	vld [tilespmem:$0x3060]  }
0x1a4: {  	v4 =	vadd.f32 v57, v4  }
0x1a5: {  	v60 =	vld [tilespmem:$0x3070]  }
0x1a6: {  	v4 =	vadd.f32 v58, v4;
	_ =	sdelay $0x1  }
0x1a7: {  	v4 =	vadd.f32 v59, v4;
	_ =	sdelay $0x1  }
0x1a8: {  	v4 =	vadd.f32 v60, v4;
	_ =	sdelay $0x1  }
0x1a9: {  	(xrf2) =	vadd.scan.msk.f32 $0xffff, v4;
	_ =	sdelay $0x6  }
0x1aa: {  	v61 =	vld [tilespmem:$0x2D00];
	_ =	sdelay $0x2  }
0x1ab: {  	v62, _, _ =	vpop (xrf2)  }
0x1ac: {  	(v2sf) =	vpush v62, $0xF  }
0x1ad: {  	(v2sf) =	vpush v61, $0x0;
	_ =	sdelay $0x4  }
0x1ae: {  	(v2sf) =	vpush v61, $0x1;
	_ =	sdelay $0x5  }
0x1af: {  	v3 =	vbroadcast v3, $0xF;
	_ =	sdelay $0x1  }
0x1b0: {  	(erf) = vrcp.f32 v3  }
0x1b1: {  	s0 =	spop (v2sf)  }
0x1b2: {  	s4 =	spop (v2sf);
	s31 =	smul.f32 $6.103515630e-05, s0  }
0x1b3: {  	s0 =	smul.f32 $9.990000120e-01, s4  }
0x1b4: {  	s31 =	smul.f32 $1.000000050e-03, s31;
	_ =	sdelay $0x1  }
0x1b5: {  	s0 =	sadd.f32 s31, s0  }
0x1b6: {  	s4 =	spop (v2sf)  }
0x1b7: {  	s31 =	smul.f32 s0, s4  }
0x1b8: {  	v3 =	vpop (erf)  }
0x1b9: {  	v63 =	vmov s0;
	v3 =	vmul.f32 s31, v3  }
0x1ba: {  	v4 =	vnsel vm1, $0x0, v63  }
0x1bb: {  	v3 =	vsel vm2, v3, v4  }
0x1bc: {  	s4 =	simm.s32 $0x2E00;
	[tilespmem:$0x2E00] =	vst v3  }
0x1bd: {  	[spmem:s17] =	stream.linear.scatter [tilespmem:s4], [sflag:$0x2], $0x10, $0x38;
	[tilespmem:$0x3220] =	vst v63  }
0x1be: {  	_ =	swait.ge [sflag:s24], $0x10  }
0x1bf: {  	[sflag:s24] =	ssyncset.done $0x0  }
0x1c0: {  	[sflag:s24] =	ssyncadd.s32 $0xFFFFFFF0  }
0x1c1: {  	[spmem:s18] =	stream.linear.scatter [tilespmem:s23], [sflag:$0x2], $0x3E8, $0x38;
	[tilespmem:$0x3220] =	vst v63  }
0x1c2: {  	_ =	swait.ge [sflag:s24], $0x3E8  }
0x1c3: {  	[sflag:s24] =	ssyncset.done $0x0  }
0x1c4: {  	[sflag:s24] =	ssyncadd.s32 $0xFFFFFC18  }
0x1c5: {  	s31 =	rddreg [dreg:$0x5]  }
0x1c6: {  	[hbm4b:s31+s7] =	stream.linear.scatter [tilespmem:s23], [sflag:$0x2], $0x3E8, $0x38;
	[tilespmem:$0x3220] =	vst v63  }
0x1c7: {  	_ =	swait.ge [sflag:s24], $0x3E8  }
0x1c8: {  	[sflag:s24] =	ssyncset.done $0x0  }
0x1c9: {  	[sflag:s24] =	ssyncadd.s32 $0xFFFFFC18  }
.LBB2_6:
.Ltmp6:
0x1ca: {  	(pc) =	sbr.rel @p0 .LBB2_8-.Ltmp6, $2  }
0x1cb: {  	_ =	sdelay $0x1  }
0x1cc: {  	[bflag:$0x0] =	sbarrier.arrive $0xFFFF;
	_ =	sdelay $0x1  }
0x1cd: {  	[tilespmem:s28], [sflag:$0x2] =	stream.linear.gather [spmem:s18], $0x400, $0x38;
	[tilespmem:$0x3220] =	vst v63  }
0x1ce: {  	_ =	swait.ge [sflag:s24], $0x400  }
0x1cf: {  	[sflag:s24] =	ssyncset.done $0x0  }
0x1d0: {  	[sflag:s24] =	ssyncadd.s32 $0xFFFFFC00  }
0x1d1: {  	v4 =	vld [tilespmem:$0x0];
	_ =	sdelay $0x6  }
0x1d2: {  	v3 =	vld.msk [tilespmem:$0x20F0 ss:$0x0], $0xffff  }
0x1d3: {  	v4 =	vld.idx.msk [tilespmem:v4+s28+$0x0], $0xffff  }
0x1d4: {  	v5 =	vld [tilespmem:$0x400]  }
0x1d5: {  	v6 =	vld [tilespmem:$0x10];
	_ =	sdelay $0x2  }
0x1d6: {  	v4 =	vmul.f32 v4, v3;
	_ =	sdelay $0x1  }
0x1d7: {  	vm4 =	vge.f32 v5, v4  }
0x1d8: {  	v4 =	vsel vm4, $0x3F800000, v2  }
0x1d9: {  	[tilespmem:$0xC00] =	vst v4  }
0x1da: {  	v19 =	vld.idx.msk [tilespmem:v6+s28+$0x0], $0xffff  }
0x1db: {  	v20 =	vld [tilespmem:$0x410]  }
0x1dc: {  	v7 =	vld [tilespmem:$0x20];
	_ =	sdelay $0x2  }
0x1dd: {  	v5 =	vmul.f32 v19, v3;
	_ =	sdelay $0x1  }
0x1de: {  	vm4 =	vge.f32 v20, v5  }
0x1df: {  	v5 =	vsel vm4, $0x3F800000, v2  }
0x1e0: {  	[tilespmem:$0xC10] =	vst v5  }
0x1e1: {  	v21 =	vld.idx.msk [tilespmem:v7+s28+$0x0], $0xffff  }
0x1e2: {  	v22 =	vld [tilespmem:$0x420]  }
0x1e3: {  	v8 =	vld [tilespmem:$0x30];
	_ =	sdelay $0x2  }
0x1e4: {  	v6 =	vmul.f32 v21, v3;
	_ =	sdelay $0x1  }
0x1e5: {  	vm4 =	vge.f32 v22, v6  }
0x1e6: {  	v6 =	vsel vm4, $0x3F800000, v2  }
0x1e7: {  	[tilespmem:$0xC20] =	vst v6  }
0x1e8: {  	v23 =	vld.idx.msk [tilespmem:v8+s28+$0x0], $0xffff  }
0x1e9: {  	v24 =	vld [tilespmem:$0x430]  }
0x1ea: {  	v9 =	vld [tilespmem:$0x40];
	_ =	sdelay $0x2  }
0x1eb: {  	v7 =	vmul.f32 v23, v3;
	_ =	sdelay $0x1  }
0x1ec: {  	vm4 =	vge.f32 v24, v7  }
0x1ed: {  	v7 =	vsel vm4, $0x3F800000, v2  }
0x1ee: {  	[tilespmem:$0xC30] =	vst v7  }
0x1ef: {  	v25 =	vld.idx.msk [tilespmem:v9+s28+$0x0], $0xffff  }
0x1f0: {  	v26 =	vld [tilespmem:$0x440]  }
0x1f1: {  	v10 =	vld [tilespmem:$0x50];
	_ =	sdelay $0x2  }
0x1f2: {  	v8 =	vmul.f32 v25, v3;
	_ =	sdelay $0x1  }
0x1f3: {  	vm4 =	vge.f32 v26, v8  }
0x1f4: {  	v8 =	vsel vm4, $0x3F800000, v2  }
0x1f5: {  	[tilespmem:$0xC40] =	vst v8  }
0x1f6: {  	v27 =	vld.idx.msk [tilespmem:v10+s28+$0x0], $0xffff  }
0x1f7: {  	v28 =	vld [tilespmem:$0x450]  }
0x1f8: {  	v11 =	vld [tilespmem:$0x60];
	_ =	sdelay $0x2  }
0x1f9: {  	v9 =	vmul.f32 v27, v3;
	_ =	sdelay $0x1  }
0x1fa: {  	vm4 =	vge.f32 v28, v9  }
0x1fb: {  	v9 =	vsel vm4, $0x3F800000, v2  }
0x1fc: {  	[tilespmem:$0xC50] =	vst v9  }
0x1fd: {  	v29 =	vld.idx.msk [tilespmem:v11+s28+$0x0], $0xffff  }
0x1fe: {  	v30 =	vld [tilespmem:$0x460]  }
0x1ff: {  	v12 =	vld [tilespmem:$0x70];
	_ =	sdelay $0x2  }
0x200: {  	v10 =	vmul.f32 v29, v3;
	_ =	sdelay $0x1  }
0x201: {  	vm4 =	vge.f32 v30, v10  }
0x202: {  	v10 =	vsel vm4, $0x3F800000, v2  }
0x203: {  	[tilespmem:$0xC60] =	vst v10  }
0x204: {  	v31 =	vld.idx.msk [tilespmem:v12+s28+$0x0], $0xffff  }
0x205: {  	v32 =	vld [tilespmem:$0x470]  }
0x206: {  	v13 =	vld [tilespmem:$0x80];
	_ =	sdelay $0x2  }
0x207: {  	v11 =	vmul.f32 v31, v3;
	_ =	sdelay $0x1  }
0x208: {  	vm4 =	vge.f32 v32, v11  }
0x209: {  	v11 =	vsel vm4, $0x3F800000, v2  }
0x20a: {  	[tilespmem:$0xC70] =	vst v11  }
0x20b: {  	v33 =	vld.idx.msk [tilespmem:v13+s28+$0x0], $0xffff  }
0x20c: {  	v34 =	vld [tilespmem:$0x480]  }
0x20d: {  	v14 =	vld [tilespmem:$0x90];
	_ =	sdelay $0x2  }
0x20e: {  	v12 =	vmul.f32 v33, v3;
	_ =	sdelay $0x1  }
0x20f: {  	vm4 =	vge.f32 v34, v12  }
0x210: {  	v12 =	vsel vm4, $0x3F800000, v2  }
0x211: {  	[tilespmem:$0xC80] =	vst v12  }
0x212: {  	v35 =	vld.idx.msk [tilespmem:v14+s28+$0x0], $0xffff  }
0x213: {  	v36 =	vld [tilespmem:$0x490]  }
0x214: {  	v15 =	vld [tilespmem:$0xA0];
	_ =	sdelay $0x2  }
0x215: {  	v13 =	vmul.f32 v35, v3;
	_ =	sdelay $0x1  }
0x216: {  	vm4 =	vge.f32 v36, v13  }
0x217: {  	v13 =	vsel vm4, $0x3F800000, v2  }
0x218: {  	[tilespmem:$0xC90] =	vst v13  }
0x219: {  	v37 =	vld.idx.msk [tilespmem:v15+s28+$0x0], $0xffff  }
0x21a: {  	v38 =	vld [tilespmem:$0x4A0]  }
0x21b: {  	v16 =	vld [tilespmem:$0xB0];
	_ =	sdelay $0x2  }
0x21c: {  	v14 =	vmul.f32 v37, v3;
	_ =	sdelay $0x1  }
0x21d: {  	vm4 =	vge.f32 v38, v14  }
0x21e: {  	v14 =	vsel vm4, $0x3F800000, v2  }
0x21f: {  	[tilespmem:$0xCA0] =	vst v14  }
0x220: {  	v39 =	vld.idx.msk [tilespmem:v16+s28+$0x0], $0xffff  }
0x221: {  	v40 =	vld [tilespmem:$0x4B0]  }
0x222: {  	v17 =	vld [tilespmem:$0xC0];
	_ =	sdelay $0x2  }
0x223: {  	v15 =	vmul.f32 v39, v3;
	_ =	sdelay $0x1  }
0x224: {  	vm4 =	vge.f32 v40, v15  }
0x225: {  	v15 =	vsel vm4, $0x3F800000, v2  }
0x226: {  	[tilespmem:$0xCB0] =	vst v15  }
0x227: {  	v41 =	vld.idx.msk [tilespmem:v17+s28+$0x0], $0xffff  }
0x228: {  	v42 =	vld [tilespmem:$0x4C0]  }
0x229: {  	v18 =	vld [tilespmem:$0xD0];
	_ =	sdelay $0x2  }
0x22a: {  	v16 =	vmul.f32 v41, v3;
	_ =	sdelay $0x1  }
0x22b: {  	vm4 =	vge.f32 v42, v16  }
0x22c: {  	v16 =	vsel vm4, $0x3F800000, v2  }
0x22d: {  	[tilespmem:$0xCC0] =	vst v16  }
0x22e: {  	v43 =	vld.idx.msk [tilespmem:v18+s28+$0x0], $0xffff  }
0x22f: {  	v44 =	vld [tilespmem:$0x4D0]  }
0x230: {  	v19 =	vld [tilespmem:$0xE0];
	_ =	sdelay $0x2  }
0x231: {  	v17 =	vmul.f32 v43, v3;
	_ =	sdelay $0x1  }
0x232: {  	vm4 =	vge.f32 v44, v17  }
0x233: {  	v17 =	vsel vm4, $0x3F800000, v2  }
0x234: {  	[tilespmem:$0xCD0] =	vst v17  }
0x235: {  	v45 =	vld.idx.msk [tilespmem:v19+s28+$0x0], $0xffff  }
0x236: {  	v46 =	vld [tilespmem:$0x4E0]  }
0x237: {  	v20 =	vld [tilespmem:$0xF0];
	_ =	sdelay $0x2  }
0x238: {  	v18 =	vmul.f32 v45, v3;
	_ =	sdelay $0x1  }
0x239: {  	vm4 =	vge.f32 v46, v18  }
0x23a: {  	v18 =	vsel vm4, $0x3F800000, v2  }
0x23b: {  	[tilespmem:$0xCE0] =	vst v18  }
0x23c: {  	v47 =	vld.idx.msk [tilespmem:v20+s28+$0x0], $0xffff  }
0x23d: {  	v48 =	vld [tilespmem:$0x4F0]  }
0x23e: {  	v21 =	vld [tilespmem:$0x100];
	_ =	sdelay $0x2  }
0x23f: {  	v19 =	vmul.f32 v47, v3;
	_ =	sdelay $0x1  }
0x240: {  	vm4 =	vge.f32 v48, v19  }
0x241: {  	v19 =	vsel vm4, $0x3F800000, v2  }
0x242: {  	[tilespmem:$0xCF0] =	vst v19  }
0x243: {  	v49 =	vld.idx.msk [tilespmem:v21+s28+$0x0], $0xffff  }
0x244: {  	v50 =	vld [tilespmem:$0x500]  }
0x245: {  	v22 =	vld [tilespmem:$0x110];
	_ =	sdelay $0x2  }
0x246: {  	v20 =	vmul.f32 v49, v3;
	_ =	sdelay $0x1  }
0x247: {  	vm4 =	vge.f32 v50, v20  }
0x248: {  	v20 =	vsel vm4, $0x3F800000, v2  }
0x249: {  	[tilespmem:$0xD00] =	vst v20  }
0x24a: {  	v51 =	vld.idx.msk [tilespmem:v22+s28+$0x0], $0xffff  }
0x24b: {  	v52 =	vld [tilespmem:$0x510]  }
0x24c: {  	v23 =	vld [tilespmem:$0x120];
	_ =	sdelay $0x2  }
0x24d: {  	v21 =	vmul.f32 v51, v3;
	_ =	sdelay $0x1  }
0x24e: {  	vm4 =	vge.f32 v52, v21  }
0x24f: {  	v21 =	vsel vm4, $0x3F800000, v2  }
0x250: {  	[tilespmem:$0xD10] =	vst v21  }
0x251: {  	v53 =	vld.idx.msk [tilespmem:v23+s28+$0x0], $0xffff  }
0x252: {  	v54 =	vld [tilespmem:$0x520]  }
0x253: {  	v24 =	vld [tilespmem:$0x130];
	_ =	sdelay $0x2  }
0x254: {  	v22 =	vmul.f32 v53, v3;
	_ =	sdelay $0x1  }
0x255: {  	vm4 =	vge.f32 v54, v22  }
0x256: {  	v22 =	vsel vm4, $0x3F800000, v2  }
0x257: {  	[tilespmem:$0xD20] =	vst v22  }
0x258: {  	v55 =	vld.idx.msk [tilespmem:v24+s28+$0x0], $0xffff  }
0x259: {  	v56 =	vld [tilespmem:$0x530]  }
0x25a: {  	v25 =	vld [tilespmem:$0x140];
	_ =	sdelay $0x2  }
0x25b: {  	v23 =	vmul.f32 v55, v3;
	_ =	sdelay $0x1  }
0x25c: {  	vm4 =	vge.f32 v56, v23  }
0x25d: {  	v23 =	vsel vm4, $0x3F800000, v2  }
0x25e: {  	[tilespmem:$0xD30] =	vst v23  }
0x25f: {  	v57 =	vld.idx.msk [tilespmem:v25+s28+$0x0], $0xffff  }
0x260: {  	v58 =	vld [tilespmem:$0x540]  }
0x261: {  	v26 =	vld [tilespmem:$0x150];
	_ =	sdelay $0x2  }
0x262: {  	v24 =	vmul.f32 v57, v3;
	_ =	sdelay $0x1  }
0x263: {  	vm4 =	vge.f32 v58, v24  }
0x264: {  	v24 =	vsel vm4, $0x3F800000, v2  }
0x265: {  	[tilespmem:$0xD40] =	vst v24  }
0x266: {  	v59 =	vld.idx.msk [tilespmem:v26+s28+$0x0], $0xffff  }
0x267: {  	v60 =	vld [tilespmem:$0x550]  }
0x268: {  	v27 =	vld [tilespmem:$0x160];
	_ =	sdelay $0x2  }
0x269: {  	v25 =	vmul.f32 v59, v3;
	_ =	sdelay $0x1  }
0x26a: {  	vm4 =	vge.f32 v60, v25  }
0x26b: {  	v25 =	vsel vm4, $0x3F800000, v2  }
0x26c: {  	[tilespmem:$0xD50] =	vst v25  }
0x26d: {  	v61 =	vld.idx.msk [tilespmem:v27+s28+$0x0], $0xffff  }
0x26e: {  	v62 =	vld [tilespmem:$0x560]  }
0x26f: {  	v28 =	vld [tilespmem:$0x170];
	_ =	sdelay $0x2  }
0x270: {  	v26 =	vmul.f32 v61, v3;
	_ =	sdelay $0x1  }
0x271: {  	vm4 =	vge.f32 v62, v26  }
0x272: {  	v26 =	vsel vm4, $0x3F800000, v2  }
0x273: {  	[tilespmem:$0xD60] =	vst v26  }
0x274: {  	v63 =	vld.idx.msk [tilespmem:v28+s28+$0x0], $0xffff  }
0x275: {  	v29 =	vld [tilespmem:$0x180]  }
0x276: {  	v32 =	vld [tilespmem:$0x570];
	_ =	sdelay $0x2  }
0x277: {  	v27 =	vmul.f32 v63, v3;
	_ =	sdelay $0x1  }
0x278: {  	vm4 =	vge.f32 v32, v27  }
0x279: {  	v27 =	vsel vm4, $0x3F800000, v2  }
0x27a: {  	[tilespmem:$0xD70] =	vst v27  }
0x27b: {  	v33 =	vld.idx.msk [tilespmem:v29+s28+$0x0], $0xffff  }
0x27c: {  	v30 =	vld [tilespmem:$0x190]  }
0x27d: {  	v34 =	vld [tilespmem:$0x580];
	_ =	sdelay $0x2  }
0x27e: {  	v28 =	vmul.f32 v33, v3;
	_ =	sdelay $0x1  }
0x27f: {  	vm4 =	vge.f32 v34, v28  }
0x280: {  	v28 =	vsel vm4, $0x3F800000, v2  }
0x281: {  	[tilespmem:$0xD80] =	vst v28  }
0x282: {  	v35 =	vld.idx.msk [tilespmem:v30+s28+$0x0], $0xffff  }
0x283: {  	v31 =	vld [tilespmem:$0x1A0]  }
0x284: {  	v36 =	vld [tilespmem:$0x590];
	_ =	sdelay $0x2  }
0x285: {  	v29 =	vmul.f32 v35, v3;
	_ =	sdelay $0x1  }
0x286: {  	vm4 =	vge.f32 v36, v29  }
0x287: {  	v29 =	vsel vm4, $0x3F800000, v2  }
0x288: {  	[tilespmem:$0xD90] =	vst v29  }
0x289: {  	v37 =	vld.idx.msk [tilespmem:v31+s28+$0x0], $0xffff  }
0x28a: {  	v38 =	vld [tilespmem:$0x5A0]  }
0x28b: {  	v32 =	vld [tilespmem:$0x1B0];
	_ =	sdelay $0x2  }
0x28c: {  	v30 =	vmul.f32 v37, v3;
	_ =	sdelay $0x1  }
0x28d: {  	vm4 =	vge.f32 v38, v30  }
0x28e: {  	v30 =	vsel vm4, $0x3F800000, v2  }
0x28f: {  	[tilespmem:$0xDA0] =	vst v30  }
0x290: {  	v39 =	vld.idx.msk [tilespmem:v32+s28+$0x0], $0xffff  }
0x291: {  	v40 =	vld [tilespmem:$0x5B0]  }
0x292: {  	v33 =	vld [tilespmem:$0x1C0];
	_ =	sdelay $0x2  }
0x293: {  	v31 =	vmul.f32 v39, v3;
	_ =	sdelay $0x1  }
0x294: {  	vm4 =	vge.f32 v40, v31  }
0x295: {  	v31 =	vsel vm4, $0x3F800000, v2  }
0x296: {  	[tilespmem:$0xDB0] =	vst v31  }
0x297: {  	v41 =	vld.idx.msk [tilespmem:v33+s28+$0x0], $0xffff  }
0x298: {  	v42 =	vld [tilespmem:$0x5C0]  }
0x299: {  	v34 =	vld [tilespmem:$0x1D0];
	_ =	sdelay $0x2  }
0x29a: {  	v32 =	vmul.f32 v41, v3;
	_ =	sdelay $0x1  }
0x29b: {  	vm4 =	vge.f32 v42, v32  }
0x29c: {  	v32 =	vsel vm4, $0x3F800000, v2  }
0x29d: {  	[tilespmem:$0xDC0] =	vst v32  }
0x29e: {  	v43 =	vld.idx.msk [tilespmem:v34+s28+$0x0], $0xffff  }
0x29f: {  	v44 =	vld [tilespmem:$0x5D0]  }
0x2a0: {  	v35 =	vld [tilespmem:$0x1E0];
	_ =	sdelay $0x2  }
0x2a1: {  	v33 =	vmul.f32 v43, v3;
	_ =	sdelay $0x1  }
0x2a2: {  	vm4 =	vge.f32 v44, v33  }
0x2a3: {  	v33 =	vsel vm4, $0x3F800000, v2  }
0x2a4: {  	[tilespmem:$0xDD0] =	vst v33  }
0x2a5: {  	v45 =	vld.idx.msk [tilespmem:v35+s28+$0x0], $0xffff  }
0x2a6: {  	v46 =	vld [tilespmem:$0x5E0]  }
0x2a7: {  	v36 =	vld [tilespmem:$0x1F0];
	_ =	sdelay $0x2  }
0x2a8: {  	v34 =	vmul.f32 v45, v3;
	_ =	sdelay $0x1  }
0x2a9: {  	vm4 =	vge.f32 v46, v34  }
0x2aa: {  	v34 =	vsel vm4, $0x3F800000, v2  }
0x2ab: {  	[tilespmem:$0xDE0] =	vst v34  }
0x2ac: {  	v47 =	vld.idx.msk [tilespmem:v36+s28+$0x0], $0xffff  }
0x2ad: {  	v48 =	vld [tilespmem:$0x5F0]  }
0x2ae: {  	v37 =	vld [tilespmem:$0x200];
	_ =	sdelay $0x2  }
0x2af: {  	v35 =	vmul.f32 v47, v3;
	_ =	sdelay $0x1  }
0x2b0: {  	vm4 =	vge.f32 v48, v35  }
0x2b1: {  	v35 =	vsel vm4, $0x3F800000, v2  }
0x2b2: {  	[tilespmem:$0xDF0] =	vst v35  }
0x2b3: {  	v49 =	vld.idx.msk [tilespmem:v37+s28+$0x0], $0xffff  }
0x2b4: {  	v50 =	vld [tilespmem:$0x600]  }
0x2b5: {  	v38 =	vld [tilespmem:$0x210];
	_ =	sdelay $0x2  }
0x2b6: {  	v36 =	vmul.f32 v49, v3;
	_ =	sdelay $0x1  }
0x2b7: {  	vm4 =	vge.f32 v50, v36  }
0x2b8: {  	v36 =	vsel vm4, $0x3F800000, v2  }
0x2b9: {  	[tilespmem:$0xE00] =	vst v36  }
0x2ba: {  	v51 =	vld.idx.msk [tilespmem:v38+s28+$0x0], $0xffff  }
0x2bb: {  	v52 =	vld [tilespmem:$0x610]  }
0x2bc: {  	v39 =	vld [tilespmem:$0x220];
	_ =	sdelay $0x2  }
0x2bd: {  	v37 =	vmul.f32 v51, v3;
	_ =	sdelay $0x1  }
0x2be: {  	vm4 =	vge.f32 v52, v37  }
0x2bf: {  	v37 =	vsel vm4, $0x3F800000, v2  }
0x2c0: {  	[tilespmem:$0xE10] =	vst v37  }
0x2c1: {  	v53 =	vld.idx.msk [tilespmem:v39+s28+$0x0], $0xffff  }
0x2c2: {  	v54 =	vld [tilespmem:$0x620]  }
0x2c3: {  	v40 =	vld [tilespmem:$0x230];
	_ =	sdelay $0x2  }
0x2c4: {  	v38 =	vmul.f32 v53, v3;
	_ =	sdelay $0x1  }
0x2c5: {  	vm4 =	vge.f32 v54, v38  }
0x2c6: {  	v38 =	vsel vm4, $0x3F800000, v2  }
0x2c7: {  	[tilespmem:$0xE20] =	vst v38  }
0x2c8: {  	v55 =	vld.idx.msk [tilespmem:v40+s28+$0x0], $0xffff  }
0x2c9: {  	v56 =	vld [tilespmem:$0x630]  }
0x2ca: {  	v41 =	vld [tilespmem:$0x240];
	_ =	sdelay $0x2  }
0x2cb: {  	v39 =	vmul.f32 v55, v3;
	_ =	sdelay $0x1  }
0x2cc: {  	vm4 =	vge.f32 v56, v39  }
0x2cd: {  	v39 =	vsel vm4, $0x3F800000, v2  }
0x2ce: {  	[tilespmem:$0xE30] =	vst v39  }
0x2cf: {  	v57 =	vld.idx.msk [tilespmem:v41+s28+$0x0], $0xffff  }
0x2d0: {  	v58 =	vld [tilespmem:$0x640]  }
0x2d1: {  	v42 =	vld [tilespmem:$0x250];
	_ =	sdelay $0x2  }
0x2d2: {  	v40 =	vmul.f32 v57, v3;
	_ =	sdelay $0x1  }
0x2d3: {  	vm4 =	vge.f32 v58, v40  }
0x2d4: {  	v40 =	vsel vm4, $0x3F800000, v2  }
0x2d5: {  	[tilespmem:$0xE40] =	vst v40  }
0x2d6: {  	v59 =	vld.idx.msk [tilespmem:v42+s28+$0x0], $0xffff  }
0x2d7: {  	v60 =	vld [tilespmem:$0x650]  }
0x2d8: {  	v43 =	vld [tilespmem:$0x260];
	_ =	sdelay $0x2  }
0x2d9: {  	v41 =	vmul.f32 v59, v3;
	_ =	sdelay $0x1  }
0x2da: {  	vm4 =	vge.f32 v60, v41  }
0x2db: {  	v41 =	vsel vm4, $0x3F800000, v2  }
0x2dc: {  	[tilespmem:$0xE50] =	vst v41  }
0x2dd: {  	v61 =	vld.idx.msk [tilespmem:v43+s28+$0x0], $0xffff  }
0x2de: {  	v62 =	vld [tilespmem:$0x660]  }
0x2df: {  	v44 =	vld [tilespmem:$0x270];
	_ =	sdelay $0x2  }
0x2e0: {  	v42 =	vmul.f32 v61, v3;
	_ =	sdelay $0x1  }
0x2e1: {  	vm4 =	vge.f32 v62, v42  }
0x2e2: {  	v42 =	vsel vm4, $0x3F800000, v2  }
0x2e3: {  	[tilespmem:$0xE60] =	vst v42  }
0x2e4: {  	v63 =	vld.idx.msk [tilespmem:v44+s28+$0x0], $0xffff  }
0x2e5: {  	v45 =	vld [tilespmem:$0x280]  }
0x2e6: {  	v48 =	vld [tilespmem:$0x670];
	_ =	sdelay $0x2  }
0x2e7: {  	v43 =	vmul.f32 v63, v3;
	_ =	sdelay $0x1  }
0x2e8: {  	vm4 =	vge.f32 v48, v43  }
0x2e9: {  	v43 =	vsel vm4, $0x3F800000, v2  }
0x2ea: {  	[tilespmem:$0xE70] =	vst v43  }
0x2eb: {  	v49 =	vld.idx.msk [tilespmem:v45+s28+$0x0], $0xffff  }
0x2ec: {  	v46 =	vld [tilespmem:$0x290]  }
0x2ed: {  	v50 =	vld [tilespmem:$0x680];
	_ =	sdelay $0x2  }
0x2ee: {  	v44 =	vmul.f32 v49, v3;
	_ =	sdelay $0x1  }
0x2ef: {  	vm4 =	vge.f32 v50, v44  }
0x2f0: {  	v44 =	vsel vm4, $0x3F800000, v2  }
0x2f1: {  	[tilespmem:$0xE80] =	vst v44  }
0x2f2: {  	v51 =	vld.idx.msk [tilespmem:v46+s28+$0x0], $0xffff  }
0x2f3: {  	v47 =	vld [tilespmem:$0x2A0]  }
0x2f4: {  	v52 =	vld [tilespmem:$0x690];
	_ =	sdelay $0x2  }
0x2f5: {  	v45 =	vmul.f32 v51, v3;
	_ =	sdelay $0x1  }
0x2f6: {  	vm4 =	vge.f32 v52, v45  }
0x2f7: {  	v45 =	vsel vm4, $0x3F800000, v2  }
0x2f8: {  	[tilespmem:$0xE90] =	vst v45  }
0x2f9: {  	v53 =	vld.idx.msk [tilespmem:v47+s28+$0x0], $0xffff  }
0x2fa: {  	v54 =	vld [tilespmem:$0x6A0]  }
0x2fb: {  	v48 =	vld [tilespmem:$0x2B0];
	_ =	sdelay $0x2  }
0x2fc: {  	v46 =	vmul.f32 v53, v3;
	_ =	sdelay $0x1  }
0x2fd: {  	vm4 =	vge.f32 v54, v46  }
0x2fe: {  	v46 =	vsel vm4, $0x3F800000, v2  }
0x2ff: {  	[tilespmem:$0xEA0] =	vst v46  }
0x300: {  	v55 =	vld.idx.msk [tilespmem:v48+s28+$0x0], $0xffff  }
0x301: {  	v56 =	vld [tilespmem:$0x6B0]  }
0x302: {  	v49 =	vld [tilespmem:$0x2C0];
	_ =	sdelay $0x2  }
0x303: {  	v47 =	vmul.f32 v55, v3;
	_ =	sdelay $0x1  }
0x304: {  	vm4 =	vge.f32 v56, v47  }
0x305: {  	v47 =	vsel vm4, $0x3F800000, v2  }
0x306: {  	[tilespmem:$0xEB0] =	vst v47  }
0x307: {  	v57 =	vld.idx.msk [tilespmem:v49+s28+$0x0], $0xffff  }
0x308: {  	v58 =	vld [tilespmem:$0x6C0]  }
0x309: {  	v50 =	vld [tilespmem:$0x2D0];
	_ =	sdelay $0x2  }
0x30a: {  	v48 =	vmul.f32 v57, v3;
	_ =	sdelay $0x1  }
0x30b: {  	vm4 =	vge.f32 v58, v48  }
0x30c: {  	v48 =	vsel vm4, $0x3F800000, v2  }
0x30d: {  	[tilespmem:$0xEC0] =	vst v48  }
0x30e: {  	v59 =	vld.idx.msk [tilespmem:v50+s28+$0x0], $0xffff  }
0x30f: {  	v60 =	vld [tilespmem:$0x6D0]  }
0x310: {  	v51 =	vld [tilespmem:$0x2E0];
	_ =	sdelay $0x2  }
0x311: {  	v49 =	vmul.f32 v59, v3;
	_ =	sdelay $0x1  }
0x312: {  	vm4 =	vge.f32 v60, v49  }
0x313: {  	v49 =	vsel vm4, $0x3F800000, v2  }
0x314: {  	[tilespmem:$0xED0] =	vst v49  }
0x315: {  	v61 =	vld.idx.msk [tilespmem:v51+s28+$0x0], $0xffff  }
0x316: {  	v62 =	vld [tilespmem:$0x6E0]  }
0x317: {  	v52 =	vld [tilespmem:$0x2F0];
	_ =	sdelay $0x2  }
0x318: {  	v50 =	vmul.f32 v61, v3;
	_ =	sdelay $0x1  }
0x319: {  	vm4 =	vge.f32 v62, v50  }
0x31a: {  	v50 =	vsel vm4, $0x3F800000, v2  }
0x31b: {  	[tilespmem:$0xEE0] =	vst v50  }
0x31c: {  	v63 =	vld.idx.msk [tilespmem:v52+s28+$0x0], $0xffff  }
0x31d: {  	v53 =	vld [tilespmem:$0x300]  }
0x31e: {  	v56 =	vld [tilespmem:$0x6F0];
	_ =	sdelay $0x2  }
0x31f: {  	v51 =	vmul.f32 v63, v3;
	_ =	sdelay $0x1  }
0x320: {  	vm4 =	vge.f32 v56, v51  }
0x321: {  	v51 =	vsel vm4, $0x3F800000, v2  }
0x322: {  	[tilespmem:$0xEF0] =	vst v51  }
0x323: {  	v57 =	vld.idx.msk [tilespmem:v53+s28+$0x0], $0xffff  }
0x324: {  	v54 =	vld [tilespmem:$0x310]  }
0x325: {  	v58 =	vld [tilespmem:$0x700];
	_ =	sdelay $0x2  }
0x326: {  	v52 =	vmul.f32 v57, v3;
	_ =	sdelay $0x1  }
0x327: {  	vm4 =	vge.f32 v58, v52  }
0x328: {  	v52 =	vsel vm4, $0x3F800000, v2  }
0x329: {  	[tilespmem:$0xF00] =	vst v52  }
0x32a: {  	v59 =	vld.idx.msk [tilespmem:v54+s28+$0x0], $0xffff  }
0x32b: {  	v55 =	vld [tilespmem:$0x320]  }
0x32c: {  	v60 =	vld [tilespmem:$0x710];
	_ =	sdelay $0x2  }
0x32d: {  	v53 =	vmul.f32 v59, v3;
	_ =	sdelay $0x1  }
0x32e: {  	vm4 =	vge.f32 v60, v53  }
0x32f: {  	v53 =	vsel vm4, $0x3F800000, v2  }
0x330: {  	[tilespmem:$0xF10] =	vst v53  }
0x331: {  	v61 =	vld.idx.msk [tilespmem:v55+s28+$0x0], $0xffff  }
0x332: {  	v62 =	vld [tilespmem:$0x720]  }
0x333: {  	v56 =	vld [tilespmem:$0x330];
	_ =	sdelay $0x2  }
0x334: {  	v54 =	vmul.f32 v61, v3;
	_ =	sdelay $0x1  }
0x335: {  	v63 =	vld [tilespmem:$0x830];
	vm4 =	vge.f32 v62, v54  }
0x336: {  	v57 =	vld [tilespmem:$0x810];
	v54 =	vsel vm4, $0x3F800000, v2  }
0x337: {  	v55 =	vld [tilespmem:$0x800];
	[tilespmem:$0xF20] =	vst v54  }
0x338: {  	v56 =	vld.idx.msk [tilespmem:v56+s28+$0x0], $0xffff  }
0x339: {  	v58 =	vld [tilespmem:$0x730]  }
0x33a: {  	v59 =	vld [tilespmem:$0x340]  }
0x33b: {  	v60 =	vld [tilespmem:$0x820]  }
0x33c: {  	v4 =	vmul.f32 v55, v4  }
0x33d: {  	v56 =	vmul.f32 v56, v3  }
0x33e: {  	v5 =	vmul.f32 v57, v5;
	v4 =	vadd.f32 $0.0e+00, v4  }
0x33f: {  	v7 =	vmul.f32 v63, v7;
	vm4 =	vge.f32 v58, v56;
	v56 =	vld [tilespmem:$0x840]  }
0x340: {  	v63 =	vld [tilespmem:$0x740];
	v6 =	vmul.f32 v60, v6;
	v5 =	vadd.f32 v5, v4;
	v4 =	vsel vm4, $0x3F800000, v2  }
0x341: {  	v61 =	vld [tilespmem:$0x850];
	[tilespmem:$0xF30] =	vst v4  }
0x342: {  	v5 =	vadd.f32 v6, v5;
	v62 =	vld.idx.msk [tilespmem:v59+s28+$0x0], $0xffff  }
0x343: {  	v58 =	vld [tilespmem:$0x860]  }
0x344: {  	v5 =	vadd.f32 v7, v5;
	v7 =	vld [tilespmem:$0x350];
	v8 =	vmul.f32 v56, v8  }
0x345: {  	v56 =	vld [tilespmem:$0x870]  }
0x346: {  	v60 =	vmul.f32 v61, v9;
	v5 =	vadd.f32 v8, v5  }
0x347: {  	v61 =	vld [tilespmem:$0x880];
	v6 =	vmul.f32 v62, v3  }
0x348: {  	v62 =	vmul.f32 v58, v10;
	v5 =	vadd.f32 v60, v5  }
0x349: {  	vm4 =	vge.f32 v63, v6;
	v63 =	vld [tilespmem:$0x890]  }
0x34a: {  	v57 =	vld [tilespmem:$0x8A0];
	v11 =	vmul.f32 v56, v11;
	v8 =	vadd.f32 v62, v5;
	v5 =	vsel vm4, $0x3F800000, v2  }
0x34b: {  	v59 =	vld [tilespmem:$0x750];
	[tilespmem:$0xF40] =	vst v5  }
0x34c: {  	v9 =	vmul.f32 v61, v12;
	v8 =	vadd.f32 v11, v8;
	v7 =	vld.idx.msk [tilespmem:v7+s28+$0x0], $0xffff  }
0x34d: {  	v58 =	vld [tilespmem:$0x8B0]  }
0x34e: {  	v60 =	vld [tilespmem:$0x360];
	v8 =	vadd.f32 v9, v8;
	v6 =	vmul.f32 v63, v13  }
0x34f: {  	v61 =	vld [tilespmem:$0x8C0]  }
0x350: {  	v62 =	vmul.f32 v57, v14;
	v6 =	vadd.f32 v6, v8  }
0x351: {  	v63 =	vld [tilespmem:$0x8D0];
	v7 =	vmul.f32 v7, v3  }
0x352: {  	v55 =	vmul.f32 v58, v15;
	v6 =	vadd.f32 v62, v6  }
0x353: {  	v56 =	vld [tilespmem:$0x8E0];
	vm4 =	vge.f32 v59, v7  }
0x354: {  	v12 =	vmul.f32 v61, v16;
	v57 =	vld [tilespmem:$0x8F0];
	v8 =	vadd.f32 v55, v6;
	v6 =	vsel vm4, $0x3F800000, v2  }
0x355: {  	v58 =	vld [tilespmem:$0x900];
	[tilespmem:$0xF50] =	vst v6  }
0x356: {  	v10 =	vmul.f32 v63, v17;
	v8 =	vadd.f32 v12, v8;
	v9 =	vld.idx.msk [tilespmem:v60+s28+$0x0], $0xffff  }
0x357: {  	v59 =	vld [tilespmem:$0x760]  }
0x358: {  	v7 =	vmul.f32 v56, v18;
	v60 =	vld [tilespmem:$0x370];
	v8 =	vadd.f32 v10, v8  }
0x359: {  	v61 =	vld [tilespmem:$0x910]  }
0x35a: {  	v62 =	vmul.f32 v57, v19;
	v7 =	vadd.f32 v7, v8  }
0x35b: {  	v63 =	vld [tilespmem:$0x920];
	v9 =	vmul.f32 v9, v3  }
0x35c: {  	v16 =	vmul.f32 v58, v20;
	v7 =	vadd.f32 v62, v7  }
0x35d: {  	v17 =	vld [tilespmem:$0x930];
	vm4 =	vge.f32 v59, v9  }
0x35e: {  	v20 =	vld [tilespmem:$0x950];
	v19 =	vmul.f32 v61, v21;
	v8 =	vadd.f32 v16, v7;
	v7 =	vsel vm4, $0x3F800000, v2  }
0x35f: {  	v18 =	vld [tilespmem:$0x940];
	[tilespmem:$0xF60] =	vst v7  }
0x360: {  	v11 =	vmul.f32 v63, v22;
	v8 =	vadd.f32 v19, v8;
	v10 =	vld.idx.msk [tilespmem:v60+s28+$0x0], $0xffff  }
0x361: {  	v21 =	vld [tilespmem:$0x770]  }
0x362: {  	v22 =	vld [tilespmem:$0x380];
	v9 =	vmul.f32 v17, v23;
	v8 =	vadd.f32 v11, v8  }
0x363: {  	v23 =	vld [tilespmem:$0x960]  }
0x364: {  	v24 =	vmul.f32 v18, v24;
	v8 =	vadd.f32 v9, v8  }
0x365: {  	v55 =	vld [tilespmem:$0x970];
	v10 =	vmul.f32 v10, v3  }
0x366: {  	v56 =	vmul.f32 v20, v25;
	v8 =	vadd.f32 v24, v8  }
0x367: {  	v57 =	vld [tilespmem:$0x980];
	vm4 =	vge.f32 v21, v10  }
0x368: {  	v58 =	vld [tilespmem:$0x990];
	v59 =	vmul.f32 v23, v26;
	v9 =	vadd.f32 v56, v8;
	v8 =	vsel vm4, $0x3F800000, v2  }
0x369: {  	v61 =	vld [tilespmem:$0x780];
	[tilespmem:$0xF70] =	vst v8  }
0x36a: {  	v12 =	vmul.f32 v55, v27;
	v9 =	vadd.f32 v59, v9;
	v11 =	vld.idx.msk [tilespmem:v22+s28+$0x0], $0xffff  }
0x36b: {  	v60 =	vld [tilespmem:$0x9A0]  }
0x36c: {  	v62 =	vld [tilespmem:$0x390];
	v10 =	vmul.f32 v57, v28;
	v9 =	vadd.f32 v12, v9  }
0x36d: {  	v63 =	vld [tilespmem:$0x9B0]  }
0x36e: {  	v20 =	vmul.f32 v58, v29;
	v9 =	vadd.f32 v10, v9  }
0x36f: {  	v21 =	vld [tilespmem:$0x9C0];
	v11 =	vmul.f32 v11, v3  }
0x370: {  	v22 =	vmul.f32 v60, v30;
	v9 =	vadd.f32 v20, v9  }
0x371: {  	v23 =	vld [tilespmem:$0x9D0];
	vm4 =	vge.f32 v61, v11  }
0x372: {  	v27 =	vld [tilespmem:$0x790];
	v25 =	vmul.f32 v63, v31;
	v9 =	vadd.f32 v22, v9;
	v14 =	vsel vm4, $0x3F800000, v2  }
0x373: {  	v24 =	vld [tilespmem:$0x9E0];
	[tilespmem:$0xF80] =	vst v14  }
0x374: {  	v13 =	vmul.f32 v21, v32;
	v9 =	vadd.f32 v25, v9;
	v12 =	vld.idx.msk [tilespmem:v62+s28+$0x0], $0xffff  }
0x375: {  	v26 =	vld [tilespmem:$0x9F0]  }
0x376: {  	v28 =	vld [tilespmem:$0x3A0];
	v11 =	vmul.f32 v23, v33;
	v9 =	vadd.f32 v13, v9  }
0x377: {  	v29 =	vld [tilespmem:$0xA00]  }
0x378: {  	v10 =	vmul.f32 v24, v34;
	v9 =	vadd.f32 v11, v9  }
0x379: {  	v30 =	vld [tilespmem:$0xA10];
	v12 =	vmul.f32 v12, v3  }
0x37a: {  	v31 =	vmul.f32 v26, v35;
	v9 =	vadd.f32 v10, v9  }
0x37b: {  	v32 =	vld [tilespmem:$0xA20];
	vm4 =	vge.f32 v27, v12  }
0x37c: {  	v35 =	vld [tilespmem:$0xA40];
	v34 =	vmul.f32 v29, v36;
	v9 =	vadd.f32 v31, v9;
	v15 =	vsel vm4, $0x3F800000, v2  }
0x37d: {  	v33 =	vld [tilespmem:$0xA30];
	[tilespmem:$0xF90] =	vst v15  }
0x37e: {  	v11 =	vmul.f32 v30, v37;
	v9 =	vadd.f32 v34, v9;
	v13 =	vld.idx.msk [tilespmem:v28+s28+$0x0], $0xffff  }
0x37f: {  	v36 =	vld [tilespmem:$0x7A0]  }
0x380: {  	v37 =	vld [tilespmem:$0x3B0];
	v12 =	vmul.f32 v32, v38;
	v9 =	vadd.f32 v11, v9  }
0x381: {  	v55 =	vld [tilespmem:$0xA50]  }
0x382: {  	v10 =	vmul.f32 v33, v39;
	v9 =	vadd.f32 v12, v9  }
0x383: {  	v56 =	vld [tilespmem:$0xA60];
	v13 =	vmul.f32 v13, v3  }
0x384: {  	v57 =	vmul.f32 v35, v40;
	v9 =	vadd.f32 v10, v9  }
0x385: {  	v58 =	vld [tilespmem:$0xA70];
	vm4 =	vge.f32 v36, v13  }
0x386: {  	v63 =	vld [tilespmem:$0x3C0];
	v60 =	vmul.f32 v55, v41;
	v9 =	vadd.f32 v57, v9;
	v16 =	vsel vm4, $0x3F800000, v2  }
0x387: {  	v59 =	vld [tilespmem:$0xA80];
	[tilespmem:$0xFA0] =	vst v16  }
0x388: {  	v12 =	vmul.f32 v56, v42;
	v9 =	vadd.f32 v60, v9;
	v11 =	vld.idx.msk [tilespmem:v37+s28+$0x0], $0xffff  }
0x389: {  	v61 =	vld [tilespmem:$0xA90]  }
0x38a: {  	v62 =	vld [tilespmem:$0x7B0];
	v13 =	vmul.f32 v58, v43;
	v9 =	vadd.f32 v12, v9  }
0x38b: {  	v21 =	vld [tilespmem:$0xAA0]  }
0x38c: {  	v10 =	vmul.f32 v59, v44;
	v9 =	vadd.f32 v13, v9  }
0x38d: {  	v22 =	vld [tilespmem:$0xAB0];
	v11 =	vmul.f32 v11, v3  }
0x38e: {  	v23 =	vmul.f32 v61, v45;
	v9 =	vadd.f32 v10, v9  }
0x38f: {  	v24 =	vld [tilespmem:$0xAC0];
	vm4 =	vge.f32 v62, v11  }
0x390: {  	v29 =	vld [tilespmem:$0x3D0];
	v26 =	vmul.f32 v21, v46;
	v9 =	vadd.f32 v23, v9;
	v17 =	vsel vm4, $0x3F800000, v2  }
0x391: {  	v25 =	vld [tilespmem:$0xAD0];
	[tilespmem:$0xFB0] =	vst v17  }
0x392: {  	v13 =	vmul.f32 v22, v47;
	v9 =	vadd.f32 v26, v9;
	v12 =	vld.idx.msk [tilespmem:v63+s28+$0x0], $0xffff  }
0x393: {  	v27 =	vld [tilespmem:$0xAE0]  }
0x394: {  	v28 =	vld [tilespmem:$0x7C0];
	v11 =	vmul.f32 v24, v48;
	v9 =	vadd.f32 v13, v9  }
0x395: {  	v30 =	vld [tilespmem:$0xAF0]  }
0x396: {  	v10 =	vmul.f32 v25, v49;
	v9 =	vadd.f32 v11, v9  }
0x397: {  	v31 =	vld [tilespmem:$0xB00];
	v12 =	vmul.f32 v12, v3  }
0x398: {  	v32 =	vmul.f32 v27, v50;
	v9 =	vadd.f32 v10, v9  }
0x399: {  	v33 =	vld [tilespmem:$0xB10];
	vm4 =	vge.f32 v28, v12  }
0x39a: {  	v38 =	vld [tilespmem:$0x3E0];
	v35 =	vmul.f32 v30, v51;
	v9 =	vadd.f32 v32, v9;
	v18 =	vsel vm4, $0x3F800000, v2  }
0x39b: {  	v34 =	vld [tilespmem:$0xB20];
	[tilespmem:$0xFC0] =	vst v18  }
0x39c: {  	v11 =	vmul.f32 v31, v52;
	v9 =	vadd.f32 v35, v9;
	v13 =	vld.idx.msk [tilespmem:v29+s28+$0x0], $0xffff  }
0x39d: {  	v36 =	vld [tilespmem:$0xB30]  }
0x39e: {  	v37 =	vld [tilespmem:$0x7D0];
	v12 =	vmul.f32 v33, v53;
	v9 =	vadd.f32 v11, v9  }
0x39f: {  	v39 =	vld [tilespmem:$0xB40]  }
0x3a0: {  	v10 =	vmul.f32 v34, v54;
	v9 =	vadd.f32 v12, v9  }
0x3a1: {  	v40 =	vld [tilespmem:$0xB50];
	v13 =	vmul.f32 v13, v3  }
0x3a2: {  	v4 =	vmul.f32 v36, v4;
	v9 =	vadd.f32 v10, v9  }
0x3a3: {  	v41 =	vld [tilespmem:$0xB60];
	vm4 =	vge.f32 v37, v13  }
0x3a4: {  	v46 =	vld [tilespmem:$0x3F0];
	v5 =	vmul.f32 v39, v5;
	v4 =	vadd.f32 v4, v9;
	v13 =	vsel vm4, $0x3F800000, v2  }
0x3a5: {  	v42 =	vld [tilespmem:$0xB70];
	[tilespmem:$0xFD0] =	vst v13  }
0x3a6: {  	v6 =	vmul.f32 v40, v6;
	v4 =	vadd.f32 v5, v4;
	v44 =	vld.idx.msk [tilespmem:v38+s28+$0x0], $0xffff  }
0x3a7: {  	v43 =	vld [tilespmem:$0xB80]  }
0x3a8: {  	v7 =	vmul.f32 v41, v7;
	v45 =	vld [tilespmem:$0x7E0];
	v4 =	vadd.f32 v6, v4  }
0x3a9: {  	v47 =	vld [tilespmem:$0xB90]  }
0x3aa: {  	v48 =	vmul.f32 v42, v8;
	v4 =	vadd.f32 v7, v4  }
0x3ab: {  	v49 =	vld [tilespmem:$0xBA0];
	v5 =	vmul.f32 v44, v3  }
0x3ac: {  	v50 =	vmul.f32 v43, v14;
	v4 =	vadd.f32 v48, v4  }
0x3ad: {  	v51 =	vld [tilespmem:$0xBB0];
	vm4 =	vge.f32 v45, v5  }
0x3ae: {  	v53 =	vmul.f32 v47, v15;
	v4 =	vadd.f32 v50, v4;
	v52 =	vsel vm4, $0x3F800000, v2  }
0x3af: {  	v54 =	vld [tilespmem:$0xBC0];
	[tilespmem:$0xFE0] =	vst v52  }
0x3b0: {  	v8 =	vmul.f32 v49, v16;
	v4 =	vadd.f32 v53, v4;
	v6 =	vld.idx.msk [tilespmem:v46+s28+$0x0], $0xffff  }
0x3b1: {  	v55 =	vld [tilespmem:$0xBD0]  }
0x3b2: {  	v56 =	vld [tilespmem:$0x7F0];
	v5 =	vmul.f32 v51, v17;
	v4 =	vadd.f32 v8, v4  }
0x3b3: {  	v57 =	vld [tilespmem:$0xBE0]  }
0x3b4: {  	v58 =	vmul.f32 v54, v18;
	v4 =	vadd.f32 v5, v4  }
0x3b5: {  	v59 =	vld [tilespmem:$0xBF0];
	v3 =	vmul.f32 v6, v3  }
0x3b6: {  	v60 =	vmul.f32 v55, v13;
	v4 =	vadd.f32 v58, v4  }
0x3b7: {  	vm4 =	vge.f32 v56, v3  }
0x3b8: {  	v61 =	vmul.f32 v57, v52;
	v3 =	vadd.f32 v60, v4;
	v62 =	vsel vm4, $0x3F800000, v2  }
0x3b9: {  	[tilespmem:$0xFF0] =	vst v62  }
0x3ba: {  	v63 =	vmul.f32 v59, v62;
	v3 =	vadd.f32 v61, v3;
	[hbm4b:s19+s7] =	stream.linear.scatter [tilespmem:s29], [sflag:$0x2], $0x400, $0x38;
	[tilespmem:$0x3220] =	vst v63  }
0x3bb: {  	_ =	swait.ge [sflag:s24], $0x400  }
0x3bc: {  	v3 =	vadd.f32 v63, v3;
	[sflag:s24] =	ssyncset.done $0x0  }
0x3bd: {  	[sflag:s24] =	ssyncadd.s32 $0xFFFFFC00  }
.Ltmp7:
0x3be: {  	[tilespmem:$0x2F00] =	vst v3;
	(pc) =	sbr.rel .LBB2_8-.Ltmp7, $4  }
0x3bf: {  	[spmem:s20] =	stream.linear.scatter [tilespmem:s30], [sflag:$0x2], $0x10, $0x38;
	[tilespmem:$0x3220] =	vst v63  }
0x3c0: {  	_ =	swait.ge [sflag:s24], $0x10  }
0x3c1: {  	[sflag:s24] =	ssyncset.done $0x0  }
0x3c2: {  	[sflag:s24] =	ssyncadd.s32 $0xFFFFFFF0  }
.LBB2_9:
0x3c3: {  	s0 =	simm.s32 $0x3080  }
0x3c4: {  	[tilespmem:s0], [sflag:$0x2] =	stream.linear.gather [spmem:s21], $0x100, $0x38;
	[tilespmem:$0x3220] =	vst v63  }
0x3c5: {  	_ =	swait.ge [sflag:s24], $0x100  }
0x3c6: {  	[sflag:s24] =	ssyncset.done $0x0  }
0x3c7: {  	[sflag:s24] =	ssyncadd.s32 $0xFFFFFF00  }
0x3c8: {  	v3 =	vld [tilespmem:$0x3080]  }
0x3c9: {  	v4 =	vld [tilespmem:$0x3090];
	_ =	sdelay $0x1  }
0x3ca: {  	v5 =	vld [tilespmem:$0x30A0];
	_ =	sdelay $0x1  }
0x3cb: {  	v6 =	vld [tilespmem:$0x30B0]  }
0x3cc: {  	v3 =	vadd.f32 v4, v3  }
0x3cd: {  	v21 =	vld [tilespmem:$0x30C0]  }
0x3ce: {  	v3 =	vadd.f32 v5, v3  }
0x3cf: {  	v22 =	vld [tilespmem:$0x30D0]  }
0x3d0: {  	v3 =	vadd.f32 v6, v3  }
0x3d1: {  	v23 =	vld [tilespmem:$0x30E0]  }
0x3d2: {  	v3 =	vadd.f32 v21, v3  }
0x3d3: {  	v24 =	vld [tilespmem:$0x30F0]  }
0x3d4: {  	v3 =	vadd.f32 v22, v3  }
0x3d5: {  	v25 =	vld [tilespmem:$0x3100]  }
0x3d6: {  	v3 =	vadd.f32 v23, v3  }
0x3d7: {  	v26 =	vld [tilespmem:$0x3110]  }
0x3d8: {  	v3 =	vadd.f32 v24, v3  }
0x3d9: {  	v27 =	vld [tilespmem:$0x3120]  }
0x3da: {  	v3 =	vadd.f32 v25, v3  }
0x3db: {  	v28 =	vld [tilespmem:$0x3130]  }
0x3dc: {  	v3 =	vadd.f32 v26, v3  }
0x3dd: {  	v29 =	vld [tilespmem:$0x3140]  }
0x3de: {  	v3 =	vadd.f32 v27, v3  }
0x3df: {  	v30 =	vld [tilespmem:$0x3150]  }
0x3e0: {  	v3 =	vadd.f32 v28, v3  }
0x3e1: {  	v31 =	vld [tilespmem:$0x3160]  }
0x3e2: {  	v3 =	vadd.f32 v29, v3  }
0x3e3: {  	v32 =	vld [tilespmem:$0x3170]  }
0x3e4: {  	v3 =	vadd.f32 v30, v3;
	_ =	sdelay $0x1  }
0x3e5: {  	v3 =	vadd.f32 v31, v3;
	_ =	sdelay $0x1  }
0x3e6: {  	v3 =	vadd.f32 v32, v3;
	_ =	sdelay $0x1  }
0x3e7: {  	(xrf2) =	vadd.scan.msk.f32 $0xffff, v3;
	_ =	sdelay $0x9  }
0x3e8: {  	v3, _, _ =	vpop (xrf2)  }
0x3e9: {  	(v2sf) =	vpush v3, $0xF;
	_ =	sdelay $0x9  }
0x3ea: {  	v0 =	vld [tilespmem:$0x20F0];
	_ =	sdelay $0x2  }
0x3eb: {  	s4 =	simm.s32 $0x2100  }
0x3ec: {  	[tilespmem:s4], [sflag:$0x2] =	stream.linear.gather [spmem:s6], $0x400, $0x38;
	[tilespmem:$0x3220] =	vst v63  }
0x3ed: {  	[tilespmem:$0x1FFF0] =	vst v0;
	s31 =	spop (v2sf)  }
0x3ee: {  	_ =	swait.ge [sflag:s24], $0x400  }
0x3ef: {  	[sflag:s24] =	ssyncset.done $0x0  }
0x3f0: {  	[sflag:s24] =	ssyncadd.s32 $0xFFFFFC00  }
0x3f1: {  	s4 =	simm.s32 $0x2500;
	s0 =	rddreg [dreg:$0x3]  }
0x3f2: {  	[tilespmem:s4], [sflag:$0x2] =	stream.linear.gather [hbm4b:s0+s7], $0x3E8, $0x38;
	[tilespmem:$0x3220] =	vst v63  }
0x3f3: {  	_ =	swait.ge [sflag:s24], $0x3E8  }
0x3f4: {  	[sflag:s24] =	ssyncset.done $0x0  }
0x3f5: {  	[sflag:s24] =	ssyncadd.s32 $0xFFFFFC18  }
0x3f6: {  	v4 =	vld [tilespmem:$0x2500]  }
0x3f7: {  	v7 =	vld [tilespmem:$0x2100]  }
0x3f8: {  	v8 =	vld [tilespmem:$0x2510]  }
0x3f9: {  	v11 =	vld [tilespmem:$0x2110]  }
0x3fa: {  	v12 =	vld [tilespmem:$0x2520]  }
0x3fb: {  	v17 =	vld [tilespmem:$0x2120]  }
0x3fc: {  	v18 =	vld [tilespmem:$0x2530]  }
0x3fd: {  	v21 =	vld [tilespmem:$0x2130]  }
0x3fe: {  	v24 =	vld [tilespmem:$0x2540]  }
0x3ff: {  	v27 =	vld [tilespmem:$0x2140]  }
0x400: {  	v28 =	vld [tilespmem:$0x2550]  }
0x401: {  	v33 =	vld [tilespmem:$0x2150]  }
0x402: {  	v34 =	vld [tilespmem:$0x2560]  }
0x403: {  	v37 =	vld [tilespmem:$0x2160]  }
0x404: {  	v40 =	vld [tilespmem:$0x2570]  }
0x405: {  	v43 =	vld [tilespmem:$0x2170]  }
0x406: {  	v44 =	vld [tilespmem:$0x2580]  }
0x407: {  	v45 =	vld [tilespmem:$0x2180]  }
0x408: {  	v46 =	vld [tilespmem:$0x2590]  }
0x409: {  	v47 =	vld [tilespmem:$0x2190]  }
0x40a: {  	v48 =	vld [tilespmem:$0x25A0]  }
0x40b: {  	v49 =	vld [tilespmem:$0x21A0]  }
0x40c: {  	v50 =	vld [tilespmem:$0x25B0]  }
0x40d: {  	v51 =	vld [tilespmem:$0x21B0]  }
0x40e: {  	v52 =	vld [tilespmem:$0x25C0]  }
0x40f: {  	v53 =	vld [tilespmem:$0x21C0]  }
0x410: {  	v54 =	vld [tilespmem:$0x25D0]  }
0x411: {  	v55 =	vld [tilespmem:$0x21D0]  }
0x412: {  	v56 =	vld [tilespmem:$0x25E0]  }
0x413: {  	v57 =	vld [tilespmem:$0x21E0]  }
0x414: {  	v0 =	vld [tilespmem:$0x26E0]  }
0x415: {  	v58 =	vld [tilespmem:$0x25F0]  }
0x416: {  	v59 =	vld [tilespmem:$0x21F0]  }
0x417: {  	v60 =	vld [tilespmem:$0x2600]  }
0x418: {  	v61 =	vld [tilespmem:$0x2200]  }
0x419: {  	[tilespmem:$0x1FF80] =	vst v0;
	v0 =	vld [tilespmem:$0x26F0]  }
0x41a: {  	v62 =	vld [tilespmem:$0x2610]  }
0x41b: {  	v63 =	vld [tilespmem:$0x2210]  }
0x41c: {  	v5 =	vld [tilespmem:$0x2620]  }
0x41d: {  	v3 =	vld [tilespmem:$0x2220]  }
0x41e: {  	[tilespmem:$0x1FF90] =	vst v0;
	v0 =	vld [tilespmem:$0x22F0]  }
0x41f: {  	v6 =	vld [tilespmem:$0x2630]  }
0x420: {  	v9 =	vld [tilespmem:$0x2230]  }
0x421: {  	v10 =	vld [tilespmem:$0x2640]  }
0x422: {  	v13 =	vld [tilespmem:$0x2240]  }
0x423: {  	[tilespmem:$0x1FFA0] =	vst v0;
	v0 =	vld [tilespmem:$0x2700]  }
0x424: {  	v14 =	vld [tilespmem:$0x2650]  }
0x425: {  	v15 =	vld [tilespmem:$0x2250]  }
0x426: {  	v41 =	vld [tilespmem:$0x2660]  }
0x427: {  	v42 =	vld [tilespmem:$0x2260]  }
0x428: {  	[tilespmem:$0x1FFB0] =	vst v0;
	v0 =	vld [tilespmem:$0x2300]  }
0x429: {  	v38 =	vld [tilespmem:$0x2670]  }
0x42a: {  	v39 =	vld [tilespmem:$0x2270]  }
0x42b: {  	v35 =	vld [tilespmem:$0x2680]  }
0x42c: {  	v36 =	vld [tilespmem:$0x2280]  }
0x42d: {  	[tilespmem:$0x1FFC0] =	vst v0;
	v0 =	vld [tilespmem:$0x2710]  }
0x42e: {  	v31 =	vld [tilespmem:$0x2690]  }
0x42f: {  	v32 =	vld [tilespmem:$0x2290]  }
0x430: {  	v29 =	vld [tilespmem:$0x26A0]  }
0x431: {  	v30 =	vld [tilespmem:$0x22A0]  }
0x432: {  	[tilespmem:$0x1FFD0] =	vst v0;
	v0 =	vld [tilespmem:$0x2310]  }
0x433: {  	v25 =	vld [tilespmem:$0x26B0]  }
0x434: {  	v26 =	vld [tilespmem:$0x22B0]  }
0x435: {  	v22 =	vld [tilespmem:$0x26C0]  }
0x436: {  	v23 =	vld [tilespmem:$0x22C0]  }
0x437: {  	v19 =	vld [tilespmem:$0x26D0];
	v1 =	vmul.f32 $6.103515910e-08, v7;
	[tilespmem:$0x1FFE0] =	vst v0;
	v0 =	vmul.f32 $9.990000120e-01, v4  }
0x438: {  	v20 =	vld [tilespmem:$0x22D0];
	v8 =	vmul.f32 $9.990000120e-01, v8;
	v11 =	vmul.f32 $6.103515910e-08, v11  }
0x439: {  	v16 =	vld [tilespmem:$0x22E0];
	v12 =	vmul.f32 $9.990000120e-01, v12;
	v17 =	vmul.f32 $6.103515910e-08, v17;
	v1 =	vadd.f32 v1, v0  }
0x43a: {  	v7 =	vld [tilespmem:$0x2320];
	v18 =	vmul.f32 $9.990000120e-01, v18;
	v21 =	vmul.f32 $6.103515910e-08, v21;
	v8 =	vadd.f32 v11, v8  }
0x43b: {  	v24 =	vmul.f32 $9.990000120e-01, v24;
	v27 =	vmul.f32 $6.103515910e-08, v27;
	v11 =	vld [tilespmem:$0x2330];
	[tilespmem:$0x2900] =	vst v1;
	v1 =	vadd.f32 v17, v12  }
0x43c: {  	v33 =	vmul.f32 $6.103515910e-08, v33;
	[tilespmem:$0x2910] =	vst v8;
	v8 =	vadd.f32 v21, v18;
	v21 =	vmul.f32 $9.990000120e-01, v28;
	v18 =	vld [tilespmem:$0x2750]  }
0x43d: {  	v37 =	vmul.f32 $6.103515910e-08, v37;
	v28 =	vld [tilespmem:$0x2770];
	[tilespmem:$0x2920] =	vst v1;
	v1 =	vadd.f32 v27, v24;
	v24 =	vmul.f32 $9.990000120e-01, v34  }
0x43e: {  	v40 =	vmul.f32 $9.990000120e-01, v40;
	v43 =	vmul.f32 $6.103515910e-08, v43;
	[tilespmem:$0x2930] =	vst v8;
	v8 =	vadd.f32 v33, v21;
	v21 =	vld [tilespmem:$0x2350]  }
0x43f: {  	v33 =	vld [tilespmem:$0x2370];
	v34 =	vmul.f32 $9.990000120e-01, v44;
	[tilespmem:$0x2940] =	vst v1;
	v1 =	vadd.f32 v37, v24;
	v37 =	vmul.f32 $6.103515910e-08, v45  }
0x440: {  	[tilespmem:$0x2950] =	vst v8;
	v8 =	vadd.f32 v43, v40;
	v40 =	vld [tilespmem:$0x2790];
	v44 =	vmul.f32 $9.990000120e-01, v46;
	v46 =	vmul.f32 $9.990000120e-01, v48  }
0x441: {  	v43 =	vld [tilespmem:$0x2390];
	v45 =	vmul.f32 $6.103515910e-08, v47;
	v47 =	vmul.f32 $6.103515910e-08, v49;
	[tilespmem:$0x2960] =	vst v1;
	v1 =	vadd.f32 v37, v34  }
0x442: {  	v4 =	vld [tilespmem:$0x2720];
	v48 =	vmul.f32 $9.990000120e-01, v50;
	v50 =	vmul.f32 $9.990000120e-01, v52  }
0x443: {  	v0 =	vld [tilespmem:$0x2730];
	v49 =	vmul.f32 $6.103515910e-08, v51;
	v51 =	vmul.f32 $6.103515910e-08, v53;
	[tilespmem:$0x2980] =	vst v1;
	v1 =	vadd.f32 v47, v46  }
0x444: {  	v12 =	vld [tilespmem:$0x2740];
	v53 =	vmul.f32 $9.990000120e-01, v54;
	v54 =	vmul.f32 $6.103515910e-08, v55  }
0x445: {  	v17 =	vld [tilespmem:$0x2340];
	v55 =	vmul.f32 $9.990000120e-01, v56;
	v56 =	vmul.f32 $6.103515910e-08, v57;
	[tilespmem:$0x29A0] =	vst v1;
	v1 =	vadd.f32 v51, v50  }
0x446: {  	v58 =	vmul.f32 $9.990000120e-01, v58;
	v27 =	vld [tilespmem:$0x2360]  }
0x447: {  	v60 =	vmul.f32 $9.990000120e-01, v60;
	v61 =	vmul.f32 $6.103515910e-08, v61;
	v24 =	vld [tilespmem:$0x2760];
	[tilespmem:$0x29C0] =	vst v1;
	v1 =	vadd.f32 v56, v55  }
0x448: {  	v59 =	vmul.f32 $6.103515910e-08, v59;
	v5 =	vmul.f32 $9.990000120e-01, v5;
	[tilespmem:$0x2970] =	vst v8;
	v8 =	vadd.f32 v45, v44;
	v34 =	vld [tilespmem:$0x2780]  }
0x449: {  	v3 =	vmul.f32 $6.103515910e-08, v3;
	v52 =	vadd.f32 v49, v48;
	v37 =	vld [tilespmem:$0x2380];
	[tilespmem:$0x29E0] =	vst v1;
	v1 =	vadd.f32 v61, v60  }
0x44a: {  	v57 =	vadd.f32 v54, v53;
	v48 =	vld [tilespmem:$0x27A0];
	v53 =	vmul.f32 $9.990000120e-01, v62;
	v54 =	vmul.f32 $6.103515910e-08, v63  }
0x44b: {  	v49 =	vld [tilespmem:$0x23A0];
	v56 =	vmul.f32 $6.103515910e-08, v13;
	[tilespmem:$0x2A00] =	vst v1;
	v1 =	vadd.f32 v3, v5;
	v3 =	vmul.f32 $9.990000120e-01, v10  }
0x44c: {  	v44 =	vld [tilespmem:$0x27B0];
	v62 =	vmul.f32 $6.103515910e-08, v39;
	v63 =	vmul.f32 $6.103515910e-08, v36;
	[tilespmem:$0x29B0] =	vst v52;
	v52 =	vadd.f32 v59, v58  }
0x44d: {  	v45 =	vld [tilespmem:$0x23B0];
	v59 =	vmul.f32 $6.103515910e-08, v42;
	[tilespmem:$0x2A20] =	vst v1;
	v1 =	vadd.f32 v56, v3;
	v3 =	vmul.f32 $9.990000120e-01, v41  }
0x44e: {  	v39 =	vmul.f32 $6.103515910e-08, v32;
	v32 =	vmul.f32 $6.103515910e-08, v17;
	v17 =	vld [tilespmem:$0x2450];
	[tilespmem:$0x29D0] =	vst v57  }
0x44f: {  	v57 =	vmul.f32 $9.990000120e-01, v14;
	v14 =	vld [tilespmem:$0x27D0];
	[tilespmem:$0x2A40] =	vst v1;
	v1 =	vadd.f32 v59, v3;
	v3 =	vmul.f32 $9.990000120e-01, v35  }
0x450: {  	v58 =	vmul.f32 $6.103515910e-08, v15;
	v15 =	vld [tilespmem:$0x23D0];
	v46 =	vmul.f32 $9.990000120e-01, v25  }
0x451: {  	v25 =	vld [tilespmem:$0x23F0];
	v41 =	vmul.f32 $6.103515910e-08, v30;
	[tilespmem:$0x2A60] =	vst v1;
	v1 =	vadd.f32 v63, v3;
	v3 =	vmul.f32 $9.990000120e-01, v29  }
0x452: {  	v47 =	vmul.f32 $6.103515910e-08, v26;
	v26 =	vld [tilespmem:$0x2420];
	[tilespmem:$0x29F0] =	vst v52;
	v50 =	vmul.f32 $6.103515910e-08, v23  }
0x453: {  	v52 =	vmul.f32 $9.990000120e-01, v19;
	v19 =	vld [tilespmem:$0x2400];
	[tilespmem:$0x2A80] =	vst v1;
	v1 =	vadd.f32 v41, v3;
	v3 =	vmul.f32 $9.990000120e-01, v22  }
0x454: {  	v23 =	vld [tilespmem:$0x2820]  }
0x455: {  	[tilespmem:$0x2AA0] =	vst v1;
	v1 =	vadd.f32 v50, v3;
	v3 =	vld [tilespmem:$0x1FF80]  }
0x456: {  	v6 =	vmul.f32 $9.990000120e-01, v6;
	v9 =	vmul.f32 $6.103515910e-08, v9;
	v51 =	vadd.f32 v47, v46;
	v47 =	vld [tilespmem:$0x2860]  }
0x457: {  	v46 =	vmul.f32 $6.103515910e-08, v37;
	v37 =	vld [tilespmem:$0x24A0]  }
0x458: {  	v6 =	vadd.f32 v9, v6;
	v13 =	vld [tilespmem:$0x23C0]  }
0x459: {  	v55 =	vadd.f32 v54, v53;
	v54 =	vmul.f32 $6.103515910e-08, v16;
	v16 =	vld [tilespmem:$0x2810]  }
0x45a: {  	[tilespmem:$0x2A30] =	vst v6;
	v53 =	vmul.f32 $6.103515910e-08, v20;
	v20 =	vld [tilespmem:$0x2410];
	v3 =	vmul.f32 $9.990000120e-01, v3  }
0x45b: {  	[tilespmem:$0x2990] =	vst v8;
	v60 =	vadd.f32 v58, v57;
	v58 =	vld [tilespmem:$0x1FFC0]  }
0x45c: {  	[tilespmem:$0x2AC0] =	vst v1;
	v1 =	vadd.f32 v54, v3;
	v3 =	vld [tilespmem:$0x1FFB0]  }
0x45d: {  	[tilespmem:$0x2AB0] =	vst v51;
	v51 =	vmul.f32 $6.103515910e-08, v43;
	v43 =	vld [tilespmem:$0x28C0];
	v61 =	vmul.f32 $9.990000120e-01, v38  }
0x45e: {  	[tilespmem:$0x2A10] =	vst v55;
	v38 =	vmul.f32 $9.990000120e-01, v31;
	v55 =	vadd.f32 v53, v52;
	v57 =	vld [tilespmem:$0x1FFA0]  }
0x45f: {  	[tilespmem:$0x2A50] =	vst v60;
	v36 =	vadd.f32 v62, v61;
	v56 =	vld [tilespmem:$0x1FF90]  }
0x460: {  	v0 =	vmul.f32 $9.990000120e-01, v0;
	v31 =	vld [tilespmem:$0x23E0];
	v42 =	vadd.f32 v39, v38;
	[tilespmem:$0x2AD0] =	vst v55;
	v30 =	vmul.f32 $6.103515910e-08, v11  }
0x461: {  	v52 =	vld [tilespmem:$0x2460];
	[tilespmem:$0x2A70] =	vst v36;
	v5 =	vmul.f32 $6.103515910e-08, v58;
	v3 =	vmul.f32 $9.990000120e-01, v3  }
0x462: {  	v60 =	vld [tilespmem:$0x1FFD0];
	v38 =	vmul.f32 $6.103515910e-08, v21;
	[tilespmem:$0x2A90] =	vst v42;
	v36 =	vmul.f32 $9.990000120e-01, v18;
	v0 =	vadd.f32 v30, v0  }
0x463: {  	v61 =	vld [tilespmem:$0x1FFE0];
	v62 =	vmul.f32 $6.103515910e-08, v7;
	[tilespmem:$0x2AE0] =	vst v1;
	v1 =	vadd.f32 v5, v3;
	v3 =	vmul.f32 $9.990000120e-01, v4  }
0x464: {  	v10 =	vld [tilespmem:$0x27C0];
	v9 =	vmul.f32 $6.103515910e-08, v57;
	[tilespmem:$0x2B30] =	vst v0;
	v0 =	vadd.f32 v38, v36;
	v8 =	vmul.f32 $9.990000120e-01, v56  }
0x465: {  	v11 =	vld [tilespmem:$0x2440];
	[tilespmem:$0x2B00] =	vst v1;
	v1 =	vadd.f32 v62, v3;
	v3 =	vmul.f32 $9.990000120e-01, v12  }
0x466: {  	v42 =	vmul.f32 $6.103515910e-08, v33;
	v57 =	vld [tilespmem:$0x2470];
	v41 =	vmul.f32 $9.990000120e-01, v28;
	[tilespmem:$0x2B50] =	vst v0;
	v59 =	vadd.f32 v9, v8  }
0x467: {  	v39 =	vmul.f32 $6.103515910e-08, v27;
	v35 =	vld [tilespmem:$0x27E0];
	[tilespmem:$0x2B20] =	vst v1;
	v1 =	vadd.f32 v32, v3;
	v3 =	vmul.f32 $9.990000120e-01, v24  }
0x468: {  	v29 =	vld [tilespmem:$0x27F0];
	v8 =	vmul.f32 $9.990000120e-01, v60;
	v9 =	vmul.f32 $6.103515910e-08, v61;
	v0 =	vadd.f32 v42, v41;
	[tilespmem:$0x2AF0] =	vst v59  }
0x469: {  	v22 =	vld [tilespmem:$0x2800];
	[tilespmem:$0x2B40] =	vst v1;
	v1 =	vadd.f32 v39, v3;
	v3 =	vmul.f32 $9.990000120e-01, v34  }
0x46a: {  	v28 =	vld [tilespmem:$0x2890];
	v50 =	vmul.f32 $9.990000120e-01, v40;
	v63 =	vadd.f32 v9, v8;
	[tilespmem:$0x2B70] =	vst v0  }
0x46b: {  	v53 =	vmul.f32 $6.103515910e-08, v49;
	v41 =	vld [tilespmem:$0x24B0];
	[tilespmem:$0x2B60] =	vst v1;
	v1 =	vadd.f32 v46, v3;
	v3 =	vmul.f32 $9.990000120e-01, v48  }
0x46c: {  	v55 =	vmul.f32 $9.990000120e-01, v44;
	v56 =	vmul.f32 $6.103515910e-08, v45;
	v8 =	vld [tilespmem:$0x2430];
	v0 =	vadd.f32 v51, v50;
	[tilespmem:$0x2B10] =	vst v63  }
0x46d: {  	v58 =	vmul.f32 $6.103515910e-08, v13;
	v9 =	vld [tilespmem:$0x2840];
	[tilespmem:$0x2B80] =	vst v1;
	v1 =	vadd.f32 v53, v3;
	v3 =	vmul.f32 $9.990000120e-01, v10  }
0x46e: {  	v60 =	vmul.f32 $9.990000120e-01, v14;
	v61 =	vmul.f32 $6.103515910e-08, v15;
	v59 =	vld [tilespmem:$0x2880];
	[tilespmem:$0x2B90] =	vst v0;
	v0 =	vadd.f32 v56, v55  }
0x46f: {  	v63 =	vmul.f32 $6.103515910e-08, v31;
	v5 =	vld [tilespmem:$0x2830];
	[tilespmem:$0x2BA0] =	vst v1;
	v1 =	vadd.f32 v58, v3;
	v3 =	vmul.f32 $9.990000120e-01, v35  }
0x470: {  	v30 =	vmul.f32 $9.990000120e-01, v29;
	v51 =	vld [tilespmem:$0x24D0];
	v31 =	vmul.f32 $6.103515910e-08, v25;
	[tilespmem:$0x2BB0] =	vst v0;
	v0 =	vadd.f32 v61, v60  }
0x471: {  	v33 =	vmul.f32 $6.103515910e-08, v19;
	v12 =	vld [tilespmem:$0x2850];
	[tilespmem:$0x2BC0] =	vst v1;
	v1 =	vadd.f32 v63, v3;
	v3 =	vmul.f32 $9.990000120e-01, v22  }
0x472: {  	v36 =	vmul.f32 $6.103515910e-08, v20;
	v56 =	vld [tilespmem:$0x24E0];
	[tilespmem:$0x2BD0] =	vst v0;
	v0 =	vadd.f32 v31, v30;
	v35 =	vmul.f32 $9.990000120e-01, v16  }
0x473: {  	v38 =	vmul.f32 $6.103515910e-08, v26;
	v54 =	vld [tilespmem:$0x2870];
	[tilespmem:$0x2BE0] =	vst v1;
	v1 =	vadd.f32 v33, v3;
	v3 =	vmul.f32 $9.990000120e-01, v23  }
0x474: {  	v40 =	vmul.f32 $6.103515910e-08, v8;
	[tilespmem:$0x2BF0] =	vst v0;
	v62 =	vld [tilespmem:$0x2480];
	v5 =	vmul.f32 $9.990000120e-01, v5;
	v0 =	vadd.f32 v36, v35  }
0x475: {  	v42 =	vmul.f32 $6.103515910e-08, v11;
	v32 =	vld [tilespmem:$0x2490];
	[tilespmem:$0x2C00] =	vst v1;
	v1 =	vadd.f32 v38, v3;
	v3 =	vmul.f32 $9.990000120e-01, v9  }
0x476: {  	v45 =	vmul.f32 $6.103515910e-08, v17;
	v34 =	vld [tilespmem:$0x28A0];
	v44 =	vmul.f32 $9.990000120e-01, v12;
	[tilespmem:$0x2C10] =	vst v0;
	v0 =	vadd.f32 v40, v5  }
0x477: {  	v39 =	vld [tilespmem:$0x28B0];
	[tilespmem:$0x2C20] =	vst v1;
	v1 =	vadd.f32 v42, v3;
	v3 =	vmul.f32 $9.990000120e-01, v47;
	v47 =	vmul.f32 $6.103515910e-08, v52  }
0x478: {  	v50 =	vmul.f32 $6.103515910e-08, v57;
	v49 =	vmul.f32 $9.990000120e-01, v54;
	v46 =	vld [tilespmem:$0x24C0];
	[tilespmem:$0x2C30] =	vst v0;
	v0 =	vadd.f32 v45, v44  }
0x479: {  	v48 =	vld [tilespmem:$0x28D0];
	v52 =	vmul.f32 $6.103515910e-08, v62;
	[tilespmem:$0x2C40] =	vst v1;
	v1 =	vadd.f32 v47, v3;
	v3 =	vmul.f32 $9.990000120e-01, v59  }
0x47a: {  	v54 =	vmul.f32 $9.990000120e-01, v28;
	v55 =	vmul.f32 $6.103515910e-08, v32;
	v53 =	vld [tilespmem:$0x28E0];
	[tilespmem:$0x2C50] =	vst v0;
	v0 =	vadd.f32 v50, v49  }
0x47b: {  	v57 =	vmul.f32 $6.103515910e-08, v37;
	[tilespmem:$0x2C60] =	vst v1;
	v1 =	vadd.f32 v52, v3;
	v3 =	vmul.f32 $9.990000120e-01, v34  }
0x47c: {  	v58 =	vmul.f32 $9.990000120e-01, v39;
	[tilespmem:$0x2C70] =	vst v0;
	v0 =	vadd.f32 v55, v54;
	v59 =	vmul.f32 $6.103515910e-08, v41  }
0x47d: {  	v60 =	vmul.f32 $6.103515910e-08, v46;
	[tilespmem:$0x2C80] =	vst v1;
	v1 =	vadd.f32 v57, v3;
	v3 =	vmul.f32 $9.990000120e-01, v43  }
0x47e: {  	v61 =	vmul.f32 $9.990000120e-01, v48;
	v62 =	vmul.f32 $6.103515910e-08, v51;
	[tilespmem:$0x2C90] =	vst v0;
	v0 =	vadd.f32 v59, v58  }
0x47f: {  	v63 =	vmul.f32 $6.103515910e-08, v56;
	[tilespmem:$0x2CA0] =	vst v1;
	v1 =	vadd.f32 v60, v3;
	v3 =	vmul.f32 $9.990000120e-01, v53  }
0x480: {  	[tilespmem:$0x2CB0] =	vst v0;
	v0 =	vadd.f32 v62, v61  }
0x481: {  	[tilespmem:$0x2CC0] =	vst v1;
	v1 =	vadd.f32 v63, v3  }
0x482: {  	[tilespmem:$0x2CD0] =	vst v0  }
0x483: {  	s4 =	simm.s32 $0x2900;
	s0 =	rddreg [dreg:$0x6];
	[tilespmem:$0x2CE0] =	vst v1  }
0x484: {  	[hbm4b:s0+s7] =	stream.linear.scatter [tilespmem:s4], [sflag:$0x2], $0x3E8, $0x38;
	[tilespmem:$0x3220] =	vst v63  }
0x485: {  	_ =	swait.ge [sflag:s24], $0x3E8  }
0x486: {  	v0 =	vld [tilespmem:$0x1FFF0];
	_ =	sdelay $0x3  }
0x487: {  	v1 =	vlaneseq.u32;
	s4 =	smul.f32 $6.103515630e-05, s31  }
0x488: {  	vm4 =	veq.s32 v1, $0x0;
	[sflag:s24] =	ssyncset.done $0x0;
	v0 =	vsel vm3, $0x0, v0  }
0x489: {  	[sflag:s24] =	ssyncadd.s32 $0xFFFFFC18;
	v0 =	vsel vm4, s4, v0  }
.Ltmp8:
0x48a: {  	s31 =	simm.s32 $0x2E80;
	[tilespmem:$0x2E80] =	vst v0;
	(pc) =	sbr.rel .LBB2_10-.Ltmp8, $4  }
0x48b: {  	[hbm4b:s10+s7] =	stream.linear.scatter [tilespmem:s31], [sflag:$0x2], $0x80, $0x38;
	[tilespmem:$0x3220] =	vst v63  }
0x48c: {  	_ =	swait.ge [sflag:s24], $0x80  }
0x48d: {  	[sflag:s24] =	ssyncset.done $0x0  }
0x48e: {  	[sflag:s24] =	ssyncadd.s32 $0xFFFFFF80  }
.LBB2_11:
0x48f: {  	_ =	sfence.sel $0x180000  }
0x490: {  	[bflag:$0x0] =	sbarrier.arrive $0xFFFF  }
0x491: {  	_ =	strace $0x90000047  }
0x492: {  	s0 =	stileid.u32;
	[bflag:$0x2] =	sbarrier.arrive $0xFFFF  }
0x493: {  	p0 =	sne.s32 s0, $0x0;
	s0 =	rddreg [dreg:$0x8]  }
0x494: {  	s0 =	sadd.s32 @!p0 $0x100000, s0  }
0x495: {  	[sflag:s0] =	ssyncadd.tile.s32 @!p0 $0x1;
	_ =	shalt  }
.Lfunc_end2:
_tile_overlayer_lowered:
.L_overlay_start_2:
0x496: {  	(tag) =	ssettag $0x2  }
0x497: {  	s0 =	rddreg [dreg:$0x0];
	s2 =	stileid.u32  }
0x498: {  	s1 =	rddreg [dreg:$0x1];
	p0 =	sne.s32 s2, $0x0  }
0x499: {  	s3 =	rddreg [dreg:$0x2];
	[bflag:$0x3] =	sbarrier.arrive $0xFFFF;
	s2 =	simm.s32 @!p0 $0x1C02  }
0x49a: {  	[timem:s3], [sflag:s2] =	dma.local @!p0 [hbm:s0], s1  }
0x49b: {  	s0 =	simm.s32 @!p0 $0x2  }
0x49c: {  	_ =	swait.ge @!p0 [sflag:s0], s1  }
0x49d: {  	s1 =	ssub.s32 @!p0 $0x0, s1;
	[sflag:s0] =	ssyncset.done @!p0 $0x0  }
0x49e: {  	[sflag:s0] =	ssyncadd.s32 @!p0 s1  }
0x49f: {  	[bflag:$0x3] =	sbarrier.arrive $0xFFFF  }
0x4a0: {  	_ =	shalt  }

</sc_bundles>
